<compile_context>
chip_gen: v7x
topology: tpu7x:2x2x1
jax: 0.10.2.dev20260603
libtpu: 0.0.44.dev20260713+nightly
codegen_flags: <defaults>
</compile_context>

<pallas_src>
import functools

import jax
import jax.numpy as jnp
from jax import lax
from jax.experimental import pallas as pl
from jax.experimental.pallas import tpu as pltpu
from jax.experimental.pallas import tpu_sc as plsc

N = 10000
E = 320000
ETOT = E + N
DIN = 128
H = 3
C = 64
HC = H * C
HH = HC // 2
G = 64

NC = 2
NS = 16
GRP = 64
EPT = 20736
EPAD = NS * EPT
NGRP = EPT // GRP
RPT = N // NS

RB = 1000
NBLK = N // RB

f32 = jnp.float32
i32 = jnp.int32


def _feats_body(x_ref, w_ref, a_ref, hev_ref, hod_ref, t_ref, m_ref):
    i = pl.program_id(0)
    h = jnp.dot(x_ref[...], w_ref[...], preferred_element_type=f32)
    for t in range(6):
        hev_ref[:, t * 16:t * 16 + 16] = h[:, 32 * t:32 * t + 16]
        hod_ref[:, t * 16:t * 16 + 16] = h[:, 32 * t + 16:32 * t + 32]
    t8 = jnp.dot(h, a_ref[...], preferred_element_type=f32)
    t_ref[...] = t8
    mx = jnp.max(t8, axis=0, keepdims=True)

    @pl.when(i == 0)
    def _():
        m_ref[...] = mx

    @pl.when(i > 0)
    def _():
        m_ref[...] = jnp.maximum(m_ref[...], mx)


def _feats(x, W, A8):
    k = x.shape[1]
    return pl.pallas_call(
        _feats_body,
        grid=(NBLK,),
        in_specs=[
            pl.BlockSpec((RB, k), lambda i: (i, 0)),
            pl.BlockSpec((k, HC), lambda i: (0, 0)),
            pl.BlockSpec((HC, 8), lambda i: (0, 0)),
        ],
        out_specs=[
            pl.BlockSpec((RB, HH), lambda i: (i, 0)),
            pl.BlockSpec((RB, HH), lambda i: (i, 0)),
            pl.BlockSpec((RB, 8), lambda i: (i, 0)),
            pl.BlockSpec((1, 8), lambda i: (0, 0)),
        ],
        out_shape=[
            jax.ShapeDtypeStruct((N, HH), f32),
            jax.ShapeDtypeStruct((N, HH), f32),
            jax.ShapeDtypeStruct((N, 8), f32),
            jax.ShapeDtypeStruct((1, 8), f32),
        ],
    )(x, W, A8)


def _finish_body(acc_ref, den_ref, b_ref, o_ref):
    s = jnp.concatenate(
        [acc_ref[j % 2, :, (j // 2) * 16:(j // 2) * 16 + 16]
         for j in range(12)], axis=1)
    d = den_ref[0] + den_ref[1]
    for kk in range(H):
        sl = slice(64 * kk, 64 * kk + 64)
        r = 1.0 / d[:, kk:kk + 1]
        v = s[:, sl] * r + b_ref[0, sl][None, :]
        o_ref[:, sl] = jnp.where(v > 0.0, v, jnp.exp(v) - 1.0)


def _finish(acc, den, b):
    return pl.pallas_call(
        _finish_body,
        grid=(NBLK,),
        in_specs=[
            pl.BlockSpec((2, RB, HH), lambda i: (0, i, 0)),
            pl.BlockSpec((2, RB, 8), lambda i: (0, i, 0)),
            pl.BlockSpec((1, HC), lambda i: (0, 0)),
        ],
        out_specs=pl.BlockSpec((RB, HC), lambda i: (i, 0)),
        out_shape=jax.ShapeDtypeStruct((N, HC), f32),
    )(acc, den, b.reshape(1, HC))


def _pool_body(x_ref, b_ref, wl_ref, o_ref, accv, accc):
    i = pl.program_id(0)
    row = b_ref[0]
    gids = lax.broadcasted_iota(i32, (G, RB), 0)
    P = (gids == row).astype(f32)
    v = jnp.dot(x_ref[...], wl_ref[...], preferred_element_type=f32)

    @pl.when(i == 0)
    def _():
        accv[...] = jnp.zeros_like(accv)
        accc[...] = jnp.zeros_like(accc)

    accv[...] += jnp.dot(P, v, preferred_element_type=f32)
    accc[...] += jnp.dot(P, jnp.ones((RB, 128), f32),
                         preferred_element_type=f32)

    @pl.when(i == NBLK - 1)
    def _():
        o_ref[...] = accv[...] / jnp.maximum(accc[...], 1.0)


def _pool(x3, batch3, Wlp):
    return pl.pallas_call(
        _pool_body,
        grid=(NBLK,),
        in_specs=[
            pl.BlockSpec((RB, HC), lambda i: (i, 0)),
            pl.BlockSpec((1, 1, RB), lambda i: (i, 0, 0)),
            pl.BlockSpec((HC, 128), lambda i: (0, 0)),
        ],
        out_specs=pl.BlockSpec((G, 128), lambda i: (0, 0)),
        out_shape=jax.ShapeDtypeStruct((G, 128), f32),
        scratch_shapes=[pltpu.VMEM((G, 128), f32), pltpu.VMEM((G, 128), f32)],
    )(x3, batch3, Wlp)


def _edge_call(src3, dst3, tab8, hev, hod, z96, z8):
    mesh = plsc.VectorSubcoreMesh(core_axis_name="c", subcore_axis_name="s")

    @functools.partial(
        pl.kernel,
        out_type=[
            jax.ShapeDtypeStruct((NC, N, HH), f32),
            jax.ShapeDtypeStruct((NC, N, 8), f32),
        ],
        mesh=mesh,
        compiler_params=pltpu.CompilerParams(use_tc_tiling_on_sc=False,
                                             needs_layout_passes=False),
        scratch_types=[
            pltpu.VMEM((NGRP, GRP), i32),
            pltpu.VMEM((NGRP, GRP), i32),
            pltpu.VMEM((2, GRP, HH), f32),
            pltpu.VMEM((GRP, 8), f32),
            pltpu.VMEM((GRP, 8), f32),
            pltpu.VMEM((GRP, 8), f32),
            pltpu.VMEM_SHARED((N, HH), f32),
            pltpu.VMEM_SHARED((N, 8), f32),
            pltpu.SemaphoreType.DMA((2,)),
        ],
    )
    def edge_kernel(src_hbm, dst_hbm, tab_hbm, hev_hbm, hod_hbm,
                    z96_hbm, z8_hbm, acc_out, den_out,
                    srcb, dstb, rows, tsrc, tdst, exb,
                    acc, dacc, gsem):
        c = lax.axis_index("c")
        s = lax.axis_index("s")
        rbase = s * RPT
        ebase = s * EPT

        pltpu.sync_copy(src_hbm.at[s], srcb)
        pltpu.sync_copy(dst_hbm.at[s], dstb)
        pltpu.sync_copy(z96_hbm, acc.at[pl.ds(rbase, RPT)])
        pltpu.sync_copy(z8_hbm, dacc.at[pl.ds(rbase, RPT)])

        zero16 = jnp.zeros((16,), f32)
        lanes0 = lax.iota(i32, 16)
        for ii in range(4):
            for kk in range(3, 8):
                plsc.store_scatter(
                    exb, [lanes0 + ii * 16, jnp.full((16,), kk, i32)], zero16)

        plsc.subcore_barrier()

        def gather_start(g, b):
            @pl.when(c == 0)
            def _():
                pltpu.async_copy(hev_hbm.at[srcb.at[g]], rows.at[b],
                                 gsem.at[b])

            @pl.when(c == 1)
            def _():
                pltpu.async_copy(hod_hbm.at[srcb.at[g]], rows.at[b],
                                 gsem.at[b])

        def gather_wait(g, b):
            @pl.when(c == 0)
            def _():
                pltpu.make_async_copy(
                    hev_hbm.at[srcb.at[g]], rows.at[b], gsem.at[b]).wait()

            @pl.when(c == 1)
            def _():
                pltpu.make_async_copy(
                    hod_hbm.at[srcb.at[g]], rows.at[b], gsem.at[b]).wait()

        def do_group(g, b):
            pltpu.sync_copy(tab_hbm.at[srcb.at[g]], tsrc)
            pltpu.sync_copy(tab_hbm.at[dstb.at[g]], tdst)
            for ii in range(GRP // 16):
                lanes = lanes0 + ii * 16
                valid = (lanes + (ebase + g * GRP)) < ETOT
                mv = plsc.load_gather(tsrc, [lanes, jnp.full((16,), 6, i32)])
                for kk in range(H):
                    es = plsc.load_gather(
                        tsrc, [lanes, jnp.full((16,), kk, i32)])
                    ed = plsc.load_gather(
                        tdst, [lanes, jnp.full((16,), 3 + kk, i32)])
                    e = es + ed
                    e = jnp.maximum(e, 0.2 * e)
                    ex = jnp.exp(e - mv)
                    ex = jnp.where(valid, ex, 0.0)
                    plsc.store_scatter(
                        exb, [lanes, jnp.full((16,), kk, i32)], ex)
            gather_wait(g, b)

            def scale_body(e2, carry):
                e2v = jnp.full((16,), 0, i32) + e2
                for kk in range(H):
                    av = plsc.load_gather(exb, [e2v, jnp.full((16,), kk, i32)])
                    for jj in range(2):
                        sl = pl.ds(kk * 32 + jj * 16, 16)
                        rows[b, e2, sl] = rows[b, e2, sl] * av
                return carry

            lax.fori_loop(0, GRP, scale_body, 0)
            pltpu.sync_copy(rows.at[b], acc.at[dstb.at[g]], add=True)

            @pl.when(c == 0)
            def _():
                pltpu.sync_copy(exb, dacc.at[dstb.at[g]], add=True)

        gather_start(0, 0)

        def pair_body(g2, carry):
            for b in (0, 1):
                g = g2 * 2 + b

                @pl.when(g + 1 < NGRP)
                def _():
                    gather_start(g + 1, 1 - b)

                do_group(g, b)
            return carry

        lax.fori_loop(0, NGRP // 2, pair_body, 0)
        plsc.subcore_barrier()

        pltpu.sync_copy(acc.at[pl.ds(rbase, RPT)],
                        acc_out.at[c, pl.ds(rbase, RPT)])
        pltpu.sync_copy(dacc.at[pl.ds(rbase, RPT)],
                        den_out.at[c, pl.ds(rbase, RPT)])

    return edge_kernel(src3, dst3, tab8, hev, hod, z96, z8)


def _build_A(a_src, a_dst):
    rows = jnp.arange(HC)
    head = rows // C
    A = jnp.zeros((HC, 8), f32)
    A = A.at[rows, head].set(a_src.reshape(HC))
    A = A.at[rows, head + 3].set(a_dst.reshape(HC))
    return A


def _make_tab(t8, m8):
    M = jnp.maximum(jnp.max(m8[0, :3]) + jnp.max(m8[0, 3:6]), 0.0)
    return jnp.concatenate(
        [t8[:, :6], jnp.full((N, 1), M, f32), jnp.zeros((N, 1), f32)], axis=1)


def kernel(x, edge_index, batch, W1, a_src1, a_dst1, b1,
           W2, a_src2, a_dst2, b2, Wl, bl):
    loops = jnp.arange(N, dtype=i32)
    pad = jnp.zeros((EPAD - ETOT,), i32)
    src3 = jnp.concatenate([edge_index[0], loops, pad]).reshape(NS, NGRP, GRP)
    dst3 = jnp.concatenate([edge_index[1], loops, pad]).reshape(NS, NGRP, GRP)
    z96 = jnp.zeros((RPT, HH), f32)
    z8 = jnp.zeros((RPT, 8), f32)
    A1 = _build_A(a_src1, a_dst1)
    A2 = _build_A(a_src2, a_dst2)
    Wlp = jnp.zeros((HC, 128), f32).at[:, 0].set(Wl[:, 0])

    hev1, hod1, t8_1, m8_1 = _feats(x, W1, A1)
    acc1, den1 = _edge_call(src3, dst3, _make_tab(t8_1, m8_1),
                            hev1, hod1, z96, z8)
    x2 = _finish(acc1, den1, b1)

    hev2, hod2, t8_2, m8_2 = _feats(x2, W2, A2)
    acc2, den2 = _edge_call(src3, dst3, _make_tab(t8_2, m8_2),
                            hev2, hod2, z96, z8)
    x3 = _finish(acc2, den2, b2)

    pooled = _pool(x3, batch.reshape(NBLK, 1, RB), Wlp)
    return pooled[:, 0] + bl[0]

# --- scband reference (transcript-rebuilt; emitter-appended) ---
"""Pipeline reference for scband-gat-classifier-40235253628946 (READ-ONLY COPY).

The authoritative reference and input builder live on the scoring server;
editing this copy changes nothing except your own understanding.
"""

import jax, jax.numpy as jnp
import numpy as np

N = 10000
E = 320000
DIN = 128
H = 3
C = 64
G = 64


def _gat_layer(x, W, a_src, a_dst, b, src, dst):
    h = (x @ W).reshape(N, H, C)
    e_src = (h * a_src).sum(-1)
    e_dst = (h * a_dst).sum(-1)
    e = jax.nn.leaky_relu(e_src[src] + e_dst[dst], negative_slope=0.2)
    m = jax.lax.stop_gradient(jax.ops.segment_max(e, dst, num_segments=N))
    ex = jnp.exp(e - m[dst])
    denom = jax.ops.segment_sum(ex, dst, num_segments=N)
    alpha = ex / denom[dst]
    msg = h[src] * alpha[:, :, None]
    out = jax.ops.segment_sum(msg, dst, num_segments=N)
    return out.reshape(N, H * C) + b


def setup_inputs(seed: int = 0):
    key = jax.random.key(seed)
    ks = jax.random.split(key, 14)
    x = jax.random.normal(ks[0], (N, DIN), dtype=jnp.float32)
    edge_index = jax.random.randint(ks[1], (2, E), 0, N, dtype=jnp.int32)
    batch = jnp.sort(jax.random.randint(ks[2], (N,), 0, G, dtype=jnp.int32))
    W1 = jax.random.normal(ks[3], (DIN, H * C), dtype=jnp.float32) * 0.1
    a_src1 = jax.random.normal(ks[4], (H, C), dtype=jnp.float32) * 0.1
    a_dst1 = jax.random.normal(ks[5], (H, C), dtype=jnp.float32) * 0.1
    b1 = jnp.zeros((H * C,), dtype=jnp.float32)
    W2 = jax.random.normal(ks[6], (H * C, H * C), dtype=jnp.float32) * 0.1
    a_src2 = jax.random.normal(ks[7], (H, C), dtype=jnp.float32) * 0.1
    a_dst2 = jax.random.normal(ks[8], (H, C), dtype=jnp.float32) * 0.1
    b2 = jnp.zeros((H * C,), dtype=jnp.float32)
    Wl = jax.random.normal(ks[9], (H * C, 1), dtype=jnp.float32) * 0.1
    bl = jnp.zeros((1,), dtype=jnp.float32)
    return {"x": x, "edge_index": edge_index, "batch": batch, "W1": W1, "a_src1": a_src1, "a_dst1": a_dst1, "b1": b1, "W2": W2, "a_src2": a_src2, "a_dst2": a_dst2, "b2": b2, "Wl": Wl, "bl": bl}


def reference(x, edge_index, batch, W1, a_src1, a_dst1, b1, W2, a_src2, a_dst2, b2, Wl, bl):
    # GATConv adds self-loops by default; second layer removes-then-re-adds, so
    # the effective edge set (with self-loops) is the same for both layers.
    loops = jnp.arange(N, dtype=edge_index.dtype)
    src = jnp.concatenate([edge_index[0], loops])
    dst = jnp.concatenate([edge_index[1], loops])
    h = _gat_layer(x, W1, a_src1, a_dst1, b1, src, dst)
    h = jax.nn.elu(h)
    # dropout is identity in eval mode
    h = _gat_layer(h, W2, a_src2, a_dst2, b2, src, dst)
    h = jax.nn.elu(h)
    sums = jax.ops.segment_sum(h, batch, num_segments=G)
    counts = jax.ops.segment_sum(jnp.ones((N,), dtype=jnp.float32), batch, num_segments=G)
    pooled = sums / jnp.maximum(counts, 1.0)[:, None]
    logits = (pooled @ Wl + bl).squeeze(-1)
    return logits

if __name__ == "__main__":
    import jax
    _d = setup_inputs()
    print(jax.jit(kernel)(*tuple(_d.values())))

</pallas_src>

<mosaic_0001>
#map = affine_map<(d0, d1) -> (0, 0, 0)>
#map1 = affine_map<(d0, d1) -> (0, 0)>
module attributes {stable_mosaic.version = 14 : i64} {
  func.func @edge_kernel(%arg0: i32, %arg1: i32, %arg2: memref<16x324x64xi32, #tpu.memory_space<hbm>>, %arg3: memref<16x324x64xi32, #tpu.memory_space<hbm>>, %arg4: memref<10000x8xf32, #tpu.memory_space<hbm>>, %arg5: memref<10000x96xf32, #tpu.memory_space<hbm>>, %arg6: memref<10000x96xf32, #tpu.memory_space<hbm>>, %arg7: memref<625x96xf32, #tpu.memory_space<hbm>>, %arg8: memref<625x8xf32, #tpu.memory_space<hbm>>, %arg9: memref<2x10000x96xf32, #tpu.memory_space<hbm>>, %arg10: memref<2x10000x8xf32, #tpu.memory_space<hbm>>, %arg11: memref<324x64xi32, #tpu.memory_space<vmem>>, %arg12: memref<324x64xi32, #tpu.memory_space<vmem>>, %arg13: memref<2x64x96xf32, #tpu.memory_space<vmem>>, %arg14: memref<64x8xf32, #tpu.memory_space<vmem>>, %arg15: memref<64x8xf32, #tpu.memory_space<vmem>>, %arg16: memref<64x8xf32, #tpu.memory_space<vmem>>, %arg17: memref<10000x96xf32, #tpu.memory_space<vmem_shared>>, %arg18: memref<10000x8xf32, #tpu.memory_space<vmem_shared>>, %arg19: memref<2x!tpu.dma_semaphore, #tpu.memory_space<semaphore_mem>>) attributes {dimension_semantics = [#tpu.dimension_semantics<core_parallel>, #tpu.dimension_semantics<subcore_parallel>], iteration_bounds = array<i64: 2, 16>, scalar_prefetch = 0 : i64, scratch_operands = 9 : i64, tpu.core_type = #tpu.core_type<sc_vector_subcore>, window_params = [{transform_indices = #map}, {transform_indices = #map}, {transform_indices = #map1}, {transform_indices = #map1}, {transform_indices = #map1}, {transform_indices = #map1}, {transform_indices = #map1}, {transform_indices = #map}, {transform_indices = #map}]} {
    %mul3A = arith.constant 625 : i32
    %mul3A_0 = arith.muli %arg1, %mul3A : i32
    %mul3A_1 = arith.constant 20736 : i32
    %mul3A_2 = arith.muli %arg1, %mul3A_1 : i32
    "tpu.region"() ({
      %run_scoped3A = tpu.sem_alloc : memref<!tpu.dma_semaphore, #tpu.memory_space<semaphore_mem>>
      %dma_start3A = arith.constant 0 : i32
      %dma_start3A_116 = arith.constant 0 : i32
      %dma_start3A_117 = tpu.memref_slice %arg2[%arg1, %dma_start3A, %dma_start3A_116] : memref<16x324x64xi32, #tpu.memory_space<hbm>> -> memref<1x324x64xi32, #tpu.memory_space<hbm>>
      %dma_start3A_118 = tpu.memref_squeeze %dma_start3A_117 : memref<1x324x64xi32, #tpu.memory_space<hbm>> -> memref<324x64xi32, #tpu.memory_space<hbm>>
      %dma_start3A_119 = arith.constant 0 : i32
      %dma_start3A_120 = arith.constant 0 : i32
      %dma_start3A_121 = tpu.memref_slice %arg2[%arg1, %dma_start3A_119, %dma_start3A_120] : memref<16x324x64xi32, #tpu.memory_space<hbm>> -> memref<1x324x64xi32, #tpu.memory_space<hbm>>
      %dma_start3A_122 = tpu.memref_squeeze %dma_start3A_121 : memref<1x324x64xi32, #tpu.memory_space<hbm>> -> memref<324x64xi32, #tpu.memory_space<hbm>>
      tpu.enqueue_dma source(%dma_start3A_122 : memref<324x64xi32, #tpu.memory_space<hbm>>) target(%arg11 : memref<324x64xi32, #tpu.memory_space<vmem>>) target_semaphore(%run_scoped3A : memref<!tpu.dma_semaphore, #tpu.memory_space<semaphore_mem>>)
      %dma_wait3A = arith.constant 0 : i32
      %dma_wait3A_123 = arith.constant 0 : i32
      %dma_wait3A_124 = tpu.memref_slice %arg2[%arg1, %dma_wait3A, %dma_wait3A_123] : memref<16x324x64xi32, #tpu.memory_space<hbm>> -> memref<1x324x64xi32, #tpu.memory_space<hbm>>
      %dma_wait3A_125 = tpu.memref_squeeze %dma_wait3A_124 : memref<1x324x64xi32, #tpu.memory_space<hbm>> -> memref<324x64xi32, #tpu.memory_space<hbm>>
      %dma_wait3A_126 = arith.constant 0 : i32
      %dma_wait3A_127 = arith.constant 0 : i32
      %dma_wait3A_128 = tpu.memref_slice %arg2[%arg1, %dma_wait3A_126, %dma_wait3A_127] : memref<16x324x64xi32, #tpu.memory_space<hbm>> -> memref<1x324x64xi32, #tpu.memory_space<hbm>>
      %dma_wait3A_129 = tpu.memref_squeeze %dma_wait3A_128 : memref<1x324x64xi32, #tpu.memory_space<hbm>> -> memref<324x64xi32, #tpu.memory_space<hbm>>
      tpu.wait_dma2 semaphore(%run_scoped3A : memref<!tpu.dma_semaphore, #tpu.memory_space<semaphore_mem>>) src(%dma_wait3A_129 : memref<324x64xi32, #tpu.memory_space<hbm>>) dst(%arg11 : memref<324x64xi32, #tpu.memory_space<vmem>>)
      tpu.yield
    }) : () -> ()
    "tpu.region"() ({
      %run_scoped3A = tpu.sem_alloc : memref<!tpu.dma_semaphore, #tpu.memory_space<semaphore_mem>>
      %dma_start3A = arith.constant 0 : i32
      %dma_start3A_116 = arith.constant 0 : i32
      %dma_start3A_117 = tpu.memref_slice %arg3[%arg1, %dma_start3A, %dma_start3A_116] : memref<16x324x64xi32, #tpu.memory_space<hbm>> -> memref<1x324x64xi32, #tpu.memory_space<hbm>>
      %dma_start3A_118 = tpu.memref_squeeze %dma_start3A_117 : memref<1x324x64xi32, #tpu.memory_space<hbm>> -> memref<324x64xi32, #tpu.memory_space<hbm>>
      %dma_start3A_119 = arith.constant 0 : i32
      %dma_start3A_120 = arith.constant 0 : i32
      %dma_start3A_121 = tpu.memref_slice %arg3[%arg1, %dma_start3A_119, %dma_start3A_120] : memref<16x324x64xi32, #tpu.memory_space<hbm>> -> memref<1x324x64xi32, #tpu.memory_space<hbm>>
      %dma_start3A_122 = tpu.memref_squeeze %dma_start3A_121 : memref<1x324x64xi32, #tpu.memory_space<hbm>> -> memref<324x64xi32, #tpu.memory_space<hbm>>
      tpu.enqueue_dma source(%dma_start3A_122 : memref<324x64xi32, #tpu.memory_space<hbm>>) target(%arg12 : memref<324x64xi32, #tpu.memory_space<vmem>>) target_semaphore(%run_scoped3A : memref<!tpu.dma_semaphore, #tpu.memory_space<semaphore_mem>>)
      %dma_wait3A = arith.constant 0 : i32
      %dma_wait3A_123 = arith.constant 0 : i32
      %dma_wait3A_124 = tpu.memref_slice %arg3[%arg1, %dma_wait3A, %dma_wait3A_123] : memref<16x324x64xi32, #tpu.memory_space<hbm>> -> memref<1x324x64xi32, #tpu.memory_space<hbm>>
      %dma_wait3A_125 = tpu.memref_squeeze %dma_wait3A_124 : memref<1x324x64xi32, #tpu.memory_space<hbm>> -> memref<324x64xi32, #tpu.memory_space<hbm>>
      %dma_wait3A_126 = arith.constant 0 : i32
      %dma_wait3A_127 = arith.constant 0 : i32
      %dma_wait3A_128 = tpu.memref_slice %arg3[%arg1, %dma_wait3A_126, %dma_wait3A_127] : memref<16x324x64xi32, #tpu.memory_space<hbm>> -> memref<1x324x64xi32, #tpu.memory_space<hbm>>
      %dma_wait3A_129 = tpu.memref_squeeze %dma_wait3A_128 : memref<1x324x64xi32, #tpu.memory_space<hbm>> -> memref<324x64xi32, #tpu.memory_space<hbm>>
      tpu.wait_dma2 semaphore(%run_scoped3A : memref<!tpu.dma_semaphore, #tpu.memory_space<semaphore_mem>>) src(%dma_wait3A_129 : memref<324x64xi32, #tpu.memory_space<hbm>>) dst(%arg12 : memref<324x64xi32, #tpu.memory_space<vmem>>)
      tpu.yield
    }) : () -> ()
    "tpu.region"() ({
      %run_scoped3A = tpu.sem_alloc : memref<!tpu.dma_semaphore, #tpu.memory_space<semaphore_mem>>
      %dma_start3A = arith.constant 0 : i32
      %dma_start3A_116 = tpu.memref_slice %arg17[%mul3A_0, %dma_start3A] : memref<10000x96xf32, #tpu.memory_space<vmem_shared>> -> memref<625x96xf32, #tpu.memory_space<vmem_shared>>
      tpu.enqueue_dma source(%arg7 : memref<625x96xf32, #tpu.memory_space<hbm>>) target(%dma_start3A_116 : memref<625x96xf32, #tpu.memory_space<vmem_shared>>) target_semaphore(%run_scoped3A : memref<!tpu.dma_semaphore, #tpu.memory_space<semaphore_mem>>)
      %dma_wait3A = arith.constant 0 : i32
      %dma_wait3A_117 = tpu.memref_slice %arg17[%mul3A_0, %dma_wait3A] : memref<10000x96xf32, #tpu.memory_space<vmem_shared>> -> memref<625x96xf32, #tpu.memory_space<vmem_shared>>
      tpu.wait_dma2 semaphore(%run_scoped3A : memref<!tpu.dma_semaphore, #tpu.memory_space<semaphore_mem>>) src(%arg7 : memref<625x96xf32, #tpu.memory_space<hbm>>) dst(%dma_wait3A_117 : memref<625x96xf32, #tpu.memory_space<vmem_shared>>)
      tpu.yield
    }) : () -> ()
    "tpu.region"() ({
      %run_scoped3A = tpu.sem_alloc : memref<!tpu.dma_semaphore, #tpu.memory_space<semaphore_mem>>
      %dma_start3A = arith.constant 0 : i32
      %dma_start3A_116 = tpu.memref_slice %arg18[%mul3A_0, %dma_start3A] : memref<10000x8xf32, #tpu.memory_space<vmem_shared>> -> memref<625x8xf32, #tpu.memory_space<vmem_shared>>
      tpu.enqueue_dma source(%arg8 : memref<625x8xf32, #tpu.memory_space<hbm>>) target(%dma_start3A_116 : memref<625x8xf32, #tpu.memory_space<vmem_shared>>) target_semaphore(%run_scoped3A : memref<!tpu.dma_semaphore, #tpu.memory_space<semaphore_mem>>)
      %dma_wait3A = arith.constant 0 : i32
      %dma_wait3A_117 = tpu.memref_slice %arg18[%mul3A_0, %dma_wait3A] : memref<10000x8xf32, #tpu.memory_space<vmem_shared>> -> memref<625x8xf32, #tpu.memory_space<vmem_shared>>
      tpu.wait_dma2 semaphore(%run_scoped3A : memref<!tpu.dma_semaphore, #tpu.memory_space<semaphore_mem>>) src(%arg8 : memref<625x8xf32, #tpu.memory_space<hbm>>) dst(%dma_wait3A_117 : memref<625x8xf32, #tpu.memory_space<vmem_shared>>)
      tpu.yield
    }) : () -> ()
    %broadcast_in_dim3A = arith.constant 0.000000e+00 : f32
    %broadcast_in_dim3A_3 = vector.broadcast %broadcast_in_dim3A : f32 to vector<16xf32>
    %iota3A = tpu.iota {dimensions = array<i32: 0>} : vector<16xi32>
    %add3A = arith.constant 0 : i32
    %add3A_4 = vector.broadcast %add3A : i32 to vector<16xi32>
    %add3A_5 = arith.addi %iota3A, %add3A_4 : vector<16xi32>
    %broadcast_in_dim3A_6 = arith.constant 3 : i32
    %broadcast_in_dim3A_7 = vector.broadcast %broadcast_in_dim3A_6 : i32 to vector<16xi32>
    tpu.vector_store_idx %arg16[%add3A_5, %broadcast_in_dim3A_7], %broadcast_in_dim3A_3 : memref<64x8xf32, #tpu.memory_space<vmem>>[vector<16xi32>, vector<16xi32>], vector<16xf32>,
    %add3A_8 = arith.constant 0 : i32
    %add3A_9 = vector.broadcast %add3A_8 : i32 to vector<16xi32>
    %add3A_10 = arith.addi %iota3A, %add3A_9 : vector<16xi32>
    %broadcast_in_dim3A_11 = arith.constant 4 : i32
    %broadcast_in_dim3A_12 = vector.broadcast %broadcast_in_dim3A_11 : i32 to vector<16xi32>
    tpu.vector_store_idx %arg16[%add3A_10, %broadcast_in_dim3A_12], %broadcast_in_dim3A_3 : memref<64x8xf32, #tpu.memory_space<vmem>>[vector<16xi32>, vector<16xi32>], vector<16xf32>,
    %add3A_13 = arith.constant 0 : i32
    %add3A_14 = vector.broadcast %add3A_13 : i32 to vector<16xi32>
    %add3A_15 = arith.addi %iota3A, %add3A_14 : vector<16xi32>
    %broadcast_in_dim3A_16 = arith.constant 5 : i32
    %broadcast_in_dim3A_17 = vector.broadcast %broadcast_in_dim3A_16 : i32 to vector<16xi32>
    tpu.vector_store_idx %arg16[%add3A_15, %broadcast_in_dim3A_17], %broadcast_in_dim3A_3 : memref<64x8xf32, #tpu.memory_space<vmem>>[vector<16xi32>, vector<16xi32>], vector<16xf32>,
    %add3A_18 = arith.constant 0 : i32
    %add3A_19 = vector.broadcast %add3A_18 : i32 to vector<16xi32>
    %add3A_20 = arith.addi %iota3A, %add3A_19 : vector<16xi32>
    %broadcast_in_dim3A_21 = arith.constant 6 : i32
    %broadcast_in_dim3A_22 = vector.broadcast %broadcast_in_dim3A_21 : i32 to vector<16xi32>
    tpu.vector_store_idx %arg16[%add3A_20, %broadcast_in_dim3A_22], %broadcast_in_dim3A_3 : memref<64x8xf32, #tpu.memory_space<vmem>>[vector<16xi32>, vector<16xi32>], vector<16xf32>,
    %add3A_23 = arith.constant 0 : i32
    %add3A_24 = vector.broadcast %add3A_23 : i32 to vector<16xi32>
    %add3A_25 = arith.addi %iota3A, %add3A_24 : vector<16xi32>
    %broadcast_in_dim3A_26 = arith.constant 7 : i32
    %broadcast_in_dim3A_27 = vector.broadcast %broadcast_in_dim3A_26 : i32 to vector<16xi32>
    tpu.vector_store_idx %arg16[%add3A_25, %broadcast_in_dim3A_27], %broadcast_in_dim3A_3 : memref<64x8xf32, #tpu.memory_space<vmem>>[vector<16xi32>, vector<16xi32>], vector<16xf32>,
    %add3A_28 = arith.constant 16 : i32
    %add3A_29 = vector.broadcast %add3A_28 : i32 to vector<16xi32>
    %add3A_30 = arith.addi %iota3A, %add3A_29 : vector<16xi32>
    %broadcast_in_dim3A_31 = arith.constant 3 : i32
    %broadcast_in_dim3A_32 = vector.broadcast %broadcast_in_dim3A_31 : i32 to vector<16xi32>
    tpu.vector_store_idx %arg16[%add3A_30, %broadcast_in_dim3A_32], %broadcast_in_dim3A_3 : memref<64x8xf32, #tpu.memory_space<vmem>>[vector<16xi32>, vector<16xi32>], vector<16xf32>,
    %add3A_33 = arith.constant 16 : i32
    %add3A_34 = vector.broadcast %add3A_33 : i32 to vector<16xi32>
    %add3A_35 = arith.addi %iota3A, %add3A_34 : vector<16xi32>
    %broadcast_in_dim3A_36 = arith.constant 4 : i32
    %broadcast_in_dim3A_37 = vector.broadcast %broadcast_in_dim3A_36 : i32 to vector<16xi32>
    tpu.vector_store_idx %arg16[%add3A_35, %broadcast_in_dim3A_37], %broadcast_in_dim3A_3 : memref<64x8xf32, #tpu.memory_space<vmem>>[vector<16xi32>, vector<16xi32>], vector<16xf32>,
    %add3A_38 = arith.constant 16 : i32
    %add3A_39 = vector.broadcast %add3A_38 : i32 to vector<16xi32>
    %add3A_40 = arith.addi %iota3A, %add3A_39 : vector<16xi32>
    %broadcast_in_dim3A_41 = arith.constant 5 : i32
    %broadcast_in_dim3A_42 = vector.broadcast %broadcast_in_dim3A_41 : i32 to vector<16xi32>
    tpu.vector_store_idx %arg16[%add3A_40, %broadcast_in_dim3A_42], %broadcast_in_dim3A_3 : memref<64x8xf32, #tpu.memory_space<vmem>>[vector<16xi32>, vector<16xi32>], vector<16xf32>,
    %add3A_43 = arith.constant 16 : i32
    %add3A_44 = vector.broadcast %add3A_43 : i32 to vector<16xi32>
    %add3A_45 = arith.addi %iota3A, %add3A_44 : vector<16xi32>
    %broadcast_in_dim3A_46 = arith.constant 6 : i32
    %broadcast_in_dim3A_47 = vector.broadcast %broadcast_in_dim3A_46 : i32 to vector<16xi32>
    tpu.vector_store_idx %arg16[%add3A_45, %broadcast_in_dim3A_47], %broadcast_in_dim3A_3 : memref<64x8xf32, #tpu.memory_space<vmem>>[vector<16xi32>, vector<16xi32>], vector<16xf32>,
    %add3A_48 = arith.constant 16 : i32
    %add3A_49 = vector.broadcast %add3A_48 : i32 to vector<16xi32>
    %add3A_50 = arith.addi %iota3A, %add3A_49 : vector<16xi32>
    %broadcast_in_dim3A_51 = arith.constant 7 : i32
    %broadcast_in_dim3A_52 = vector.broadcast %broadcast_in_dim3A_51 : i32 to vector<16xi32>
    tpu.vector_store_idx %arg16[%add3A_50, %broadcast_in_dim3A_52], %broadcast_in_dim3A_3 : memref<64x8xf32, #tpu.memory_space<vmem>>[vector<16xi32>, vector<16xi32>], vector<16xf32>,
    %add3A_53 = arith.constant 32 : i32
    %add3A_54 = vector.broadcast %add3A_53 : i32 to vector<16xi32>
    %add3A_55 = arith.addi %iota3A, %add3A_54 : vector<16xi32>
    %broadcast_in_dim3A_56 = arith.constant 3 : i32
    %broadcast_in_dim3A_57 = vector.broadcast %broadcast_in_dim3A_56 : i32 to vector<16xi32>
    tpu.vector_store_idx %arg16[%add3A_55, %broadcast_in_dim3A_57], %broadcast_in_dim3A_3 : memref<64x8xf32, #tpu.memory_space<vmem>>[vector<16xi32>, vector<16xi32>], vector<16xf32>,
    %add3A_58 = arith.constant 32 : i32
    %add3A_59 = vector.broadcast %add3A_58 : i32 to vector<16xi32>
    %add3A_60 = arith.addi %iota3A, %add3A_59 : vector<16xi32>
    %broadcast_in_dim3A_61 = arith.constant 4 : i32
    %broadcast_in_dim3A_62 = vector.broadcast %broadcast_in_dim3A_61 : i32 to vector<16xi32>
    tpu.vector_store_idx %arg16[%add3A_60, %broadcast_in_dim3A_62], %broadcast_in_dim3A_3 : memref<64x8xf32, #tpu.memory_space<vmem>>[vector<16xi32>, vector<16xi32>], vector<16xf32>,
    %add3A_63 = arith.constant 32 : i32
    %add3A_64 = vector.broadcast %add3A_63 : i32 to vector<16xi32>
    %add3A_65 = arith.addi %iota3A, %add3A_64 : vector<16xi32>
    %broadcast_in_dim3A_66 = arith.constant 5 : i32
    %broadcast_in_dim3A_67 = vector.broadcast %broadcast_in_dim3A_66 : i32 to vector<16xi32>
    tpu.vector_store_idx %arg16[%add3A_65, %broadcast_in_dim3A_67], %broadcast_in_dim3A_3 : memref<64x8xf32, #tpu.memory_space<vmem>>[vector<16xi32>, vector<16xi32>], vector<16xf32>,
    %add3A_68 = arith.constant 32 : i32
    %add3A_69 = vector.broadcast %add3A_68 : i32 to vector<16xi32>
    %add3A_70 = arith.addi %iota3A, %add3A_69 : vector<16xi32>
    %broadcast_in_dim3A_71 = arith.constant 6 : i32
    %broadcast_in_dim3A_72 = vector.broadcast %broadcast_in_dim3A_71 : i32 to vector<16xi32>
    tpu.vector_store_idx %arg16[%add3A_70, %broadcast_in_dim3A_72], %broadcast_in_dim3A_3 : memref<64x8xf32, #tpu.memory_space<vmem>>[vector<16xi32>, vector<16xi32>], vector<16xf32>,
    %add3A_73 = arith.constant 32 : i32
    %add3A_74 = vector.broadcast %add3A_73 : i32 to vector<16xi32>
    %add3A_75 = arith.addi %iota3A, %add3A_74 : vector<16xi32>
    %broadcast_in_dim3A_76 = arith.constant 7 : i32
    %broadcast_in_dim3A_77 = vector.broadcast %broadcast_in_dim3A_76 : i32 to vector<16xi32>
    tpu.vector_store_idx %arg16[%add3A_75, %broadcast_in_dim3A_77], %broadcast_in_dim3A_3 : memref<64x8xf32, #tpu.memory_space<vmem>>[vector<16xi32>, vector<16xi32>], vector<16xf32>,
    %add3A_78 = arith.constant 48 : i32
    %add3A_79 = vector.broadcast %add3A_78 : i32 to vector<16xi32>
    %add3A_80 = arith.addi %iota3A, %add3A_79 : vector<16xi32>
    %broadcast_in_dim3A_81 = arith.constant 3 : i32
    %broadcast_in_dim3A_82 = vector.broadcast %broadcast_in_dim3A_81 : i32 to vector<16xi32>
    tpu.vector_store_idx %arg16[%add3A_80, %broadcast_in_dim3A_82], %broadcast_in_dim3A_3 : memref<64x8xf32, #tpu.memory_space<vmem>>[vector<16xi32>, vector<16xi32>], vector<16xf32>,
    %add3A_83 = arith.constant 48 : i32
    %add3A_84 = vector.broadcast %add3A_83 : i32 to vector<16xi32>
    %add3A_85 = arith.addi %iota3A, %add3A_84 : vector<16xi32>
    %broadcast_in_dim3A_86 = arith.constant 4 : i32
    %broadcast_in_dim3A_87 = vector.broadcast %broadcast_in_dim3A_86 : i32 to vector<16xi32>
    tpu.vector_store_idx %arg16[%add3A_85, %broadcast_in_dim3A_87], %broadcast_in_dim3A_3 : memref<64x8xf32, #tpu.memory_space<vmem>>[vector<16xi32>, vector<16xi32>], vector<16xf32>,
    %add3A_88 = arith.constant 48 : i32
    %add3A_89 = vector.broadcast %add3A_88 : i32 to vector<16xi32>
    %add3A_90 = arith.addi %iota3A, %add3A_89 : vector<16xi32>
    %broadcast_in_dim3A_91 = arith.constant 5 : i32
    %broadcast_in_dim3A_92 = vector.broadcast %broadcast_in_dim3A_91 : i32 to vector<16xi32>
    tpu.vector_store_idx %arg16[%add3A_90, %broadcast_in_dim3A_92], %broadcast_in_dim3A_3 : memref<64x8xf32, #tpu.memory_space<vmem>>[vector<16xi32>, vector<16xi32>], vector<16xf32>,
    %add3A_93 = arith.constant 48 : i32
    %add3A_94 = vector.broadcast %add3A_93 : i32 to vector<16xi32>
    %add3A_95 = arith.addi %iota3A, %add3A_94 : vector<16xi32>
    %broadcast_in_dim3A_96 = arith.constant 6 : i32
    %broadcast_in_dim3A_97 = vector.broadcast %broadcast_in_dim3A_96 : i32 to vector<16xi32>
    tpu.vector_store_idx %arg16[%add3A_95, %broadcast_in_dim3A_97], %broadcast_in_dim3A_3 : memref<64x8xf32, #tpu.memory_space<vmem>>[vector<16xi32>, vector<16xi32>], vector<16xf32>,
    %add3A_98 = arith.constant 48 : i32
    %add3A_99 = vector.broadcast %add3A_98 : i32 to vector<16xi32>
    %add3A_100 = arith.addi %iota3A, %add3A_99 : vector<16xi32>
    %broadcast_in_dim3A_101 = arith.constant 7 : i32
    %broadcast_in_dim3A_102 = vector.broadcast %broadcast_in_dim3A_101 : i32 to vector<16xi32>
    tpu.vector_store_idx %arg16[%add3A_100, %broadcast_in_dim3A_102], %broadcast_in_dim3A_3 : memref<64x8xf32, #tpu.memory_space<vmem>>[vector<16xi32>, vector<16xi32>], vector<16xf32>,
    %barrier3A = arith.constant 0 : index
    tpu.barrier barrier_id(%barrier3A)
    %eq3A = arith.constant 0 : i32
    %eq3A_103 = arith.cmpi eq, %arg0, %eq3A : i32
    %convert_element_type3A = arith.extui %eq3A_103 : i1 to i32
    %cond3A = arith.constant 0 : i32
    %cond3A_104 = arith.cmpi ne, %convert_element_type3A, %cond3A : i32
    scf.if %cond3A_104 {
      %dma_start3A = arith.constant 0 : i32
      %dma_start3A_116 = arith.constant 0 : i32
      %dma_start3A_117 = arith.constant 0 : i32
      %dma_start3A_118 = arith.constant 0 : i32
      %dma_start3A_119 = arith.constant 0 : i32
      %dma_start3A_120 = tpu.memref_slice %arg13[%dma_start3A_116, %dma_start3A_118, %dma_start3A_119] : memref<2x64x96xf32, #tpu.memory_space<vmem>> -> memref<1x64x96xf32, #tpu.memory_space<vmem>>
      %dma_start3A_121 = tpu.memref_squeeze %dma_start3A_120 : memref<1x64x96xf32, #tpu.memory_space<vmem>> -> memref<64x96xf32, #tpu.memory_space<vmem>>
      %dma_start3A_122 = arith.constant 0 : i32
      %dma_start3A_123 = tpu.memref_slice %arg11[%dma_start3A, %dma_start3A_122] : memref<324x64xi32, #tpu.memory_space<vmem>> -> memref<1x64xi32, #tpu.memory_space<vmem>>
      %dma_start3A_124 = tpu.memref_squeeze %dma_start3A_123 : memref<1x64xi32, #tpu.memory_space<vmem>> -> memref<64xi32, #tpu.memory_space<vmem>>
      %dma_start3A_125 = arith.constant 0 : i32
      %dma_start3A_126 = arith.constant 0 : i32
      %dma_start3A_127 = tpu.memref_slice %arg5[%dma_start3A_125, %dma_start3A_126] : memref<10000x96xf32, #tpu.memory_space<hbm>> -> memref<10000x96xf32, #tpu.memory_space<hbm>>
      %dma_start3A_128 = tpu.memref_slice %arg19[%dma_start3A_117] : memref<2x!tpu.dma_semaphore, #tpu.memory_space<semaphore_mem>> -> memref<1x!tpu.dma_semaphore, #tpu.memory_space<semaphore_mem>>
      %dma_start3A_129 = tpu.memref_squeeze %dma_start3A_128 : memref<1x!tpu.dma_semaphore, #tpu.memory_space<semaphore_mem>> -> memref<!tpu.dma_semaphore, #tpu.memory_space<semaphore_mem>>
      tpu.enqueue_indirect_dma source(%dma_start3A_127 : memref<10000x96xf32, #tpu.memory_space<hbm>>) target(%dma_start3A_121 : memref<64x96xf32, #tpu.memory_space<vmem>>) offsets(%dma_start3A_124 : memref<64xi32, #tpu.memory_space<vmem>>) semaphore(%dma_start3A_129 : memref<!tpu.dma_semaphore, #tpu.memory_space<semaphore_mem>>)
    } else {
    }
    %eq3A_105 = arith.constant 1 : i32
    %eq3A_106 = arith.cmpi eq, %arg0, %eq3A_105 : i32
    %convert_element_type3A_107 = arith.extui %eq3A_106 : i1 to i32
    %cond3A_108 = arith.constant 0 : i32
    %cond3A_109 = arith.cmpi ne, %convert_element_type3A_107, %cond3A_108 : i32
    scf.if %cond3A_109 {
      %dma_start3A = arith.constant 0 : i32
      %dma_start3A_116 = arith.constant 0 : i32
      %dma_start3A_117 = arith.constant 0 : i32
      %dma_start3A_118 = arith.constant 0 : i32
      %dma_start3A_119 = arith.constant 0 : i32
      %dma_start3A_120 = tpu.memref_slice %arg13[%dma_start3A_116, %dma_start3A_118, %dma_start3A_119] : memref<2x64x96xf32, #tpu.memory_space<vmem>> -> memref<1x64x96xf32, #tpu.memory_space<vmem>>
      %dma_start3A_121 = tpu.memref_squeeze %dma_start3A_120 : memref<1x64x96xf32, #tpu.memory_space<vmem>> -> memref<64x96xf32, #tpu.memory_space<vmem>>
      %dma_start3A_122 = arith.constant 0 : i32
      %dma_start3A_123 = tpu.memref_slice %arg11[%dma_start3A, %dma_start3A_122] : memref<324x64xi32, #tpu.memory_space<vmem>> -> memref<1x64xi32, #tpu.memory_space<vmem>>
      %dma_start3A_124 = tpu.memref_squeeze %dma_start3A_123 : memref<1x64xi32, #tpu.memory_space<vmem>> -> memref<64xi32, #tpu.memory_space<vmem>>
      %dma_start3A_125 = arith.constant 0 : i32
      %dma_start3A_126 = arith.constant 0 : i32
      %dma_start3A_127 = tpu.memref_slice %arg6[%dma_start3A_125, %dma_start3A_126] : memref<10000x96xf32, #tpu.memory_space<hbm>> -> memref<10000x96xf32, #tpu.memory_space<hbm>>
      %dma_start3A_128 = tpu.memref_slice %arg19[%dma_start3A_117] : memref<2x!tpu.dma_semaphore, #tpu.memory_space<semaphore_mem>> -> memref<1x!tpu.dma_semaphore, #tpu.memory_space<semaphore_mem>>
      %dma_start3A_129 = tpu.memref_squeeze %dma_start3A_128 : memref<1x!tpu.dma_semaphore, #tpu.memory_space<semaphore_mem>> -> memref<!tpu.dma_semaphore, #tpu.memory_space<semaphore_mem>>
      tpu.enqueue_indirect_dma source(%dma_start3A_127 : memref<10000x96xf32, #tpu.memory_space<hbm>>) target(%dma_start3A_121 : memref<64x96xf32, #tpu.memory_space<vmem>>) offsets(%dma_start3A_124 : memref<64xi32, #tpu.memory_space<vmem>>) semaphore(%dma_start3A_129 : memref<!tpu.dma_semaphore, #tpu.memory_space<semaphore_mem>>)
    } else {
    }
    %scan3A = arith.constant 0 : i32
    %scan3A_110 = arith.constant 0 : i32
    %scan3A_111 = arith.constant 162 : i32
    %scan3A_112 = arith.addi %scan3A_110, %scan3A_111 : i32
    %scan3A_113 = arith.constant 1 : i32
    scf.for %scan3A_116 = %scan3A_110 to %scan3A_112 step %scan3A_113  : i32 {
      %mul3A_117 = arith.constant 2 : i32
      %mul3A_118 = arith.muli %scan3A_116, %mul3A_117 : i32
      %add3A_119 = arith.constant 0 : i32
      %add3A_120 = arith.addi %mul3A_118, %add3A_119 : i32
      %add3A_121 = arith.constant 1 : i32
      %add3A_122 = arith.addi %add3A_120, %add3A_121 : i32
      %lt3A = arith.constant 324 : i32
      %lt3A_123 = arith.cmpi slt, %add3A_122, %lt3A : i32
      %convert_element_type3A_124 = arith.extui %lt3A_123 : i1 to i32
      %cond3A_125 = arith.constant 0 : i32
      %cond3A_126 = arith.cmpi ne, %convert_element_type3A_124, %cond3A_125 : i32
      scf.if %cond3A_126 {
        %add3A_719 = arith.constant 1 : i32
        %add3A_720 = arith.addi %add3A_120, %add3A_719 : i32
        %eq3A_721 = arith.constant 0 : i32
        %eq3A_722 = arith.cmpi eq, %arg0, %eq3A_721 : i32
        %convert_element_type3A_723 = arith.extui %eq3A_722 : i1 to i32
        %cond3A_724 = arith.constant 0 : i32
        %cond3A_725 = arith.cmpi ne, %convert_element_type3A_723, %cond3A_724 : i32
        scf.if %cond3A_725 {
          %dma_start3A = arith.constant 1 : i32
          %dma_start3A_731 = arith.constant 1 : i32
          %dma_start3A_732 = arith.constant 0 : i32
          %dma_start3A_733 = arith.constant 0 : i32
          %dma_start3A_734 = tpu.memref_slice %arg13[%dma_start3A, %dma_start3A_732, %dma_start3A_733] : memref<2x64x96xf32, #tpu.memory_space<vmem>> -> memref<1x64x96xf32, #tpu.memory_space<vmem>>
          %dma_start3A_735 = tpu.memref_squeeze %dma_start3A_734 : memref<1x64x96xf32, #tpu.memory_space<vmem>> -> memref<64x96xf32, #tpu.memory_space<vmem>>
          %dma_start3A_736 = arith.constant 0 : i32
          %dma_start3A_737 = tpu.memref_slice %arg11[%add3A_720, %dma_start3A_736] : memref<324x64xi32, #tpu.memory_space<vmem>> -> memref<1x64xi32, #tpu.memory_space<vmem>>
          %dma_start3A_738 = tpu.memref_squeeze %dma_start3A_737 : memref<1x64xi32, #tpu.memory_space<vmem>> -> memref<64xi32, #tpu.memory_space<vmem>>
          %dma_start3A_739 = arith.constant 0 : i32
          %dma_start3A_740 = arith.constant 0 : i32
          %dma_start3A_741 = tpu.memref_slice %arg5[%dma_start3A_739, %dma_start3A_740] : memref<10000x96xf32, #tpu.memory_space<hbm>> -> memref<10000x96xf32, #tpu.memory_space<hbm>>
          %dma_start3A_742 = tpu.memref_slice %arg19[%dma_start3A_731] : memref<2x!tpu.dma_semaphore, #tpu.memory_space<semaphore_mem>> -> memref<1x!tpu.dma_semaphore, #tpu.memory_space<semaphore_mem>>
          %dma_start3A_743 = tpu.memref_squeeze %dma_start3A_742 : memref<1x!tpu.dma_semaphore, #tpu.memory_space<semaphore_mem>> -> memref<!tpu.dma_semaphore, #tpu.memory_space<semaphore_mem>>
          tpu.enqueue_indirect_dma source(%dma_start3A_741 : memref<10000x96xf32, #tpu.memory_space<hbm>>) target(%dma_start3A_735 : memref<64x96xf32, #tpu.memory_space<vmem>>) offsets(%dma_start3A_738 : memref<64xi32, #tpu.memory_space<vmem>>) semaphore(%dma_start3A_743 : memref<!tpu.dma_semaphore, #tpu.memory_space<semaphore_mem>>)
        } else {
        }
        %eq3A_726 = arith.constant 1 : i32
        %eq3A_727 = arith.cmpi eq, %arg0, %eq3A_726 : i32
        %convert_element_type3A_728 = arith.extui %eq3A_727 : i1 to i32
        %cond3A_729 = arith.constant 0 : i32
        %cond3A_730 = arith.cmpi ne, %convert_element_type3A_728, %cond3A_729 : i32
        scf.if %cond3A_730 {
          %dma_start3A = arith.constant 1 : i32
          %dma_start3A_731 = arith.constant 1 : i32
          %dma_start3A_732 = arith.constant 0 : i32
          %dma_start3A_733 = arith.constant 0 : i32
          %dma_start3A_734 = tpu.memref_slice %arg13[%dma_start3A, %dma_start3A_732, %dma_start3A_733] : memref<2x64x96xf32, #tpu.memory_space<vmem>> -> memref<1x64x96xf32, #tpu.memory_space<vmem>>
          %dma_start3A_735 = tpu.memref_squeeze %dma_start3A_734 : memref<1x64x96xf32, #tpu.memory_space<vmem>> -> memref<64x96xf32, #tpu.memory_space<vmem>>
          %dma_start3A_736 = arith.constant 0 : i32
          %dma_start3A_737 = tpu.memref_slice %arg11[%add3A_720, %dma_start3A_736] : memref<324x64xi32, #tpu.memory_space<vmem>> -> memref<1x64xi32, #tpu.memory_space<vmem>>
          %dma_start3A_738 = tpu.memref_squeeze %dma_start3A_737 : memref<1x64xi32, #tpu.memory_space<vmem>> -> memref<64xi32, #tpu.memory_space<vmem>>
          %dma_start3A_739 = arith.constant 0 : i32
          %dma_start3A_740 = arith.constant 0 : i32
          %dma_start3A_741 = tpu.memref_slice %arg6[%dma_start3A_739, %dma_start3A_740] : memref<10000x96xf32, #tpu.memory_space<hbm>> -> memref<10000x96xf32, #tpu.memory_space<hbm>>
          %dma_start3A_742 = tpu.memref_slice %arg19[%dma_start3A_731] : memref<2x!tpu.dma_semaphore, #tpu.memory_space<semaphore_mem>> -> memref<1x!tpu.dma_semaphore, #tpu.memory_space<semaphore_mem>>
          %dma_start3A_743 = tpu.memref_squeeze %dma_start3A_742 : memref<1x!tpu.dma_semaphore, #tpu.memory_space<semaphore_mem>> -> memref<!tpu.dma_semaphore, #tpu.memory_space<semaphore_mem>>
          tpu.enqueue_indirect_dma source(%dma_start3A_741 : memref<10000x96xf32, #tpu.memory_space<hbm>>) target(%dma_start3A_735 : memref<64x96xf32, #tpu.memory_space<vmem>>) offsets(%dma_start3A_738 : memref<64xi32, #tpu.memory_space<vmem>>) semaphore(%dma_start3A_743 : memref<!tpu.dma_semaphore, #tpu.memory_space<semaphore_mem>>)
        } else {
        }
      } else {
      }
      "tpu.region"() ({
        %run_scoped3A_719 = tpu.sem_alloc : memref<!tpu.dma_semaphore, #tpu.memory_space<semaphore_mem>>
        %dma_start3A = arith.constant 0 : i32
        %dma_start3A_720 = tpu.memref_slice %arg11[%add3A_120, %dma_start3A] : memref<324x64xi32, #tpu.memory_space<vmem>> -> memref<1x64xi32, #tpu.memory_space<vmem>>
        %dma_start3A_721 = tpu.memref_squeeze %dma_start3A_720 : memref<1x64xi32, #tpu.memory_space<vmem>> -> memref<64xi32, #tpu.memory_space<vmem>>
        %dma_start3A_722 = arith.constant 0 : i32
        %dma_start3A_723 = arith.constant 0 : i32
        %dma_start3A_724 = tpu.memref_slice %arg4[%dma_start3A_722, %dma_start3A_723] : memref<10000x8xf32, #tpu.memory_space<hbm>> -> memref<10000x8xf32, #tpu.memory_space<hbm>>
        tpu.enqueue_indirect_dma source(%dma_start3A_724 : memref<10000x8xf32, #tpu.memory_space<hbm>>) target(%arg14 : memref<64x8xf32, #tpu.memory_space<vmem>>) offsets(%dma_start3A_721 : memref<64xi32, #tpu.memory_space<vmem>>) semaphore(%run_scoped3A_719 : memref<!tpu.dma_semaphore, #tpu.memory_space<semaphore_mem>>)
        %dma_wait3A = arith.constant 0 : i32
        %dma_wait3A_725 = tpu.memref_slice %arg11[%add3A_120, %dma_wait3A] : memref<324x64xi32, #tpu.memory_space<vmem>> -> memref<1x64xi32, #tpu.memory_space<vmem>>
        %dma_wait3A_726 = tpu.memref_squeeze %dma_wait3A_725 : memref<1x64xi32, #tpu.memory_space<vmem>> -> memref<64xi32, #tpu.memory_space<vmem>>
        %dma_wait3A_727 = arith.constant 0 : i32
        %dma_wait3A_728 = arith.constant 0 : i32
        %dma_wait3A_729 = tpu.memref_slice %arg4[%dma_wait3A_727, %dma_wait3A_728] : memref<10000x8xf32, #tpu.memory_space<hbm>> -> memref<10000x8xf32, #tpu.memory_space<hbm>>
        tpu.wait_indirect_dma semaphore(%run_scoped3A_719 : memref<!tpu.dma_semaphore, #tpu.memory_space<semaphore_mem>>) src(%dma_wait3A_729 : memref<10000x8xf32, #tpu.memory_space<hbm>>) dst(%arg14 : memref<64x8xf32, #tpu.memory_space<vmem>>)
        tpu.yield
      }) : () -> ()
      "tpu.region"() ({
        %run_scoped3A_719 = tpu.sem_alloc : memref<!tpu.dma_semaphore, #tpu.memory_space<semaphore_mem>>
        %dma_start3A = arith.constant 0 : i32
        %dma_start3A_720 = tpu.memref_slice %arg12[%add3A_120, %dma_start3A] : memref<324x64xi32, #tpu.memory_space<vmem>> -> memref<1x64xi32, #tpu.memory_space<vmem>>
        %dma_start3A_721 = tpu.memref_squeeze %dma_start3A_720 : memref<1x64xi32, #tpu.memory_space<vmem>> -> memref<64xi32, #tpu.memory_space<vmem>>
        %dma_start3A_722 = arith.constant 0 : i32
        %dma_start3A_723 = arith.constant 0 : i32
        %dma_start3A_724 = tpu.memref_slice %arg4[%dma_start3A_722, %dma_start3A_723] : memref<10000x8xf32, #tpu.memory_space<hbm>> -> memref<10000x8xf32, #tpu.memory_space<hbm>>
        tpu.enqueue_indirect_dma source(%dma_start3A_724 : memref<10000x8xf32, #tpu.memory_space<hbm>>) target(%arg15 : memref<64x8xf32, #tpu.memory_space<vmem>>) offsets(%dma_start3A_721 : memref<64xi32, #tpu.memory_space<vmem>>) semaphore(%run_scoped3A_719 : memref<!tpu.dma_semaphore, #tpu.memory_space<semaphore_mem>>)
        %dma_wait3A = arith.constant 0 : i32
        %dma_wait3A_725 = tpu.memref_slice %arg12[%add3A_120, %dma_wait3A] : memref<324x64xi32, #tpu.memory_space<vmem>> -> memref<1x64xi32, #tpu.memory_space<vmem>>
        %dma_wait3A_726 = tpu.memref_squeeze %dma_wait3A_725 : memref<1x64xi32, #tpu.memory_space<vmem>> -> memref<64xi32, #tpu.memory_space<vmem>>
        %dma_wait3A_727 = arith.constant 0 : i32
        %dma_wait3A_728 = arith.constant 0 : i32
        %dma_wait3A_729 = tpu.memref_slice %arg4[%dma_wait3A_727, %dma_wait3A_728] : memref<10000x8xf32, #tpu.memory_space<hbm>> -> memref<10000x8xf32, #tpu.memory_space<hbm>>
        tpu.wait_indirect_dma semaphore(%run_scoped3A_719 : memref<!tpu.dma_semaphore, #tpu.memory_space<semaphore_mem>>) src(%dma_wait3A_729 : memref<10000x8xf32, #tpu.memory_space<hbm>>) dst(%arg15 : memref<64x8xf32, #tpu.memory_space<vmem>>)
        tpu.yield
      }) : () -> ()
      %add3A_127 = arith.constant 0 : i32
      %add3A_128 = vector.broadcast %add3A_127 : i32 to vector<16xi32>
      %add3A_129 = arith.addi %iota3A, %add3A_128 : vector<16xi32>
      %mul3A_130 = arith.constant 64 : i32
      %mul3A_131 = arith.muli %add3A_120, %mul3A_130 : i32
      %add3A_132 = arith.addi %mul3A_2, %mul3A_131 : i32
      %add3A_133 = vector.broadcast %add3A_132 : i32 to vector<16xi32>
      %add3A_134 = arith.addi %add3A_129, %add3A_133 : vector<16xi32>
      %lt3A_135 = arith.constant 330000 : i32
      %lt3A_136 = vector.broadcast %lt3A_135 : i32 to vector<16xi32>
      %lt3A_137 = arith.cmpi slt, %add3A_134, %lt3A_136 : vector<16xi32>
      %broadcast_in_dim3A_138 = arith.constant 6 : i32
      %broadcast_in_dim3A_139 = vector.broadcast %broadcast_in_dim3A_138 : i32 to vector<16xi32>
      %gather3A = tpu.vector_load_idx %arg14[%add3A_129, %broadcast_in_dim3A_139] : memref<64x8xf32, #tpu.memory_space<vmem>>[vector<16xi32>, vector<16xi32>], vector<16xf32>,
      %broadcast_in_dim3A_140 = arith.constant 0 : i32
      %broadcast_in_dim3A_141 = vector.broadcast %broadcast_in_dim3A_140 : i32 to vector<16xi32>
      %gather3A_142 = tpu.vector_load_idx %arg14[%add3A_129, %broadcast_in_dim3A_141] : memref<64x8xf32, #tpu.memory_space<vmem>>[vector<16xi32>, vector<16xi32>], vector<16xf32>,
      %broadcast_in_dim3A_143 = arith.constant 3 : i32
      %broadcast_in_dim3A_144 = vector.broadcast %broadcast_in_dim3A_143 : i32 to vector<16xi32>
      %gather3A_145 = tpu.vector_load_idx %arg15[%add3A_129, %broadcast_in_dim3A_144] : memref<64x8xf32, #tpu.memory_space<vmem>>[vector<16xi32>, vector<16xi32>], vector<16xf32>,
      %add3A_146 = arith.addf %gather3A_142, %gather3A_145 : vector<16xf32>
      %mul3A_147 = arith.constant 2.000000e-01 : f32
      %mul3A_148 = vector.broadcast %mul3A_147 : f32 to vector<16xf32>
      %mul3A_149 = arith.mulf %mul3A_148, %add3A_146 : vector<16xf32>
      %max3A = arith.maximumf %add3A_146, %mul3A_149 : vector<16xf32>
      %sub3A = arith.subf %max3A, %gather3A : vector<16xf32>
      %exp3A = math.exp %sub3A : vector<16xf32>
      %jit3A = arith.constant 0.000000e+00 : f32
      %broadcast_in_dim3A_150 = vector.broadcast %jit3A : f32 to vector<16xf32>
      %select_n3A = arith.select %lt3A_137, %exp3A, %broadcast_in_dim3A_150 : vector<16xi1>, vector<16xf32>
      %broadcast_in_dim3A_151 = arith.constant 0 : i32
      %broadcast_in_dim3A_152 = vector.broadcast %broadcast_in_dim3A_151 : i32 to vector<16xi32>
      tpu.vector_store_idx %arg16[%add3A_129, %broadcast_in_dim3A_152], %select_n3A : memref<64x8xf32, #tpu.memory_space<vmem>>[vector<16xi32>, vector<16xi32>], vector<16xf32>,
      %broadcast_in_dim3A_153 = arith.constant 1 : i32
      %broadcast_in_dim3A_154 = vector.broadcast %broadcast_in_dim3A_153 : i32 to vector<16xi32>
      %gather3A_155 = tpu.vector_load_idx %arg14[%add3A_129, %broadcast_in_dim3A_154] : memref<64x8xf32, #tpu.memory_space<vmem>>[vector<16xi32>, vector<16xi32>], vector<16xf32>,
      %broadcast_in_dim3A_156 = arith.constant 4 : i32
      %broadcast_in_dim3A_157 = vector.broadcast %broadcast_in_dim3A_156 : i32 to vector<16xi32>
      %gather3A_158 = tpu.vector_load_idx %arg15[%add3A_129, %broadcast_in_dim3A_157] : memref<64x8xf32, #tpu.memory_space<vmem>>[vector<16xi32>, vector<16xi32>], vector<16xf32>,
      %add3A_159 = arith.addf %gather3A_155, %gather3A_158 : vector<16xf32>
      %mul3A_160 = arith.constant 2.000000e-01 : f32
      %mul3A_161 = vector.broadcast %mul3A_160 : f32 to vector<16xf32>
      %mul3A_162 = arith.mulf %mul3A_161, %add3A_159 : vector<16xf32>
      %max3A_163 = arith.maximumf %add3A_159, %mul3A_162 : vector<16xf32>
      %sub3A_164 = arith.subf %max3A_163, %gather3A : vector<16xf32>
      %exp3A_165 = math.exp %sub3A_164 : vector<16xf32>
      %jit3A_166 = arith.constant 0.000000e+00 : f32
      %broadcast_in_dim3A_167 = vector.broadcast %jit3A_166 : f32 to vector<16xf32>
      %select_n3A_168 = arith.select %lt3A_137, %exp3A_165, %broadcast_in_dim3A_167 : vector<16xi1>, vector<16xf32>
      %broadcast_in_dim3A_169 = arith.constant 1 : i32
      %broadcast_in_dim3A_170 = vector.broadcast %broadcast_in_dim3A_169 : i32 to vector<16xi32>
      tpu.vector_store_idx %arg16[%add3A_129, %broadcast_in_dim3A_170], %select_n3A_168 : memref<64x8xf32, #tpu.memory_space<vmem>>[vector<16xi32>, vector<16xi32>], vector<16xf32>,
      %broadcast_in_dim3A_171 = arith.constant 2 : i32
      %broadcast_in_dim3A_172 = vector.broadcast %broadcast_in_dim3A_171 : i32 to vector<16xi32>
      %gather3A_173 = tpu.vector_load_idx %arg14[%add3A_129, %broadcast_in_dim3A_172] : memref<64x8xf32, #tpu.memory_space<vmem>>[vector<16xi32>, vector<16xi32>], vector<16xf32>,
      %broadcast_in_dim3A_174 = arith.constant 5 : i32
      %broadcast_in_dim3A_175 = vector.broadcast %broadcast_in_dim3A_174 : i32 to vector<16xi32>
      %gather3A_176 = tpu.vector_load_idx %arg15[%add3A_129, %broadcast_in_dim3A_175] : memref<64x8xf32, #tpu.memory_space<vmem>>[vector<16xi32>, vector<16xi32>], vector<16xf32>,
      %add3A_177 = arith.addf %gather3A_173, %gather3A_176 : vector<16xf32>
      %mul3A_178 = arith.constant 2.000000e-01 : f32
      %mul3A_179 = vector.broadcast %mul3A_178 : f32 to vector<16xf32>
      %mul3A_180 = arith.mulf %mul3A_179, %add3A_177 : vector<16xf32>
      %max3A_181 = arith.maximumf %add3A_177, %mul3A_180 : vector<16xf32>
      %sub3A_182 = arith.subf %max3A_181, %gather3A : vector<16xf32>
      %exp3A_183 = math.exp %sub3A_182 : vector<16xf32>
      %jit3A_184 = arith.constant 0.000000e+00 : f32
      %broadcast_in_dim3A_185 = vector.broadcast %jit3A_184 : f32 to vector<16xf32>
      %select_n3A_186 = arith.select %lt3A_137, %exp3A_183, %broadcast_in_dim3A_185 : vector<16xi1>, vector<16xf32>
      %broadcast_in_dim3A_187 = arith.constant 2 : i32
      %broadcast_in_dim3A_188 = vector.broadcast %broadcast_in_dim3A_187 : i32 to vector<16xi32>
      tpu.vector_store_idx %arg16[%add3A_129, %broadcast_in_dim3A_188], %select_n3A_186 : memref<64x8xf32, #tpu.memory_space<vmem>>[vector<16xi32>, vector<16xi32>], vector<16xf32>,
      %add3A_189 = arith.constant 16 : i32
      %add3A_190 = vector.broadcast %add3A_189 : i32 to vector<16xi32>
      %add3A_191 = arith.addi %iota3A, %add3A_190 : vector<16xi32>
      %mul3A_192 = arith.constant 64 : i32
      %mul3A_193 = arith.muli %add3A_120, %mul3A_192 : i32
      %add3A_194 = arith.addi %mul3A_2, %mul3A_193 : i32
      %add3A_195 = vector.broadcast %add3A_194 : i32 to vector<16xi32>
      %add3A_196 = arith.addi %add3A_191, %add3A_195 : vector<16xi32>
      %lt3A_197 = arith.constant 330000 : i32
      %lt3A_198 = vector.broadcast %lt3A_197 : i32 to vector<16xi32>
      %lt3A_199 = arith.cmpi slt, %add3A_196, %lt3A_198 : vector<16xi32>
      %broadcast_in_dim3A_200 = arith.constant 6 : i32
      %broadcast_in_dim3A_201 = vector.broadcast %broadcast_in_dim3A_200 : i32 to vector<16xi32>
      %gather3A_202 = tpu.vector_load_idx %arg14[%add3A_191, %broadcast_in_dim3A_201] : memref<64x8xf32, #tpu.memory_space<vmem>>[vector<16xi32>, vector<16xi32>], vector<16xf32>,
      %broadcast_in_dim3A_203 = arith.constant 0 : i32
      %broadcast_in_dim3A_204 = vector.broadcast %broadcast_in_dim3A_203 : i32 to vector<16xi32>
      %gather3A_205 = tpu.vector_load_idx %arg14[%add3A_191, %broadcast_in_dim3A_204] : memref<64x8xf32, #tpu.memory_space<vmem>>[vector<16xi32>, vector<16xi32>], vector<16xf32>,
      %broadcast_in_dim3A_206 = arith.constant 3 : i32
      %broadcast_in_dim3A_207 = vector.broadcast %broadcast_in_dim3A_206 : i32 to vector<16xi32>
      %gather3A_208 = tpu.vector_load_idx %arg15[%add3A_191, %broadcast_in_dim3A_207] : memref<64x8xf32, #tpu.memory_space<vmem>>[vector<16xi32>, vector<16xi32>], vector<16xf32>,
      %add3A_209 = arith.addf %gather3A_205, %gather3A_208 : vector<16xf32>
      %mul3A_210 = arith.constant 2.000000e-01 : f32
      %mul3A_211 = vector.broadcast %mul3A_210 : f32 to vector<16xf32>
      %mul3A_212 = arith.mulf %mul3A_211, %add3A_209 : vector<16xf32>
      %max3A_213 = arith.maximumf %add3A_209, %mul3A_212 : vector<16xf32>
      %sub3A_214 = arith.subf %max3A_213, %gather3A_202 : vector<16xf32>
      %exp3A_215 = math.exp %sub3A_214 : vector<16xf32>
      %jit3A_216 = arith.constant 0.000000e+00 : f32
      %broadcast_in_dim3A_217 = vector.broadcast %jit3A_216 : f32 to vector<16xf32>
      %select_n3A_218 = arith.select %lt3A_199, %exp3A_215, %broadcast_in_dim3A_217 : vector<16xi1>, vector<16xf32>
      %broadcast_in_dim3A_219 = arith.constant 0 : i32
      %broadcast_in_dim3A_220 = vector.broadcast %broadcast_in_dim3A_219 : i32 to vector<16xi32>
      tpu.vector_store_idx %arg16[%add3A_191, %broadcast_in_dim3A_220], %select_n3A_218 : memref<64x8xf32, #tpu.memory_space<vmem>>[vector<16xi32>, vector<16xi32>], vector<16xf32>,
      %broadcast_in_dim3A_221 = arith.constant 1 : i32
      %broadcast_in_dim3A_222 = vector.broadcast %broadcast_in_dim3A_221 : i32 to vector<16xi32>
      %gather3A_223 = tpu.vector_load_idx %arg14[%add3A_191, %broadcast_in_dim3A_222] : memref<64x8xf32, #tpu.memory_space<vmem>>[vector<16xi32>, vector<16xi32>], vector<16xf32>,
      %broadcast_in_dim3A_224 = arith.constant 4 : i32
      %broadcast_in_dim3A_225 = vector.broadcast %broadcast_in_dim3A_224 : i32 to vector<16xi32>
      %gather3A_226 = tpu.vector_load_idx %arg15[%add3A_191, %broadcast_in_dim3A_225] : memref<64x8xf32, #tpu.memory_space<vmem>>[vector<16xi32>, vector<16xi32>], vector<16xf32>,
      %add3A_227 = arith.addf %gather3A_223, %gather3A_226 : vector<16xf32>
      %mul3A_228 = arith.constant 2.000000e-01 : f32
      %mul3A_229 = vector.broadcast %mul3A_228 : f32 to vector<16xf32>
      %mul3A_230 = arith.mulf %mul3A_229, %add3A_227 : vector<16xf32>
      %max3A_231 = arith.maximumf %add3A_227, %mul3A_230 : vector<16xf32>
      %sub3A_232 = arith.subf %max3A_231, %gather3A_202 : vector<16xf32>
      %exp3A_233 = math.exp %sub3A_232 : vector<16xf32>
      %jit3A_234 = arith.constant 0.000000e+00 : f32
      %broadcast_in_dim3A_235 = vector.broadcast %jit3A_234 : f32 to vector<16xf32>
      %select_n3A_236 = arith.select %lt3A_199, %exp3A_233, %broadcast_in_dim3A_235 : vector<16xi1>, vector<16xf32>
      %broadcast_in_dim3A_237 = arith.constant 1 : i32
      %broadcast_in_dim3A_238 = vector.broadcast %broadcast_in_dim3A_237 : i32 to vector<16xi32>
      tpu.vector_store_idx %arg16[%add3A_191, %broadcast_in_dim3A_238], %select_n3A_236 : memref<64x8xf32, #tpu.memory_space<vmem>>[vector<16xi32>, vector<16xi32>], vector<16xf32>,
      %broadcast_in_dim3A_239 = arith.constant 2 : i32
      %broadcast_in_dim3A_240 = vector.broadcast %broadcast_in_dim3A_239 : i32 to vector<16xi32>
      %gather3A_241 = tpu.vector_load_idx %arg14[%add3A_191, %broadcast_in_dim3A_240] : memref<64x8xf32, #tpu.memory_space<vmem>>[vector<16xi32>, vector<16xi32>], vector<16xf32>,
      %broadcast_in_dim3A_242 = arith.constant 5 : i32
      %broadcast_in_dim3A_243 = vector.broadcast %broadcast_in_dim3A_242 : i32 to vector<16xi32>
      %gather3A_244 = tpu.vector_load_idx %arg15[%add3A_191, %broadcast_in_dim3A_243] : memref<64x8xf32, #tpu.memory_space<vmem>>[vector<16xi32>, vector<16xi32>], vector<16xf32>,
      %add3A_245 = arith.addf %gather3A_241, %gather3A_244 : vector<16xf32>
      %mul3A_246 = arith.constant 2.000000e-01 : f32
      %mul3A_247 = vector.broadcast %mul3A_246 : f32 to vector<16xf32>
      %mul3A_248 = arith.mulf %mul3A_247, %add3A_245 : vector<16xf32>
      %max3A_249 = arith.maximumf %add3A_245, %mul3A_248 : vector<16xf32>
      %sub3A_250 = arith.subf %max3A_249, %gather3A_202 : vector<16xf32>
      %exp3A_251 = math.exp %sub3A_250 : vector<16xf32>
      %jit3A_252 = arith.constant 0.000000e+00 : f32
      %broadcast_in_dim3A_253 = vector.broadcast %jit3A_252 : f32 to vector<16xf32>
      %select_n3A_254 = arith.select %lt3A_199, %exp3A_251, %broadcast_in_dim3A_253 : vector<16xi1>, vector<16xf32>
      %broadcast_in_dim3A_255 = arith.constant 2 : i32
      %broadcast_in_dim3A_256 = vector.broadcast %broadcast_in_dim3A_255 : i32 to vector<16xi32>
      tpu.vector_store_idx %arg16[%add3A_191, %broadcast_in_dim3A_256], %select_n3A_254 : memref<64x8xf32, #tpu.memory_space<vmem>>[vector<16xi32>, vector<16xi32>], vector<16xf32>,
      %add3A_257 = arith.constant 32 : i32
      %add3A_258 = vector.broadcast %add3A_257 : i32 to vector<16xi32>
      %add3A_259 = arith.addi %iota3A, %add3A_258 : vector<16xi32>
      %mul3A_260 = arith.constant 64 : i32
      %mul3A_261 = arith.muli %add3A_120, %mul3A_260 : i32
      %add3A_262 = arith.addi %mul3A_2, %mul3A_261 : i32
      %add3A_263 = vector.broadcast %add3A_262 : i32 to vector<16xi32>
      %add3A_264 = arith.addi %add3A_259, %add3A_263 : vector<16xi32>
      %lt3A_265 = arith.constant 330000 : i32
      %lt3A_266 = vector.broadcast %lt3A_265 : i32 to vector<16xi32>
      %lt3A_267 = arith.cmpi slt, %add3A_264, %lt3A_266 : vector<16xi32>
      %broadcast_in_dim3A_268 = arith.constant 6 : i32
      %broadcast_in_dim3A_269 = vector.broadcast %broadcast_in_dim3A_268 : i32 to vector<16xi32>
      %gather3A_270 = tpu.vector_load_idx %arg14[%add3A_259, %broadcast_in_dim3A_269] : memref<64x8xf32, #tpu.memory_space<vmem>>[vector<16xi32>, vector<16xi32>], vector<16xf32>,
      %broadcast_in_dim3A_271 = arith.constant 0 : i32
      %broadcast_in_dim3A_272 = vector.broadcast %broadcast_in_dim3A_271 : i32 to vector<16xi32>
      %gather3A_273 = tpu.vector_load_idx %arg14[%add3A_259, %broadcast_in_dim3A_272] : memref<64x8xf32, #tpu.memory_space<vmem>>[vector<16xi32>, vector<16xi32>], vector<16xf32>,
      %broadcast_in_dim3A_274 = arith.constant 3 : i32
      %broadcast_in_dim3A_275 = vector.broadcast %broadcast_in_dim3A_274 : i32 to vector<16xi32>
      %gather3A_276 = tpu.vector_load_idx %arg15[%add3A_259, %broadcast_in_dim3A_275] : memref<64x8xf32, #tpu.memory_space<vmem>>[vector<16xi32>, vector<16xi32>], vector<16xf32>,
      %add3A_277 = arith.addf %gather3A_273, %gather3A_276 : vector<16xf32>
      %mul3A_278 = arith.constant 2.000000e-01 : f32
      %mul3A_279 = vector.broadcast %mul3A_278 : f32 to vector<16xf32>
      %mul3A_280 = arith.mulf %mul3A_279, %add3A_277 : vector<16xf32>
      %max3A_281 = arith.maximumf %add3A_277, %mul3A_280 : vector<16xf32>
      %sub3A_282 = arith.subf %max3A_281, %gather3A_270 : vector<16xf32>
      %exp3A_283 = math.exp %sub3A_282 : vector<16xf32>
      %jit3A_284 = arith.constant 0.000000e+00 : f32
      %broadcast_in_dim3A_285 = vector.broadcast %jit3A_284 : f32 to vector<16xf32>
      %select_n3A_286 = arith.select %lt3A_267, %exp3A_283, %broadcast_in_dim3A_285 : vector<16xi1>, vector<16xf32>
      %broadcast_in_dim3A_287 = arith.constant 0 : i32
      %broadcast_in_dim3A_288 = vector.broadcast %broadcast_in_dim3A_287 : i32 to vector<16xi32>
      tpu.vector_store_idx %arg16[%add3A_259, %broadcast_in_dim3A_288], %select_n3A_286 : memref<64x8xf32, #tpu.memory_space<vmem>>[vector<16xi32>, vector<16xi32>], vector<16xf32>,
      %broadcast_in_dim3A_289 = arith.constant 1 : i32
      %broadcast_in_dim3A_290 = vector.broadcast %broadcast_in_dim3A_289 : i32 to vector<16xi32>
      %gather3A_291 = tpu.vector_load_idx %arg14[%add3A_259, %broadcast_in_dim3A_290] : memref<64x8xf32, #tpu.memory_space<vmem>>[vector<16xi32>, vector<16xi32>], vector<16xf32>,
      %broadcast_in_dim3A_292 = arith.constant 4 : i32
      %broadcast_in_dim3A_293 = vector.broadcast %broadcast_in_dim3A_292 : i32 to vector<16xi32>
      %gather3A_294 = tpu.vector_load_idx %arg15[%add3A_259, %broadcast_in_dim3A_293] : memref<64x8xf32, #tpu.memory_space<vmem>>[vector<16xi32>, vector<16xi32>], vector<16xf32>,
      %add3A_295 = arith.addf %gather3A_291, %gather3A_294 : vector<16xf32>
      %mul3A_296 = arith.constant 2.000000e-01 : f32
      %mul3A_297 = vector.broadcast %mul3A_296 : f32 to vector<16xf32>
      %mul3A_298 = arith.mulf %mul3A_297, %add3A_295 : vector<16xf32>
      %max3A_299 = arith.maximumf %add3A_295, %mul3A_298 : vector<16xf32>
      %sub3A_300 = arith.subf %max3A_299, %gather3A_270 : vector<16xf32>
      %exp3A_301 = math.exp %sub3A_300 : vector<16xf32>
      %jit3A_302 = arith.constant 0.000000e+00 : f32
      %broadcast_in_dim3A_303 = vector.broadcast %jit3A_302 : f32 to vector<16xf32>
      %select_n3A_304 = arith.select %lt3A_267, %exp3A_301, %broadcast_in_dim3A_303 : vector<16xi1>, vector<16xf32>
      %broadcast_in_dim3A_305 = arith.constant 1 : i32
      %broadcast_in_dim3A_306 = vector.broadcast %broadcast_in_dim3A_305 : i32 to vector<16xi32>
      tpu.vector_store_idx %arg16[%add3A_259, %broadcast_in_dim3A_306], %select_n3A_304 : memref<64x8xf32, #tpu.memory_space<vmem>>[vector<16xi32>, vector<16xi32>], vector<16xf32>,
      %broadcast_in_dim3A_307 = arith.constant 2 : i32
      %broadcast_in_dim3A_308 = vector.broadcast %broadcast_in_dim3A_307 : i32 to vector<16xi32>
      %gather3A_309 = tpu.vector_load_idx %arg14[%add3A_259, %broadcast_in_dim3A_308] : memref<64x8xf32, #tpu.memory_space<vmem>>[vector<16xi32>, vector<16xi32>], vector<16xf32>,
      %broadcast_in_dim3A_310 = arith.constant 5 : i32
      %broadcast_in_dim3A_311 = vector.broadcast %broadcast_in_dim3A_310 : i32 to vector<16xi32>
      %gather3A_312 = tpu.vector_load_idx %arg15[%add3A_259, %broadcast_in_dim3A_311] : memref<64x8xf32, #tpu.memory_space<vmem>>[vector<16xi32>, vector<16xi32>], vector<16xf32>,
      %add3A_313 = arith.addf %gather3A_309, %gather3A_312 : vector<16xf32>
      %mul3A_314 = arith.constant 2.000000e-01 : f32
      %mul3A_315 = vector.broadcast %mul3A_314 : f32 to vector<16xf32>
      %mul3A_316 = arith.mulf %mul3A_315, %add3A_313 : vector<16xf32>
      %max3A_317 = arith.maximumf %add3A_313, %mul3A_316 : vector<16xf32>
      %sub3A_318 = arith.subf %max3A_317, %gather3A_270 : vector<16xf32>
      %exp3A_319 = math.exp %sub3A_318 : vector<16xf32>
      %jit3A_320 = arith.constant 0.000000e+00 : f32
      %broadcast_in_dim3A_321 = vector.broadcast %jit3A_320 : f32 to vector<16xf32>
      %select_n3A_322 = arith.select %lt3A_267, %exp3A_319, %broadcast_in_dim3A_321 : vector<16xi1>, vector<16xf32>
      %broadcast_in_dim3A_323 = arith.constant 2 : i32
      %broadcast_in_dim3A_324 = vector.broadcast %broadcast_in_dim3A_323 : i32 to vector<16xi32>
      tpu.vector_store_idx %arg16[%add3A_259, %broadcast_in_dim3A_324], %select_n3A_322 : memref<64x8xf32, #tpu.memory_space<vmem>>[vector<16xi32>, vector<16xi32>], vector<16xf32>,
      %add3A_325 = arith.constant 48 : i32
      %add3A_326 = vector.broadcast %add3A_325 : i32 to vector<16xi32>
      %add3A_327 = arith.addi %iota3A, %add3A_326 : vector<16xi32>
      %mul3A_328 = arith.constant 64 : i32
      %mul3A_329 = arith.muli %add3A_120, %mul3A_328 : i32
      %add3A_330 = arith.addi %mul3A_2, %mul3A_329 : i32
      %add3A_331 = vector.broadcast %add3A_330 : i32 to vector<16xi32>
      %add3A_332 = arith.addi %add3A_327, %add3A_331 : vector<16xi32>
      %lt3A_333 = arith.constant 330000 : i32
      %lt3A_334 = vector.broadcast %lt3A_333 : i32 to vector<16xi32>
      %lt3A_335 = arith.cmpi slt, %add3A_332, %lt3A_334 : vector<16xi32>
      %broadcast_in_dim3A_336 = arith.constant 6 : i32
      %broadcast_in_dim3A_337 = vector.broadcast %broadcast_in_dim3A_336 : i32 to vector<16xi32>
      %gather3A_338 = tpu.vector_load_idx %arg14[%add3A_327, %broadcast_in_dim3A_337] : memref<64x8xf32, #tpu.memory_space<vmem>>[vector<16xi32>, vector<16xi32>], vector<16xf32>,
      %broadcast_in_dim3A_339 = arith.constant 0 : i32
      %broadcast_in_dim3A_340 = vector.broadcast %broadcast_in_dim3A_339 : i32 to vector<16xi32>
      %gather3A_341 = tpu.vector_load_idx %arg14[%add3A_327, %broadcast_in_dim3A_340] : memref<64x8xf32, #tpu.memory_space<vmem>>[vector<16xi32>, vector<16xi32>], vector<16xf32>,
      %broadcast_in_dim3A_342 = arith.constant 3 : i32
      %broadcast_in_dim3A_343 = vector.broadcast %broadcast_in_dim3A_342 : i32 to vector<16xi32>
      %gather3A_344 = tpu.vector_load_idx %arg15[%add3A_327, %broadcast_in_dim3A_343] : memref<64x8xf32, #tpu.memory_space<vmem>>[vector<16xi32>, vector<16xi32>], vector<16xf32>,
      %add3A_345 = arith.addf %gather3A_341, %gather3A_344 : vector<16xf32>
      %mul3A_346 = arith.constant 2.000000e-01 : f32
      %mul3A_347 = vector.broadcast %mul3A_346 : f32 to vector<16xf32>
      %mul3A_348 = arith.mulf %mul3A_347, %add3A_345 : vector<16xf32>
      %max3A_349 = arith.maximumf %add3A_345, %mul3A_348 : vector<16xf32>
      %sub3A_350 = arith.subf %max3A_349, %gather3A_338 : vector<16xf32>
      %exp3A_351 = math.exp %sub3A_350 : vector<16xf32>
      %jit3A_352 = arith.constant 0.000000e+00 : f32
      %broadcast_in_dim3A_353 = vector.broadcast %jit3A_352 : f32 to vector<16xf32>
      %select_n3A_354 = arith.select %lt3A_335, %exp3A_351, %broadcast_in_dim3A_353 : vector<16xi1>, vector<16xf32>
      %broadcast_in_dim3A_355 = arith.constant 0 : i32
      %broadcast_in_dim3A_356 = vector.broadcast %broadcast_in_dim3A_355 : i32 to vector<16xi32>
      tpu.vector_store_idx %arg16[%add3A_327, %broadcast_in_dim3A_356], %select_n3A_354 : memref<64x8xf32, #tpu.memory_space<vmem>>[vector<16xi32>, vector<16xi32>], vector<16xf32>,
      %broadcast_in_dim3A_357 = arith.constant 1 : i32
      %broadcast_in_dim3A_358 = vector.broadcast %broadcast_in_dim3A_357 : i32 to vector<16xi32>
      %gather3A_359 = tpu.vector_load_idx %arg14[%add3A_327, %broadcast_in_dim3A_358] : memref<64x8xf32, #tpu.memory_space<vmem>>[vector<16xi32>, vector<16xi32>], vector<16xf32>,
      %broadcast_in_dim3A_360 = arith.constant 4 : i32
      %broadcast_in_dim3A_361 = vector.broadcast %broadcast_in_dim3A_360 : i32 to vector<16xi32>
      %gather3A_362 = tpu.vector_load_idx %arg15[%add3A_327, %broadcast_in_dim3A_361] : memref<64x8xf32, #tpu.memory_space<vmem>>[vector<16xi32>, vector<16xi32>], vector<16xf32>,
      %add3A_363 = arith.addf %gather3A_359, %gather3A_362 : vector<16xf32>
      %mul3A_364 = arith.constant 2.000000e-01 : f32
      %mul3A_365 = vector.broadcast %mul3A_364 : f32 to vector<16xf32>
      %mul3A_366 = arith.mulf %mul3A_365, %add3A_363 : vector<16xf32>
      %max3A_367 = arith.maximumf %add3A_363, %mul3A_366 : vector<16xf32>
      %sub3A_368 = arith.subf %max3A_367, %gather3A_338 : vector<16xf32>
      %exp3A_369 = math.exp %sub3A_368 : vector<16xf32>
      %jit3A_370 = arith.constant 0.000000e+00 : f32
      %broadcast_in_dim3A_371 = vector.broadcast %jit3A_370 : f32 to vector<16xf32>
      %select_n3A_372 = arith.select %lt3A_335, %exp3A_369, %broadcast_in_dim3A_371 : vector<16xi1>, vector<16xf32>
      %broadcast_in_dim3A_373 = arith.constant 1 : i32
      %broadcast_in_dim3A_374 = vector.broadcast %broadcast_in_dim3A_373 : i32 to vector<16xi32>
      tpu.vector_store_idx %arg16[%add3A_327, %broadcast_in_dim3A_374], %select_n3A_372 : memref<64x8xf32, #tpu.memory_space<vmem>>[vector<16xi32>, vector<16xi32>], vector<16xf32>,
      %broadcast_in_dim3A_375 = arith.constant 2 : i32
      %broadcast_in_dim3A_376 = vector.broadcast %broadcast_in_dim3A_375 : i32 to vector<16xi32>
      %gather3A_377 = tpu.vector_load_idx %arg14[%add3A_327, %broadcast_in_dim3A_376] : memref<64x8xf32, #tpu.memory_space<vmem>>[vector<16xi32>, vector<16xi32>], vector<16xf32>,
      %broadcast_in_dim3A_378 = arith.constant 5 : i32
      %broadcast_in_dim3A_379 = vector.broadcast %broadcast_in_dim3A_378 : i32 to vector<16xi32>
      %gather3A_380 = tpu.vector_load_idx %arg15[%add3A_327, %broadcast_in_dim3A_379] : memref<64x8xf32, #tpu.memory_space<vmem>>[vector<16xi32>, vector<16xi32>], vector<16xf32>,
      %add3A_381 = arith.addf %gather3A_377, %gather3A_380 : vector<16xf32>
      %mul3A_382 = arith.constant 2.000000e-01 : f32
      %mul3A_383 = vector.broadcast %mul3A_382 : f32 to vector<16xf32>
      %mul3A_384 = arith.mulf %mul3A_383, %add3A_381 : vector<16xf32>
      %max3A_385 = arith.maximumf %add3A_381, %mul3A_384 : vector<16xf32>
      %sub3A_386 = arith.subf %max3A_385, %gather3A_338 : vector<16xf32>
      %exp3A_387 = math.exp %sub3A_386 : vector<16xf32>
      %jit3A_388 = arith.constant 0.000000e+00 : f32
      %broadcast_in_dim3A_389 = vector.broadcast %jit3A_388 : f32 to vector<16xf32>
      %select_n3A_390 = arith.select %lt3A_335, %exp3A_387, %broadcast_in_dim3A_389 : vector<16xi1>, vector<16xf32>
      %broadcast_in_dim3A_391 = arith.constant 2 : i32
      %broadcast_in_dim3A_392 = vector.broadcast %broadcast_in_dim3A_391 : i32 to vector<16xi32>
      tpu.vector_store_idx %arg16[%add3A_327, %broadcast_in_dim3A_392], %select_n3A_390 : memref<64x8xf32, #tpu.memory_space<vmem>>[vector<16xi32>, vector<16xi32>], vector<16xf32>,
      %eq3A_393 = arith.constant 0 : i32
      %eq3A_394 = arith.cmpi eq, %arg0, %eq3A_393 : i32
      %convert_element_type3A_395 = arith.extui %eq3A_394 : i1 to i32
      %cond3A_396 = arith.constant 0 : i32
      %cond3A_397 = arith.cmpi ne, %convert_element_type3A_395, %cond3A_396 : i32
      scf.if %cond3A_397 {
        %dma_wait3A = arith.constant 0 : i32
        %dma_wait3A_719 = arith.constant 0 : i32
        %dma_wait3A_720 = arith.constant 0 : i32
        %dma_wait3A_721 = arith.constant 0 : i32
        %dma_wait3A_722 = tpu.memref_slice %arg13[%dma_wait3A, %dma_wait3A_720, %dma_wait3A_721] : memref<2x64x96xf32, #tpu.memory_space<vmem>> -> memref<1x64x96xf32, #tpu.memory_space<vmem>>
        %dma_wait3A_723 = tpu.memref_squeeze %dma_wait3A_722 : memref<1x64x96xf32, #tpu.memory_space<vmem>> -> memref<64x96xf32, #tpu.memory_space<vmem>>
        %dma_wait3A_724 = arith.constant 0 : i32
        %dma_wait3A_725 = tpu.memref_slice %arg11[%add3A_120, %dma_wait3A_724] : memref<324x64xi32, #tpu.memory_space<vmem>> -> memref<1x64xi32, #tpu.memory_space<vmem>>
        %dma_wait3A_726 = tpu.memref_squeeze %dma_wait3A_725 : memref<1x64xi32, #tpu.memory_space<vmem>> -> memref<64xi32, #tpu.memory_space<vmem>>
        %dma_wait3A_727 = arith.constant 0 : i32
        %dma_wait3A_728 = arith.constant 0 : i32
        %dma_wait3A_729 = tpu.memref_slice %arg5[%dma_wait3A_727, %dma_wait3A_728] : memref<10000x96xf32, #tpu.memory_space<hbm>> -> memref<10000x96xf32, #tpu.memory_space<hbm>>
        %dma_wait3A_730 = tpu.memref_slice %arg19[%dma_wait3A_719] : memref<2x!tpu.dma_semaphore, #tpu.memory_space<semaphore_mem>> -> memref<1x!tpu.dma_semaphore, #tpu.memory_space<semaphore_mem>>
        %dma_wait3A_731 = tpu.memref_squeeze %dma_wait3A_730 : memref<1x!tpu.dma_semaphore, #tpu.memory_space<semaphore_mem>> -> memref<!tpu.dma_semaphore, #tpu.memory_space<semaphore_mem>>
        tpu.wait_indirect_dma semaphore(%dma_wait3A_731 : memref<!tpu.dma_semaphore, #tpu.memory_space<semaphore_mem>>) src(%dma_wait3A_729 : memref<10000x96xf32, #tpu.memory_space<hbm>>) dst(%dma_wait3A_723 : memref<64x96xf32, #tpu.memory_space<vmem>>)
      } else {
      }
      %eq3A_398 = arith.constant 1 : i32
      %eq3A_399 = arith.cmpi eq, %arg0, %eq3A_398 : i32
      %convert_element_type3A_400 = arith.extui %eq3A_399 : i1 to i32
      %cond3A_401 = arith.constant 0 : i32
      %cond3A_402 = arith.cmpi ne, %convert_element_type3A_400, %cond3A_401 : i32
      scf.if %cond3A_402 {
        %dma_wait3A = arith.constant 0 : i32
        %dma_wait3A_719 = arith.constant 0 : i32
        %dma_wait3A_720 = arith.constant 0 : i32
        %dma_wait3A_721 = arith.constant 0 : i32
        %dma_wait3A_722 = tpu.memref_slice %arg13[%dma_wait3A, %dma_wait3A_720, %dma_wait3A_721] : memref<2x64x96xf32, #tpu.memory_space<vmem>> -> memref<1x64x96xf32, #tpu.memory_space<vmem>>
        %dma_wait3A_723 = tpu.memref_squeeze %dma_wait3A_722 : memref<1x64x96xf32, #tpu.memory_space<vmem>> -> memref<64x96xf32, #tpu.memory_space<vmem>>
        %dma_wait3A_724 = arith.constant 0 : i32
        %dma_wait3A_725 = tpu.memref_slice %arg11[%add3A_120, %dma_wait3A_724] : memref<324x64xi32, #tpu.memory_space<vmem>> -> memref<1x64xi32, #tpu.memory_space<vmem>>
        %dma_wait3A_726 = tpu.memref_squeeze %dma_wait3A_725 : memref<1x64xi32, #tpu.memory_space<vmem>> -> memref<64xi32, #tpu.memory_space<vmem>>
        %dma_wait3A_727 = arith.constant 0 : i32
        %dma_wait3A_728 = arith.constant 0 : i32
        %dma_wait3A_729 = tpu.memref_slice %arg6[%dma_wait3A_727, %dma_wait3A_728] : memref<10000x96xf32, #tpu.memory_space<hbm>> -> memref<10000x96xf32, #tpu.memory_space<hbm>>
        %dma_wait3A_730 = tpu.memref_slice %arg19[%dma_wait3A_719] : memref<2x!tpu.dma_semaphore, #tpu.memory_space<semaphore_mem>> -> memref<1x!tpu.dma_semaphore, #tpu.memory_space<semaphore_mem>>
        %dma_wait3A_731 = tpu.memref_squeeze %dma_wait3A_730 : memref<1x!tpu.dma_semaphore, #tpu.memory_space<semaphore_mem>> -> memref<!tpu.dma_semaphore, #tpu.memory_space<semaphore_mem>>
        tpu.wait_indirect_dma semaphore(%dma_wait3A_731 : memref<!tpu.dma_semaphore, #tpu.memory_space<semaphore_mem>>) src(%dma_wait3A_729 : memref<10000x96xf32, #tpu.memory_space<hbm>>) dst(%dma_wait3A_723 : memref<64x96xf32, #tpu.memory_space<vmem>>)
      } else {
      }
      %scan3A_403 = arith.constant 0 : i32
      %scan3A_404 = arith.constant 0 : i32
      %scan3A_405 = arith.constant 64 : i32
      %scan3A_406 = arith.addi %scan3A_404, %scan3A_405 : i32
      %scan3A_407 = arith.constant 1 : i32
      scf.for %scan3A_719 = %scan3A_404 to %scan3A_406 step %scan3A_407  : i32 {
        %broadcast_in_dim3A_720 = arith.constant 0 : i32
        %broadcast_in_dim3A_721 = vector.broadcast %broadcast_in_dim3A_720 : i32 to vector<16xi32>
        %add3A_722 = vector.broadcast %scan3A_719 : i32 to vector<16xi32>
        %add3A_723 = arith.addi %broadcast_in_dim3A_721, %add3A_722 : vector<16xi32>
        %broadcast_in_dim3A_724 = arith.constant 0 : i32
        %broadcast_in_dim3A_725 = vector.broadcast %broadcast_in_dim3A_724 : i32 to vector<16xi32>
        %gather3A_726 = tpu.vector_load_idx %arg16[%add3A_723, %broadcast_in_dim3A_725] : memref<64x8xf32, #tpu.memory_space<vmem>>[vector<16xi32>, vector<16xi32>], vector<16xf32>,
        %get3A = arith.constant 0 : i32
        %get3A_727 = arith.index_cast %get3A : i32 to index
        %get3A_728 = arith.index_cast %scan3A_719 : i32 to index
        %get3A_729 = arith.constant 0 : index
        %get3A_730 = tpu.vector_load %arg13[%get3A_727, %get3A_728, %get3A_729] {strides = array<i32>} : memref<2x64x96xf32, #tpu.memory_space<vmem>>, vector<16xf32>,
        %mul3A_731 = arith.mulf %get3A_730, %gather3A_726 : vector<16xf32>
        %swap3A = arith.constant 0 : i32
        %swap3A_732 = arith.index_cast %swap3A : i32 to index
        %swap3A_733 = arith.index_cast %scan3A_719 : i32 to index
        %swap3A_734 = arith.constant 0 : index
        %swap3A_735 = tpu.vector_load %arg13[%swap3A_732, %swap3A_733, %swap3A_734] {strides = array<i32>} : memref<2x64x96xf32, #tpu.memory_space<vmem>>, vector<16xf32>,
        tpu.vector_store %arg13[%swap3A_732, %swap3A_733, %swap3A_734], %mul3A_731 {strides = array<i32>} : memref<2x64x96xf32, #tpu.memory_space<vmem>>, vector<16xf32>,
        %get3A_736 = arith.constant 0 : i32
        %get3A_737 = arith.index_cast %get3A_736 : i32 to index
        %get3A_738 = arith.index_cast %scan3A_719 : i32 to index
        %get3A_739 = arith.constant 16 : index
        %get3A_740 = tpu.vector_load %arg13[%get3A_737, %get3A_738, %get3A_739] {strides = array<i32>} : memref<2x64x96xf32, #tpu.memory_space<vmem>>, vector<16xf32>,
        %mul3A_741 = arith.mulf %get3A_740, %gather3A_726 : vector<16xf32>
        %swap3A_742 = arith.constant 0 : i32
        %swap3A_743 = arith.index_cast %swap3A_742 : i32 to index
        %swap3A_744 = arith.index_cast %scan3A_719 : i32 to index
        %swap3A_745 = arith.constant 16 : index
        %swap3A_746 = tpu.vector_load %arg13[%swap3A_743, %swap3A_744, %swap3A_745] {strides = array<i32>} : memref<2x64x96xf32, #tpu.memory_space<vmem>>, vector<16xf32>,
        tpu.vector_store %arg13[%swap3A_743, %swap3A_744, %swap3A_745], %mul3A_741 {strides = array<i32>} : memref<2x64x96xf32, #tpu.memory_space<vmem>>, vector<16xf32>,
        %broadcast_in_dim3A_747 = arith.constant 1 : i32
        %broadcast_in_dim3A_748 = vector.broadcast %broadcast_in_dim3A_747 : i32 to vector<16xi32>
        %gather3A_749 = tpu.vector_load_idx %arg16[%add3A_723, %broadcast_in_dim3A_748] : memref<64x8xf32, #tpu.memory_space<vmem>>[vector<16xi32>, vector<16xi32>], vector<16xf32>,
        %get3A_750 = arith.constant 0 : i32
        %get3A_751 = arith.index_cast %get3A_750 : i32 to index
        %get3A_752 = arith.index_cast %scan3A_719 : i32 to index
        %get3A_753 = arith.constant 32 : index
        %get3A_754 = tpu.vector_load %arg13[%get3A_751, %get3A_752, %get3A_753] {strides = array<i32>} : memref<2x64x96xf32, #tpu.memory_space<vmem>>, vector<16xf32>,
        %mul3A_755 = arith.mulf %get3A_754, %gather3A_749 : vector<16xf32>
        %swap3A_756 = arith.constant 0 : i32
        %swap3A_757 = arith.index_cast %swap3A_756 : i32 to index
        %swap3A_758 = arith.index_cast %scan3A_719 : i32 to index
        %swap3A_759 = arith.constant 32 : index
        %swap3A_760 = tpu.vector_load %arg13[%swap3A_757, %swap3A_758, %swap3A_759] {strides = array<i32>} : memref<2x64x96xf32, #tpu.memory_space<vmem>>, vector<16xf32>,
        tpu.vector_store %arg13[%swap3A_757, %swap3A_758, %swap3A_759], %mul3A_755 {strides = array<i32>} : memref<2x64x96xf32, #tpu.memory_space<vmem>>, vector<16xf32>,
        %get3A_761 = arith.constant 0 : i32
        %get3A_762 = arith.index_cast %get3A_761 : i32 to index
        %get3A_763 = arith.index_cast %scan3A_719 : i32 to index
        %get3A_764 = arith.constant 48 : index
        %get3A_765 = tpu.vector_load %arg13[%get3A_762, %get3A_763, %get3A_764] {strides = array<i32>} : memref<2x64x96xf32, #tpu.memory_space<vmem>>, vector<16xf32>,
        %mul3A_766 = arith.mulf %get3A_765, %gather3A_749 : vector<16xf32>
        %swap3A_767 = arith.constant 0 : i32
        %swap3A_768 = arith.index_cast %swap3A_767 : i32 to index
        %swap3A_769 = arith.index_cast %scan3A_719 : i32 to index
        %swap3A_770 = arith.constant 48 : index
        %swap3A_771 = tpu.vector_load %arg13[%swap3A_768, %swap3A_769, %swap3A_770] {strides = array<i32>} : memref<2x64x96xf32, #tpu.memory_space<vmem>>, vector<16xf32>,
        tpu.vector_store %arg13[%swap3A_768, %swap3A_769, %swap3A_770], %mul3A_766 {strides = array<i32>} : memref<2x64x96xf32, #tpu.memory_space<vmem>>, vector<16xf32>,
        %broadcast_in_dim3A_772 = arith.constant 2 : i32
        %broadcast_in_dim3A_773 = vector.broadcast %broadcast_in_dim3A_772 : i32 to vector<16xi32>
        %gather3A_774 = tpu.vector_load_idx %arg16[%add3A_723, %broadcast_in_dim3A_773] : memref<64x8xf32, #tpu.memory_space<vmem>>[vector<16xi32>, vector<16xi32>], vector<16xf32>,
        %get3A_775 = arith.constant 0 : i32
        %get3A_776 = arith.index_cast %get3A_775 : i32 to index
        %get3A_777 = arith.index_cast %scan3A_719 : i32 to index
        %get3A_778 = arith.constant 64 : index
        %get3A_779 = tpu.vector_load %arg13[%get3A_776, %get3A_777, %get3A_778] {strides = array<i32>} : memref<2x64x96xf32, #tpu.memory_space<vmem>>, vector<16xf32>,
        %mul3A_780 = arith.mulf %get3A_779, %gather3A_774 : vector<16xf32>
        %swap3A_781 = arith.constant 0 : i32
        %swap3A_782 = arith.index_cast %swap3A_781 : i32 to index
        %swap3A_783 = arith.index_cast %scan3A_719 : i32 to index
        %swap3A_784 = arith.constant 64 : index
        %swap3A_785 = tpu.vector_load %arg13[%swap3A_782, %swap3A_783, %swap3A_784] {strides = array<i32>} : memref<2x64x96xf32, #tpu.memory_space<vmem>>, vector<16xf32>,
        tpu.vector_store %arg13[%swap3A_782, %swap3A_783, %swap3A_784], %mul3A_780 {strides = array<i32>} : memref<2x64x96xf32, #tpu.memory_space<vmem>>, vector<16xf32>,
        %get3A_786 = arith.constant 0 : i32
        %get3A_787 = arith.index_cast %get3A_786 : i32 to index
        %get3A_788 = arith.index_cast %scan3A_719 : i32 to index
        %get3A_789 = arith.constant 80 : index
        %get3A_790 = tpu.vector_load %arg13[%get3A_787, %get3A_788, %get3A_789] {strides = array<i32>} : memref<2x64x96xf32, #tpu.memory_space<vmem>>, vector<16xf32>,
        %mul3A_791 = arith.mulf %get3A_790, %gather3A_774 : vector<16xf32>
        %swap3A_792 = arith.constant 0 : i32
        %swap3A_793 = arith.index_cast %swap3A_792 : i32 to index
        %swap3A_794 = arith.index_cast %scan3A_719 : i32 to index
        %swap3A_795 = arith.constant 80 : index
        %swap3A_796 = tpu.vector_load %arg13[%swap3A_793, %swap3A_794, %swap3A_795] {strides = array<i32>} : memref<2x64x96xf32, #tpu.memory_space<vmem>>, vector<16xf32>,
        tpu.vector_store %arg13[%swap3A_793, %swap3A_794, %swap3A_795], %mul3A_791 {strides = array<i32>} : memref<2x64x96xf32, #tpu.memory_space<vmem>>, vector<16xf32>,
      }
      %scan3A_408 = arith.constant 64 : i32
      %run_scoped3A = arith.constant 0 : i32
      "tpu.region"() ({
        %run_scoped3A_719 = tpu.sem_alloc : memref<!tpu.dma_semaphore, #tpu.memory_space<semaphore_mem>>
        %dma_start3A = arith.constant 0 : i32
        %dma_start3A_720 = arith.constant 0 : i32
        %dma_start3A_721 = tpu.memref_slice %arg13[%run_scoped3A, %dma_start3A, %dma_start3A_720] : memref<2x64x96xf32, #tpu.memory_space<vmem>> -> memref<1x64x96xf32, #tpu.memory_space<vmem>>
        %dma_start3A_722 = tpu.memref_squeeze %dma_start3A_721 : memref<1x64x96xf32, #tpu.memory_space<vmem>> -> memref<64x96xf32, #tpu.memory_space<vmem>>
        %dma_start3A_723 = arith.constant 0 : i32
        %dma_start3A_724 = tpu.memref_slice %arg12[%add3A_120, %dma_start3A_723] : memref<324x64xi32, #tpu.memory_space<vmem>> -> memref<1x64xi32, #tpu.memory_space<vmem>>
        %dma_start3A_725 = tpu.memref_squeeze %dma_start3A_724 : memref<1x64xi32, #tpu.memory_space<vmem>> -> memref<64xi32, #tpu.memory_space<vmem>>
        %dma_start3A_726 = arith.constant 0 : i32
        %dma_start3A_727 = arith.constant 0 : i32
        %dma_start3A_728 = tpu.memref_slice %arg17[%dma_start3A_726, %dma_start3A_727] : memref<10000x96xf32, #tpu.memory_space<vmem_shared>> -> memref<10000x96xf32, #tpu.memory_space<vmem_shared>>
        tpu.enqueue_indirect_dma source(%dma_start3A_722 : memref<64x96xf32, #tpu.memory_space<vmem>>) target(%dma_start3A_728 : memref<10000x96xf32, #tpu.memory_space<vmem_shared>>) offsets(%dma_start3A_725 : memref<64xi32, #tpu.memory_space<vmem>>) semaphore(%run_scoped3A_719 : memref<!tpu.dma_semaphore, #tpu.memory_space<semaphore_mem>>) {add = true}
        %dma_wait3A = arith.constant 0 : i32
        %dma_wait3A_729 = arith.constant 0 : i32
        %dma_wait3A_730 = tpu.memref_slice %arg13[%run_scoped3A, %dma_wait3A, %dma_wait3A_729] : memref<2x64x96xf32, #tpu.memory_space<vmem>> -> memref<1x64x96xf32, #tpu.memory_space<vmem>>
        %dma_wait3A_731 = tpu.memref_squeeze %dma_wait3A_730 : memref<1x64x96xf32, #tpu.memory_space<vmem>> -> memref<64x96xf32, #tpu.memory_space<vmem>>
        %dma_wait3A_732 = arith.constant 0 : i32
        %dma_wait3A_733 = tpu.memref_slice %arg12[%add3A_120, %dma_wait3A_732] : memref<324x64xi32, #tpu.memory_space<vmem>> -> memref<1x64xi32, #tpu.memory_space<vmem>>
        %dma_wait3A_734 = tpu.memref_squeeze %dma_wait3A_733 : memref<1x64xi32, #tpu.memory_space<vmem>> -> memref<64xi32, #tpu.memory_space<vmem>>
        %dma_wait3A_735 = arith.constant 0 : i32
        %dma_wait3A_736 = arith.constant 0 : i32
        %dma_wait3A_737 = tpu.memref_slice %arg17[%dma_wait3A_735, %dma_wait3A_736] : memref<10000x96xf32, #tpu.memory_space<vmem_shared>> -> memref<10000x96xf32, #tpu.memory_space<vmem_shared>>
        tpu.wait_indirect_dma semaphore(%run_scoped3A_719 : memref<!tpu.dma_semaphore, #tpu.memory_space<semaphore_mem>>) src(%dma_wait3A_731 : memref<64x96xf32, #tpu.memory_space<vmem>>) dst(%dma_wait3A_737 : memref<10000x96xf32, #tpu.memory_space<vmem_shared>>)
        tpu.yield
      }) : () -> ()
      %eq3A_409 = arith.constant 0 : i32
      %eq3A_410 = arith.cmpi eq, %arg0, %eq3A_409 : i32
      %convert_element_type3A_411 = arith.extui %eq3A_410 : i1 to i32
      %cond3A_412 = arith.constant 0 : i32
      %cond3A_413 = arith.cmpi ne, %convert_element_type3A_411, %cond3A_412 : i32
      scf.if %cond3A_413 {
        "tpu.region"() ({
          %run_scoped3A_719 = tpu.sem_alloc : memref<!tpu.dma_semaphore, #tpu.memory_space<semaphore_mem>>
          %dma_start3A = arith.constant 0 : i32
          %dma_start3A_720 = tpu.memref_slice %arg12[%add3A_120, %dma_start3A] : memref<324x64xi32, #tpu.memory_space<vmem>> -> memref<1x64xi32, #tpu.memory_space<vmem>>
          %dma_start3A_721 = tpu.memref_squeeze %dma_start3A_720 : memref<1x64xi32, #tpu.memory_space<vmem>> -> memref<64xi32, #tpu.memory_space<vmem>>
          %dma_start3A_722 = arith.constant 0 : i32
          %dma_start3A_723 = arith.constant 0 : i32
          %dma_start3A_724 = tpu.memref_slice %arg18[%dma_start3A_722, %dma_start3A_723] : memref<10000x8xf32, #tpu.memory_space<vmem_shared>> -> memref<10000x8xf32, #tpu.memory_space<vmem_shared>>
          tpu.enqueue_indirect_dma source(%arg16 : memref<64x8xf32, #tpu.memory_space<vmem>>) target(%dma_start3A_724 : memref<10000x8xf32, #tpu.memory_space<vmem_shared>>) offsets(%dma_start3A_721 : memref<64xi32, #tpu.memory_space<vmem>>) semaphore(%run_scoped3A_719 : memref<!tpu.dma_semaphore, #tpu.memory_space<semaphore_mem>>) {add = true}
          %dma_wait3A = arith.constant 0 : i32
          %dma_wait3A_725 = tpu.memref_slice %arg12[%add3A_120, %dma_wait3A] : memref<324x64xi32, #tpu.memory_space<vmem>> -> memref<1x64xi32, #tpu.memory_space<vmem>>
          %dma_wait3A_726 = tpu.memref_squeeze %dma_wait3A_725 : memref<1x64xi32, #tpu.memory_space<vmem>> -> memref<64xi32, #tpu.memory_space<vmem>>
          %dma_wait3A_727 = arith.constant 0 : i32
          %dma_wait3A_728 = arith.constant 0 : i32
          %dma_wait3A_729 = tpu.memref_slice %arg18[%dma_wait3A_727, %dma_wait3A_728] : memref<10000x8xf32, #tpu.memory_space<vmem_shared>> -> memref<10000x8xf32, #tpu.memory_space<vmem_shared>>
          tpu.wait_indirect_dma semaphore(%run_scoped3A_719 : memref<!tpu.dma_semaphore, #tpu.memory_space<semaphore_mem>>) src(%arg16 : memref<64x8xf32, #tpu.memory_space<vmem>>) dst(%dma_wait3A_729 : memref<10000x8xf32, #tpu.memory_space<vmem_shared>>)
          tpu.yield
        }) : () -> ()
      } else {
      }
      %mul3A_414 = arith.constant 2 : i32
      %mul3A_415 = arith.muli %scan3A_116, %mul3A_414 : i32
      %add3A_416 = arith.constant 1 : i32
      %add3A_417 = arith.addi %mul3A_415, %add3A_416 : i32
      %add3A_418 = arith.constant 1 : i32
      %add3A_419 = arith.addi %add3A_417, %add3A_418 : i32
      %lt3A_420 = arith.constant 324 : i32
      %lt3A_421 = arith.cmpi slt, %add3A_419, %lt3A_420 : i32
      %convert_element_type3A_422 = arith.extui %lt3A_421 : i1 to i32
      %cond3A_423 = arith.constant 0 : i32
      %cond3A_424 = arith.cmpi ne, %convert_element_type3A_422, %cond3A_423 : i32
      scf.if %cond3A_424 {
        %add3A_719 = arith.constant 1 : i32
        %add3A_720 = arith.addi %add3A_417, %add3A_719 : i32
        %eq3A_721 = arith.constant 0 : i32
        %eq3A_722 = arith.cmpi eq, %arg0, %eq3A_721 : i32
        %convert_element_type3A_723 = arith.extui %eq3A_722 : i1 to i32
        %cond3A_724 = arith.constant 0 : i32
        %cond3A_725 = arith.cmpi ne, %convert_element_type3A_723, %cond3A_724 : i32
        scf.if %cond3A_725 {
          %dma_start3A = arith.constant 0 : i32
          %dma_start3A_731 = arith.constant 0 : i32
          %dma_start3A_732 = arith.constant 0 : i32
          %dma_start3A_733 = arith.constant 0 : i32
          %dma_start3A_734 = tpu.memref_slice %arg13[%dma_start3A, %dma_start3A_732, %dma_start3A_733] : memref<2x64x96xf32, #tpu.memory_space<vmem>> -> memref<1x64x96xf32, #tpu.memory_space<vmem>>
          %dma_start3A_735 = tpu.memref_squeeze %dma_start3A_734 : memref<1x64x96xf32, #tpu.memory_space<vmem>> -> memref<64x96xf32, #tpu.memory_space<vmem>>
          %dma_start3A_736 = arith.constant 0 : i32
          %dma_start3A_737 = tpu.memref_slice %arg11[%add3A_720, %dma_start3A_736] : memref<324x64xi32, #tpu.memory_space<vmem>> -> memref<1x64xi32, #tpu.memory_space<vmem>>
          %dma_start3A_738 = tpu.memref_squeeze %dma_start3A_737 : memref<1x64xi32, #tpu.memory_space<vmem>> -> memref<64xi32, #tpu.memory_space<vmem>>
          %dma_start3A_739 = arith.constant 0 : i32
          %dma_start3A_740 = arith.constant 0 : i32
          %dma_start3A_741 = tpu.memref_slice %arg5[%dma_start3A_739, %dma_start3A_740] : memref<10000x96xf32, #tpu.memory_space<hbm>> -> memref<10000x96xf32, #tpu.memory_space<hbm>>
          %dma_start3A_742 = tpu.memref_slice %arg19[%dma_start3A_731] : memref<2x!tpu.dma_semaphore, #tpu.memory_space<semaphore_mem>> -> memref<1x!tpu.dma_semaphore, #tpu.memory_space<semaphore_mem>>
          %dma_start3A_743 = tpu.memref_squeeze %dma_start3A_742 : memref<1x!tpu.dma_semaphore, #tpu.memory_space<semaphore_mem>> -> memref<!tpu.dma_semaphore, #tpu.memory_space<semaphore_mem>>
          tpu.enqueue_indirect_dma source(%dma_start3A_741 : memref<10000x96xf32, #tpu.memory_space<hbm>>) target(%dma_start3A_735 : memref<64x96xf32, #tpu.memory_space<vmem>>) offsets(%dma_start3A_738 : memref<64xi32, #tpu.memory_space<vmem>>) semaphore(%dma_start3A_743 : memref<!tpu.dma_semaphore, #tpu.memory_space<semaphore_mem>>)
        } else {
        }
        %eq3A_726 = arith.constant 1 : i32
        %eq3A_727 = arith.cmpi eq, %arg0, %eq3A_726 : i32
        %convert_element_type3A_728 = arith.extui %eq3A_727 : i1 to i32
        %cond3A_729 = arith.constant 0 : i32
        %cond3A_730 = arith.cmpi ne, %convert_element_type3A_728, %cond3A_729 : i32
        scf.if %cond3A_730 {
          %dma_start3A = arith.constant 0 : i32
          %dma_start3A_731 = arith.constant 0 : i32
          %dma_start3A_732 = arith.constant 0 : i32
          %dma_start3A_733 = arith.constant 0 : i32
          %dma_start3A_734 = tpu.memref_slice %arg13[%dma_start3A, %dma_start3A_732, %dma_start3A_733] : memref<2x64x96xf32, #tpu.memory_space<vmem>> -> memref<1x64x96xf32, #tpu.memory_space<vmem>>
          %dma_start3A_735 = tpu.memref_squeeze %dma_start3A_734 : memref<1x64x96xf32, #tpu.memory_space<vmem>> -> memref<64x96xf32, #tpu.memory_space<vmem>>
          %dma_start3A_736 = arith.constant 0 : i32
          %dma_start3A_737 = tpu.memref_slice %arg11[%add3A_720, %dma_start3A_736] : memref<324x64xi32, #tpu.memory_space<vmem>> -> memref<1x64xi32, #tpu.memory_space<vmem>>
          %dma_start3A_738 = tpu.memref_squeeze %dma_start3A_737 : memref<1x64xi32, #tpu.memory_space<vmem>> -> memref<64xi32, #tpu.memory_space<vmem>>
          %dma_start3A_739 = arith.constant 0 : i32
          %dma_start3A_740 = arith.constant 0 : i32
          %dma_start3A_741 = tpu.memref_slice %arg6[%dma_start3A_739, %dma_start3A_740] : memref<10000x96xf32, #tpu.memory_space<hbm>> -> memref<10000x96xf32, #tpu.memory_space<hbm>>
          %dma_start3A_742 = tpu.memref_slice %arg19[%dma_start3A_731] : memref<2x!tpu.dma_semaphore, #tpu.memory_space<semaphore_mem>> -> memref<1x!tpu.dma_semaphore, #tpu.memory_space<semaphore_mem>>
          %dma_start3A_743 = tpu.memref_squeeze %dma_start3A_742 : memref<1x!tpu.dma_semaphore, #tpu.memory_space<semaphore_mem>> -> memref<!tpu.dma_semaphore, #tpu.memory_space<semaphore_mem>>
          tpu.enqueue_indirect_dma source(%dma_start3A_741 : memref<10000x96xf32, #tpu.memory_space<hbm>>) target(%dma_start3A_735 : memref<64x96xf32, #tpu.memory_space<vmem>>) offsets(%dma_start3A_738 : memref<64xi32, #tpu.memory_space<vmem>>) semaphore(%dma_start3A_743 : memref<!tpu.dma_semaphore, #tpu.memory_space<semaphore_mem>>)
        } else {
        }
      } else {
      }
      "tpu.region"() ({
        %run_scoped3A_719 = tpu.sem_alloc : memref<!tpu.dma_semaphore, #tpu.memory_space<semaphore_mem>>
        %dma_start3A = arith.constant 0 : i32
        %dma_start3A_720 = tpu.memref_slice %arg11[%add3A_417, %dma_start3A] : memref<324x64xi32, #tpu.memory_space<vmem>> -> memref<1x64xi32, #tpu.memory_space<vmem>>
        %dma_start3A_721 = tpu.memref_squeeze %dma_start3A_720 : memref<1x64xi32, #tpu.memory_space<vmem>> -> memref<64xi32, #tpu.memory_space<vmem>>
        %dma_start3A_722 = arith.constant 0 : i32
        %dma_start3A_723 = arith.constant 0 : i32
        %dma_start3A_724 = tpu.memref_slice %arg4[%dma_start3A_722, %dma_start3A_723] : memref<10000x8xf32, #tpu.memory_space<hbm>> -> memref<10000x8xf32, #tpu.memory_space<hbm>>
        tpu.enqueue_indirect_dma source(%dma_start3A_724 : memref<10000x8xf32, #tpu.memory_space<hbm>>) target(%arg14 : memref<64x8xf32, #tpu.memory_space<vmem>>) offsets(%dma_start3A_721 : memref<64xi32, #tpu.memory_space<vmem>>) semaphore(%run_scoped3A_719 : memref<!tpu.dma_semaphore, #tpu.memory_space<semaphore_mem>>)
        %dma_wait3A = arith.constant 0 : i32
        %dma_wait3A_725 = tpu.memref_slice %arg11[%add3A_417, %dma_wait3A] : memref<324x64xi32, #tpu.memory_space<vmem>> -> memref<1x64xi32, #tpu.memory_space<vmem>>
        %dma_wait3A_726 = tpu.memref_squeeze %dma_wait3A_725 : memref<1x64xi32, #tpu.memory_space<vmem>> -> memref<64xi32, #tpu.memory_space<vmem>>
        %dma_wait3A_727 = arith.constant 0 : i32
        %dma_wait3A_728 = arith.constant 0 : i32
        %dma_wait3A_729 = tpu.memref_slice %arg4[%dma_wait3A_727, %dma_wait3A_728] : memref<10000x8xf32, #tpu.memory_space<hbm>> -> memref<10000x8xf32, #tpu.memory_space<hbm>>
        tpu.wait_indirect_dma semaphore(%run_scoped3A_719 : memref<!tpu.dma_semaphore, #tpu.memory_space<semaphore_mem>>) src(%dma_wait3A_729 : memref<10000x8xf32, #tpu.memory_space<hbm>>) dst(%arg14 : memref<64x8xf32, #tpu.memory_space<vmem>>)
        tpu.yield
      }) : () -> ()
      "tpu.region"() ({
        %run_scoped3A_719 = tpu.sem_alloc : memref<!tpu.dma_semaphore, #tpu.memory_space<semaphore_mem>>
        %dma_start3A = arith.constant 0 : i32
        %dma_start3A_720 = tpu.memref_slice %arg12[%add3A_417, %dma_start3A] : memref<324x64xi32, #tpu.memory_space<vmem>> -> memref<1x64xi32, #tpu.memory_space<vmem>>
        %dma_start3A_721 = tpu.memref_squeeze %dma_start3A_720 : memref<1x64xi32, #tpu.memory_space<vmem>> -> memref<64xi32, #tpu.memory_space<vmem>>
        %dma_start3A_722 = arith.constant 0 : i32
        %dma_start3A_723 = arith.constant 0 : i32
        %dma_start3A_724 = tpu.memref_slice %arg4[%dma_start3A_722, %dma_start3A_723] : memref<10000x8xf32, #tpu.memory_space<hbm>> -> memref<10000x8xf32, #tpu.memory_space<hbm>>
        tpu.enqueue_indirect_dma source(%dma_start3A_724 : memref<10000x8xf32, #tpu.memory_space<hbm>>) target(%arg15 : memref<64x8xf32, #tpu.memory_space<vmem>>) offsets(%dma_start3A_721 : memref<64xi32, #tpu.memory_space<vmem>>) semaphore(%run_scoped3A_719 : memref<!tpu.dma_semaphore, #tpu.memory_space<semaphore_mem>>)
        %dma_wait3A = arith.constant 0 : i32
        %dma_wait3A_725 = tpu.memref_slice %arg12[%add3A_417, %dma_wait3A] : memref<324x64xi32, #tpu.memory_space<vmem>> -> memref<1x64xi32, #tpu.memory_space<vmem>>
        %dma_wait3A_726 = tpu.memref_squeeze %dma_wait3A_725 : memref<1x64xi32, #tpu.memory_space<vmem>> -> memref<64xi32, #tpu.memory_space<vmem>>
        %dma_wait3A_727 = arith.constant 0 : i32
        %dma_wait3A_728 = arith.constant 0 : i32
        %dma_wait3A_729 = tpu.memref_slice %arg4[%dma_wait3A_727, %dma_wait3A_728] : memref<10000x8xf32, #tpu.memory_space<hbm>> -> memref<10000x8xf32, #tpu.memory_space<hbm>>
        tpu.wait_indirect_dma semaphore(%run_scoped3A_719 : memref<!tpu.dma_semaphore, #tpu.memory_space<semaphore_mem>>) src(%dma_wait3A_729 : memref<10000x8xf32, #tpu.memory_space<hbm>>) dst(%arg15 : memref<64x8xf32, #tpu.memory_space<vmem>>)
        tpu.yield
      }) : () -> ()
      %add3A_425 = arith.constant 0 : i32
      %add3A_426 = vector.broadcast %add3A_425 : i32 to vector<16xi32>
      %add3A_427 = arith.addi %iota3A, %add3A_426 : vector<16xi32>
      %mul3A_428 = arith.constant 64 : i32
      %mul3A_429 = arith.muli %add3A_417, %mul3A_428 : i32
      %add3A_430 = arith.addi %mul3A_2, %mul3A_429 : i32
      %add3A_431 = vector.broadcast %add3A_430 : i32 to vector<16xi32>
      %add3A_432 = arith.addi %add3A_427, %add3A_431 : vector<16xi32>
      %lt3A_433 = arith.constant 330000 : i32
      %lt3A_434 = vector.broadcast %lt3A_433 : i32 to vector<16xi32>
      %lt3A_435 = arith.cmpi slt, %add3A_432, %lt3A_434 : vector<16xi32>
      %broadcast_in_dim3A_436 = arith.constant 6 : i32
      %broadcast_in_dim3A_437 = vector.broadcast %broadcast_in_dim3A_436 : i32 to vector<16xi32>
      %gather3A_438 = tpu.vector_load_idx %arg14[%add3A_427, %broadcast_in_dim3A_437] : memref<64x8xf32, #tpu.memory_space<vmem>>[vector<16xi32>, vector<16xi32>], vector<16xf32>,
      %broadcast_in_dim3A_439 = arith.constant 0 : i32
      %broadcast_in_dim3A_440 = vector.broadcast %broadcast_in_dim3A_439 : i32 to vector<16xi32>
      %gather3A_441 = tpu.vector_load_idx %arg14[%add3A_427, %broadcast_in_dim3A_440] : memref<64x8xf32, #tpu.memory_space<vmem>>[vector<16xi32>, vector<16xi32>], vector<16xf32>,
      %broadcast_in_dim3A_442 = arith.constant 3 : i32
      %broadcast_in_dim3A_443 = vector.broadcast %broadcast_in_dim3A_442 : i32 to vector<16xi32>
      %gather3A_444 = tpu.vector_load_idx %arg15[%add3A_427, %broadcast_in_dim3A_443] : memref<64x8xf32, #tpu.memory_space<vmem>>[vector<16xi32>, vector<16xi32>], vector<16xf32>,
      %add3A_445 = arith.addf %gather3A_441, %gather3A_444 : vector<16xf32>
      %mul3A_446 = arith.constant 2.000000e-01 : f32
      %mul3A_447 = vector.broadcast %mul3A_446 : f32 to vector<16xf32>
      %mul3A_448 = arith.mulf %mul3A_447, %add3A_445 : vector<16xf32>
      %max3A_449 = arith.maximumf %add3A_445, %mul3A_448 : vector<16xf32>
      %sub3A_450 = arith.subf %max3A_449, %gather3A_438 : vector<16xf32>
      %exp3A_451 = math.exp %sub3A_450 : vector<16xf32>
      %jit3A_452 = arith.constant 0.000000e+00 : f32
      %broadcast_in_dim3A_453 = vector.broadcast %jit3A_452 : f32 to vector<16xf32>
      %select_n3A_454 = arith.select %lt3A_435, %exp3A_451, %broadcast_in_dim3A_453 : vector<16xi1>, vector<16xf32>
      %broadcast_in_dim3A_455 = arith.constant 0 : i32
      %broadcast_in_dim3A_456 = vector.broadcast %broadcast_in_dim3A_455 : i32 to vector<16xi32>
      tpu.vector_store_idx %arg16[%add3A_427, %broadcast_in_dim3A_456], %select_n3A_454 : memref<64x8xf32, #tpu.memory_space<vmem>>[vector<16xi32>, vector<16xi32>], vector<16xf32>,
      %broadcast_in_dim3A_457 = arith.constant 1 : i32
      %broadcast_in_dim3A_458 = vector.broadcast %broadcast_in_dim3A_457 : i32 to vector<16xi32>
      %gather3A_459 = tpu.vector_load_idx %arg14[%add3A_427, %broadcast_in_dim3A_458] : memref<64x8xf32, #tpu.memory_space<vmem>>[vector<16xi32>, vector<16xi32>], vector<16xf32>,
      %broadcast_in_dim3A_460 = arith.constant 4 : i32
      %broadcast_in_dim3A_461 = vector.broadcast %broadcast_in_dim3A_460 : i32 to vector<16xi32>
      %gather3A_462 = tpu.vector_load_idx %arg15[%add3A_427, %broadcast_in_dim3A_461] : memref<64x8xf32, #tpu.memory_space<vmem>>[vector<16xi32>, vector<16xi32>], vector<16xf32>,
      %add3A_463 = arith.addf %gather3A_459, %gather3A_462 : vector<16xf32>
      %mul3A_464 = arith.constant 2.000000e-01 : f32
      %mul3A_465 = vector.broadcast %mul3A_464 : f32 to vector<16xf32>
      %mul3A_466 = arith.mulf %mul3A_465, %add3A_463 : vector<16xf32>
      %max3A_467 = arith.maximumf %add3A_463, %mul3A_466 : vector<16xf32>
      %sub3A_468 = arith.subf %max3A_467, %gather3A_438 : vector<16xf32>
      %exp3A_469 = math.exp %sub3A_468 : vector<16xf32>
      %jit3A_470 = arith.constant 0.000000e+00 : f32
      %broadcast_in_dim3A_471 = vector.broadcast %jit3A_470 : f32 to vector<16xf32>
      %select_n3A_472 = arith.select %lt3A_435, %exp3A_469, %broadcast_in_dim3A_471 : vector<16xi1>, vector<16xf32>
      %broadcast_in_dim3A_473 = arith.constant 1 : i32
      %broadcast_in_dim3A_474 = vector.broadcast %broadcast_in_dim3A_473 : i32 to vector<16xi32>
      tpu.vector_store_idx %arg16[%add3A_427, %broadcast_in_dim3A_474], %select_n3A_472 : memref<64x8xf32, #tpu.memory_space<vmem>>[vector<16xi32>, vector<16xi32>], vector<16xf32>,
      %broadcast_in_dim3A_475 = arith.constant 2 : i32
      %broadcast_in_dim3A_476 = vector.broadcast %broadcast_in_dim3A_475 : i32 to vector<16xi32>
      %gather3A_477 = tpu.vector_load_idx %arg14[%add3A_427, %broadcast_in_dim3A_476] : memref<64x8xf32, #tpu.memory_space<vmem>>[vector<16xi32>, vector<16xi32>], vector<16xf32>,
      %broadcast_in_dim3A_478 = arith.constant 5 : i32
      %broadcast_in_dim3A_479 = vector.broadcast %broadcast_in_dim3A_478 : i32 to vector<16xi32>
      %gather3A_480 = tpu.vector_load_idx %arg15[%add3A_427, %broadcast_in_dim3A_479] : memref<64x8xf32, #tpu.memory_space<vmem>>[vector<16xi32>, vector<16xi32>], vector<16xf32>,
      %add3A_481 = arith.addf %gather3A_477, %gather3A_480 : vector<16xf32>
      %mul3A_482 = arith.constant 2.000000e-01 : f32
      %mul3A_483 = vector.broadcast %mul3A_482 : f32 to vector<16xf32>
      %mul3A_484 = arith.mulf %mul3A_483, %add3A_481 : vector<16xf32>
      %max3A_485 = arith.maximumf %add3A_481, %mul3A_484 : vector<16xf32>
      %sub3A_486 = arith.subf %max3A_485, %gather3A_438 : vector<16xf32>
      %exp3A_487 = math.exp %sub3A_486 : vector<16xf32>
      %jit3A_488 = arith.constant 0.000000e+00 : f32
      %broadcast_in_dim3A_489 = vector.broadcast %jit3A_488 : f32 to vector<16xf32>
      %select_n3A_490 = arith.select %lt3A_435, %exp3A_487, %broadcast_in_dim3A_489 : vector<16xi1>, vector<16xf32>
      %broadcast_in_dim3A_491 = arith.constant 2 : i32
      %broadcast_in_dim3A_492 = vector.broadcast %broadcast_in_dim3A_491 : i32 to vector<16xi32>
      tpu.vector_store_idx %arg16[%add3A_427, %broadcast_in_dim3A_492], %select_n3A_490 : memref<64x8xf32, #tpu.memory_space<vmem>>[vector<16xi32>, vector<16xi32>], vector<16xf32>,
      %add3A_493 = arith.constant 16 : i32
      %add3A_494 = vector.broadcast %add3A_493 : i32 to vector<16xi32>
      %add3A_495 = arith.addi %iota3A, %add3A_494 : vector<16xi32>
      %mul3A_496 = arith.constant 64 : i32
      %mul3A_497 = arith.muli %add3A_417, %mul3A_496 : i32
      %add3A_498 = arith.addi %mul3A_2, %mul3A_497 : i32
      %add3A_499 = vector.broadcast %add3A_498 : i32 to vector<16xi32>
      %add3A_500 = arith.addi %add3A_495, %add3A_499 : vector<16xi32>
      %lt3A_501 = arith.constant 330000 : i32
      %lt3A_502 = vector.broadcast %lt3A_501 : i32 to vector<16xi32>
      %lt3A_503 = arith.cmpi slt, %add3A_500, %lt3A_502 : vector<16xi32>
      %broadcast_in_dim3A_504 = arith.constant 6 : i32
      %broadcast_in_dim3A_505 = vector.broadcast %broadcast_in_dim3A_504 : i32 to vector<16xi32>
      %gather3A_506 = tpu.vector_load_idx %arg14[%add3A_495, %broadcast_in_dim3A_505] : memref<64x8xf32, #tpu.memory_space<vmem>>[vector<16xi32>, vector<16xi32>], vector<16xf32>,
      %broadcast_in_dim3A_507 = arith.constant 0 : i32
      %broadcast_in_dim3A_508 = vector.broadcast %broadcast_in_dim3A_507 : i32 to vector<16xi32>
      %gather3A_509 = tpu.vector_load_idx %arg14[%add3A_495, %broadcast_in_dim3A_508] : memref<64x8xf32, #tpu.memory_space<vmem>>[vector<16xi32>, vector<16xi32>], vector<16xf32>,
      %broadcast_in_dim3A_510 = arith.constant 3 : i32
      %broadcast_in_dim3A_511 = vector.broadcast %broadcast_in_dim3A_510 : i32 to vector<16xi32>
      %gather3A_512 = tpu.vector_load_idx %arg15[%add3A_495, %broadcast_in_dim3A_511] : memref<64x8xf32, #tpu.memory_space<vmem>>[vector<16xi32>, vector<16xi32>], vector<16xf32>,
      %add3A_513 = arith.addf %gather3A_509, %gather3A_512 : vector<16xf32>
      %mul3A_514 = arith.constant 2.000000e-01 : f32
      %mul3A_515 = vector.broadcast %mul3A_514 : f32 to vector<16xf32>
      %mul3A_516 = arith.mulf %mul3A_515, %add3A_513 : vector<16xf32>
      %max3A_517 = arith.maximumf %add3A_513, %mul3A_516 : vector<16xf32>
      %sub3A_518 = arith.subf %max3A_517, %gather3A_506 : vector<16xf32>
      %exp3A_519 = math.exp %sub3A_518 : vector<16xf32>
      %jit3A_520 = arith.constant 0.000000e+00 : f32
      %broadcast_in_dim3A_521 = vector.broadcast %jit3A_520 : f32 to vector<16xf32>
      %select_n3A_522 = arith.select %lt3A_503, %exp3A_519, %broadcast_in_dim3A_521 : vector<16xi1>, vector<16xf32>
      %broadcast_in_dim3A_523 = arith.constant 0 : i32
      %broadcast_in_dim3A_524 = vector.broadcast %broadcast_in_dim3A_523 : i32 to vector<16xi32>
      tpu.vector_store_idx %arg16[%add3A_495, %broadcast_in_dim3A_524], %select_n3A_522 : memref<64x8xf32, #tpu.memory_space<vmem>>[vector<16xi32>, vector<16xi32>], vector<16xf32>,
      %broadcast_in_dim3A_525 = arith.constant 1 : i32
      %broadcast_in_dim3A_526 = vector.broadcast %broadcast_in_dim3A_525 : i32 to vector<16xi32>
      %gather3A_527 = tpu.vector_load_idx %arg14[%add3A_495, %broadcast_in_dim3A_526] : memref<64x8xf32, #tpu.memory_space<vmem>>[vector<16xi32>, vector<16xi32>], vector<16xf32>,
      %broadcast_in_dim3A_528 = arith.constant 4 : i32
      %broadcast_in_dim3A_529 = vector.broadcast %broadcast_in_dim3A_528 : i32 to vector<16xi32>
      %gather3A_530 = tpu.vector_load_idx %arg15[%add3A_495, %broadcast_in_dim3A_529] : memref<64x8xf32, #tpu.memory_space<vmem>>[vector<16xi32>, vector<16xi32>], vector<16xf32>,
      %add3A_531 = arith.addf %gather3A_527, %gather3A_530 : vector<16xf32>
      %mul3A_532 = arith.constant 2.000000e-01 : f32
      %mul3A_533 = vector.broadcast %mul3A_532 : f32 to vector<16xf32>
      %mul3A_534 = arith.mulf %mul3A_533, %add3A_531 : vector<16xf32>
      %max3A_535 = arith.maximumf %add3A_531, %mul3A_534 : vector<16xf32>
      %sub3A_536 = arith.subf %max3A_535, %gather3A_506 : vector<16xf32>
      %exp3A_537 = math.exp %sub3A_536 : vector<16xf32>
      %jit3A_538 = arith.constant 0.000000e+00 : f32
      %broadcast_in_dim3A_539 = vector.broadcast %jit3A_538 : f32 to vector<16xf32>
      %select_n3A_540 = arith.select %lt3A_503, %exp3A_537, %broadcast_in_dim3A_539 : vector<16xi1>, vector<16xf32>
      %broadcast_in_dim3A_541 = arith.constant 1 : i32
      %broadcast_in_dim3A_542 = vector.broadcast %broadcast_in_dim3A_541 : i32 to vector<16xi32>
      tpu.vector_store_idx %arg16[%add3A_495, %broadcast_in_dim3A_542], %select_n3A_540 : memref<64x8xf32, #tpu.memory_space<vmem>>[vector<16xi32>, vector<16xi32>], vector<16xf32>,
      %broadcast_in_dim3A_543 = arith.constant 2 : i32
      %broadcast_in_dim3A_544 = vector.broadcast %broadcast_in_dim3A_543 : i32 to vector<16xi32>
      %gather3A_545 = tpu.vector_load_idx %arg14[%add3A_495, %broadcast_in_dim3A_544] : memref<64x8xf32, #tpu.memory_space<vmem>>[vector<16xi32>, vector<16xi32>], vector<16xf32>,
      %broadcast_in_dim3A_546 = arith.constant 5 : i32
      %broadcast_in_dim3A_547 = vector.broadcast %broadcast_in_dim3A_546 : i32 to vector<16xi32>
      %gather3A_548 = tpu.vector_load_idx %arg15[%add3A_495, %broadcast_in_dim3A_547] : memref<64x8xf32, #tpu.memory_space<vmem>>[vector<16xi32>, vector<16xi32>], vector<16xf32>,
      %add3A_549 = arith.addf %gather3A_545, %gather3A_548 : vector<16xf32>
      %mul3A_550 = arith.constant 2.000000e-01 : f32
      %mul3A_551 = vector.broadcast %mul3A_550 : f32 to vector<16xf32>
      %mul3A_552 = arith.mulf %mul3A_551, %add3A_549 : vector<16xf32>
      %max3A_553 = arith.maximumf %add3A_549, %mul3A_552 : vector<16xf32>
      %sub3A_554 = arith.subf %max3A_553, %gather3A_506 : vector<16xf32>
      %exp3A_555 = math.exp %sub3A_554 : vector<16xf32>
      %jit3A_556 = arith.constant 0.000000e+00 : f32
      %broadcast_in_dim3A_557 = vector.broadcast %jit3A_556 : f32 to vector<16xf32>
      %select_n3A_558 = arith.select %lt3A_503, %exp3A_555, %broadcast_in_dim3A_557 : vector<16xi1>, vector<16xf32>
      %broadcast_in_dim3A_559 = arith.constant 2 : i32
      %broadcast_in_dim3A_560 = vector.broadcast %broadcast_in_dim3A_559 : i32 to vector<16xi32>
      tpu.vector_store_idx %arg16[%add3A_495, %broadcast_in_dim3A_560], %select_n3A_558 : memref<64x8xf32, #tpu.memory_space<vmem>>[vector<16xi32>, vector<16xi32>], vector<16xf32>,
      %add3A_561 = arith.constant 32 : i32
      %add3A_562 = vector.broadcast %add3A_561 : i32 to vector<16xi32>
      %add3A_563 = arith.addi %iota3A, %add3A_562 : vector<16xi32>
      %mul3A_564 = arith.constant 64 : i32
      %mul3A_565 = arith.muli %add3A_417, %mul3A_564 : i32
      %add3A_566 = arith.addi %mul3A_2, %mul3A_565 : i32
      %add3A_567 = vector.broadcast %add3A_566 : i32 to vector<16xi32>
      %add3A_568 = arith.addi %add3A_563, %add3A_567 : vector<16xi32>
      %lt3A_569 = arith.constant 330000 : i32
      %lt3A_570 = vector.broadcast %lt3A_569 : i32 to vector<16xi32>
      %lt3A_571 = arith.cmpi slt, %add3A_568, %lt3A_570 : vector<16xi32>
      %broadcast_in_dim3A_572 = arith.constant 6 : i32
      %broadcast_in_dim3A_573 = vector.broadcast %broadcast_in_dim3A_572 : i32 to vector<16xi32>
      %gather3A_574 = tpu.vector_load_idx %arg14[%add3A_563, %broadcast_in_dim3A_573] : memref<64x8xf32, #tpu.memory_space<vmem>>[vector<16xi32>, vector<16xi32>], vector<16xf32>,
      %broadcast_in_dim3A_575 = arith.constant 0 : i32
      %broadcast_in_dim3A_576 = vector.broadcast %broadcast_in_dim3A_575 : i32 to vector<16xi32>
      %gather3A_577 = tpu.vector_load_idx %arg14[%add3A_563, %broadcast_in_dim3A_576] : memref<64x8xf32, #tpu.memory_space<vmem>>[vector<16xi32>, vector<16xi32>], vector<16xf32>,
      %broadcast_in_dim3A_578 = arith.constant 3 : i32
      %broadcast_in_dim3A_579 = vector.broadcast %broadcast_in_dim3A_578 : i32 to vector<16xi32>
      %gather3A_580 = tpu.vector_load_idx %arg15[%add3A_563, %broadcast_in_dim3A_579] : memref<64x8xf32, #tpu.memory_space<vmem>>[vector<16xi32>, vector<16xi32>], vector<16xf32>,
      %add3A_581 = arith.addf %gather3A_577, %gather3A_580 : vector<16xf32>
      %mul3A_582 = arith.constant 2.000000e-01 : f32
      %mul3A_583 = vector.broadcast %mul3A_582 : f32 to vector<16xf32>
      %mul3A_584 = arith.mulf %mul3A_583, %add3A_581 : vector<16xf32>
      %max3A_585 = arith.maximumf %add3A_581, %mul3A_584 : vector<16xf32>
      %sub3A_586 = arith.subf %max3A_585, %gather3A_574 : vector<16xf32>
      %exp3A_587 = math.exp %sub3A_586 : vector<16xf32>
      %jit3A_588 = arith.constant 0.000000e+00 : f32
      %broadcast_in_dim3A_589 = vector.broadcast %jit3A_588 : f32 to vector<16xf32>
      %select_n3A_590 = arith.select %lt3A_571, %exp3A_587, %broadcast_in_dim3A_589 : vector<16xi1>, vector<16xf32>
      %broadcast_in_dim3A_591 = arith.constant 0 : i32
      %broadcast_in_dim3A_592 = vector.broadcast %broadcast_in_dim3A_591 : i32 to vector<16xi32>
      tpu.vector_store_idx %arg16[%add3A_563, %broadcast_in_dim3A_592], %select_n3A_590 : memref<64x8xf32, #tpu.memory_space<vmem>>[vector<16xi32>, vector<16xi32>], vector<16xf32>,
      %broadcast_in_dim3A_593 = arith.constant 1 : i32
      %broadcast_in_dim3A_594 = vector.broadcast %broadcast_in_dim3A_593 : i32 to vector<16xi32>
      %gather3A_595 = tpu.vector_load_idx %arg14[%add3A_563, %broadcast_in_dim3A_594] : memref<64x8xf32, #tpu.memory_space<vmem>>[vector<16xi32>, vector<16xi32>], vector<16xf32>,
      %broadcast_in_dim3A_596 = arith.constant 4 : i32
      %broadcast_in_dim3A_597 = vector.broadcast %broadcast_in_dim3A_596 : i32 to vector<16xi32>
      %gather3A_598 = tpu.vector_load_idx %arg15[%add3A_563, %broadcast_in_dim3A_597] : memref<64x8xf32, #tpu.memory_space<vmem>>[vector<16xi32>, vector<16xi32>], vector<16xf32>,
      %add3A_599 = arith.addf %gather3A_595, %gather3A_598 : vector<16xf32>
      %mul3A_600 = arith.constant 2.000000e-01 : f32
      %mul3A_601 = vector.broadcast %mul3A_600 : f32 to vector<16xf32>
      %mul3A_602 = arith.mulf %mul3A_601, %add3A_599 : vector<16xf32>
      %max3A_603 = arith.maximumf %add3A_599, %mul3A_602 : vector<16xf32>
      %sub3A_604 = arith.subf %max3A_603, %gather3A_574 : vector<16xf32>
      %exp3A_605 = math.exp %sub3A_604 : vector<16xf32>
      %jit3A_606 = arith.constant 0.000000e+00 : f32
      %broadcast_in_dim3A_607 = vector.broadcast %jit3A_606 : f32 to vector<16xf32>
      %select_n3A_608 = arith.select %lt3A_571, %exp3A_605, %broadcast_in_dim3A_607 : vector<16xi1>, vector<16xf32>
      %broadcast_in_dim3A_609 = arith.constant 1 : i32
      %broadcast_in_dim3A_610 = vector.broadcast %broadcast_in_dim3A_609 : i32 to vector<16xi32>
      tpu.vector_store_idx %arg16[%add3A_563, %broadcast_in_dim3A_610], %select_n3A_608 : memref<64x8xf32, #tpu.memory_space<vmem>>[vector<16xi32>, vector<16xi32>], vector<16xf32>,
      %broadcast_in_dim3A_611 = arith.constant 2 : i32
      %broadcast_in_dim3A_612 = vector.broadcast %broadcast_in_dim3A_611 : i32 to vector<16xi32>
      %gather3A_613 = tpu.vector_load_idx %arg14[%add3A_563, %broadcast_in_dim3A_612] : memref<64x8xf32, #tpu.memory_space<vmem>>[vector<16xi32>, vector<16xi32>], vector<16xf32>,
      %broadcast_in_dim3A_614 = arith.constant 5 : i32
      %broadcast_in_dim3A_615 = vector.broadcast %broadcast_in_dim3A_614 : i32 to vector<16xi32>
      %gather3A_616 = tpu.vector_load_idx %arg15[%add3A_563, %broadcast_in_dim3A_615] : memref<64x8xf32, #tpu.memory_space<vmem>>[vector<16xi32>, vector<16xi32>], vector<16xf32>,
      %add3A_617 = arith.addf %gather3A_613, %gather3A_616 : vector<16xf32>
      %mul3A_618 = arith.constant 2.000000e-01 : f32
      %mul3A_619 = vector.broadcast %mul3A_618 : f32 to vector<16xf32>
      %mul3A_620 = arith.mulf %mul3A_619, %add3A_617 : vector<16xf32>
      %max3A_621 = arith.maximumf %add3A_617, %mul3A_620 : vector<16xf32>
      %sub3A_622 = arith.subf %max3A_621, %gather3A_574 : vector<16xf32>
      %exp3A_623 = math.exp %sub3A_622 : vector<16xf32>
      %jit3A_624 = arith.constant 0.000000e+00 : f32
      %broadcast_in_dim3A_625 = vector.broadcast %jit3A_624 : f32 to vector<16xf32>
      %select_n3A_626 = arith.select %lt3A_571, %exp3A_623, %broadcast_in_dim3A_625 : vector<16xi1>, vector<16xf32>
      %broadcast_in_dim3A_627 = arith.constant 2 : i32
      %broadcast_in_dim3A_628 = vector.broadcast %broadcast_in_dim3A_627 : i32 to vector<16xi32>
      tpu.vector_store_idx %arg16[%add3A_563, %broadcast_in_dim3A_628], %select_n3A_626 : memref<64x8xf32, #tpu.memory_space<vmem>>[vector<16xi32>, vector<16xi32>], vector<16xf32>,
      %add3A_629 = arith.constant 48 : i32
      %add3A_630 = vector.broadcast %add3A_629 : i32 to vector<16xi32>
      %add3A_631 = arith.addi %iota3A, %add3A_630 : vector<16xi32>
      %mul3A_632 = arith.constant 64 : i32
      %mul3A_633 = arith.muli %add3A_417, %mul3A_632 : i32
      %add3A_634 = arith.addi %mul3A_2, %mul3A_633 : i32
      %add3A_635 = vector.broadcast %add3A_634 : i32 to vector<16xi32>
      %add3A_636 = arith.addi %add3A_631, %add3A_635 : vector<16xi32>
      %lt3A_637 = arith.constant 330000 : i32
      %lt3A_638 = vector.broadcast %lt3A_637 : i32 to vector<16xi32>
      %lt3A_639 = arith.cmpi slt, %add3A_636, %lt3A_638 : vector<16xi32>
      %broadcast_in_dim3A_640 = arith.constant 6 : i32
      %broadcast_in_dim3A_641 = vector.broadcast %broadcast_in_dim3A_640 : i32 to vector<16xi32>
      %gather3A_642 = tpu.vector_load_idx %arg14[%add3A_631, %broadcast_in_dim3A_641] : memref<64x8xf32, #tpu.memory_space<vmem>>[vector<16xi32>, vector<16xi32>], vector<16xf32>,
      %broadcast_in_dim3A_643 = arith.constant 0 : i32
      %broadcast_in_dim3A_644 = vector.broadcast %broadcast_in_dim3A_643 : i32 to vector<16xi32>
      %gather3A_645 = tpu.vector_load_idx %arg14[%add3A_631, %broadcast_in_dim3A_644] : memref<64x8xf32, #tpu.memory_space<vmem>>[vector<16xi32>, vector<16xi32>], vector<16xf32>,
      %broadcast_in_dim3A_646 = arith.constant 3 : i32
      %broadcast_in_dim3A_647 = vector.broadcast %broadcast_in_dim3A_646 : i32 to vector<16xi32>
      %gather3A_648 = tpu.vector_load_idx %arg15[%add3A_631, %broadcast_in_dim3A_647] : memref<64x8xf32, #tpu.memory_space<vmem>>[vector<16xi32>, vector<16xi32>], vector<16xf32>,
      %add3A_649 = arith.addf %gather3A_645, %gather3A_648 : vector<16xf32>
      %mul3A_650 = arith.constant 2.000000e-01 : f32
      %mul3A_651 = vector.broadcast %mul3A_650 : f32 to vector<16xf32>
      %mul3A_652 = arith.mulf %mul3A_651, %add3A_649 : vector<16xf32>
      %max3A_653 = arith.maximumf %add3A_649, %mul3A_652 : vector<16xf32>
      %sub3A_654 = arith.subf %max3A_653, %gather3A_642 : vector<16xf32>
      %exp3A_655 = math.exp %sub3A_654 : vector<16xf32>
      %jit3A_656 = arith.constant 0.000000e+00 : f32
      %broadcast_in_dim3A_657 = vector.broadcast %jit3A_656 : f32 to vector<16xf32>
      %select_n3A_658 = arith.select %lt3A_639, %exp3A_655, %broadcast_in_dim3A_657 : vector<16xi1>, vector<16xf32>
      %broadcast_in_dim3A_659 = arith.constant 0 : i32
      %broadcast_in_dim3A_660 = vector.broadcast %broadcast_in_dim3A_659 : i32 to vector<16xi32>
      tpu.vector_store_idx %arg16[%add3A_631, %broadcast_in_dim3A_660], %select_n3A_658 : memref<64x8xf32, #tpu.memory_space<vmem>>[vector<16xi32>, vector<16xi32>], vector<16xf32>,
      %broadcast_in_dim3A_661 = arith.constant 1 : i32
      %broadcast_in_dim3A_662 = vector.broadcast %broadcast_in_dim3A_661 : i32 to vector<16xi32>
      %gather3A_663 = tpu.vector_load_idx %arg14[%add3A_631, %broadcast_in_dim3A_662] : memref<64x8xf32, #tpu.memory_space<vmem>>[vector<16xi32>, vector<16xi32>], vector<16xf32>,
      %broadcast_in_dim3A_664 = arith.constant 4 : i32
      %broadcast_in_dim3A_665 = vector.broadcast %broadcast_in_dim3A_664 : i32 to vector<16xi32>
      %gather3A_666 = tpu.vector_load_idx %arg15[%add3A_631, %broadcast_in_dim3A_665] : memref<64x8xf32, #tpu.memory_space<vmem>>[vector<16xi32>, vector<16xi32>], vector<16xf32>,
      %add3A_667 = arith.addf %gather3A_663, %gather3A_666 : vector<16xf32>
      %mul3A_668 = arith.constant 2.000000e-01 : f32
      %mul3A_669 = vector.broadcast %mul3A_668 : f32 to vector<16xf32>
      %mul3A_670 = arith.mulf %mul3A_669, %add3A_667 : vector<16xf32>
      %max3A_671 = arith.maximumf %add3A_667, %mul3A_670 : vector<16xf32>
      %sub3A_672 = arith.subf %max3A_671, %gather3A_642 : vector<16xf32>
      %exp3A_673 = math.exp %sub3A_672 : vector<16xf32>
      %jit3A_674 = arith.constant 0.000000e+00 : f32
      %broadcast_in_dim3A_675 = vector.broadcast %jit3A_674 : f32 to vector<16xf32>
      %select_n3A_676 = arith.select %lt3A_639, %exp3A_673, %broadcast_in_dim3A_675 : vector<16xi1>, vector<16xf32>
      %broadcast_in_dim3A_677 = arith.constant 1 : i32
      %broadcast_in_dim3A_678 = vector.broadcast %broadcast_in_dim3A_677 : i32 to vector<16xi32>
      tpu.vector_store_idx %arg16[%add3A_631, %broadcast_in_dim3A_678], %select_n3A_676 : memref<64x8xf32, #tpu.memory_space<vmem>>[vector<16xi32>, vector<16xi32>], vector<16xf32>,
      %broadcast_in_dim3A_679 = arith.constant 2 : i32
      %broadcast_in_dim3A_680 = vector.broadcast %broadcast_in_dim3A_679 : i32 to vector<16xi32>
      %gather3A_681 = tpu.vector_load_idx %arg14[%add3A_631, %broadcast_in_dim3A_680] : memref<64x8xf32, #tpu.memory_space<vmem>>[vector<16xi32>, vector<16xi32>], vector<16xf32>,
      %broadcast_in_dim3A_682 = arith.constant 5 : i32
      %broadcast_in_dim3A_683 = vector.broadcast %broadcast_in_dim3A_682 : i32 to vector<16xi32>
      %gather3A_684 = tpu.vector_load_idx %arg15[%add3A_631, %broadcast_in_dim3A_683] : memref<64x8xf32, #tpu.memory_space<vmem>>[vector<16xi32>, vector<16xi32>], vector<16xf32>,
      %add3A_685 = arith.addf %gather3A_681, %gather3A_684 : vector<16xf32>
      %mul3A_686 = arith.constant 2.000000e-01 : f32
      %mul3A_687 = vector.broadcast %mul3A_686 : f32 to vector<16xf32>
      %mul3A_688 = arith.mulf %mul3A_687, %add3A_685 : vector<16xf32>
      %max3A_689 = arith.maximumf %add3A_685, %mul3A_688 : vector<16xf32>
      %sub3A_690 = arith.subf %max3A_689, %gather3A_642 : vector<16xf32>
      %exp3A_691 = math.exp %sub3A_690 : vector<16xf32>
      %jit3A_692 = arith.constant 0.000000e+00 : f32
      %broadcast_in_dim3A_693 = vector.broadcast %jit3A_692 : f32 to vector<16xf32>
      %select_n3A_694 = arith.select %lt3A_639, %exp3A_691, %broadcast_in_dim3A_693 : vector<16xi1>, vector<16xf32>
      %broadcast_in_dim3A_695 = arith.constant 2 : i32
      %broadcast_in_dim3A_696 = vector.broadcast %broadcast_in_dim3A_695 : i32 to vector<16xi32>
      tpu.vector_store_idx %arg16[%add3A_631, %broadcast_in_dim3A_696], %select_n3A_694 : memref<64x8xf32, #tpu.memory_space<vmem>>[vector<16xi32>, vector<16xi32>], vector<16xf32>,
      %eq3A_697 = arith.constant 0 : i32
      %eq3A_698 = arith.cmpi eq, %arg0, %eq3A_697 : i32
      %convert_element_type3A_699 = arith.extui %eq3A_698 : i1 to i32
      %cond3A_700 = arith.constant 0 : i32
      %cond3A_701 = arith.cmpi ne, %convert_element_type3A_699, %cond3A_700 : i32
      scf.if %cond3A_701 {
        %dma_wait3A = arith.constant 1 : i32
        %dma_wait3A_719 = arith.constant 1 : i32
        %dma_wait3A_720 = arith.constant 0 : i32
        %dma_wait3A_721 = arith.constant 0 : i32
        %dma_wait3A_722 = tpu.memref_slice %arg13[%dma_wait3A, %dma_wait3A_720, %dma_wait3A_721] : memref<2x64x96xf32, #tpu.memory_space<vmem>> -> memref<1x64x96xf32, #tpu.memory_space<vmem>>
        %dma_wait3A_723 = tpu.memref_squeeze %dma_wait3A_722 : memref<1x64x96xf32, #tpu.memory_space<vmem>> -> memref<64x96xf32, #tpu.memory_space<vmem>>
        %dma_wait3A_724 = arith.constant 0 : i32
        %dma_wait3A_725 = tpu.memref_slice %arg11[%add3A_417, %dma_wait3A_724] : memref<324x64xi32, #tpu.memory_space<vmem>> -> memref<1x64xi32, #tpu.memory_space<vmem>>
        %dma_wait3A_726 = tpu.memref_squeeze %dma_wait3A_725 : memref<1x64xi32, #tpu.memory_space<vmem>> -> memref<64xi32, #tpu.memory_space<vmem>>
        %dma_wait3A_727 = arith.constant 0 : i32
        %dma_wait3A_728 = arith.constant 0 : i32
        %dma_wait3A_729 = tpu.memref_slice %arg5[%dma_wait3A_727, %dma_wait3A_728] : memref<10000x96xf32, #tpu.memory_space<hbm>> -> memref<10000x96xf32, #tpu.memory_space<hbm>>
        %dma_wait3A_730 = tpu.memref_slice %arg19[%dma_wait3A_719] : memref<2x!tpu.dma_semaphore, #tpu.memory_space<semaphore_mem>> -> memref<1x!tpu.dma_semaphore, #tpu.memory_space<semaphore_mem>>
        %dma_wait3A_731 = tpu.memref_squeeze %dma_wait3A_730 : memref<1x!tpu.dma_semaphore, #tpu.memory_space<semaphore_mem>> -> memref<!tpu.dma_semaphore, #tpu.memory_space<semaphore_mem>>
        tpu.wait_indirect_dma semaphore(%dma_wait3A_731 : memref<!tpu.dma_semaphore, #tpu.memory_space<semaphore_mem>>) src(%dma_wait3A_729 : memref<10000x96xf32, #tpu.memory_space<hbm>>) dst(%dma_wait3A_723 : memref<64x96xf32, #tpu.memory_space<vmem>>)
      } else {
      }
      %eq3A_702 = arith.constant 1 : i32
      %eq3A_703 = arith.cmpi eq, %arg0, %eq3A_702 : i32
      %convert_element_type3A_704 = arith.extui %eq3A_703 : i1 to i32
      %cond3A_705 = arith.constant 0 : i32
      %cond3A_706 = arith.cmpi ne, %convert_element_type3A_704, %cond3A_705 : i32
      scf.if %cond3A_706 {
        %dma_wait3A = arith.constant 1 : i32
        %dma_wait3A_719 = arith.constant 1 : i32
        %dma_wait3A_720 = arith.constant 0 : i32
        %dma_wait3A_721 = arith.constant 0 : i32
        %dma_wait3A_722 = tpu.memref_slice %arg13[%dma_wait3A, %dma_wait3A_720, %dma_wait3A_721] : memref<2x64x96xf32, #tpu.memory_space<vmem>> -> memref<1x64x96xf32, #tpu.memory_space<vmem>>
        %dma_wait3A_723 = tpu.memref_squeeze %dma_wait3A_722 : memref<1x64x96xf32, #tpu.memory_space<vmem>> -> memref<64x96xf32, #tpu.memory_space<vmem>>
        %dma_wait3A_724 = arith.constant 0 : i32
        %dma_wait3A_725 = tpu.memref_slice %arg11[%add3A_417, %dma_wait3A_724] : memref<324x64xi32, #tpu.memory_space<vmem>> -> memref<1x64xi32, #tpu.memory_space<vmem>>
        %dma_wait3A_726 = tpu.memref_squeeze %dma_wait3A_725 : memref<1x64xi32, #tpu.memory_space<vmem>> -> memref<64xi32, #tpu.memory_space<vmem>>
        %dma_wait3A_727 = arith.constant 0 : i32
        %dma_wait3A_728 = arith.constant 0 : i32
        %dma_wait3A_729 = tpu.memref_slice %arg6[%dma_wait3A_727, %dma_wait3A_728] : memref<10000x96xf32, #tpu.memory_space<hbm>> -> memref<10000x96xf32, #tpu.memory_space<hbm>>
        %dma_wait3A_730 = tpu.memref_slice %arg19[%dma_wait3A_719] : memref<2x!tpu.dma_semaphore, #tpu.memory_space<semaphore_mem>> -> memref<1x!tpu.dma_semaphore, #tpu.memory_space<semaphore_mem>>
        %dma_wait3A_731 = tpu.memref_squeeze %dma_wait3A_730 : memref<1x!tpu.dma_semaphore, #tpu.memory_space<semaphore_mem>> -> memref<!tpu.dma_semaphore, #tpu.memory_space<semaphore_mem>>
        tpu.wait_indirect_dma semaphore(%dma_wait3A_731 : memref<!tpu.dma_semaphore, #tpu.memory_space<semaphore_mem>>) src(%dma_wait3A_729 : memref<10000x96xf32, #tpu.memory_space<hbm>>) dst(%dma_wait3A_723 : memref<64x96xf32, #tpu.memory_space<vmem>>)
      } else {
      }
      %scan3A_707 = arith.constant 0 : i32
      %scan3A_708 = arith.constant 0 : i32
      %scan3A_709 = arith.constant 64 : i32
      %scan3A_710 = arith.addi %scan3A_708, %scan3A_709 : i32
      %scan3A_711 = arith.constant 1 : i32
      scf.for %scan3A_719 = %scan3A_708 to %scan3A_710 step %scan3A_711  : i32 {
        %broadcast_in_dim3A_720 = arith.constant 0 : i32
        %broadcast_in_dim3A_721 = vector.broadcast %broadcast_in_dim3A_720 : i32 to vector<16xi32>
        %add3A_722 = vector.broadcast %scan3A_719 : i32 to vector<16xi32>
        %add3A_723 = arith.addi %broadcast_in_dim3A_721, %add3A_722 : vector<16xi32>
        %broadcast_in_dim3A_724 = arith.constant 0 : i32
        %broadcast_in_dim3A_725 = vector.broadcast %broadcast_in_dim3A_724 : i32 to vector<16xi32>
        %gather3A_726 = tpu.vector_load_idx %arg16[%add3A_723, %broadcast_in_dim3A_725] : memref<64x8xf32, #tpu.memory_space<vmem>>[vector<16xi32>, vector<16xi32>], vector<16xf32>,
        %get3A = arith.constant 1 : i32
        %get3A_727 = arith.index_cast %get3A : i32 to index
        %get3A_728 = arith.index_cast %scan3A_719 : i32 to index
        %get3A_729 = arith.constant 0 : index
        %get3A_730 = tpu.vector_load %arg13[%get3A_727, %get3A_728, %get3A_729] {strides = array<i32>} : memref<2x64x96xf32, #tpu.memory_space<vmem>>, vector<16xf32>,
        %mul3A_731 = arith.mulf %get3A_730, %gather3A_726 : vector<16xf32>
        %swap3A = arith.constant 1 : i32
        %swap3A_732 = arith.index_cast %swap3A : i32 to index
        %swap3A_733 = arith.index_cast %scan3A_719 : i32 to index
        %swap3A_734 = arith.constant 0 : index
        %swap3A_735 = tpu.vector_load %arg13[%swap3A_732, %swap3A_733, %swap3A_734] {strides = array<i32>} : memref<2x64x96xf32, #tpu.memory_space<vmem>>, vector<16xf32>,
        tpu.vector_store %arg13[%swap3A_732, %swap3A_733, %swap3A_734], %mul3A_731 {strides = array<i32>} : memref<2x64x96xf32, #tpu.memory_space<vmem>>, vector<16xf32>,
        %get3A_736 = arith.constant 1 : i32
        %get3A_737 = arith.index_cast %get3A_736 : i32 to index
        %get3A_738 = arith.index_cast %scan3A_719 : i32 to index
        %get3A_739 = arith.constant 16 : index
        %get3A_740 = tpu.vector_load %arg13[%get3A_737, %get3A_738, %get3A_739] {strides = array<i32>} : memref<2x64x96xf32, #tpu.memory_space<vmem>>, vector<16xf32>,
        %mul3A_741 = arith.mulf %get3A_740, %gather3A_726 : vector<16xf32>
        %swap3A_742 = arith.constant 1 : i32
        %swap3A_743 = arith.index_cast %swap3A_742 : i32 to index
        %swap3A_744 = arith.index_cast %scan3A_719 : i32 to index
        %swap3A_745 = arith.constant 16 : index
        %swap3A_746 = tpu.vector_load %arg13[%swap3A_743, %swap3A_744, %swap3A_745] {strides = array<i32>} : memref<2x64x96xf32, #tpu.memory_space<vmem>>, vector<16xf32>,
        tpu.vector_store %arg13[%swap3A_743, %swap3A_744, %swap3A_745], %mul3A_741 {strides = array<i32>} : memref<2x64x96xf32, #tpu.memory_space<vmem>>, vector<16xf32>,
        %broadcast_in_dim3A_747 = arith.constant 1 : i32
        %broadcast_in_dim3A_748 = vector.broadcast %broadcast_in_dim3A_747 : i32 to vector<16xi32>
        %gather3A_749 = tpu.vector_load_idx %arg16[%add3A_723, %broadcast_in_dim3A_748] : memref<64x8xf32, #tpu.memory_space<vmem>>[vector<16xi32>, vector<16xi32>], vector<16xf32>,
        %get3A_750 = arith.constant 1 : i32
        %get3A_751 = arith.index_cast %get3A_750 : i32 to index
        %get3A_752 = arith.index_cast %scan3A_719 : i32 to index
        %get3A_753 = arith.constant 32 : index
        %get3A_754 = tpu.vector_load %arg13[%get3A_751, %get3A_752, %get3A_753] {strides = array<i32>} : memref<2x64x96xf32, #tpu.memory_space<vmem>>, vector<16xf32>,
        %mul3A_755 = arith.mulf %get3A_754, %gather3A_749 : vector<16xf32>
        %swap3A_756 = arith.constant 1 : i32
        %swap3A_757 = arith.index_cast %swap3A_756 : i32 to index
        %swap3A_758 = arith.index_cast %scan3A_719 : i32 to index
        %swap3A_759 = arith.constant 32 : index
        %swap3A_760 = tpu.vector_load %arg13[%swap3A_757, %swap3A_758, %swap3A_759] {strides = array<i32>} : memref<2x64x96xf32, #tpu.memory_space<vmem>>, vector<16xf32>,
        tpu.vector_store %arg13[%swap3A_757, %swap3A_758, %swap3A_759], %mul3A_755 {strides = array<i32>} : memref<2x64x96xf32, #tpu.memory_space<vmem>>, vector<16xf32>,
        %get3A_761 = arith.constant 1 : i32
        %get3A_762 = arith.index_cast %get3A_761 : i32 to index
        %get3A_763 = arith.index_cast %scan3A_719 : i32 to index
        %get3A_764 = arith.constant 48 : index
        %get3A_765 = tpu.vector_load %arg13[%get3A_762, %get3A_763, %get3A_764] {strides = array<i32>} : memref<2x64x96xf32, #tpu.memory_space<vmem>>, vector<16xf32>,
        %mul3A_766 = arith.mulf %get3A_765, %gather3A_749 : vector<16xf32>
        %swap3A_767 = arith.constant 1 : i32
        %swap3A_768 = arith.index_cast %swap3A_767 : i32 to index
        %swap3A_769 = arith.index_cast %scan3A_719 : i32 to index
        %swap3A_770 = arith.constant 48 : index
        %swap3A_771 = tpu.vector_load %arg13[%swap3A_768, %swap3A_769, %swap3A_770] {strides = array<i32>} : memref<2x64x96xf32, #tpu.memory_space<vmem>>, vector<16xf32>,
        tpu.vector_store %arg13[%swap3A_768, %swap3A_769, %swap3A_770], %mul3A_766 {strides = array<i32>} : memref<2x64x96xf32, #tpu.memory_space<vmem>>, vector<16xf32>,
        %broadcast_in_dim3A_772 = arith.constant 2 : i32
        %broadcast_in_dim3A_773 = vector.broadcast %broadcast_in_dim3A_772 : i32 to vector<16xi32>
        %gather3A_774 = tpu.vector_load_idx %arg16[%add3A_723, %broadcast_in_dim3A_773] : memref<64x8xf32, #tpu.memory_space<vmem>>[vector<16xi32>, vector<16xi32>], vector<16xf32>,
        %get3A_775 = arith.constant 1 : i32
        %get3A_776 = arith.index_cast %get3A_775 : i32 to index
        %get3A_777 = arith.index_cast %scan3A_719 : i32 to index
        %get3A_778 = arith.constant 64 : index
        %get3A_779 = tpu.vector_load %arg13[%get3A_776, %get3A_777, %get3A_778] {strides = array<i32>} : memref<2x64x96xf32, #tpu.memory_space<vmem>>, vector<16xf32>,
        %mul3A_780 = arith.mulf %get3A_779, %gather3A_774 : vector<16xf32>
        %swap3A_781 = arith.constant 1 : i32
        %swap3A_782 = arith.index_cast %swap3A_781 : i32 to index
        %swap3A_783 = arith.index_cast %scan3A_719 : i32 to index
        %swap3A_784 = arith.constant 64 : index
        %swap3A_785 = tpu.vector_load %arg13[%swap3A_782, %swap3A_783, %swap3A_784] {strides = array<i32>} : memref<2x64x96xf32, #tpu.memory_space<vmem>>, vector<16xf32>,
        tpu.vector_store %arg13[%swap3A_782, %swap3A_783, %swap3A_784], %mul3A_780 {strides = array<i32>} : memref<2x64x96xf32, #tpu.memory_space<vmem>>, vector<16xf32>,
        %get3A_786 = arith.constant 1 : i32
        %get3A_787 = arith.index_cast %get3A_786 : i32 to index
        %get3A_788 = arith.index_cast %scan3A_719 : i32 to index
        %get3A_789 = arith.constant 80 : index
        %get3A_790 = tpu.vector_load %arg13[%get3A_787, %get3A_788, %get3A_789] {strides = array<i32>} : memref<2x64x96xf32, #tpu.memory_space<vmem>>, vector<16xf32>,
        %mul3A_791 = arith.mulf %get3A_790, %gather3A_774 : vector<16xf32>
        %swap3A_792 = arith.constant 1 : i32
        %swap3A_793 = arith.index_cast %swap3A_792 : i32 to index
        %swap3A_794 = arith.index_cast %scan3A_719 : i32 to index
        %swap3A_795 = arith.constant 80 : index
        %swap3A_796 = tpu.vector_load %arg13[%swap3A_793, %swap3A_794, %swap3A_795] {strides = array<i32>} : memref<2x64x96xf32, #tpu.memory_space<vmem>>, vector<16xf32>,
        tpu.vector_store %arg13[%swap3A_793, %swap3A_794, %swap3A_795], %mul3A_791 {strides = array<i32>} : memref<2x64x96xf32, #tpu.memory_space<vmem>>, vector<16xf32>,
      }
      %scan3A_712 = arith.constant 64 : i32
      %run_scoped3A_713 = arith.constant 1 : i32
      "tpu.region"() ({
        %run_scoped3A_719 = tpu.sem_alloc : memref<!tpu.dma_semaphore, #tpu.memory_space<semaphore_mem>>
        %dma_start3A = arith.constant 0 : i32
        %dma_start3A_720 = arith.constant 0 : i32
        %dma_start3A_721 = tpu.memref_slice %arg13[%run_scoped3A_713, %dma_start3A, %dma_start3A_720] : memref<2x64x96xf32, #tpu.memory_space<vmem>> -> memref<1x64x96xf32, #tpu.memory_space<vmem>>
        %dma_start3A_722 = tpu.memref_squeeze %dma_start3A_721 : memref<1x64x96xf32, #tpu.memory_space<vmem>> -> memref<64x96xf32, #tpu.memory_space<vmem>>
        %dma_start3A_723 = arith.constant 0 : i32
        %dma_start3A_724 = tpu.memref_slice %arg12[%add3A_417, %dma_start3A_723] : memref<324x64xi32, #tpu.memory_space<vmem>> -> memref<1x64xi32, #tpu.memory_space<vmem>>
        %dma_start3A_725 = tpu.memref_squeeze %dma_start3A_724 : memref<1x64xi32, #tpu.memory_space<vmem>> -> memref<64xi32, #tpu.memory_space<vmem>>
        %dma_start3A_726 = arith.constant 0 : i32
        %dma_start3A_727 = arith.constant 0 : i32
        %dma_start3A_728 = tpu.memref_slice %arg17[%dma_start3A_726, %dma_start3A_727] : memref<10000x96xf32, #tpu.memory_space<vmem_shared>> -> memref<10000x96xf32, #tpu.memory_space<vmem_shared>>
        tpu.enqueue_indirect_dma source(%dma_start3A_722 : memref<64x96xf32, #tpu.memory_space<vmem>>) target(%dma_start3A_728 : memref<10000x96xf32, #tpu.memory_space<vmem_shared>>) offsets(%dma_start3A_725 : memref<64xi32, #tpu.memory_space<vmem>>) semaphore(%run_scoped3A_719 : memref<!tpu.dma_semaphore, #tpu.memory_space<semaphore_mem>>) {add = true}
        %dma_wait3A = arith.constant 0 : i32
        %dma_wait3A_729 = arith.constant 0 : i32
        %dma_wait3A_730 = tpu.memref_slice %arg13[%run_scoped3A_713, %dma_wait3A, %dma_wait3A_729] : memref<2x64x96xf32, #tpu.memory_space<vmem>> -> memref<1x64x96xf32, #tpu.memory_space<vmem>>
        %dma_wait3A_731 = tpu.memref_squeeze %dma_wait3A_730 : memref<1x64x96xf32, #tpu.memory_space<vmem>> -> memref<64x96xf32, #tpu.memory_space<vmem>>
        %dma_wait3A_732 = arith.constant 0 : i32
        %dma_wait3A_733 = tpu.memref_slice %arg12[%add3A_417, %dma_wait3A_732] : memref<324x64xi32, #tpu.memory_space<vmem>> -> memref<1x64xi32, #tpu.memory_space<vmem>>
        %dma_wait3A_734 = tpu.memref_squeeze %dma_wait3A_733 : memref<1x64xi32, #tpu.memory_space<vmem>> -> memref<64xi32, #tpu.memory_space<vmem>>
        %dma_wait3A_735 = arith.constant 0 : i32
        %dma_wait3A_736 = arith.constant 0 : i32
        %dma_wait3A_737 = tpu.memref_slice %arg17[%dma_wait3A_735, %dma_wait3A_736] : memref<10000x96xf32, #tpu.memory_space<vmem_shared>> -> memref<10000x96xf32, #tpu.memory_space<vmem_shared>>
        tpu.wait_indirect_dma semaphore(%run_scoped3A_719 : memref<!tpu.dma_semaphore, #tpu.memory_space<semaphore_mem>>) src(%dma_wait3A_731 : memref<64x96xf32, #tpu.memory_space<vmem>>) dst(%dma_wait3A_737 : memref<10000x96xf32, #tpu.memory_space<vmem_shared>>)
        tpu.yield
      }) : () -> ()
      %eq3A_714 = arith.constant 0 : i32
      %eq3A_715 = arith.cmpi eq, %arg0, %eq3A_714 : i32
      %convert_element_type3A_716 = arith.extui %eq3A_715 : i1 to i32
      %cond3A_717 = arith.constant 0 : i32
      %cond3A_718 = arith.cmpi ne, %convert_element_type3A_716, %cond3A_717 : i32
      scf.if %cond3A_718 {
        "tpu.region"() ({
          %run_scoped3A_719 = tpu.sem_alloc : memref<!tpu.dma_semaphore, #tpu.memory_space<semaphore_mem>>
          %dma_start3A = arith.constant 0 : i32
          %dma_start3A_720 = tpu.memref_slice %arg12[%add3A_417, %dma_start3A] : memref<324x64xi32, #tpu.memory_space<vmem>> -> memref<1x64xi32, #tpu.memory_space<vmem>>
          %dma_start3A_721 = tpu.memref_squeeze %dma_start3A_720 : memref<1x64xi32, #tpu.memory_space<vmem>> -> memref<64xi32, #tpu.memory_space<vmem>>
          %dma_start3A_722 = arith.constant 0 : i32
          %dma_start3A_723 = arith.constant 0 : i32
          %dma_start3A_724 = tpu.memref_slice %arg18[%dma_start3A_722, %dma_start3A_723] : memref<10000x8xf32, #tpu.memory_space<vmem_shared>> -> memref<10000x8xf32, #tpu.memory_space<vmem_shared>>
          tpu.enqueue_indirect_dma source(%arg16 : memref<64x8xf32, #tpu.memory_space<vmem>>) target(%dma_start3A_724 : memref<10000x8xf32, #tpu.memory_space<vmem_shared>>) offsets(%dma_start3A_721 : memref<64xi32, #tpu.memory_space<vmem>>) semaphore(%run_scoped3A_719 : memref<!tpu.dma_semaphore, #tpu.memory_space<semaphore_mem>>) {add = true}
          %dma_wait3A = arith.constant 0 : i32
          %dma_wait3A_725 = tpu.memref_slice %arg12[%add3A_417, %dma_wait3A] : memref<324x64xi32, #tpu.memory_space<vmem>> -> memref<1x64xi32, #tpu.memory_space<vmem>>
          %dma_wait3A_726 = tpu.memref_squeeze %dma_wait3A_725 : memref<1x64xi32, #tpu.memory_space<vmem>> -> memref<64xi32, #tpu.memory_space<vmem>>
          %dma_wait3A_727 = arith.constant 0 : i32
          %dma_wait3A_728 = arith.constant 0 : i32
          %dma_wait3A_729 = tpu.memref_slice %arg18[%dma_wait3A_727, %dma_wait3A_728] : memref<10000x8xf32, #tpu.memory_space<vmem_shared>> -> memref<10000x8xf32, #tpu.memory_space<vmem_shared>>
          tpu.wait_indirect_dma semaphore(%run_scoped3A_719 : memref<!tpu.dma_semaphore, #tpu.memory_space<semaphore_mem>>) src(%arg16 : memref<64x8xf32, #tpu.memory_space<vmem>>) dst(%dma_wait3A_729 : memref<10000x8xf32, #tpu.memory_space<vmem_shared>>)
          tpu.yield
        }) : () -> ()
      } else {
      }
    }
    %scan3A_114 = arith.constant 162 : i32
    %barrier3A_115 = arith.constant 0 : index
    tpu.barrier barrier_id(%barrier3A_115)
    "tpu.region"() ({
      %run_scoped3A = tpu.sem_alloc : memref<!tpu.dma_semaphore, #tpu.memory_space<semaphore_mem>>
      %dma_start3A = arith.constant 0 : i32
      %dma_start3A_116 = tpu.memref_slice %arg9[%arg0, %mul3A_0, %dma_start3A] : memref<2x10000x96xf32, #tpu.memory_space<hbm>> -> memref<1x625x96xf32, #tpu.memory_space<hbm>>
      %dma_start3A_117 = tpu.memref_squeeze %dma_start3A_116 : memref<1x625x96xf32, #tpu.memory_space<hbm>> -> memref<625x96xf32, #tpu.memory_space<hbm>>
      %dma_start3A_118 = arith.constant 0 : i32
      %dma_start3A_119 = tpu.memref_slice %arg17[%mul3A_0, %dma_start3A_118] : memref<10000x96xf32, #tpu.memory_space<vmem_shared>> -> memref<625x96xf32, #tpu.memory_space<vmem_shared>>
      tpu.enqueue_dma source(%dma_start3A_119 : memref<625x96xf32, #tpu.memory_space<vmem_shared>>) target(%dma_start3A_117 : memref<625x96xf32, #tpu.memory_space<hbm>>) target_semaphore(%run_scoped3A : memref<!tpu.dma_semaphore, #tpu.memory_space<semaphore_mem>>)
      %dma_wait3A = arith.constant 0 : i32
      %dma_wait3A_120 = tpu.memref_slice %arg9[%arg0, %mul3A_0, %dma_wait3A] : memref<2x10000x96xf32, #tpu.memory_space<hbm>> -> memref<1x625x96xf32, #tpu.memory_space<hbm>>
      %dma_wait3A_121 = tpu.memref_squeeze %dma_wait3A_120 : memref<1x625x96xf32, #tpu.memory_space<hbm>> -> memref<625x96xf32, #tpu.memory_space<hbm>>
      %dma_wait3A_122 = arith.constant 0 : i32
      %dma_wait3A_123 = tpu.memref_slice %arg17[%mul3A_0, %dma_wait3A_122] : memref<10000x96xf32, #tpu.memory_space<vmem_shared>> -> memref<625x96xf32, #tpu.memory_space<vmem_shared>>
      tpu.wait_dma2 semaphore(%run_scoped3A : memref<!tpu.dma_semaphore, #tpu.memory_space<semaphore_mem>>) src(%dma_wait3A_123 : memref<625x96xf32, #tpu.memory_space<vmem_shared>>) dst(%dma_wait3A_121 : memref<625x96xf32, #tpu.memory_space<hbm>>)
      tpu.yield
    }) : () -> ()
    "tpu.region"() ({
      %run_scoped3A = tpu.sem_alloc : memref<!tpu.dma_semaphore, #tpu.memory_space<semaphore_mem>>
      %dma_start3A = arith.constant 0 : i32
      %dma_start3A_116 = tpu.memref_slice %arg10[%arg0, %mul3A_0, %dma_start3A] : memref<2x10000x8xf32, #tpu.memory_space<hbm>> -> memref<1x625x8xf32, #tpu.memory_space<hbm>>
      %dma_start3A_117 = tpu.memref_squeeze %dma_start3A_116 : memref<1x625x8xf32, #tpu.memory_space<hbm>> -> memref<625x8xf32, #tpu.memory_space<hbm>>
      %dma_start3A_118 = arith.constant 0 : i32
      %dma_start3A_119 = tpu.memref_slice %arg18[%mul3A_0, %dma_start3A_118] : memref<10000x8xf32, #tpu.memory_space<vmem_shared>> -> memref<625x8xf32, #tpu.memory_space<vmem_shared>>
      tpu.enqueue_dma source(%dma_start3A_119 : memref<625x8xf32, #tpu.memory_space<vmem_shared>>) target(%dma_start3A_117 : memref<625x8xf32, #tpu.memory_space<hbm>>) target_semaphore(%run_scoped3A : memref<!tpu.dma_semaphore, #tpu.memory_space<semaphore_mem>>)
      %dma_wait3A = arith.constant 0 : i32
      %dma_wait3A_120 = tpu.memref_slice %arg10[%arg0, %mul3A_0, %dma_wait3A] : memref<2x10000x8xf32, #tpu.memory_space<hbm>> -> memref<1x625x8xf32, #tpu.memory_space<hbm>>
      %dma_wait3A_121 = tpu.memref_squeeze %dma_wait3A_120 : memref<1x625x8xf32, #tpu.memory_space<hbm>> -> memref<625x8xf32, #tpu.memory_space<hbm>>
      %dma_wait3A_122 = arith.constant 0 : i32
      %dma_wait3A_123 = tpu.memref_slice %arg18[%mul3A_0, %dma_wait3A_122] : memref<10000x8xf32, #tpu.memory_space<vmem_shared>> -> memref<625x8xf32, #tpu.memory_space<vmem_shared>>
      tpu.wait_dma2 semaphore(%run_scoped3A : memref<!tpu.dma_semaphore, #tpu.memory_space<semaphore_mem>>) src(%dma_wait3A_123 : memref<625x8xf32, #tpu.memory_space<vmem_shared>>) dst(%dma_wait3A_121 : memref<625x8xf32, #tpu.memory_space<hbm>>)
      tpu.yield
    }) : () -> ()
    return
  }
}

#map = affine_map<(d0, d1) -> (0, 0, 0)>
#map1 = affine_map<(d0, d1) -> (0, 0)>
module attributes {stable_mosaic.version = 14 : i64} {
  func.func @edge_kernel(%arg0: i32, %arg1: i32, %arg2: memref<16x324x64xi32, #tpu.memory_space<hbm>>, %arg3: memref<16x324x64xi32, #tpu.memory_space<hbm>>, %arg4: memref<10000x8xf32, #tpu.memory_space<hbm>>, %arg5: memref<10000x96xf32, #tpu.memory_space<hbm>>, %arg6: memref<10000x96xf32, #tpu.memory_space<hbm>>, %arg7: memref<625x96xf32, #tpu.memory_space<hbm>>, %arg8: memref<625x8xf32, #tpu.memory_space<hbm>>, %arg9: memref<2x10000x96xf32, #tpu.memory_space<hbm>>, %arg10: memref<2x10000x8xf32, #tpu.memory_space<hbm>>, %arg11: memref<324x64xi32, #tpu.memory_space<vmem>>, %arg12: memref<324x64xi32, #tpu.memory_space<vmem>>, %arg13: memref<2x64x96xf32, #tpu.memory_space<vmem>>, %arg14: memref<64x8xf32, #tpu.memory_space<vmem>>, %arg15: memref<64x8xf32, #tpu.memory_space<vmem>>, %arg16: memref<64x8xf32, #tpu.memory_space<vmem>>, %arg17: memref<10000x96xf32, #tpu.memory_space<vmem_shared>>, %arg18: memref<10000x8xf32, #tpu.memory_space<vmem_shared>>, %arg19: memref<2x!tpu.dma_semaphore, #tpu.memory_space<semaphore_mem>>) attributes {dimension_semantics = [#tpu.dimension_semantics<core_parallel>, #tpu.dimension_semantics<subcore_parallel>], iteration_bounds = array<i64: 2, 16>, scalar_prefetch = 0 : i64, scratch_operands = 9 : i64, tpu.core_type = #tpu.core_type<sc_vector_subcore>, window_params = [{transform_indices = #map}, {transform_indices = #map}, {transform_indices = #map1}, {transform_indices = #map1}, {transform_indices = #map1}, {transform_indices = #map1}, {transform_indices = #map1}, {transform_indices = #map}, {transform_indices = #map}]} {
    %mul3A = arith.constant 625 : i32
    %mul3A_0 = arith.muli %arg1, %mul3A : i32
    %mul3A_1 = arith.constant 20736 : i32
    %mul3A_2 = arith.muli %arg1, %mul3A_1 : i32
    "tpu.region"() ({
      %run_scoped3A = tpu.sem_alloc : memref<!tpu.dma_semaphore, #tpu.memory_space<semaphore_mem>>
      %dma_start3A = arith.constant 0 : i32
      %dma_start3A_116 = arith.constant 0 : i32
      %dma_start3A_117 = tpu.memref_slice %arg2[%arg1, %dma_start3A, %dma_start3A_116] : memref<16x324x64xi32, #tpu.memory_space<hbm>> -> memref<1x324x64xi32, #tpu.memory_space<hbm>>
      %dma_start3A_118 = tpu.memref_squeeze %dma_start3A_117 : memref<1x324x64xi32, #tpu.memory_space<hbm>> -> memref<324x64xi32, #tpu.memory_space<hbm>>
      %dma_start3A_119 = arith.constant 0 : i32
      %dma_start3A_120 = arith.constant 0 : i32
      %dma_start3A_121 = tpu.memref_slice %arg2[%arg1, %dma_start3A_119, %dma_start3A_120] : memref<16x324x64xi32, #tpu.memory_space<hbm>> -> memref<1x324x64xi32, #tpu.memory_space<hbm>>
      %dma_start3A_122 = tpu.memref_squeeze %dma_start3A_121 : memref<1x324x64xi32, #tpu.memory_space<hbm>> -> memref<324x64xi32, #tpu.memory_space<hbm>>
      tpu.enqueue_dma source(%dma_start3A_122 : memref<324x64xi32, #tpu.memory_space<hbm>>) target(%arg11 : memref<324x64xi32, #tpu.memory_space<vmem>>) target_semaphore(%run_scoped3A : memref<!tpu.dma_semaphore, #tpu.memory_space<semaphore_mem>>)
      %dma_wait3A = arith.constant 0 : i32
      %dma_wait3A_123 = arith.constant 0 : i32
      %dma_wait3A_124 = tpu.memref_slice %arg2[%arg1, %dma_wait3A, %dma_wait3A_123] : memref<16x324x64xi32, #tpu.memory_space<hbm>> -> memref<1x324x64xi32, #tpu.memory_space<hbm>>
      %dma_wait3A_125 = tpu.memref_squeeze %dma_wait3A_124 : memref<1x324x64xi32, #tpu.memory_space<hbm>> -> memref<324x64xi32, #tpu.memory_space<hbm>>
      %dma_wait3A_126 = arith.constant 0 : i32
      %dma_wait3A_127 = arith.constant 0 : i32
      %dma_wait3A_128 = tpu.memref_slice %arg2[%arg1, %dma_wait3A_126, %dma_wait3A_127] : memref<16x324x64xi32, #tpu.memory_space<hbm>> -> memref<1x324x64xi32, #tpu.memory_space<hbm>>
      %dma_wait3A_129 = tpu.memref_squeeze %dma_wait3A_128 : memref<1x324x64xi32, #tpu.memory_space<hbm>> -> memref<324x64xi32, #tpu.memory_space<hbm>>
      tpu.wait_dma2 semaphore(%run_scoped3A : memref<!tpu.dma_semaphore, #tpu.memory_space<semaphore_mem>>) src(%dma_wait3A_129 : memref<324x64xi32, #tpu.memory_space<hbm>>) dst(%arg11 : memref<324x64xi32, #tpu.memory_space<vmem>>)
      tpu.yield
    }) : () -> ()
    "tpu.region"() ({
      %run_scoped3A = tpu.sem_alloc : memref<!tpu.dma_semaphore, #tpu.memory_space<semaphore_mem>>
      %dma_start3A = arith.constant 0 : i32
      %dma_start3A_116 = arith.constant 0 : i32
      %dma_start3A_117 = tpu.memref_slice %arg3[%arg1, %dma_start3A, %dma_start3A_116] : memref<16x324x64xi32, #tpu.memory_space<hbm>> -> memref<1x324x64xi32, #tpu.memory_space<hbm>>
      %dma_start3A_118 = tpu.memref_squeeze %dma_start3A_117 : memref<1x324x64xi32, #tpu.memory_space<hbm>> -> memref<324x64xi32, #tpu.memory_space<hbm>>
      %dma_start3A_119 = arith.constant 0 : i32
      %dma_start3A_120 = arith.constant 0 : i32
      %dma_start3A_121 = tpu.memref_slice %arg3[%arg1, %dma_start3A_119, %dma_start3A_120] : memref<16x324x64xi32, #tpu.memory_space<hbm>> -> memref<1x324x64xi32, #tpu.memory_space<hbm>>
      %dma_start3A_122 = tpu.memref_squeeze %dma_start3A_121 : memref<1x324x64xi32, #tpu.memory_space<hbm>> -> memref<324x64xi32, #tpu.memory_space<hbm>>
      tpu.enqueue_dma source(%dma_start3A_122 : memref<324x64xi32, #tpu.memory_space<hbm>>) target(%arg12 : memref<324x64xi32, #tpu.memory_space<vmem>>) target_semaphore(%run_scoped3A : memref<!tpu.dma_semaphore, #tpu.memory_space<semaphore_mem>>)
      %dma_wait3A = arith.constant 0 : i32
      %dma_wait3A_123 = arith.constant 0 : i32
      %dma_wait3A_124 = tpu.memref_slice %arg3[%arg1, %dma_wait3A, %dma_wait3A_123] : memref<16x324x64xi32, #tpu.memory_space<hbm>> -> memref<1x324x64xi32, #tpu.memory_space<hbm>>
      %dma_wait3A_125 = tpu.memref_squeeze %dma_wait3A_124 : memref<1x324x64xi32, #tpu.memory_space<hbm>> -> memref<324x64xi32, #tpu.memory_space<hbm>>
      %dma_wait3A_126 = arith.constant 0 : i32
      %dma_wait3A_127 = arith.constant 0 : i32
      %dma_wait3A_128 = tpu.memref_slice %arg3[%arg1, %dma_wait3A_126, %dma_wait3A_127] : memref<16x324x64xi32, #tpu.memory_space<hbm>> -> memref<1x324x64xi32, #tpu.memory_space<hbm>>
      %dma_wait3A_129 = tpu.memref_squeeze %dma_wait3A_128 : memref<1x324x64xi32, #tpu.memory_space<hbm>> -> memref<324x64xi32, #tpu.memory_space<hbm>>
      tpu.wait_dma2 semaphore(%run_scoped3A : memref<!tpu.dma_semaphore, #tpu.memory_space<semaphore_mem>>) src(%dma_wait3A_129 : memref<324x64xi32, #tpu.memory_space<hbm>>) dst(%arg12 : memref<324x64xi32, #tpu.memory_space<vmem>>)
      tpu.yield
    }) : () -> ()
    "tpu.region"() ({
      %run_scoped3A = tpu.sem_alloc : memref<!tpu.dma_semaphore, #tpu.memory_space<semaphore_mem>>
      %dma_start3A = arith.constant 0 : i32
      %dma_start3A_116 = tpu.memref_slice %arg17[%mul3A_0, %dma_start3A] : memref<10000x96xf32, #tpu.memory_space<vmem_shared>> -> memref<625x96xf32, #tpu.memory_space<vmem_shared>>
      tpu.enqueue_dma source(%arg7 : memref<625x96xf32, #tpu.memory_space<hbm>>) target(%dma_start3A_116 : memref<625x96xf32, #tpu.memory_space<vmem_shared>>) target_semaphore(%run_scoped3A : memref<!tpu.dma_semaphore, #tpu.memory_space<semaphore_mem>>)
      %dma_wait3A = arith.constant 0 : i32
      %dma_wait3A_117 = tpu.memref_slice %arg17[%mul3A_0, %dma_wait3A] : memref<10000x96xf32, #tpu.memory_space<vmem_shared>> -> memref<625x96xf32, #tpu.memory_space<vmem_shared>>
      tpu.wait_dma2 semaphore(%run_scoped3A : memref<!tpu.dma_semaphore, #tpu.memory_space<semaphore_mem>>) src(%arg7 : memref<625x96xf32, #tpu.memory_space<hbm>>) dst(%dma_wait3A_117 : memref<625x96xf32, #tpu.memory_space<vmem_shared>>)
      tpu.yield
    }) : () -> ()
    "tpu.region"() ({
      %run_scoped3A = tpu.sem_alloc : memref<!tpu.dma_semaphore, #tpu.memory_space<semaphore_mem>>
      %dma_start3A = arith.constant 0 : i32
      %dma_start3A_116 = tpu.memref_slice %arg18[%mul3A_0, %dma_start3A] : memref<10000x8xf32, #tpu.memory_space<vmem_shared>> -> memref<625x8xf32, #tpu.memory_space<vmem_shared>>
      tpu.enqueue_dma source(%arg8 : memref<625x8xf32, #tpu.memory_space<hbm>>) target(%dma_start3A_116 : memref<625x8xf32, #tpu.memory_space<vmem_shared>>) target_semaphore(%run_scoped3A : memref<!tpu.dma_semaphore, #tpu.memory_space<semaphore_mem>>)
      %dma_wait3A = arith.constant 0 : i32
      %dma_wait3A_117 = tpu.memref_slice %arg18[%mul3A_0, %dma_wait3A] : memref<10000x8xf32, #tpu.memory_space<vmem_shared>> -> memref<625x8xf32, #tpu.memory_space<vmem_shared>>
      tpu.wait_dma2 semaphore(%run_scoped3A : memref<!tpu.dma_semaphore, #tpu.memory_space<semaphore_mem>>) src(%arg8 : memref<625x8xf32, #tpu.memory_space<hbm>>) dst(%dma_wait3A_117 : memref<625x8xf32, #tpu.memory_space<vmem_shared>>)
      tpu.yield
    }) : () -> ()
    %broadcast_in_dim3A = arith.constant 0.000000e+00 : f32
    %broadcast_in_dim3A_3 = vector.broadcast %broadcast_in_dim3A : f32 to vector<16xf32>
    %iota3A = tpu.iota {dimensions = array<i32: 0>} : vector<16xi32>
    %add3A = arith.constant 0 : i32
    %add3A_4 = vector.broadcast %add3A : i32 to vector<16xi32>
    %add3A_5 = arith.addi %iota3A, %add3A_4 : vector<16xi32>
    %broadcast_in_dim3A_6 = arith.constant 3 : i32
    %broadcast_in_dim3A_7 = vector.broadcast %broadcast_in_dim3A_6 : i32 to vector<16xi32>
    tpu.vector_store_idx %arg16[%add3A_5, %broadcast_in_dim3A_7], %broadcast_in_dim3A_3 : memref<64x8xf32, #tpu.memory_space<vmem>>[vector<16xi32>, vector<16xi32>], vector<16xf32>,
    %add3A_8 = arith.constant 0 : i32
    %add3A_9 = vector.broadcast %add3A_8 : i32 to vector<16xi32>
    %add3A_10 = arith.addi %iota3A, %add3A_9 : vector<16xi32>
    %broadcast_in_dim3A_11 = arith.constant 4 : i32
    %broadcast_in_dim3A_12 = vector.broadcast %broadcast_in_dim3A_11 : i32 to vector<16xi32>
    tpu.vector_store_idx %arg16[%add3A_10, %broadcast_in_dim3A_12], %broadcast_in_dim3A_3 : memref<64x8xf32, #tpu.memory_space<vmem>>[vector<16xi32>, vector<16xi32>], vector<16xf32>,
    %add3A_13 = arith.constant 0 : i32
    %add3A_14 = vector.broadcast %add3A_13 : i32 to vector<16xi32>
    %add3A_15 = arith.addi %iota3A, %add3A_14 : vector<16xi32>
    %broadcast_in_dim3A_16 = arith.constant 5 : i32
    %broadcast_in_dim3A_17 = vector.broadcast %broadcast_in_dim3A_16 : i32 to vector<16xi32>
    tpu.vector_store_idx %arg16[%add3A_15, %broadcast_in_dim3A_17], %broadcast_in_dim3A_3 : memref<64x8xf32, #tpu.memory_space<vmem>>[vector<16xi32>, vector<16xi32>], vector<16xf32>,
    %add3A_18 = arith.constant 0 : i32
    %add3A_19 = vector.broadcast %add3A_18 : i32 to vector<16xi32>
    %add3A_20 = arith.addi %iota3A, %add3A_19 : vector<16xi32>
    %broadcast_in_dim3A_21 = arith.constant 6 : i32
    %broadcast_in_dim3A_22 = vector.broadcast %broadcast_in_dim3A_21 : i32 to vector<16xi32>
    tpu.vector_store_idx %arg16[%add3A_20, %broadcast_in_dim3A_22], %broadcast_in_dim3A_3 : memref<64x8xf32, #tpu.memory_space<vmem>>[vector<16xi32>, vector<16xi32>], vector<16xf32>,
    %add3A_23 = arith.constant 0 : i32
    %add3A_24 = vector.broadcast %add3A_23 : i32 to vector<16xi32>
    %add3A_25 = arith.addi %iota3A, %add3A_24 : vector<16xi32>
    %broadcast_in_dim3A_26 = arith.constant 7 : i32
    %broadcast_in_dim3A_27 = vector.broadcast %broadcast_in_dim3A_26 : i32 to vector<16xi32>
    tpu.vector_store_idx %arg16[%add3A_25, %broadcast_in_dim3A_27], %broadcast_in_dim3A_3 : memref<64x8xf32, #tpu.memory_space<vmem>>[vector<16xi32>, vector<16xi32>], vector<16xf32>,
    %add3A_28 = arith.constant 16 : i32
    %add3A_29 = vector.broadcast %add3A_28 : i32 to vector<16xi32>
    %add3A_30 = arith.addi %iota3A, %add3A_29 : vector<16xi32>
    %broadcast_in_dim3A_31 = arith.constant 3 : i32
    %broadcast_in_dim3A_32 = vector.broadcast %broadcast_in_dim3A_31 : i32 to vector<16xi32>
    tpu.vector_store_idx %arg16[%add3A_30, %broadcast_in_dim3A_32], %broadcast_in_dim3A_3 : memref<64x8xf32, #tpu.memory_space<vmem>>[vector<16xi32>, vector<16xi32>], vector<16xf32>,
    %add3A_33 = arith.constant 16 : i32
    %add3A_34 = vector.broadcast %add3A_33 : i32 to vector<16xi32>
    %add3A_35 = arith.addi %iota3A, %add3A_34 : vector<16xi32>
    %broadcast_in_dim3A_36 = arith.constant 4 : i32
    %broadcast_in_dim3A_37 = vector.broadcast %broadcast_in_dim3A_36 : i32 to vector<16xi32>
    tpu.vector_store_idx %arg16[%add3A_35, %broadcast_in_dim3A_37], %broadcast_in_dim3A_3 : memref<64x8xf32, #tpu.memory_space<vmem>>[vector<16xi32>, vector<16xi32>], vector<16xf32>,
    %add3A_38 = arith.constant 16 : i32
    %add3A_39 = vector.broadcast %add3A_38 : i32 to vector<16xi32>
    %add3A_40 = arith.addi %iota3A, %add3A_39 : vector<16xi32>
    %broadcast_in_dim3A_41 = arith.constant 5 : i32
    %broadcast_in_dim3A_42 = vector.broadcast %broadcast_in_dim3A_41 : i32 to vector<16xi32>
    tpu.vector_store_idx %arg16[%add3A_40, %broadcast_in_dim3A_42], %broadcast_in_dim3A_3 : memref<64x8xf32, #tpu.memory_space<vmem>>[vector<16xi32>, vector<16xi32>], vector<16xf32>,
    %add3A_43 = arith.constant 16 : i32
    %add3A_44 = vector.broadcast %add3A_43 : i32 to vector<16xi32>
    %add3A_45 = arith.addi %iota3A, %add3A_44 : vector<16xi32>
    %broadcast_in_dim3A_46 = arith.constant 6 : i32
    %broadcast_in_dim3A_47 = vector.broadcast %broadcast_in_dim3A_46 : i32 to vector<16xi32>
    tpu.vector_store_idx %arg16[%add3A_45, %broadcast_in_dim3A_47], %broadcast_in_dim3A_3 : memref<64x8xf32, #tpu.memory_space<vmem>>[vector<16xi32>, vector<16xi32>], vector<16xf32>,
    %add3A_48 = arith.constant 16 : i32
    %add3A_49 = vector.broadcast %add3A_48 : i32 to vector<16xi32>
    %add3A_50 = arith.addi %iota3A, %add3A_49 : vector<16xi32>
    %broadcast_in_dim3A_51 = arith.constant 7 : i32
    %broadcast_in_dim3A_52 = vector.broadcast %broadcast_in_dim3A_51 : i32 to vector<16xi32>
    tpu.vector_store_idx %arg16[%add3A_50, %broadcast_in_dim3A_52], %broadcast_in_dim3A_3 : memref<64x8xf32, #tpu.memory_space<vmem>>[vector<16xi32>, vector<16xi32>], vector<16xf32>,
    %add3A_53 = arith.constant 32 : i32
    %add3A_54 = vector.broadcast %add3A_53 : i32 to vector<16xi32>
    %add3A_55 = arith.addi %iota3A, %add3A_54 : vector<16xi32>
    %broadcast_in_dim3A_56 = arith.constant 3 : i32
    %broadcast_in_dim3A_57 = vector.broadcast %broadcast_in_dim3A_56 : i32 to vector<16xi32>
    tpu.vector_store_idx %arg16[%add3A_55, %broadcast_in_dim3A_57], %broadcast_in_dim3A_3 : memref<64x8xf32, #tpu.memory_space<vmem>>[vector<16xi32>, vector<16xi32>], vector<16xf32>,
    %add3A_58 = arith.constant 32 : i32
    %add3A_59 = vector.broadcast %add3A_58 : i32 to vector<16xi32>
    %add3A_60 = arith.addi %iota3A, %add3A_59 : vector<16xi32>
    %broadcast_in_dim3A_61 = arith.constant 4 : i32
    %broadcast_in_dim3A_62 = vector.broadcast %broadcast_in_dim3A_61 : i32 to vector<16xi32>
    tpu.vector_store_idx %arg16[%add3A_60, %broadcast_in_dim3A_62], %broadcast_in_dim3A_3 : memref<64x8xf32, #tpu.memory_space<vmem>>[vector<16xi32>, vector<16xi32>], vector<16xf32>,
    %add3A_63 = arith.constant 32 : i32
    %add3A_64 = vector.broadcast %add3A_63 : i32 to vector<16xi32>
    %add3A_65 = arith.addi %iota3A, %add3A_64 : vector<16xi32>
    %broadcast_in_dim3A_66 = arith.constant 5 : i32
    %broadcast_in_dim3A_67 = vector.broadcast %broadcast_in_dim3A_66 : i32 to vector<16xi32>
    tpu.vector_store_idx %arg16[%add3A_65, %broadcast_in_dim3A_67], %broadcast_in_dim3A_3 : memref<64x8xf32, #tpu.memory_space<vmem>>[vector<16xi32>, vector<16xi32>], vector<16xf32>,
    %add3A_68 = arith.constant 32 : i32
    %add3A_69 = vector.broadcast %add3A_68 : i32 to vector<16xi32>
    %add3A_70 = arith.addi %iota3A, %add3A_69 : vector<16xi32>
    %broadcast_in_dim3A_71 = arith.constant 6 : i32
    %broadcast_in_dim3A_72 = vector.broadcast %broadcast_in_dim3A_71 : i32 to vector<16xi32>
    tpu.vector_store_idx %arg16[%add3A_70, %broadcast_in_dim3A_72], %broadcast_in_dim3A_3 : memref<64x8xf32, #tpu.memory_space<vmem>>[vector<16xi32>, vector<16xi32>], vector<16xf32>,
    %add3A_73 = arith.constant 32 : i32
    %add3A_74 = vector.broadcast %add3A_73 : i32 to vector<16xi32>
    %add3A_75 = arith.addi %iota3A, %add3A_74 : vector<16xi32>
    %broadcast_in_dim3A_76 = arith.constant 7 : i32
    %broadcast_in_dim3A_77 = vector.broadcast %broadcast_in_dim3A_76 : i32 to vector<16xi32>
    tpu.vector_store_idx %arg16[%add3A_75, %broadcast_in_dim3A_77], %broadcast_in_dim3A_3 : memref<64x8xf32, #tpu.memory_space<vmem>>[vector<16xi32>, vector<16xi32>], vector<16xf32>,
    %add3A_78 = arith.constant 48 : i32
    %add3A_79 = vector.broadcast %add3A_78 : i32 to vector<16xi32>
    %add3A_80 = arith.addi %iota3A, %add3A_79 : vector<16xi32>
    %broadcast_in_dim3A_81 = arith.constant 3 : i32
    %broadcast_in_dim3A_82 = vector.broadcast %broadcast_in_dim3A_81 : i32 to vector<16xi32>
    tpu.vector_store_idx %arg16[%add3A_80, %broadcast_in_dim3A_82], %broadcast_in_dim3A_3 : memref<64x8xf32, #tpu.memory_space<vmem>>[vector<16xi32>, vector<16xi32>], vector<16xf32>,
    %add3A_83 = arith.constant 48 : i32
    %add3A_84 = vector.broadcast %add3A_83 : i32 to vector<16xi32>
    %add3A_85 = arith.addi %iota3A, %add3A_84 : vector<16xi32>
    %broadcast_in_dim3A_86 = arith.constant 4 : i32
    %broadcast_in_dim3A_87 = vector.broadcast %broadcast_in_dim3A_86 : i32 to vector<16xi32>
    tpu.vector_store_idx %arg16[%add3A_85, %broadcast_in_dim3A_87], %broadcast_in_dim3A_3 : memref<64x8xf32, #tpu.memory_space<vmem>>[vector<16xi32>, vector<16xi32>], vector<16xf32>,
    %add3A_88 = arith.constant 48 : i32
    %add3A_89 = vector.broadcast %add3A_88 : i32 to vector<16xi32>
    %add3A_90 = arith.addi %iota3A, %add3A_89 : vector<16xi32>
    %broadcast_in_dim3A_91 = arith.constant 5 : i32
    %broadcast_in_dim3A_92 = vector.broadcast %broadcast_in_dim3A_91 : i32 to vector<16xi32>
    tpu.vector_store_idx %arg16[%add3A_90, %broadcast_in_dim3A_92], %broadcast_in_dim3A_3 : memref<64x8xf32, #tpu.memory_space<vmem>>[vector<16xi32>, vector<16xi32>], vector<16xf32>,
    %add3A_93 = arith.constant 48 : i32
    %add3A_94 = vector.broadcast %add3A_93 : i32 to vector<16xi32>
    %add3A_95 = arith.addi %iota3A, %add3A_94 : vector<16xi32>
    %broadcast_in_dim3A_96 = arith.constant 6 : i32
    %broadcast_in_dim3A_97 = vector.broadcast %broadcast_in_dim3A_96 : i32 to vector<16xi32>
    tpu.vector_store_idx %arg16[%add3A_95, %broadcast_in_dim3A_97], %broadcast_in_dim3A_3 : memref<64x8xf32, #tpu.memory_space<vmem>>[vector<16xi32>, vector<16xi32>], vector<16xf32>,
    %add3A_98 = arith.constant 48 : i32
    %add3A_99 = vector.broadcast %add3A_98 : i32 to vector<16xi32>
    %add3A_100 = arith.addi %iota3A, %add3A_99 : vector<16xi32>
    %broadcast_in_dim3A_101 = arith.constant 7 : i32
    %broadcast_in_dim3A_102 = vector.broadcast %broadcast_in_dim3A_101 : i32 to vector<16xi32>
    tpu.vector_store_idx %arg16[%add3A_100, %broadcast_in_dim3A_102], %broadcast_in_dim3A_3 : memref<64x8xf32, #tpu.memory_space<vmem>>[vector<16xi32>, vector<16xi32>], vector<16xf32>,
    %barrier3A = arith.constant 0 : index
    tpu.barrier barrier_id(%barrier3A)
    %eq3A = arith.constant 0 : i32
    %eq3A_103 = arith.cmpi eq, %arg0, %eq3A : i32
    %convert_element_type3A = arith.extui %eq3A_103 : i1 to i32
    %cond3A = arith.constant 0 : i32
    %cond3A_104 = arith.cmpi ne, %convert_element_type3A, %cond3A : i32
    scf.if %cond3A_104 {
      %dma_start3A = arith.constant 0 : i32
      %dma_start3A_116 = arith.constant 0 : i32
      %dma_start3A_117 = arith.constant 0 : i32
      %dma_start3A_118 = arith.constant 0 : i32
      %dma_start3A_119 = arith.constant 0 : i32
      %dma_start3A_120 = tpu.memref_slice %arg13[%dma_start3A_116, %dma_start3A_118, %dma_start3A_119] : memref<2x64x96xf32, #tpu.memory_space<vmem>> -> memref<1x64x96xf32, #tpu.memory_space<vmem>>
      %dma_start3A_121 = tpu.memref_squeeze %dma_start3A_120 : memref<1x64x96xf32, #tpu.memory_space<vmem>> -> memref<64x96xf32, #tpu.memory_space<vmem>>
      %dma_start3A_122 = arith.constant 0 : i32
      %dma_start3A_123 = tpu.memref_slice %arg11[%dma_start3A, %dma_start3A_122] : memref<324x64xi32, #tpu.memory_space<vmem>> -> memref<1x64xi32, #tpu.memory_space<vmem>>
      %dma_start3A_124 = tpu.memref_squeeze %dma_start3A_123 : memref<1x64xi32, #tpu.memory_space<vmem>> -> memref<64xi32, #tpu.memory_space<vmem>>
      %dma_start3A_125 = arith.constant 0 : i32
      %dma_start3A_126 = arith.constant 0 : i32
      %dma_start3A_127 = tpu.memref_slice %arg5[%dma_start3A_125, %dma_start3A_126] : memref<10000x96xf32, #tpu.memory_space<hbm>> -> memref<10000x96xf32, #tpu.memory_space<hbm>>
      %dma_start3A_128 = tpu.memref_slice %arg19[%dma_start3A_117] : memref<2x!tpu.dma_semaphore, #tpu.memory_space<semaphore_mem>> -> memref<1x!tpu.dma_semaphore, #tpu.memory_space<semaphore_mem>>
      %dma_start3A_129 = tpu.memref_squeeze %dma_start3A_128 : memref<1x!tpu.dma_semaphore, #tpu.memory_space<semaphore_mem>> -> memref<!tpu.dma_semaphore, #tpu.memory_space<semaphore_mem>>
      tpu.enqueue_indirect_dma source(%dma_start3A_127 : memref<10000x96xf32, #tpu.memory_space<hbm>>) target(%dma_start3A_121 : memref<64x96xf32, #tpu.memory_space<vmem>>) offsets(%dma_start3A_124 : memref<64xi32, #tpu.memory_space<vmem>>) semaphore(%dma_start3A_129 : memref<!tpu.dma_semaphore, #tpu.memory_space<semaphore_mem>>)
    } else {
    }
    %eq3A_105 = arith.constant 1 : i32
    %eq3A_106 = arith.cmpi eq, %arg0, %eq3A_105 : i32
    %convert_element_type3A_107 = arith.extui %eq3A_106 : i1 to i32
    %cond3A_108 = arith.constant 0 : i32
    %cond3A_109 = arith.cmpi ne, %convert_element_type3A_107, %cond3A_108 : i32
    scf.if %cond3A_109 {
      %dma_start3A = arith.constant 0 : i32
      %dma_start3A_116 = arith.constant 0 : i32
      %dma_start3A_117 = arith.constant 0 : i32
      %dma_start3A_118 = arith.constant 0 : i32
      %dma_start3A_119 = arith.constant 0 : i32
      %dma_start3A_120 = tpu.memref_slice %arg13[%dma_start3A_116, %dma_start3A_118, %dma_start3A_119] : memref<2x64x96xf32, #tpu.memory_space<vmem>> -> memref<1x64x96xf32, #tpu.memory_space<vmem>>
      %dma_start3A_121 = tpu.memref_squeeze %dma_start3A_120 : memref<1x64x96xf32, #tpu.memory_space<vmem>> -> memref<64x96xf32, #tpu.memory_space<vmem>>
      %dma_start3A_122 = arith.constant 0 : i32
      %dma_start3A_123 = tpu.memref_slice %arg11[%dma_start3A, %dma_start3A_122] : memref<324x64xi32, #tpu.memory_space<vmem>> -> memref<1x64xi32, #tpu.memory_space<vmem>>
      %dma_start3A_124 = tpu.memref_squeeze %dma_start3A_123 : memref<1x64xi32, #tpu.memory_space<vmem>> -> memref<64xi32, #tpu.memory_space<vmem>>
      %dma_start3A_125 = arith.constant 0 : i32
      %dma_start3A_126 = arith.constant 0 : i32
      %dma_start3A_127 = tpu.memref_slice %arg6[%dma_start3A_125, %dma_start3A_126] : memref<10000x96xf32, #tpu.memory_space<hbm>> -> memref<10000x96xf32, #tpu.memory_space<hbm>>
      %dma_start3A_128 = tpu.memref_slice %arg19[%dma_start3A_117] : memref<2x!tpu.dma_semaphore, #tpu.memory_space<semaphore_mem>> -> memref<1x!tpu.dma_semaphore, #tpu.memory_space<semaphore_mem>>
      %dma_start3A_129 = tpu.memref_squeeze %dma_start3A_128 : memref<1x!tpu.dma_semaphore, #tpu.memory_space<semaphore_mem>> -> memref<!tpu.dma_semaphore, #tpu.memory_space<semaphore_mem>>
      tpu.enqueue_indirect_dma source(%dma_start3A_127 : memref<10000x96xf32, #tpu.memory_space<hbm>>) target(%dma_start3A_121 : memref<64x96xf32, #tpu.memory_space<vmem>>) offsets(%dma_start3A_124 : memref<64xi32, #tpu.memory_space<vmem>>) semaphore(%dma_start3A_129 : memref<!tpu.dma_semaphore, #tpu.memory_space<semaphore_mem>>)
    } else {
    }
    %scan3A = arith.constant 0 : i32
    %scan3A_110 = arith.constant 0 : i32
    %scan3A_111 = arith.constant 162 : i32
    %scan3A_112 = arith.addi %scan3A_110, %scan3A_111 : i32
    %scan3A_113 = arith.constant 1 : i32
    scf.for %scan3A_116 = %scan3A_110 to %scan3A_112 step %scan3A_113  : i32 {
      %mul3A_117 = arith.constant 2 : i32
      %mul3A_118 = arith.muli %scan3A_116, %mul3A_117 : i32
      %add3A_119 = arith.constant 0 : i32
      %add3A_120 = arith.addi %mul3A_118, %add3A_119 : i32
      %add3A_121 = arith.constant 1 : i32
      %add3A_122 = arith.addi %add3A_120, %add3A_121 : i32
      %lt3A = arith.constant 324 : i32
      %lt3A_123 = arith.cmpi slt, %add3A_122, %lt3A : i32
      %convert_element_type3A_124 = arith.extui %lt3A_123 : i1 to i32
      %cond3A_125 = arith.constant 0 : i32
      %cond3A_126 = arith.cmpi ne, %convert_element_type3A_124, %cond3A_125 : i32
      scf.if %cond3A_126 {
        %add3A_719 = arith.constant 1 : i32
        %add3A_720 = arith.addi %add3A_120, %add3A_719 : i32
        %eq3A_721 = arith.constant 0 : i32
        %eq3A_722 = arith.cmpi eq, %arg0, %eq3A_721 : i32
        %convert_element_type3A_723 = arith.extui %eq3A_722 : i1 to i32
        %cond3A_724 = arith.constant 0 : i32
        %cond3A_725 = arith.cmpi ne, %convert_element_type3A_723, %cond3A_724 : i32
        scf.if %cond3A_725 {
          %dma_start3A = arith.constant 1 : i32
          %dma_start3A_731 = arith.constant 1 : i32
          %dma_start3A_732 = arith.constant 0 : i32
          %dma_start3A_733 = arith.constant 0 : i32
          %dma_start3A_734 = tpu.memref_slice %arg13[%dma_start3A, %dma_start3A_732, %dma_start3A_733] : memref<2x64x96xf32, #tpu.memory_space<vmem>> -> memref<1x64x96xf32, #tpu.memory_space<vmem>>
          %dma_start3A_735 = tpu.memref_squeeze %dma_start3A_734 : memref<1x64x96xf32, #tpu.memory_space<vmem>> -> memref<64x96xf32, #tpu.memory_space<vmem>>
          %dma_start3A_736 = arith.constant 0 : i32
          %dma_start3A_737 = tpu.memref_slice %arg11[%add3A_720, %dma_start3A_736] : memref<324x64xi32, #tpu.memory_space<vmem>> -> memref<1x64xi32, #tpu.memory_space<vmem>>
          %dma_start3A_738 = tpu.memref_squeeze %dma_start3A_737 : memref<1x64xi32, #tpu.memory_space<vmem>> -> memref<64xi32, #tpu.memory_space<vmem>>
          %dma_start3A_739 = arith.constant 0 : i32
          %dma_start3A_740 = arith.constant 0 : i32
          %dma_start3A_741 = tpu.memref_slice %arg5[%dma_start3A_739, %dma_start3A_740] : memref<10000x96xf32, #tpu.memory_space<hbm>> -> memref<10000x96xf32, #tpu.memory_space<hbm>>
          %dma_start3A_742 = tpu.memref_slice %arg19[%dma_start3A_731] : memref<2x!tpu.dma_semaphore, #tpu.memory_space<semaphore_mem>> -> memref<1x!tpu.dma_semaphore, #tpu.memory_space<semaphore_mem>>
          %dma_start3A_743 = tpu.memref_squeeze %dma_start3A_742 : memref<1x!tpu.dma_semaphore, #tpu.memory_space<semaphore_mem>> -> memref<!tpu.dma_semaphore, #tpu.memory_space<semaphore_mem>>
          tpu.enqueue_indirect_dma source(%dma_start3A_741 : memref<10000x96xf32, #tpu.memory_space<hbm>>) target(%dma_start3A_735 : memref<64x96xf32, #tpu.memory_space<vmem>>) offsets(%dma_start3A_738 : memref<64xi32, #tpu.memory_space<vmem>>) semaphore(%dma_start3A_743 : memref<!tpu.dma_semaphore, #tpu.memory_space<semaphore_mem>>)
        } else {
        }
        %eq3A_726 = arith.constant 1 : i32
        %eq3A_727 = arith.cmpi eq, %arg0, %eq3A_726 : i32
        %convert_element_type3A_728 = arith.extui %eq3A_727 : i1 to i32
        %cond3A_729 = arith.constant 0 : i32
        %cond3A_730 = arith.cmpi ne, %convert_element_type3A_728, %cond3A_729 : i32
        scf.if %cond3A_730 {
          %dma_start3A = arith.constant 1 : i32
          %dma_start3A_731 = arith.constant 1 : i32
          %dma_start3A_732 = arith.constant 0 : i32
          %dma_start3A_733 = arith.constant 0 : i32
          %dma_start3A_734 = tpu.memref_slice %arg13[%dma_start3A, %dma_start3A_732, %dma_start3A_733] : memref<2x64x96xf32, #tpu.memory_space<vmem>> -> memref<1x64x96xf32, #tpu.memory_space<vmem>>
          %dma_start3A_735 = tpu.memref_squeeze %dma_start3A_734 : memref<1x64x96xf32, #tpu.memory_space<vmem>> -> memref<64x96xf32, #tpu.memory_space<vmem>>
          %dma_start3A_736 = arith.constant 0 : i32
          %dma_start3A_737 = tpu.memref_slice %arg11[%add3A_720, %dma_start3A_736] : memref<324x64xi32, #tpu.memory_space<vmem>> -> memref<1x64xi32, #tpu.memory_space<vmem>>
          %dma_start3A_738 = tpu.memref_squeeze %dma_start3A_737 : memref<1x64xi32, #tpu.memory_space<vmem>> -> memref<64xi32, #tpu.memory_space<vmem>>
          %dma_start3A_739 = arith.constant 0 : i32
          %dma_start3A_740 = arith.constant 0 : i32
          %dma_start3A_741 = tpu.memref_slice %arg6[%dma_start3A_739, %dma_start3A_740] : memref<10000x96xf32, #tpu.memory_space<hbm>> -> memref<10000x96xf32, #tpu.memory_space<hbm>>
          %dma_start3A_742 = tpu.memref_slice %arg19[%dma_start3A_731] : memref<2x!tpu.dma_semaphore, #tpu.memory_space<semaphore_mem>> -> memref<1x!tpu.dma_semaphore, #tpu.memory_space<semaphore_mem>>
          %dma_start3A_743 = tpu.memref_squeeze %dma_start3A_742 : memref<1x!tpu.dma_semaphore, #tpu.memory_space<semaphore_mem>> -> memref<!tpu.dma_semaphore, #tpu.memory_space<semaphore_mem>>
          tpu.enqueue_indirect_dma source(%dma_start3A_741 : memref<10000x96xf32, #tpu.memory_space<hbm>>) target(%dma_start3A_735 : memref<64x96xf32, #tpu.memory_space<vmem>>) offsets(%dma_start3A_738 : memref<64xi32, #tpu.memory_space<vmem>>) semaphore(%dma_start3A_743 : memref<!tpu.dma_semaphore, #tpu.memory_space<semaphore_mem>>)
        } else {
        }
      } else {
      }
      "tpu.region"() ({
        %run_scoped3A_719 = tpu.sem_alloc : memref<!tpu.dma_semaphore, #tpu.memory_space<semaphore_mem>>
        %dma_start3A = arith.constant 0 : i32
        %dma_start3A_720 = tpu.memref_slice %arg11[%add3A_120, %dma_start3A] : memref<324x64xi32, #tpu.memory_space<vmem>> -> memref<1x64xi32, #tpu.memory_space<vmem>>
        %dma_start3A_721 = tpu.memref_squeeze %dma_start3A_720 : memref<1x64xi32, #tpu.memory_space<vmem>> -> memref<64xi32, #tpu.memory_space<vmem>>
        %dma_start3A_722 = arith.constant 0 : i32
        %dma_start3A_723 = arith.constant 0 : i32
        %dma_start3A_724 = tpu.memref_slice %arg4[%dma_start3A_722, %dma_start3A_723] : memref<10000x8xf32, #tpu.memory_space<hbm>> -> memref<10000x8xf32, #tpu.memory_space<hbm>>
        tpu.enqueue_indirect_dma source(%dma_start3A_724 : memref<10000x8xf32, #tpu.memory_space<hbm>>) target(%arg14 : memref<64x8xf32, #tpu.memory_space<vmem>>) offsets(%dma_start3A_721 : memref<64xi32, #tpu.memory_space<vmem>>) semaphore(%run_scoped3A_719 : memref<!tpu.dma_semaphore, #tpu.memory_space<semaphore_mem>>)
        %dma_wait3A = arith.constant 0 : i32
        %dma_wait3A_725 = tpu.memref_slice %arg11[%add3A_120, %dma_wait3A] : memref<324x64xi32, #tpu.memory_space<vmem>> -> memref<1x64xi32, #tpu.memory_space<vmem>>
        %dma_wait3A_726 = tpu.memref_squeeze %dma_wait3A_725 : memref<1x64xi32, #tpu.memory_space<vmem>> -> memref<64xi32, #tpu.memory_space<vmem>>
        %dma_wait3A_727 = arith.constant 0 : i32
        %dma_wait3A_728 = arith.constant 0 : i32
        %dma_wait3A_729 = tpu.memref_slice %arg4[%dma_wait3A_727, %dma_wait3A_728] : memref<10000x8xf32, #tpu.memory_space<hbm>> -> memref<10000x8xf32, #tpu.memory_space<hbm>>
        tpu.wait_indirect_dma semaphore(%run_scoped3A_719 : memref<!tpu.dma_semaphore, #tpu.memory_space<semaphore_mem>>) src(%dma_wait3A_729 : memref<10000x8xf32, #tpu.memory_space<hbm>>) dst(%arg14 : memref<64x8xf32, #tpu.memory_space<vmem>>)
        tpu.yield
      }) : () -> ()
      "tpu.region"() ({
        %run_scoped3A_719 = tpu.sem_alloc : memref<!tpu.dma_semaphore, #tpu.memory_space<semaphore_mem>>
        %dma_start3A = arith.constant 0 : i32
        %dma_start3A_720 = tpu.memref_slice %arg12[%add3A_120, %dma_start3A] : memref<324x64xi32, #tpu.memory_space<vmem>> -> memref<1x64xi32, #tpu.memory_space<vmem>>
        %dma_start3A_721 = tpu.memref_squeeze %dma_start3A_720 : memref<1x64xi32, #tpu.memory_space<vmem>> -> memref<64xi32, #tpu.memory_space<vmem>>
        %dma_start3A_722 = arith.constant 0 : i32
        %dma_start3A_723 = arith.constant 0 : i32
        %dma_start3A_724 = tpu.memref_slice %arg4[%dma_start3A_722, %dma_start3A_723] : memref<10000x8xf32, #tpu.memory_space<hbm>> -> memref<10000x8xf32, #tpu.memory_space<hbm>>
        tpu.enqueue_indirect_dma source(%dma_start3A_724 : memref<10000x8xf32, #tpu.memory_space<hbm>>) target(%arg15 : memref<64x8xf32, #tpu.memory_space<vmem>>) offsets(%dma_start3A_721 : memref<64xi32, #tpu.memory_space<vmem>>) semaphore(%run_scoped3A_719 : memref<!tpu.dma_semaphore, #tpu.memory_space<semaphore_mem>>)
        %dma_wait3A = arith.constant 0 : i32
        %dma_wait3A_725 = tpu.memref_slice %arg12[%add3A_120, %dma_wait3A] : memref<324x64xi32, #tpu.memory_space<vmem>> -> memref<1x64xi32, #tpu.memory_space<vmem>>
        %dma_wait3A_726 = tpu.memref_squeeze %dma_wait3A_725 : memref<1x64xi32, #tpu.memory_space<vmem>> -> memref<64xi32, #tpu.memory_space<vmem>>
        %dma_wait3A_727 = arith.constant 0 : i32
        %dma_wait3A_728 = arith.constant 0 : i32
        %dma_wait3A_729 = tpu.memref_slice %arg4[%dma_wait3A_727, %dma_wait3A_728] : memref<10000x8xf32, #tpu.memory_space<hbm>> -> memref<10000x8xf32, #tpu.memory_space<hbm>>
        tpu.wait_indirect_dma semaphore(%run_scoped3A_719 : memref<!tpu.dma_semaphore, #tpu.memory_space<semaphore_mem>>) src(%dma_wait3A_729 : memref<10000x8xf32, #tpu.memory_space<hbm>>) dst(%arg15 : memref<64x8xf32, #tpu.memory_space<vmem>>)
        tpu.yield
      }) : () -> ()
      %add3A_127 = arith.constant 0 : i32
      %add3A_128 = vector.broadcast %add3A_127 : i32 to vector<16xi32>
      %add3A_129 = arith.addi %iota3A, %add3A_128 : vector<16xi32>
      %mul3A_130 = arith.constant 64 : i32
      %mul3A_131 = arith.muli %add3A_120, %mul3A_130 : i32
      %add3A_132 = arith.addi %mul3A_2, %mul3A_131 : i32
      %add3A_133 = vector.broadcast %add3A_132 : i32 to vector<16xi32>
      %add3A_134 = arith.addi %add3A_129, %add3A_133 : vector<16xi32>
      %lt3A_135 = arith.constant 330000 : i32
      %lt3A_136 = vector.broadcast %lt3A_135 : i32 to vector<16xi32>
      %lt3A_137 = arith.cmpi slt, %add3A_134, %lt3A_136 : vector<16xi32>
      %broadcast_in_dim3A_138 = arith.constant 6 : i32
      %broadcast_in_dim3A_139 = vector.broadcast %broadcast_in_dim3A_138 : i32 to vector<16xi32>
      %gather3A = tpu.vector_load_idx %arg14[%add3A_129, %broadcast_in_dim3A_139] : memref<64x8xf32, #tpu.memory_space<vmem>>[vector<16xi32>, vector<16xi32>], vector<16xf32>,
      %broadcast_in_dim3A_140 = arith.constant 0 : i32
      %broadcast_in_dim3A_141 = vector.broadcast %broadcast_in_dim3A_140 : i32 to vector<16xi32>
      %gather3A_142 = tpu.vector_load_idx %arg14[%add3A_129, %broadcast_in_dim3A_141] : memref<64x8xf32, #tpu.memory_space<vmem>>[vector<16xi32>, vector<16xi32>], vector<16xf32>,
      %broadcast_in_dim3A_143 = arith.constant 3 : i32
      %broadcast_in_dim3A_144 = vector.broadcast %broadcast_in_dim3A_143 : i32 to vector<16xi32>
      %gather3A_145 = tpu.vector_load_idx %arg15[%add3A_129, %broadcast_in_dim3A_144] : memref<64x8xf32, #tpu.memory_space<vmem>>[vector<16xi32>, vector<16xi32>], vector<16xf32>,
      %add3A_146 = arith.addf %gather3A_142, %gather3A_145 : vector<16xf32>
      %mul3A_147 = arith.constant 2.000000e-01 : f32
      %mul3A_148 = vector.broadcast %mul3A_147 : f32 to vector<16xf32>
      %mul3A_149 = arith.mulf %mul3A_148, %add3A_146 : vector<16xf32>
      %max3A = arith.maximumf %add3A_146, %mul3A_149 : vector<16xf32>
      %sub3A = arith.subf %max3A, %gather3A : vector<16xf32>
      %exp3A = math.exp %sub3A : vector<16xf32>
      %jit3A = arith.constant 0.000000e+00 : f32
      %broadcast_in_dim3A_150 = vector.broadcast %jit3A : f32 to vector<16xf32>
      %select_n3A = arith.select %lt3A_137, %exp3A, %broadcast_in_dim3A_150 : vector<16xi1>, vector<16xf32>
      %broadcast_in_dim3A_151 = arith.constant 0 : i32
      %broadcast_in_dim3A_152 = vector.broadcast %broadcast_in_dim3A_151 : i32 to vector<16xi32>
      tpu.vector_store_idx %arg16[%add3A_129, %broadcast_in_dim3A_152], %select_n3A : memref<64x8xf32, #tpu.memory_space<vmem>>[vector<16xi32>, vector<16xi32>], vector<16xf32>,
      %broadcast_in_dim3A_153 = arith.constant 1 : i32
      %broadcast_in_dim3A_154 = vector.broadcast %broadcast_in_dim3A_153 : i32 to vector<16xi32>
      %gather3A_155 = tpu.vector_load_idx %arg14[%add3A_129, %broadcast_in_dim3A_154] : memref<64x8xf32, #tpu.memory_space<vmem>>[vector<16xi32>, vector<16xi32>], vector<16xf32>,
      %broadcast_in_dim3A_156 = arith.constant 4 : i32
      %broadcast_in_dim3A_157 = vector.broadcast %broadcast_in_dim3A_156 : i32 to vector<16xi32>
      %gather3A_158 = tpu.vector_load_idx %arg15[%add3A_129, %broadcast_in_dim3A_157] : memref<64x8xf32, #tpu.memory_space<vmem>>[vector<16xi32>, vector<16xi32>], vector<16xf32>,
      %add3A_159 = arith.addf %gather3A_155, %gather3A_158 : vector<16xf32>
      %mul3A_160 = arith.constant 2.000000e-01 : f32
      %mul3A_161 = vector.broadcast %mul3A_160 : f32 to vector<16xf32>
      %mul3A_162 = arith.mulf %mul3A_161, %add3A_159 : vector<16xf32>
      %max3A_163 = arith.maximumf %add3A_159, %mul3A_162 : vector<16xf32>
      %sub3A_164 = arith.subf %max3A_163, %gather3A : vector<16xf32>
      %exp3A_165 = math.exp %sub3A_164 : vector<16xf32>
      %jit3A_166 = arith.constant 0.000000e+00 : f32
      %broadcast_in_dim3A_167 = vector.broadcast %jit3A_166 : f32 to vector<16xf32>
      %select_n3A_168 = arith.select %lt3A_137, %exp3A_165, %broadcast_in_dim3A_167 : vector<16xi1>, vector<16xf32>
      %broadcast_in_dim3A_169 = arith.constant 1 : i32
      %broadcast_in_dim3A_170 = vector.broadcast %broadcast_in_dim3A_169 : i32 to vector<16xi32>
      tpu.vector_store_idx %arg16[%add3A_129, %broadcast_in_dim3A_170], %select_n3A_168 : memref<64x8xf32, #tpu.memory_space<vmem>>[vector<16xi32>, vector<16xi32>], vector<16xf32>,
      %broadcast_in_dim3A_171 = arith.constant 2 : i32
      %broadcast_in_dim3A_172 = vector.broadcast %broadcast_in_dim3A_171 : i32 to vector<16xi32>
      %gather3A_173 = tpu.vector_load_idx %arg14[%add3A_129, %broadcast_in_dim3A_172] : memref<64x8xf32, #tpu.memory_space<vmem>>[vector<16xi32>, vector<16xi32>], vector<16xf32>,
      %broadcast_in_dim3A_174 = arith.constant 5 : i32
      %broadcast_in_dim3A_175 = vector.broadcast %broadcast_in_dim3A_174 : i32 to vector<16xi32>
      %gather3A_176 = tpu.vector_load_idx %arg15[%add3A_129, %broadcast_in_dim3A_175] : memref<64x8xf32, #tpu.memory_space<vmem>>[vector<16xi32>, vector<16xi32>], vector<16xf32>,
      %add3A_177 = arith.addf %gather3A_173, %gather3A_176 : vector<16xf32>
      %mul3A_178 = arith.constant 2.000000e-01 : f32
      %mul3A_179 = vector.broadcast %mul3A_178 : f32 to vector<16xf32>
      %mul3A_180 = arith.mulf %mul3A_179, %add3A_177 : vector<16xf32>
      %max3A_181 = arith.maximumf %add3A_177, %mul3A_180 : vector<16xf32>
      %sub3A_182 = arith.subf %max3A_181, %gather3A : vector<16xf32>
      %exp3A_183 = math.exp %sub3A_182 : vector<16xf32>
      %jit3A_184 = arith.constant 0.000000e+00 : f32
      %broadcast_in_dim3A_185 = vector.broadcast %jit3A_184 : f32 to vector<16xf32>
      %select_n3A_186 = arith.select %lt3A_137, %exp3A_183, %broadcast_in_dim3A_185 : vector<16xi1>, vector<16xf32>
      %broadcast_in_dim3A_187 = arith.constant 2 : i32
      %broadcast_in_dim3A_188 = vector.broadcast %broadcast_in_dim3A_187 : i32 to vector<16xi32>
      tpu.vector_store_idx %arg16[%add3A_129, %broadcast_in_dim3A_188], %select_n3A_186 : memref<64x8xf32, #tpu.memory_space<vmem>>[vector<16xi32>, vector<16xi32>], vector<16xf32>,
      %add3A_189 = arith.constant 16 : i32
      %add3A_190 = vector.broadcast %add3A_189 : i32 to vector<16xi32>
      %add3A_191 = arith.addi %iota3A, %add3A_190 : vector<16xi32>
      %mul3A_192 = arith.constant 64 : i32
      %mul3A_193 = arith.muli %add3A_120, %mul3A_192 : i32
      %add3A_194 = arith.addi %mul3A_2, %mul3A_193 : i32
      %add3A_195 = vector.broadcast %add3A_194 : i32 to vector<16xi32>
      %add3A_196 = arith.addi %add3A_191, %add3A_195 : vector<16xi32>
      %lt3A_197 = arith.constant 330000 : i32
      %lt3A_198 = vector.broadcast %lt3A_197 : i32 to vector<16xi32>
      %lt3A_199 = arith.cmpi slt, %add3A_196, %lt3A_198 : vector<16xi32>
      %broadcast_in_dim3A_200 = arith.constant 6 : i32
      %broadcast_in_dim3A_201 = vector.broadcast %broadcast_in_dim3A_200 : i32 to vector<16xi32>
      %gather3A_202 = tpu.vector_load_idx %arg14[%add3A_191, %broadcast_in_dim3A_201] : memref<64x8xf32, #tpu.memory_space<vmem>>[vector<16xi32>, vector<16xi32>], vector<16xf32>,
      %broadcast_in_dim3A_203 = arith.constant 0 : i32
      %broadcast_in_dim3A_204 = vector.broadcast %broadcast_in_dim3A_203 : i32 to vector<16xi32>
      %gather3A_205 = tpu.vector_load_idx %arg14[%add3A_191, %broadcast_in_dim3A_204] : memref<64x8xf32, #tpu.memory_space<vmem>>[vector<16xi32>, vector<16xi32>], vector<16xf32>,
      %broadcast_in_dim3A_206 = arith.constant 3 : i32
      %broadcast_in_dim3A_207 = vector.broadcast %broadcast_in_dim3A_206 : i32 to vector<16xi32>
      %gather3A_208 = tpu.vector_load_idx %arg15[%add3A_191, %broadcast_in_dim3A_207] : memref<64x8xf32, #tpu.memory_space<vmem>>[vector<16xi32>, vector<16xi32>], vector<16xf32>,
      %add3A_209 = arith.addf %gather3A_205, %gather3A_208 : vector<16xf32>
      %mul3A_210 = arith.constant 2.000000e-01 : f32
      %mul3A_211 = vector.broadcast %mul3A_210 : f32 to vector<16xf32>
      %mul3A_212 = arith.mulf %mul3A_211, %add3A_209 : vector<16xf32>
      %max3A_213 = arith.maximumf %add3A_209, %mul3A_212 : vector<16xf32>
      %sub3A_214 = arith.subf %max3A_213, %gather3A_202 : vector<16xf32>
      %exp3A_215 = math.exp %sub3A_214 : vector<16xf32>
      %jit3A_216 = arith.constant 0.000000e+00 : f32
      %broadcast_in_dim3A_217 = vector.broadcast %jit3A_216 : f32 to vector<16xf32>
      %select_n3A_218 = arith.select %lt3A_199, %exp3A_215, %broadcast_in_dim3A_217 : vector<16xi1>, vector<16xf32>
      %broadcast_in_dim3A_219 = arith.constant 0 : i32
      %broadcast_in_dim3A_220 = vector.broadcast %broadcast_in_dim3A_219 : i32 to vector<16xi32>
      tpu.vector_store_idx %arg16[%add3A_191, %broadcast_in_dim3A_220], %select_n3A_218 : memref<64x8xf32, #tpu.memory_space<vmem>>[vector<16xi32>, vector<16xi32>], vector<16xf32>,
      %broadcast_in_dim3A_221 = arith.constant 1 : i32
      %broadcast_in_dim3A_222 = vector.broadcast %broadcast_in_dim3A_221 : i32 to vector<16xi32>
      %gather3A_223 = tpu.vector_load_idx %arg14[%add3A_191, %broadcast_in_dim3A_222] : memref<64x8xf32, #tpu.memory_space<vmem>>[vector<16xi32>, vector<16xi32>], vector<16xf32>,
      %broadcast_in_dim3A_224 = arith.constant 4 : i32
      %broadcast_in_dim3A_225 = vector.broadcast %broadcast_in_dim3A_224 : i32 to vector<16xi32>
      %gather3A_226 = tpu.vector_load_idx %arg15[%add3A_191, %broadcast_in_dim3A_225] : memref<64x8xf32, #tpu.memory_space<vmem>>[vector<16xi32>, vector<16xi32>], vector<16xf32>,
      %add3A_227 = arith.addf %gather3A_223, %gather3A_226 : vector<16xf32>
      %mul3A_228 = arith.constant 2.000000e-01 : f32
      %mul3A_229 = vector.broadcast %mul3A_228 : f32 to vector<16xf32>
      %mul3A_230 = arith.mulf %mul3A_229, %add3A_227 : vector<16xf32>
      %max3A_231 = arith.maximumf %add3A_227, %mul3A_230 : vector<16xf32>
      %sub3A_232 = arith.subf %max3A_231, %gather3A_202 : vector<16xf32>
      %exp3A_233 = math.exp %sub3A_232 : vector<16xf32>
      %jit3A_234 = arith.constant 0.000000e+00 : f32
      %broadcast_in_dim3A_235 = vector.broadcast %jit3A_234 : f32 to vector<16xf32>
      %select_n3A_236 = arith.select %lt3A_199, %exp3A_233, %broadcast_in_dim3A_235 : vector<16xi1>, vector<16xf32>
      %broadcast_in_dim3A_237 = arith.constant 1 : i32
      %broadcast_in_dim3A_238 = vector.broadcast %broadcast_in_dim3A_237 : i32 to vector<16xi32>
      tpu.vector_store_idx %arg16[%add3A_191, %broadcast_in_dim3A_238], %select_n3A_236 : memref<64x8xf32, #tpu.memory_space<vmem>>[vector<16xi32>, vector<16xi32>], vector<16xf32>,
      %broadcast_in_dim3A_239 = arith.constant 2 : i32
      %broadcast_in_dim3A_240 = vector.broadcast %broadcast_in_dim3A_239 : i32 to vector<16xi32>
      %gather3A_241 = tpu.vector_load_idx %arg14[%add3A_191, %broadcast_in_dim3A_240] : memref<64x8xf32, #tpu.memory_space<vmem>>[vector<16xi32>, vector<16xi32>], vector<16xf32>,
      %broadcast_in_dim3A_242 = arith.constant 5 : i32
      %broadcast_in_dim3A_243 = vector.broadcast %broadcast_in_dim3A_242 : i32 to vector<16xi32>
      %gather3A_244 = tpu.vector_load_idx %arg15[%add3A_191, %broadcast_in_dim3A_243] : memref<64x8xf32, #tpu.memory_space<vmem>>[vector<16xi32>, vector<16xi32>], vector<16xf32>,
      %add3A_245 = arith.addf %gather3A_241, %gather3A_244 : vector<16xf32>
      %mul3A_246 = arith.constant 2.000000e-01 : f32
      %mul3A_247 = vector.broadcast %mul3A_246 : f32 to vector<16xf32>
      %mul3A_248 = arith.mulf %mul3A_247, %add3A_245 : vector<16xf32>
      %max3A_249 = arith.maximumf %add3A_245, %mul3A_248 : vector<16xf32>
      %sub3A_250 = arith.subf %max3A_249, %gather3A_202 : vector<16xf32>
      %exp3A_251 = math.exp %sub3A_250 : vector<16xf32>
      %jit3A_252 = arith.constant 0.000000e+00 : f32
      %broadcast_in_dim3A_253 = vector.broadcast %jit3A_252 : f32 to vector<16xf32>
      %select_n3A_254 = arith.select %lt3A_199, %exp3A_251, %broadcast_in_dim3A_253 : vector<16xi1>, vector<16xf32>
      %broadcast_in_dim3A_255 = arith.constant 2 : i32
      %broadcast_in_dim3A_256 = vector.broadcast %broadcast_in_dim3A_255 : i32 to vector<16xi32>
      tpu.vector_store_idx %arg16[%add3A_191, %broadcast_in_dim3A_256], %select_n3A_254 : memref<64x8xf32, #tpu.memory_space<vmem>>[vector<16xi32>, vector<16xi32>], vector<16xf32>,
      %add3A_257 = arith.constant 32 : i32
      %add3A_258 = vector.broadcast %add3A_257 : i32 to vector<16xi32>
      %add3A_259 = arith.addi %iota3A, %add3A_258 : vector<16xi32>
      %mul3A_260 = arith.constant 64 : i32
      %mul3A_261 = arith.muli %add3A_120, %mul3A_260 : i32
      %add3A_262 = arith.addi %mul3A_2, %mul3A_261 : i32
      %add3A_263 = vector.broadcast %add3A_262 : i32 to vector<16xi32>
      %add3A_264 = arith.addi %add3A_259, %add3A_263 : vector<16xi32>
      %lt3A_265 = arith.constant 330000 : i32
      %lt3A_266 = vector.broadcast %lt3A_265 : i32 to vector<16xi32>
      %lt3A_267 = arith.cmpi slt, %add3A_264, %lt3A_266 : vector<16xi32>
      %broadcast_in_dim3A_268 = arith.constant 6 : i32
      %broadcast_in_dim3A_269 = vector.broadcast %broadcast_in_dim3A_268 : i32 to vector<16xi32>
      %gather3A_270 = tpu.vector_load_idx %arg14[%add3A_259, %broadcast_in_dim3A_269] : memref<64x8xf32, #tpu.memory_space<vmem>>[vector<16xi32>, vector<16xi32>], vector<16xf32>,
      %broadcast_in_dim3A_271 = arith.constant 0 : i32
      %broadcast_in_dim3A_272 = vector.broadcast %broadcast_in_dim3A_271 : i32 to vector<16xi32>
      %gather3A_273 = tpu.vector_load_idx %arg14[%add3A_259, %broadcast_in_dim3A_272] : memref<64x8xf32, #tpu.memory_space<vmem>>[vector<16xi32>, vector<16xi32>], vector<16xf32>,
      %broadcast_in_dim3A_274 = arith.constant 3 : i32
      %broadcast_in_dim3A_275 = vector.broadcast %broadcast_in_dim3A_274 : i32 to vector<16xi32>
      %gather3A_276 = tpu.vector_load_idx %arg15[%add3A_259, %broadcast_in_dim3A_275] : memref<64x8xf32, #tpu.memory_space<vmem>>[vector<16xi32>, vector<16xi32>], vector<16xf32>,
      %add3A_277 = arith.addf %gather3A_273, %gather3A_276 : vector<16xf32>
      %mul3A_278 = arith.constant 2.000000e-01 : f32
      %mul3A_279 = vector.broadcast %mul3A_278 : f32 to vector<16xf32>
      %mul3A_280 = arith.mulf %mul3A_279, %add3A_277 : vector<16xf32>
      %max3A_281 = arith.maximumf %add3A_277, %mul3A_280 : vector<16xf32>
      %sub3A_282 = arith.subf %max3A_281, %gather3A_270 : vector<16xf32>
      %exp3A_283 = math.exp %sub3A_282 : vector<16xf32>
      %jit3A_284 = arith.constant 0.000000e+00 : f32
      %broadcast_in_dim3A_285 = vector.broadcast %jit3A_284 : f32 to vector<16xf32>
      %select_n3A_286 = arith.select %lt3A_267, %exp3A_283, %broadcast_in_dim3A_285 : vector<16xi1>, vector<16xf32>
      %broadcast_in_dim3A_287 = arith.constant 0 : i32
      %broadcast_in_dim3A_288 = vector.broadcast %broadcast_in_dim3A_287 : i32 to vector<16xi32>
      tpu.vector_store_idx %arg16[%add3A_259, %broadcast_in_dim3A_288], %select_n3A_286 : memref<64x8xf32, #tpu.memory_space<vmem>>[vector<16xi32>, vector<16xi32>], vector<16xf32>,
      %broadcast_in_dim3A_289 = arith.constant 1 : i32
      %broadcast_in_dim3A_290 = vector.broadcast %broadcast_in_dim3A_289 : i32 to vector<16xi32>
      %gather3A_291 = tpu.vector_load_idx %arg14[%add3A_259, %broadcast_in_dim3A_290] : memref<64x8xf32, #tpu.memory_space<vmem>>[vector<16xi32>, vector<16xi32>], vector<16xf32>,
      %broadcast_in_dim3A_292 = arith.constant 4 : i32
      %broadcast_in_dim3A_293 = vector.broadcast %broadcast_in_dim3A_292 : i32 to vector<16xi32>
      %gather3A_294 = tpu.vector_load_idx %arg15[%add3A_259, %broadcast_in_dim3A_293] : memref<64x8xf32, #tpu.memory_space<vmem>>[vector<16xi32>, vector<16xi32>], vector<16xf32>,
      %add3A_295 = arith.addf %gather3A_291, %gather3A_294 : vector<16xf32>
      %mul3A_296 = arith.constant 2.000000e-01 : f32
      %mul3A_297 = vector.broadcast %mul3A_296 : f32 to vector<16xf32>
      %mul3A_298 = arith.mulf %mul3A_297, %add3A_295 : vector<16xf32>
      %max3A_299 = arith.maximumf %add3A_295, %mul3A_298 : vector<16xf32>
      %sub3A_300 = arith.subf %max3A_299, %gather3A_270 : vector<16xf32>
      %exp3A_301 = math.exp %sub3A_300 : vector<16xf32>
      %jit3A_302 = arith.constant 0.000000e+00 : f32
      %broadcast_in_dim3A_303 = vector.broadcast %jit3A_302 : f32 to vector<16xf32>
      %select_n3A_304 = arith.select %lt3A_267, %exp3A_301, %broadcast_in_dim3A_303 : vector<16xi1>, vector<16xf32>
      %broadcast_in_dim3A_305 = arith.constant 1 : i32
      %broadcast_in_dim3A_306 = vector.broadcast %broadcast_in_dim3A_305 : i32 to vector<16xi32>
      tpu.vector_store_idx %arg16[%add3A_259, %broadcast_in_dim3A_306], %select_n3A_304 : memref<64x8xf32, #tpu.memory_space<vmem>>[vector<16xi32>, vector<16xi32>], vector<16xf32>,
      %broadcast_in_dim3A_307 = arith.constant 2 : i32
      %broadcast_in_dim3A_308 = vector.broadcast %broadcast_in_dim3A_307 : i32 to vector<16xi32>
      %gather3A_309 = tpu.vector_load_idx %arg14[%add3A_259, %broadcast_in_dim3A_308] : memref<64x8xf32, #tpu.memory_space<vmem>>[vector<16xi32>, vector<16xi32>], vector<16xf32>,
      %broadcast_in_dim3A_310 = arith.constant 5 : i32
      %broadcast_in_dim3A_311 = vector.broadcast %broadcast_in_dim3A_310 : i32 to vector<16xi32>
      %gather3A_312 = tpu.vector_load_idx %arg15[%add3A_259, %broadcast_in_dim3A_311] : memref<64x8xf32, #tpu.memory_space<vmem>>[vector<16xi32>, vector<16xi32>], vector<16xf32>,
      %add3A_313 = arith.addf %gather3A_309, %gather3A_312 : vector<16xf32>
      %mul3A_314 = arith.constant 2.000000e-01 : f32
      %mul3A_315 = vector.broadcast %mul3A_314 : f32 to vector<16xf32>
      %mul3A_316 = arith.mulf %mul3A_315, %add3A_313 : vector<16xf32>
      %max3A_317 = arith.maximumf %add3A_313, %mul3A_316 : vector<16xf32>
      %sub3A_318 = arith.subf %max3A_317, %gather3A_270 : vector<16xf32>
      %exp3A_319 = math.exp %sub3A_318 : vector<16xf32>
      %jit3A_320 = arith.constant 0.000000e+00 : f32
      %broadcast_in_dim3A_321 = vector.broadcast %jit3A_320 : f32 to vector<16xf32>
      %select_n3A_322 = arith.select %lt3A_267, %exp3A_319, %broadcast_in_dim3A_321 : vector<16xi1>, vector<16xf32>
      %broadcast_in_dim3A_323 = arith.constant 2 : i32
      %broadcast_in_dim3A_324 = vector.broadcast %broadcast_in_dim3A_323 : i32 to vector<16xi32>
      tpu.vector_store_idx %arg16[%add3A_259, %broadcast_in_dim3A_324], %select_n3A_322 : memref<64x8xf32, #tpu.memory_space<vmem>>[vector<16xi32>, vector<16xi32>], vector<16xf32>,
      %add3A_325 = arith.constant 48 : i32
      %add3A_326 = vector.broadcast %add3A_325 : i32 to vector<16xi32>
      %add3A_327 = arith.addi %iota3A, %add3A_326 : vector<16xi32>
      %mul3A_328 = arith.constant 64 : i32
      %mul3A_329 = arith.muli %add3A_120, %mul3A_328 : i32
      %add3A_330 = arith.addi %mul3A_2, %mul3A_329 : i32
      %add3A_331 = vector.broadcast %add3A_330 : i32 to vector<16xi32>
      %add3A_332 = arith.addi %add3A_327, %add3A_331 : vector<16xi32>
      %lt3A_333 = arith.constant 330000 : i32
      %lt3A_334 = vector.broadcast %lt3A_333 : i32 to vector<16xi32>
      %lt3A_335 = arith.cmpi slt, %add3A_332, %lt3A_334 : vector<16xi32>
      %broadcast_in_dim3A_336 = arith.constant 6 : i32
      %broadcast_in_dim3A_337 = vector.broadcast %broadcast_in_dim3A_336 : i32 to vector<16xi32>
      %gather3A_338 = tpu.vector_load_idx %arg14[%add3A_327, %broadcast_in_dim3A_337] : memref<64x8xf32, #tpu.memory_space<vmem>>[vector<16xi32>, vector<16xi32>], vector<16xf32>,
      %broadcast_in_dim3A_339 = arith.constant 0 : i32
      %broadcast_in_dim3A_340 = vector.broadcast %broadcast_in_dim3A_339 : i32 to vector<16xi32>
      %gather3A_341 = tpu.vector_load_idx %arg14[%add3A_327, %broadcast_in_dim3A_340] : memref<64x8xf32, #tpu.memory_space<vmem>>[vector<16xi32>, vector<16xi32>], vector<16xf32>,
      %broadcast_in_dim3A_342 = arith.constant 3 : i32
      %broadcast_in_dim3A_343 = vector.broadcast %broadcast_in_dim3A_342 : i32 to vector<16xi32>
      %gather3A_344 = tpu.vector_load_idx %arg15[%add3A_327, %broadcast_in_dim3A_343] : memref<64x8xf32, #tpu.memory_space<vmem>>[vector<16xi32>, vector<16xi32>], vector<16xf32>,
      %add3A_345 = arith.addf %gather3A_341, %gather3A_344 : vector<16xf32>
      %mul3A_346 = arith.constant 2.000000e-01 : f32
      %mul3A_347 = vector.broadcast %mul3A_346 : f32 to vector<16xf32>
      %mul3A_348 = arith.mulf %mul3A_347, %add3A_345 : vector<16xf32>
      %max3A_349 = arith.maximumf %add3A_345, %mul3A_348 : vector<16xf32>
      %sub3A_350 = arith.subf %max3A_349, %gather3A_338 : vector<16xf32>
      %exp3A_351 = math.exp %sub3A_350 : vector<16xf32>
      %jit3A_352 = arith.constant 0.000000e+00 : f32
      %broadcast_in_dim3A_353 = vector.broadcast %jit3A_352 : f32 to vector<16xf32>
      %select_n3A_354 = arith.select %lt3A_335, %exp3A_351, %broadcast_in_dim3A_353 : vector<16xi1>, vector<16xf32>
      %broadcast_in_dim3A_355 = arith.constant 0 : i32
      %broadcast_in_dim3A_356 = vector.broadcast %broadcast_in_dim3A_355 : i32 to vector<16xi32>
      tpu.vector_store_idx %arg16[%add3A_327, %broadcast_in_dim3A_356], %select_n3A_354 : memref<64x8xf32, #tpu.memory_space<vmem>>[vector<16xi32>, vector<16xi32>], vector<16xf32>,
      %broadcast_in_dim3A_357 = arith.constant 1 : i32
      %broadcast_in_dim3A_358 = vector.broadcast %broadcast_in_dim3A_357 : i32 to vector<16xi32>
      %gather3A_359 = tpu.vector_load_idx %arg14[%add3A_327, %broadcast_in_dim3A_358] : memref<64x8xf32, #tpu.memory_space<vmem>>[vector<16xi32>, vector<16xi32>], vector<16xf32>,
      %broadcast_in_dim3A_360 = arith.constant 4 : i32
      %broadcast_in_dim3A_361 = vector.broadcast %broadcast_in_dim3A_360 : i32 to vector<16xi32>
      %gather3A_362 = tpu.vector_load_idx %arg15[%add3A_327, %broadcast_in_dim3A_361] : memref<64x8xf32, #tpu.memory_space<vmem>>[vector<16xi32>, vector<16xi32>], vector<16xf32>,
      %add3A_363 = arith.addf %gather3A_359, %gather3A_362 : vector<16xf32>
      %mul3A_364 = arith.constant 2.000000e-01 : f32
      %mul3A_365 = vector.broadcast %mul3A_364 : f32 to vector<16xf32>
      %mul3A_366 = arith.mulf %mul3A_365, %add3A_363 : vector<16xf32>
      %max3A_367 = arith.maximumf %add3A_363, %mul3A_366 : vector<16xf32>
      %sub3A_368 = arith.subf %max3A_367, %gather3A_338 : vector<16xf32>
      %exp3A_369 = math.exp %sub3A_368 : vector<16xf32>
      %jit3A_370 = arith.constant 0.000000e+00 : f32
      %broadcast_in_dim3A_371 = vector.broadcast %jit3A_370 : f32 to vector<16xf32>
      %select_n3A_372 = arith.select %lt3A_335, %exp3A_369, %broadcast_in_dim3A_371 : vector<16xi1>, vector<16xf32>
      %broadcast_in_dim3A_373 = arith.constant 1 : i32
      %broadcast_in_dim3A_374 = vector.broadcast %broadcast_in_dim3A_373 : i32 to vector<16xi32>
      tpu.vector_store_idx %arg16[%add3A_327, %broadcast_in_dim3A_374], %select_n3A_372 : memref<64x8xf32, #tpu.memory_space<vmem>>[vector<16xi32>, vector<16xi32>], vector<16xf32>,
      %broadcast_in_dim3A_375 = arith.constant 2 : i32
      %broadcast_in_dim3A_376 = vector.broadcast %broadcast_in_dim3A_375 : i32 to vector<16xi32>
      %gather3A_377 = tpu.vector_load_idx %arg14[%add3A_327, %broadcast_in_dim3A_376] : memref<64x8xf32, #tpu.memory_space<vmem>>[vector<16xi32>, vector<16xi32>], vector<16xf32>,
      %broadcast_in_dim3A_378 = arith.constant 5 : i32
      %broadcast_in_dim3A_379 = vector.broadcast %broadcast_in_dim3A_378 : i32 to vector<16xi32>
      %gather3A_380 = tpu.vector_load_idx %arg15[%add3A_327, %broadcast_in_dim3A_379] : memref<64x8xf32, #tpu.memory_space<vmem>>[vector<16xi32>, vector<16xi32>], vector<16xf32>,
      %add3A_381 = arith.addf %gather3A_377, %gather3A_380 : vector<16xf32>
      %mul3A_382 = arith.constant 2.000000e-01 : f32
      %mul3A_383 = vector.broadcast %mul3A_382 : f32 to vector<16xf32>
      %mul3A_384 = arith.mulf %mul3A_383, %add3A_381 : vector<16xf32>
      %max3A_385 = arith.maximumf %add3A_381, %mul3A_384 : vector<16xf32>
      %sub3A_386 = arith.subf %max3A_385, %gather3A_338 : vector<16xf32>
      %exp3A_387 = math.exp %sub3A_386 : vector<16xf32>
      %jit3A_388 = arith.constant 0.000000e+00 : f32
      %broadcast_in_dim3A_389 = vector.broadcast %jit3A_388 : f32 to vector<16xf32>
      %select_n3A_390 = arith.select %lt3A_335, %exp3A_387, %broadcast_in_dim3A_389 : vector<16xi1>, vector<16xf32>
      %broadcast_in_dim3A_391 = arith.constant 2 : i32
      %broadcast_in_dim3A_392 = vector.broadcast %broadcast_in_dim3A_391 : i32 to vector<16xi32>
      tpu.vector_store_idx %arg16[%add3A_327, %broadcast_in_dim3A_392], %select_n3A_390 : memref<64x8xf32, #tpu.memory_space<vmem>>[vector<16xi32>, vector<16xi32>], vector<16xf32>,
      %eq3A_393 = arith.constant 0 : i32
      %eq3A_394 = arith.cmpi eq, %arg0, %eq3A_393 : i32
      %convert_element_type3A_395 = arith.extui %eq3A_394 : i1 to i32
      %cond3A_396 = arith.constant 0 : i32
      %cond3A_397 = arith.cmpi ne, %convert_element_type3A_395, %cond3A_396 : i32
      scf.if %cond3A_397 {
        %dma_wait3A = arith.constant 0 : i32
        %dma_wait3A_719 = arith.constant 0 : i32
        %dma_wait3A_720 = arith.constant 0 : i32
        %dma_wait3A_721 = arith.constant 0 : i32
        %dma_wait3A_722 = tpu.memref_slice %arg13[%dma_wait3A, %dma_wait3A_720, %dma_wait3A_721] : memref<2x64x96xf32, #tpu.memory_space<vmem>> -> memref<1x64x96xf32, #tpu.memory_space<vmem>>
        %dma_wait3A_723 = tpu.memref_squeeze %dma_wait3A_722 : memref<1x64x96xf32, #tpu.memory_space<vmem>> -> memref<64x96xf32, #tpu.memory_space<vmem>>
        %dma_wait3A_724 = arith.constant 0 : i32
        %dma_wait3A_725 = tpu.memref_slice %arg11[%add3A_120, %dma_wait3A_724] : memref<324x64xi32, #tpu.memory_space<vmem>> -> memref<1x64xi32, #tpu.memory_space<vmem>>
        %dma_wait3A_726 = tpu.memref_squeeze %dma_wait3A_725 : memref<1x64xi32, #tpu.memory_space<vmem>> -> memref<64xi32, #tpu.memory_space<vmem>>
        %dma_wait3A_727 = arith.constant 0 : i32
        %dma_wait3A_728 = arith.constant 0 : i32
        %dma_wait3A_729 = tpu.memref_slice %arg5[%dma_wait3A_727, %dma_wait3A_728] : memref<10000x96xf32, #tpu.memory_space<hbm>> -> memref<10000x96xf32, #tpu.memory_space<hbm>>
        %dma_wait3A_730 = tpu.memref_slice %arg19[%dma_wait3A_719] : memref<2x!tpu.dma_semaphore, #tpu.memory_space<semaphore_mem>> -> memref<1x!tpu.dma_semaphore, #tpu.memory_space<semaphore_mem>>
        %dma_wait3A_731 = tpu.memref_squeeze %dma_wait3A_730 : memref<1x!tpu.dma_semaphore, #tpu.memory_space<semaphore_mem>> -> memref<!tpu.dma_semaphore, #tpu.memory_space<semaphore_mem>>
        tpu.wait_indirect_dma semaphore(%dma_wait3A_731 : memref<!tpu.dma_semaphore, #tpu.memory_space<semaphore_mem>>) src(%dma_wait3A_729 : memref<10000x96xf32, #tpu.memory_space<hbm>>) dst(%dma_wait3A_723 : memref<64x96xf32, #tpu.memory_space<vmem>>)
      } else {
      }
      %eq3A_398 = arith.constant 1 : i32
      %eq3A_399 = arith.cmpi eq, %arg0, %eq3A_398 : i32
      %convert_element_type3A_400 = arith.extui %eq3A_399 : i1 to i32
      %cond3A_401 = arith.constant 0 : i32
      %cond3A_402 = arith.cmpi ne, %convert_element_type3A_400, %cond3A_401 : i32
      scf.if %cond3A_402 {
        %dma_wait3A = arith.constant 0 : i32
        %dma_wait3A_719 = arith.constant 0 : i32
        %dma_wait3A_720 = arith.constant 0 : i32
        %dma_wait3A_721 = arith.constant 0 : i32
        %dma_wait3A_722 = tpu.memref_slice %arg13[%dma_wait3A, %dma_wait3A_720, %dma_wait3A_721] : memref<2x64x96xf32, #tpu.memory_space<vmem>> -> memref<1x64x96xf32, #tpu.memory_space<vmem>>
        %dma_wait3A_723 = tpu.memref_squeeze %dma_wait3A_722 : memref<1x64x96xf32, #tpu.memory_space<vmem>> -> memref<64x96xf32, #tpu.memory_space<vmem>>
        %dma_wait3A_724 = arith.constant 0 : i32
        %dma_wait3A_725 = tpu.memref_slice %arg11[%add3A_120, %dma_wait3A_724] : memref<324x64xi32, #tpu.memory_space<vmem>> -> memref<1x64xi32, #tpu.memory_space<vmem>>
        %dma_wait3A_726 = tpu.memref_squeeze %dma_wait3A_725 : memref<1x64xi32, #tpu.memory_space<vmem>> -> memref<64xi32, #tpu.memory_space<vmem>>
        %dma_wait3A_727 = arith.constant 0 : i32
        %dma_wait3A_728 = arith.constant 0 : i32
        %dma_wait3A_729 = tpu.memref_slice %arg6[%dma_wait3A_727, %dma_wait3A_728] : memref<10000x96xf32, #tpu.memory_space<hbm>> -> memref<10000x96xf32, #tpu.memory_space<hbm>>
        %dma_wait3A_730 = tpu.memref_slice %arg19[%dma_wait3A_719] : memref<2x!tpu.dma_semaphore, #tpu.memory_space<semaphore_mem>> -> memref<1x!tpu.dma_semaphore, #tpu.memory_space<semaphore_mem>>
        %dma_wait3A_731 = tpu.memref_squeeze %dma_wait3A_730 : memref<1x!tpu.dma_semaphore, #tpu.memory_space<semaphore_mem>> -> memref<!tpu.dma_semaphore, #tpu.memory_space<semaphore_mem>>
        tpu.wait_indirect_dma semaphore(%dma_wait3A_731 : memref<!tpu.dma_semaphore, #tpu.memory_space<semaphore_mem>>) src(%dma_wait3A_729 : memref<10000x96xf32, #tpu.memory_space<hbm>>) dst(%dma_wait3A_723 : memref<64x96xf32, #tpu.memory_space<vmem>>)
      } else {
      }
      %scan3A_403 = arith.constant 0 : i32
      %scan3A_404 = arith.constant 0 : i32
      %scan3A_405 = arith.constant 64 : i32
      %scan3A_406 = arith.addi %scan3A_404, %scan3A_405 : i32
      %scan3A_407 = arith.constant 1 : i32
      scf.for %scan3A_719 = %scan3A_404 to %scan3A_406 step %scan3A_407  : i32 {
        %broadcast_in_dim3A_720 = arith.constant 0 : i32
        %broadcast_in_dim3A_721 = vector.broadcast %broadcast_in_dim3A_720 : i32 to vector<16xi32>
        %add3A_722 = vector.broadcast %scan3A_719 : i32 to vector<16xi32>
        %add3A_723 = arith.addi %broadcast_in_dim3A_721, %add3A_722 : vector<16xi32>
        %broadcast_in_dim3A_724 = arith.constant 0 : i32
        %broadcast_in_dim3A_725 = vector.broadcast %broadcast_in_dim3A_724 : i32 to vector<16xi32>
        %gather3A_726 = tpu.vector_load_idx %arg16[%add3A_723, %broadcast_in_dim3A_725] : memref<64x8xf32, #tpu.memory_space<vmem>>[vector<16xi32>, vector<16xi32>], vector<16xf32>,
        %get3A = arith.constant 0 : i32
        %get3A_727 = arith.index_cast %get3A : i32 to index
        %get3A_728 = arith.index_cast %scan3A_719 : i32 to index
        %get3A_729 = arith.constant 0 : index
        %get3A_730 = tpu.vector_load %arg13[%get3A_727, %get3A_728, %get3A_729] {strides = array<i32>} : memref<2x64x96xf32, #tpu.memory_space<vmem>>, vector<16xf32>,
        %mul3A_731 = arith.mulf %get3A_730, %gather3A_726 : vector<16xf32>
        %swap3A = arith.constant 0 : i32
        %swap3A_732 = arith.index_cast %swap3A : i32 to index
        %swap3A_733 = arith.index_cast %scan3A_719 : i32 to index
        %swap3A_734 = arith.constant 0 : index
        %swap3A_735 = tpu.vector_load %arg13[%swap3A_732, %swap3A_733, %swap3A_734] {strides = array<i32>} : memref<2x64x96xf32, #tpu.memory_space<vmem>>, vector<16xf32>,
        tpu.vector_store %arg13[%swap3A_732, %swap3A_733, %swap3A_734], %mul3A_731 {strides = array<i32>} : memref<2x64x96xf32, #tpu.memory_space<vmem>>, vector<16xf32>,
        %get3A_736 = arith.constant 0 : i32
        %get3A_737 = arith.index_cast %get3A_736 : i32 to index
        %get3A_738 = arith.index_cast %scan3A_719 : i32 to index
        %get3A_739 = arith.constant 16 : index
        %get3A_740 = tpu.vector_load %arg13[%get3A_737, %get3A_738, %get3A_739] {strides = array<i32>} : memref<2x64x96xf32, #tpu.memory_space<vmem>>, vector<16xf32>,
        %mul3A_741 = arith.mulf %get3A_740, %gather3A_726 : vector<16xf32>
        %swap3A_742 = arith.constant 0 : i32
        %swap3A_743 = arith.index_cast %swap3A_742 : i32 to index
        %swap3A_744 = arith.index_cast %scan3A_719 : i32 to index
        %swap3A_745 = arith.constant 16 : index
        %swap3A_746 = tpu.vector_load %arg13[%swap3A_743, %swap3A_744, %swap3A_745] {strides = array<i32>} : memref<2x64x96xf32, #tpu.memory_space<vmem>>, vector<16xf32>,
        tpu.vector_store %arg13[%swap3A_743, %swap3A_744, %swap3A_745], %mul3A_741 {strides = array<i32>} : memref<2x64x96xf32, #tpu.memory_space<vmem>>, vector<16xf32>,
        %broadcast_in_dim3A_747 = arith.constant 1 : i32
        %broadcast_in_dim3A_748 = vector.broadcast %broadcast_in_dim3A_747 : i32 to vector<16xi32>
        %gather3A_749 = tpu.vector_load_idx %arg16[%add3A_723, %broadcast_in_dim3A_748] : memref<64x8xf32, #tpu.memory_space<vmem>>[vector<16xi32>, vector<16xi32>], vector<16xf32>,
        %get3A_750 = arith.constant 0 : i32
        %get3A_751 = arith.index_cast %get3A_750 : i32 to index
        %get3A_752 = arith.index_cast %scan3A_719 : i32 to index
        %get3A_753 = arith.constant 32 : index
        %get3A_754 = tpu.vector_load %arg13[%get3A_751, %get3A_752, %get3A_753] {strides = array<i32>} : memref<2x64x96xf32, #tpu.memory_space<vmem>>, vector<16xf32>,
        %mul3A_755 = arith.mulf %get3A_754, %gather3A_749 : vector<16xf32>
        %swap3A_756 = arith.constant 0 : i32
        %swap3A_757 = arith.index_cast %swap3A_756 : i32 to index
        %swap3A_758 = arith.index_cast %scan3A_719 : i32 to index
        %swap3A_759 = arith.constant 32 : index
        %swap3A_760 = tpu.vector_load %arg13[%swap3A_757, %swap3A_758, %swap3A_759] {strides = array<i32>} : memref<2x64x96xf32, #tpu.memory_space<vmem>>, vector<16xf32>,
        tpu.vector_store %arg13[%swap3A_757, %swap3A_758, %swap3A_759], %mul3A_755 {strides = array<i32>} : memref<2x64x96xf32, #tpu.memory_space<vmem>>, vector<16xf32>,
        %get3A_761 = arith.constant 0 : i32
        %get3A_762 = arith.index_cast %get3A_761 : i32 to index
        %get3A_763 = arith.index_cast %scan3A_719 : i32 to index
        %get3A_764 = arith.constant 48 : index
        %get3A_765 = tpu.vector_load %arg13[%get3A_762, %get3A_763, %get3A_764] {strides = array<i32>} : memref<2x64x96xf32, #tpu.memory_space<vmem>>, vector<16xf32>,
        %mul3A_766 = arith.mulf %get3A_765, %gather3A_749 : vector<16xf32>
        %swap3A_767 = arith.constant 0 : i32
        %swap3A_768 = arith.index_cast %swap3A_767 : i32 to index
        %swap3A_769 = arith.index_cast %scan3A_719 : i32 to index
        %swap3A_770 = arith.constant 48 : index
        %swap3A_771 = tpu.vector_load %arg13[%swap3A_768, %swap3A_769, %swap3A_770] {strides = array<i32>} : memref<2x64x96xf32, #tpu.memory_space<vmem>>, vector<16xf32>,
        tpu.vector_store %arg13[%swap3A_768, %swap3A_769, %swap3A_770], %mul3A_766 {strides = array<i32>} : memref<2x64x96xf32, #tpu.memory_space<vmem>>, vector<16xf32>,
        %broadcast_in_dim3A_772 = arith.constant 2 : i32
        %broadcast_in_dim3A_773 = vector.broadcast %broadcast_in_dim3A_772 : i32 to vector<16xi32>
        %gather3A_774 = tpu.vector_load_idx %arg16[%add3A_723, %broadcast_in_dim3A_773] : memref<64x8xf32, #tpu.memory_space<vmem>>[vector<16xi32>, vector<16xi32>], vector<16xf32>,
        %get3A_775 = arith.constant 0 : i32
        %get3A_776 = arith.index_cast %get3A_775 : i32 to index
        %get3A_777 = arith.index_cast %scan3A_719 : i32 to index
        %get3A_778 = arith.constant 64 : index
        %get3A_779 = tpu.vector_load %arg13[%get3A_776, %get3A_777, %get3A_778] {strides = array<i32>} : memref<2x64x96xf32, #tpu.memory_space<vmem>>, vector<16xf32>,
        %mul3A_780 = arith.mulf %get3A_779, %gather3A_774 : vector<16xf32>
        %swap3A_781 = arith.constant 0 : i32
        %swap3A_782 = arith.index_cast %swap3A_781 : i32 to index
        %swap3A_783 = arith.index_cast %scan3A_719 : i32 to index
        %swap3A_784 = arith.constant 64 : index
        %swap3A_785 = tpu.vector_load %arg13[%swap3A_782, %swap3A_783, %swap3A_784] {strides = array<i32>} : memref<2x64x96xf32, #tpu.memory_space<vmem>>, vector<16xf32>,
        tpu.vector_store %arg13[%swap3A_782, %swap3A_783, %swap3A_784], %mul3A_780 {strides = array<i32>} : memref<2x64x96xf32, #tpu.memory_space<vmem>>, vector<16xf32>,
        %get3A_786 = arith.constant 0 : i32
        %get3A_787 = arith.index_cast %get3A_786 : i32 to index
        %get3A_788 = arith.index_cast %scan3A_719 : i32 to index
        %get3A_789 = arith.constant 80 : index
        %get3A_790 = tpu.vector_load %arg13[%get3A_787, %get3A_788, %get3A_789] {strides = array<i32>} : memref<2x64x96xf32, #tpu.memory_space<vmem>>, vector<16xf32>,
        %mul3A_791 = arith.mulf %get3A_790, %gather3A_774 : vector<16xf32>
        %swap3A_792 = arith.constant 0 : i32
        %swap3A_793 = arith.index_cast %swap3A_792 : i32 to index
        %swap3A_794 = arith.index_cast %scan3A_719 : i32 to index
        %swap3A_795 = arith.constant 80 : index
        %swap3A_796 = tpu.vector_load %arg13[%swap3A_793, %swap3A_794, %swap3A_795] {strides = array<i32>} : memref<2x64x96xf32, #tpu.memory_space<vmem>>, vector<16xf32>,
        tpu.vector_store %arg13[%swap3A_793, %swap3A_794, %swap3A_795], %mul3A_791 {strides = array<i32>} : memref<2x64x96xf32, #tpu.memory_space<vmem>>, vector<16xf32>,
      }
      %scan3A_408 = arith.constant 64 : i32
      %run_scoped3A = arith.constant 0 : i32
      "tpu.region"() ({
        %run_scoped3A_719 = tpu.sem_alloc : memref<!tpu.dma_semaphore, #tpu.memory_space<semaphore_mem>>
        %dma_start3A = arith.constant 0 : i32
        %dma_start3A_720 = arith.constant 0 : i32
        %dma_start3A_721 = tpu.memref_slice %arg13[%run_scoped3A, %dma_start3A, %dma_start3A_720] : memref<2x64x96xf32, #tpu.memory_space<vmem>> -> memref<1x64x96xf32, #tpu.memory_space<vmem>>
        %dma_start3A_722 = tpu.memref_squeeze %dma_start3A_721 : memref<1x64x96xf32, #tpu.memory_space<vmem>> -> memref<64x96xf32, #tpu.memory_space<vmem>>
        %dma_start3A_723 = arith.constant 0 : i32
        %dma_start3A_724 = tpu.memref_slice %arg12[%add3A_120, %dma_start3A_723] : memref<324x64xi32, #tpu.memory_space<vmem>> -> memref<1x64xi32, #tpu.memory_space<vmem>>
        %dma_start3A_725 = tpu.memref_squeeze %dma_start3A_724 : memref<1x64xi32, #tpu.memory_space<vmem>> -> memref<64xi32, #tpu.memory_space<vmem>>
        %dma_start3A_726 = arith.constant 0 : i32
        %dma_start3A_727 = arith.constant 0 : i32
        %dma_start3A_728 = tpu.memref_slice %arg17[%dma_start3A_726, %dma_start3A_727] : memref<10000x96xf32, #tpu.memory_space<vmem_shared>> -> memref<10000x96xf32, #tpu.memory_space<vmem_shared>>
        tpu.enqueue_indirect_dma source(%dma_start3A_722 : memref<64x96xf32, #tpu.memory_space<vmem>>) target(%dma_start3A_728 : memref<10000x96xf32, #tpu.memory_space<vmem_shared>>) offsets(%dma_start3A_725 : memref<64xi32, #tpu.memory_space<vmem>>) semaphore(%run_scoped3A_719 : memref<!tpu.dma_semaphore, #tpu.memory_space<semaphore_mem>>) {add = true}
        %dma_wait3A = arith.constant 0 : i32
        %dma_wait3A_729 = arith.constant 0 : i32
        %dma_wait3A_730 = tpu.memref_slice %arg13[%run_scoped3A, %dma_wait3A, %dma_wait3A_729] : memref<2x64x96xf32, #tpu.memory_space<vmem>> -> memref<1x64x96xf32, #tpu.memory_space<vmem>>
        %dma_wait3A_731 = tpu.memref_squeeze %dma_wait3A_730 : memref<1x64x96xf32, #tpu.memory_space<vmem>> -> memref<64x96xf32, #tpu.memory_space<vmem>>
        %dma_wait3A_732 = arith.constant 0 : i32
        %dma_wait3A_733 = tpu.memref_slice %arg12[%add3A_120, %dma_wait3A_732] : memref<324x64xi32, #tpu.memory_space<vmem>> -> memref<1x64xi32, #tpu.memory_space<vmem>>
        %dma_wait3A_734 = tpu.memref_squeeze %dma_wait3A_733 : memref<1x64xi32, #tpu.memory_space<vmem>> -> memref<64xi32, #tpu.memory_space<vmem>>
        %dma_wait3A_735 = arith.constant 0 : i32
        %dma_wait3A_736 = arith.constant 0 : i32
        %dma_wait3A_737 = tpu.memref_slice %arg17[%dma_wait3A_735, %dma_wait3A_736] : memref<10000x96xf32, #tpu.memory_space<vmem_shared>> -> memref<10000x96xf32, #tpu.memory_space<vmem_shared>>
        tpu.wait_indirect_dma semaphore(%run_scoped3A_719 : memref<!tpu.dma_semaphore, #tpu.memory_space<semaphore_mem>>) src(%dma_wait3A_731 : memref<64x96xf32, #tpu.memory_space<vmem>>) dst(%dma_wait3A_737 : memref<10000x96xf32, #tpu.memory_space<vmem_shared>>)
        tpu.yield
      }) : () -> ()
      %eq3A_409 = arith.constant 0 : i32
      %eq3A_410 = arith.cmpi eq, %arg0, %eq3A_409 : i32
      %convert_element_type3A_411 = arith.extui %eq3A_410 : i1 to i32
      %cond3A_412 = arith.constant 0 : i32
      %cond3A_413 = arith.cmpi ne, %convert_element_type3A_411, %cond3A_412 : i32
      scf.if %cond3A_413 {
        "tpu.region"() ({
          %run_scoped3A_719 = tpu.sem_alloc : memref<!tpu.dma_semaphore, #tpu.memory_space<semaphore_mem>>
          %dma_start3A = arith.constant 0 : i32
          %dma_start3A_720 = tpu.memref_slice %arg12[%add3A_120, %dma_start3A] : memref<324x64xi32, #tpu.memory_space<vmem>> -> memref<1x64xi32, #tpu.memory_space<vmem>>
          %dma_start3A_721 = tpu.memref_squeeze %dma_start3A_720 : memref<1x64xi32, #tpu.memory_space<vmem>> -> memref<64xi32, #tpu.memory_space<vmem>>
          %dma_start3A_722 = arith.constant 0 : i32
          %dma_start3A_723 = arith.constant 0 : i32
          %dma_start3A_724 = tpu.memref_slice %arg18[%dma_start3A_722, %dma_start3A_723] : memref<10000x8xf32, #tpu.memory_space<vmem_shared>> -> memref<10000x8xf32, #tpu.memory_space<vmem_shared>>
          tpu.enqueue_indirect_dma source(%arg16 : memref<64x8xf32, #tpu.memory_space<vmem>>) target(%dma_start3A_724 : memref<10000x8xf32, #tpu.memory_space<vmem_shared>>) offsets(%dma_start3A_721 : memref<64xi32, #tpu.memory_space<vmem>>) semaphore(%run_scoped3A_719 : memref<!tpu.dma_semaphore, #tpu.memory_space<semaphore_mem>>) {add = true}
          %dma_wait3A = arith.constant 0 : i32
          %dma_wait3A_725 = tpu.memref_slice %arg12[%add3A_120, %dma_wait3A] : memref<324x64xi32, #tpu.memory_space<vmem>> -> memref<1x64xi32, #tpu.memory_space<vmem>>
          %dma_wait3A_726 = tpu.memref_squeeze %dma_wait3A_725 : memref<1x64xi32, #tpu.memory_space<vmem>> -> memref<64xi32, #tpu.memory_space<vmem>>
          %dma_wait3A_727 = arith.constant 0 : i32
          %dma_wait3A_728 = arith.constant 0 : i32
          %dma_wait3A_729 = tpu.memref_slice %arg18[%dma_wait3A_727, %dma_wait3A_728] : memref<10000x8xf32, #tpu.memory_space<vmem_shared>> -> memref<10000x8xf32, #tpu.memory_space<vmem_shared>>
          tpu.wait_indirect_dma semaphore(%run_scoped3A_719 : memref<!tpu.dma_semaphore, #tpu.memory_space<semaphore_mem>>) src(%arg16 : memref<64x8xf32, #tpu.memory_space<vmem>>) dst(%dma_wait3A_729 : memref<10000x8xf32, #tpu.memory_space<vmem_shared>>)
          tpu.yield
        }) : () -> ()
      } else {
      }
      %mul3A_414 = arith.constant 2 : i32
      %mul3A_415 = arith.muli %scan3A_116, %mul3A_414 : i32
      %add3A_416 = arith.constant 1 : i32
      %add3A_417 = arith.addi %mul3A_415, %add3A_416 : i32
      %add3A_418 = arith.constant 1 : i32
      %add3A_419 = arith.addi %add3A_417, %add3A_418 : i32
      %lt3A_420 = arith.constant 324 : i32
      %lt3A_421 = arith.cmpi slt, %add3A_419, %lt3A_420 : i32
      %convert_element_type3A_422 = arith.extui %lt3A_421 : i1 to i32
      %cond3A_423 = arith.constant 0 : i32
      %cond3A_424 = arith.cmpi ne, %convert_element_type3A_422, %cond3A_423 : i32
      scf.if %cond3A_424 {
        %add3A_719 = arith.constant 1 : i32
        %add3A_720 = arith.addi %add3A_417, %add3A_719 : i32
        %eq3A_721 = arith.constant 0 : i32
        %eq3A_722 = arith.cmpi eq, %arg0, %eq3A_721 : i32
        %convert_element_type3A_723 = arith.extui %eq3A_722 : i1 to i32
        %cond3A_724 = arith.constant 0 : i32
        %cond3A_725 = arith.cmpi ne, %convert_element_type3A_723, %cond3A_724 : i32
        scf.if %cond3A_725 {
          %dma_start3A = arith.constant 0 : i32
          %dma_start3A_731 = arith.constant 0 : i32
          %dma_start3A_732 = arith.constant 0 : i32
          %dma_start3A_733 = arith.constant 0 : i32
          %dma_start3A_734 = tpu.memref_slice %arg13[%dma_start3A, %dma_start3A_732, %dma_start3A_733] : memref<2x64x96xf32, #tpu.memory_space<vmem>> -> memref<1x64x96xf32, #tpu.memory_space<vmem>>
          %dma_start3A_735 = tpu.memref_squeeze %dma_start3A_734 : memref<1x64x96xf32, #tpu.memory_space<vmem>> -> memref<64x96xf32, #tpu.memory_space<vmem>>
          %dma_start3A_736 = arith.constant 0 : i32
          %dma_start3A_737 = tpu.memref_slice %arg11[%add3A_720, %dma_start3A_736] : memref<324x64xi32, #tpu.memory_space<vmem>> -> memref<1x64xi32, #tpu.memory_space<vmem>>
          %dma_start3A_738 = tpu.memref_squeeze %dma_start3A_737 : memref<1x64xi32, #tpu.memory_space<vmem>> -> memref<64xi32, #tpu.memory_space<vmem>>
          %dma_start3A_739 = arith.constant 0 : i32
          %dma_start3A_740 = arith.constant 0 : i32
          %dma_start3A_741 = tpu.memref_slice %arg5[%dma_start3A_739, %dma_start3A_740] : memref<10000x96xf32, #tpu.memory_space<hbm>> -> memref<10000x96xf32, #tpu.memory_space<hbm>>
          %dma_start3A_742 = tpu.memref_slice %arg19[%dma_start3A_731] : memref<2x!tpu.dma_semaphore, #tpu.memory_space<semaphore_mem>> -> memref<1x!tpu.dma_semaphore, #tpu.memory_space<semaphore_mem>>
          %dma_start3A_743 = tpu.memref_squeeze %dma_start3A_742 : memref<1x!tpu.dma_semaphore, #tpu.memory_space<semaphore_mem>> -> memref<!tpu.dma_semaphore, #tpu.memory_space<semaphore_mem>>
          tpu.enqueue_indirect_dma source(%dma_start3A_741 : memref<10000x96xf32, #tpu.memory_space<hbm>>) target(%dma_start3A_735 : memref<64x96xf32, #tpu.memory_space<vmem>>) offsets(%dma_start3A_738 : memref<64xi32, #tpu.memory_space<vmem>>) semaphore(%dma_start3A_743 : memref<!tpu.dma_semaphore, #tpu.memory_space<semaphore_mem>>)
        } else {
        }
        %eq3A_726 = arith.constant 1 : i32
        %eq3A_727 = arith.cmpi eq, %arg0, %eq3A_726 : i32
        %convert_element_type3A_728 = arith.extui %eq3A_727 : i1 to i32
        %cond3A_729 = arith.constant 0 : i32
        %cond3A_730 = arith.cmpi ne, %convert_element_type3A_728, %cond3A_729 : i32
        scf.if %cond3A_730 {
          %dma_start3A = arith.constant 0 : i32
          %dma_start3A_731 = arith.constant 0 : i32
          %dma_start3A_732 = arith.constant 0 : i32
          %dma_start3A_733 = arith.constant 0 : i32
          %dma_start3A_734 = tpu.memref_slice %arg13[%dma_start3A, %dma_start3A_732, %dma_start3A_733] : memref<2x64x96xf32, #tpu.memory_space<vmem>> -> memref<1x64x96xf32, #tpu.memory_space<vmem>>
          %dma_start3A_735 = tpu.memref_squeeze %dma_start3A_734 : memref<1x64x96xf32, #tpu.memory_space<vmem>> -> memref<64x96xf32, #tpu.memory_space<vmem>>
          %dma_start3A_736 = arith.constant 0 : i32
          %dma_start3A_737 = tpu.memref_slice %arg11[%add3A_720, %dma_start3A_736] : memref<324x64xi32, #tpu.memory_space<vmem>> -> memref<1x64xi32, #tpu.memory_space<vmem>>
          %dma_start3A_738 = tpu.memref_squeeze %dma_start3A_737 : memref<1x64xi32, #tpu.memory_space<vmem>> -> memref<64xi32, #tpu.memory_space<vmem>>
          %dma_start3A_739 = arith.constant 0 : i32
          %dma_start3A_740 = arith.constant 0 : i32
          %dma_start3A_741 = tpu.memref_slice %arg6[%dma_start3A_739, %dma_start3A_740] : memref<10000x96xf32, #tpu.memory_space<hbm>> -> memref<10000x96xf32, #tpu.memory_space<hbm>>
          %dma_start3A_742 = tpu.memref_slice %arg19[%dma_start3A_731] : memref<2x!tpu.dma_semaphore, #tpu.memory_space<semaphore_mem>> -> memref<1x!tpu.dma_semaphore, #tpu.memory_space<semaphore_mem>>
          %dma_start3A_743 = tpu.memref_squeeze %dma_start3A_742 : memref<1x!tpu.dma_semaphore, #tpu.memory_space<semaphore_mem>> -> memref<!tpu.dma_semaphore, #tpu.memory_space<semaphore_mem>>
          tpu.enqueue_indirect_dma source(%dma_start3A_741 : memref<10000x96xf32, #tpu.memory_space<hbm>>) target(%dma_start3A_735 : memref<64x96xf32, #tpu.memory_space<vmem>>) offsets(%dma_start3A_738 : memref<64xi32, #tpu.memory_space<vmem>>) semaphore(%dma_start3A_743 : memref<!tpu.dma_semaphore, #tpu.memory_space<semaphore_mem>>)
        } else {
        }
      } else {
      }
      "tpu.region"() ({
        %run_scoped3A_719 = tpu.sem_alloc : memref<!tpu.dma_semaphore, #tpu.memory_space<semaphore_mem>>
        %dma_start3A = arith.constant 0 : i32
        %dma_start3A_720 = tpu.memref_slice %arg11[%add3A_417, %dma_start3A] : memref<324x64xi32, #tpu.memory_space<vmem>> -> memref<1x64xi32, #tpu.memory_space<vmem>>
        %dma_start3A_721 = tpu.memref_squeeze %dma_start3A_720 : memref<1x64xi32, #tpu.memory_space<vmem>> -> memref<64xi32, #tpu.memory_space<vmem>>
        %dma_start3A_722 = arith.constant 0 : i32
        %dma_start3A_723 = arith.constant 0 : i32
        %dma_start3A_724 = tpu.memref_slice %arg4[%dma_start3A_722, %dma_start3A_723] : memref<10000x8xf32, #tpu.memory_space<hbm>> -> memref<10000x8xf32, #tpu.memory_space<hbm>>
        tpu.enqueue_indirect_dma source(%dma_start3A_724 : memref<10000x8xf32, #tpu.memory_space<hbm>>) target(%arg14 : memref<64x8xf32, #tpu.memory_space<vmem>>) offsets(%dma_start3A_721 : memref<64xi32, #tpu.memory_space<vmem>>) semaphore(%run_scoped3A_719 : memref<!tpu.dma_semaphore, #tpu.memory_space<semaphore_mem>>)
        %dma_wait3A = arith.constant 0 : i32
        %dma_wait3A_725 = tpu.memref_slice %arg11[%add3A_417, %dma_wait3A] : memref<324x64xi32, #tpu.memory_space<vmem>> -> memref<1x64xi32, #tpu.memory_space<vmem>>
        %dma_wait3A_726 = tpu.memref_squeeze %dma_wait3A_725 : memref<1x64xi32, #tpu.memory_space<vmem>> -> memref<64xi32, #tpu.memory_space<vmem>>
        %dma_wait3A_727 = arith.constant 0 : i32
        %dma_wait3A_728 = arith.constant 0 : i32
        %dma_wait3A_729 = tpu.memref_slice %arg4[%dma_wait3A_727, %dma_wait3A_728] : memref<10000x8xf32, #tpu.memory_space<hbm>> -> memref<10000x8xf32, #tpu.memory_space<hbm>>
        tpu.wait_indirect_dma semaphore(%run_scoped3A_719 : memref<!tpu.dma_semaphore, #tpu.memory_space<semaphore_mem>>) src(%dma_wait3A_729 : memref<10000x8xf32, #tpu.memory_space<hbm>>) dst(%arg14 : memref<64x8xf32, #tpu.memory_space<vmem>>)
        tpu.yield
      }) : () -> ()
      "tpu.region"() ({
        %run_scoped3A_719 = tpu.sem_alloc : memref<!tpu.dma_semaphore, #tpu.memory_space<semaphore_mem>>
        %dma_start3A = arith.constant 0 : i32
        %dma_start3A_720 = tpu.memref_slice %arg12[%add3A_417, %dma_start3A] : memref<324x64xi32, #tpu.memory_space<vmem>> -> memref<1x64xi32, #tpu.memory_space<vmem>>
        %dma_start3A_721 = tpu.memref_squeeze %dma_start3A_720 : memref<1x64xi32, #tpu.memory_space<vmem>> -> memref<64xi32, #tpu.memory_space<vmem>>
        %dma_start3A_722 = arith.constant 0 : i32
        %dma_start3A_723 = arith.constant 0 : i32
        %dma_start3A_724 = tpu.memref_slice %arg4[%dma_start3A_722, %dma_start3A_723] : memref<10000x8xf32, #tpu.memory_space<hbm>> -> memref<10000x8xf32, #tpu.memory_space<hbm>>
        tpu.enqueue_indirect_dma source(%dma_start3A_724 : memref<10000x8xf32, #tpu.memory_space<hbm>>) target(%arg15 : memref<64x8xf32, #tpu.memory_space<vmem>>) offsets(%dma_start3A_721 : memref<64xi32, #tpu.memory_space<vmem>>) semaphore(%run_scoped3A_719 : memref<!tpu.dma_semaphore, #tpu.memory_space<semaphore_mem>>)
        %dma_wait3A = arith.constant 0 : i32
        %dma_wait3A_725 = tpu.memref_slice %arg12[%add3A_417, %dma_wait3A] : memref<324x64xi32, #tpu.memory_space<vmem>> -> memref<1x64xi32, #tpu.memory_space<vmem>>
        %dma_wait3A_726 = tpu.memref_squeeze %dma_wait3A_725 : memref<1x64xi32, #tpu.memory_space<vmem>> -> memref<64xi32, #tpu.memory_space<vmem>>
        %dma_wait3A_727 = arith.constant 0 : i32
        %dma_wait3A_728 = arith.constant 0 : i32
        %dma_wait3A_729 = tpu.memref_slice %arg4[%dma_wait3A_727, %dma_wait3A_728] : memref<10000x8xf32, #tpu.memory_space<hbm>> -> memref<10000x8xf32, #tpu.memory_space<hbm>>
        tpu.wait_indirect_dma semaphore(%run_scoped3A_719 : memref<!tpu.dma_semaphore, #tpu.memory_space<semaphore_mem>>) src(%dma_wait3A_729 : memref<10000x8xf32, #tpu.memory_space<hbm>>) dst(%arg15 : memref<64x8xf32, #tpu.memory_space<vmem>>)
        tpu.yield
      }) : () -> ()
      %add3A_425 = arith.constant 0 : i32
      %add3A_426 = vector.broadcast %add3A_425 : i32 to vector<16xi32>
      %add3A_427 = arith.addi %iota3A, %add3A_426 : vector<16xi32>
      %mul3A_428 = arith.constant 64 : i32
      %mul3A_429 = arith.muli %add3A_417, %mul3A_428 : i32
      %add3A_430 = arith.addi %mul3A_2, %mul3A_429 : i32
      %add3A_431 = vector.broadcast %add3A_430 : i32 to vector<16xi32>
      %add3A_432 = arith.addi %add3A_427, %add3A_431 : vector<16xi32>
      %lt3A_433 = arith.constant 330000 : i32
      %lt3A_434 = vector.broadcast %lt3A_433 : i32 to vector<16xi32>
      %lt3A_435 = arith.cmpi slt, %add3A_432, %lt3A_434 : vector<16xi32>
      %broadcast_in_dim3A_436 = arith.constant 6 : i32
      %broadcast_in_dim3A_437 = vector.broadcast %broadcast_in_dim3A_436 : i32 to vector<16xi32>
      %gather3A_438 = tpu.vector_load_idx %arg14[%add3A_427, %broadcast_in_dim3A_437] : memref<64x8xf32, #tpu.memory_space<vmem>>[vector<16xi32>, vector<16xi32>], vector<16xf32>,
      %broadcast_in_dim3A_439 = arith.constant 0 : i32
      %broadcast_in_dim3A_440 = vector.broadcast %broadcast_in_dim3A_439 : i32 to vector<16xi32>
      %gather3A_441 = tpu.vector_load_idx %arg14[%add3A_427, %broadcast_in_dim3A_440] : memref<64x8xf32, #tpu.memory_space<vmem>>[vector<16xi32>, vector<16xi32>], vector<16xf32>,
      %broadcast_in_dim3A_442 = arith.constant 3 : i32
      %broadcast_in_dim3A_443 = vector.broadcast %broadcast_in_dim3A_442 : i32 to vector<16xi32>
      %gather3A_444 = tpu.vector_load_idx %arg15[%add3A_427, %broadcast_in_dim3A_443] : memref<64x8xf32, #tpu.memory_space<vmem>>[vector<16xi32>, vector<16xi32>], vector<16xf32>,
      %add3A_445 = arith.addf %gather3A_441, %gather3A_444 : vector<16xf32>
      %mul3A_446 = arith.constant 2.000000e-01 : f32
      %mul3A_447 = vector.broadcast %mul3A_446 : f32 to vector<16xf32>
      %mul3A_448 = arith.mulf %mul3A_447, %add3A_445 : vector<16xf32>
      %max3A_449 = arith.maximumf %add3A_445, %mul3A_448 : vector<16xf32>
      %sub3A_450 = arith.subf %max3A_449, %gather3A_438 : vector<16xf32>
      %exp3A_451 = math.exp %sub3A_450 : vector<16xf32>
      %jit3A_452 = arith.constant 0.000000e+00 : f32
      %broadcast_in_dim3A_453 = vector.broadcast %jit3A_452 : f32 to vector<16xf32>
      %select_n3A_454 = arith.select %lt3A_435, %exp3A_451, %broadcast_in_dim3A_453 : vector<16xi1>, vector<16xf32>
      %broadcast_in_dim3A_455 = arith.constant 0 : i32
      %broadcast_in_dim3A_456 = vector.broadcast %broadcast_in_dim3A_455 : i32 to vector<16xi32>
      tpu.vector_store_idx %arg16[%add3A_427, %broadcast_in_dim3A_456], %select_n3A_454 : memref<64x8xf32, #tpu.memory_space<vmem>>[vector<16xi32>, vector<16xi32>], vector<16xf32>,
      %broadcast_in_dim3A_457 = arith.constant 1 : i32
      %broadcast_in_dim3A_458 = vector.broadcast %broadcast_in_dim3A_457 : i32 to vector<16xi32>
      %gather3A_459 = tpu.vector_load_idx %arg14[%add3A_427, %broadcast_in_dim3A_458] : memref<64x8xf32, #tpu.memory_space<vmem>>[vector<16xi32>, vector<16xi32>], vector<16xf32>,
      %broadcast_in_dim3A_460 = arith.constant 4 : i32
      %broadcast_in_dim3A_461 = vector.broadcast %broadcast_in_dim3A_460 : i32 to vector<16xi32>
      %gather3A_462 = tpu.vector_load_idx %arg15[%add3A_427, %broadcast_in_dim3A_461] : memref<64x8xf32, #tpu.memory_space<vmem>>[vector<16xi32>, vector<16xi32>], vector<16xf32>,
      %add3A_463 = arith.addf %gather3A_459, %gather3A_462 : vector<16xf32>
      %mul3A_464 = arith.constant 2.000000e-01 : f32
      %mul3A_465 = vector.broadcast %mul3A_464 : f32 to vector<16xf32>
      %mul3A_466 = arith.mulf %mul3A_465, %add3A_463 : vector<16xf32>
      %max3A_467 = arith.maximumf %add3A_463, %mul3A_466 : vector<16xf32>
      %sub3A_468 = arith.subf %max3A_467, %gather3A_438 : vector<16xf32>
      %exp3A_469 = math.exp %sub3A_468 : vector<16xf32>
      %jit3A_470 = arith.constant 0.000000e+00 : f32
      %broadcast_in_dim3A_471 = vector.broadcast %jit3A_470 : f32 to vector<16xf32>
      %select_n3A_472 = arith.select %lt3A_435, %exp3A_469, %broadcast_in_dim3A_471 : vector<16xi1>, vector<16xf32>
      %broadcast_in_dim3A_473 = arith.constant 1 : i32
      %broadcast_in_dim3A_474 = vector.broadcast %broadcast_in_dim3A_473 : i32 to vector<16xi32>
      tpu.vector_store_idx %arg16[%add3A_427, %broadcast_in_dim3A_474], %select_n3A_472 : memref<64x8xf32, #tpu.memory_space<vmem>>[vector<16xi32>, vector<16xi32>], vector<16xf32>,
      %broadcast_in_dim3A_475 = arith.constant 2 : i32
      %broadcast_in_dim3A_476 = vector.broadcast %broadcast_in_dim3A_475 : i32 to vector<16xi32>
      %gather3A_477 = tpu.vector_load_idx %arg14[%add3A_427, %broadcast_in_dim3A_476] : memref<64x8xf32, #tpu.memory_space<vmem>>[vector<16xi32>, vector<16xi32>], vector<16xf32>,
      %broadcast_in_dim3A_478 = arith.constant 5 : i32
      %broadcast_in_dim3A_479 = vector.broadcast %broadcast_in_dim3A_478 : i32 to vector<16xi32>
      %gather3A_480 = tpu.vector_load_idx %arg15[%add3A_427, %broadcast_in_dim3A_479] : memref<64x8xf32, #tpu.memory_space<vmem>>[vector<16xi32>, vector<16xi32>], vector<16xf32>,
      %add3A_481 = arith.addf %gather3A_477, %gather3A_480 : vector<16xf32>
      %mul3A_482 = arith.constant 2.000000e-01 : f32
      %mul3A_483 = vector.broadcast %mul3A_482 : f32 to vector<16xf32>
      %mul3A_484 = arith.mulf %mul3A_483, %add3A_481 : vector<16xf32>
      %max3A_485 = arith.maximumf %add3A_481, %mul3A_484 : vector<16xf32>
      %sub3A_486 = arith.subf %max3A_485, %gather3A_438 : vector<16xf32>
      %exp3A_487 = math.exp %sub3A_486 : vector<16xf32>
      %jit3A_488 = arith.constant 0.000000e+00 : f32
      %broadcast_in_dim3A_489 = vector.broadcast %jit3A_488 : f32 to vector<16xf32>
      %select_n3A_490 = arith.select %lt3A_435, %exp3A_487, %broadcast_in_dim3A_489 : vector<16xi1>, vector<16xf32>
      %broadcast_in_dim3A_491 = arith.constant 2 : i32
      %broadcast_in_dim3A_492 = vector.broadcast %broadcast_in_dim3A_491 : i32 to vector<16xi32>
      tpu.vector_store_idx %arg16[%add3A_427, %broadcast_in_dim3A_492], %select_n3A_490 : memref<64x8xf32, #tpu.memory_space<vmem>>[vector<16xi32>, vector<16xi32>], vector<16xf32>,
      %add3A_493 = arith.constant 16 : i32
      %add3A_494 = vector.broadcast %add3A_493 : i32 to vector<16xi32>
      %add3A_495 = arith.addi %iota3A, %add3A_494 : vector<16xi32>
      %mul3A_496 = arith.constant 64 : i32
      %mul3A_497 = arith.muli %add3A_417, %mul3A_496 : i32
      %add3A_498 = arith.addi %mul3A_2, %mul3A_497 : i32
      %add3A_499 = vector.broadcast %add3A_498 : i32 to vector<16xi32>
      %add3A_500 = arith.addi %add3A_495, %add3A_499 : vector<16xi32>
      %lt3A_501 = arith.constant 330000 : i32
      %lt3A_502 = vector.broadcast %lt3A_501 : i32 to vector<16xi32>
      %lt3A_503 = arith.cmpi slt, %add3A_500, %lt3A_502 : vector<16xi32>
      %broadcast_in_dim3A_504 = arith.constant 6 : i32
      %broadcast_in_dim3A_505 = vector.broadcast %broadcast_in_dim3A_504 : i32 to vector<16xi32>
      %gather3A_506 = tpu.vector_load_idx %arg14[%add3A_495, %broadcast_in_dim3A_505] : memref<64x8xf32, #tpu.memory_space<vmem>>[vector<16xi32>, vector<16xi32>], vector<16xf32>,
      %broadcast_in_dim3A_507 = arith.constant 0 : i32
      %broadcast_in_dim3A_508 = vector.broadcast %broadcast_in_dim3A_507 : i32 to vector<16xi32>
      %gather3A_509 = tpu.vector_load_idx %arg14[%add3A_495, %broadcast_in_dim3A_508] : memref<64x8xf32, #tpu.memory_space<vmem>>[vector<16xi32>, vector<16xi32>], vector<16xf32>,
      %broadcast_in_dim3A_510 = arith.constant 3 : i32
      %broadcast_in_dim3A_511 = vector.broadcast %broadcast_in_dim3A_510 : i32 to vector<16xi32>
      %gather3A_512 = tpu.vector_load_idx %arg15[%add3A_495, %broadcast_in_dim3A_511] : memref<64x8xf32, #tpu.memory_space<vmem>>[vector<16xi32>, vector<16xi32>], vector<16xf32>,
      %add3A_513 = arith.addf %gather3A_509, %gather3A_512 : vector<16xf32>
      %mul3A_514 = arith.constant 2.000000e-01 : f32
      %mul3A_515 = vector.broadcast %mul3A_514 : f32 to vector<16xf32>
      %mul3A_516 = arith.mulf %mul3A_515, %add3A_513 : vector<16xf32>
      %max3A_517 = arith.maximumf %add3A_513, %mul3A_516 : vector<16xf32>
      %sub3A_518 = arith.subf %max3A_517, %gather3A_506 : vector<16xf32>
      %exp3A_519 = math.exp %sub3A_518 : vector<16xf32>
      %jit3A_520 = arith.constant 0.000000e+00 : f32
      %broadcast_in_dim3A_521 = vector.broadcast %jit3A_520 : f32 to vector<16xf32>
      %select_n3A_522 = arith.select %lt3A_503, %exp3A_519, %broadcast_in_dim3A_521 : vector<16xi1>, vector<16xf32>
      %broadcast_in_dim3A_523 = arith.constant 0 : i32
      %broadcast_in_dim3A_524 = vector.broadcast %broadcast_in_dim3A_523 : i32 to vector<16xi32>
      tpu.vector_store_idx %arg16[%add3A_495, %broadcast_in_dim3A_524], %select_n3A_522 : memref<64x8xf32, #tpu.memory_space<vmem>>[vector<16xi32>, vector<16xi32>], vector<16xf32>,
      %broadcast_in_dim3A_525 = arith.constant 1 : i32
      %broadcast_in_dim3A_526 = vector.broadcast %broadcast_in_dim3A_525 : i32 to vector<16xi32>
      %gather3A_527 = tpu.vector_load_idx %arg14[%add3A_495, %broadcast_in_dim3A_526] : memref<64x8xf32, #tpu.memory_space<vmem>>[vector<16xi32>, vector<16xi32>], vector<16xf32>,
      %broadcast_in_dim3A_528 = arith.constant 4 : i32
      %broadcast_in_dim3A_529 = vector.broadcast %broadcast_in_dim3A_528 : i32 to vector<16xi32>
      %gather3A_530 = tpu.vector_load_idx %arg15[%add3A_495, %broadcast_in_dim3A_529] : memref<64x8xf32, #tpu.memory_space<vmem>>[vector<16xi32>, vector<16xi32>], vector<16xf32>,
      %add3A_531 = arith.addf %gather3A_527, %gather3A_530 : vector<16xf32>
      %mul3A_532 = arith.constant 2.000000e-01 : f32
      %mul3A_533 = vector.broadcast %mul3A_532 : f32 to vector<16xf32>
      %mul3A_534 = arith.mulf %mul3A_533, %add3A_531 : vector<16xf32>
      %max3A_535 = arith.maximumf %add3A_531, %mul3A_534 : vector<16xf32>
      %sub3A_536 = arith.subf %max3A_535, %gather3A_506 : vector<16xf32>
      %exp3A_537 = math.exp %sub3A_536 : vector<16xf32>
      %jit3A_538 = arith.constant 0.000000e+00 : f32
      %broadcast_in_dim3A_539 = vector.broadcast %jit3A_538 : f32 to vector<16xf32>
      %select_n3A_540 = arith.select %lt3A_503, %exp3A_537, %broadcast_in_dim3A_539 : vector<16xi1>, vector<16xf32>
      %broadcast_in_dim3A_541 = arith.constant 1 : i32
      %broadcast_in_dim3A_542 = vector.broadcast %broadcast_in_dim3A_541 : i32 to vector<16xi32>
      tpu.vector_store_idx %arg16[%add3A_495, %broadcast_in_dim3A_542], %select_n3A_540 : memref<64x8xf32, #tpu.memory_space<vmem>>[vector<16xi32>, vector<16xi32>], vector<16xf32>,
      %broadcast_in_dim3A_543 = arith.constant 2 : i32
      %broadcast_in_dim3A_544 = vector.broadcast %broadcast_in_dim3A_543 : i32 to vector<16xi32>
      %gather3A_545 = tpu.vector_load_idx %arg14[%add3A_495, %broadcast_in_dim3A_544] : memref<64x8xf32, #tpu.memory_space<vmem>>[vector<16xi32>, vector<16xi32>], vector<16xf32>,
      %broadcast_in_dim3A_546 = arith.constant 5 : i32
      %broadcast_in_dim3A_547 = vector.broadcast %broadcast_in_dim3A_546 : i32 to vector<16xi32>
      %gather3A_548 = tpu.vector_load_idx %arg15[%add3A_495, %broadcast_in_dim3A_547] : memref<64x8xf32, #tpu.memory_space<vmem>>[vector<16xi32>, vector<16xi32>], vector<16xf32>,
      %add3A_549 = arith.addf %gather3A_545, %gather3A_548 : vector<16xf32>
      %mul3A_550 = arith.constant 2.000000e-01 : f32
      %mul3A_551 = vector.broadcast %mul3A_550 : f32 to vector<16xf32>
      %mul3A_552 = arith.mulf %mul3A_551, %add3A_549 : vector<16xf32>
      %max3A_553 = arith.maximumf %add3A_549, %mul3A_552 : vector<16xf32>
      %sub3A_554 = arith.subf %max3A_553, %gather3A_506 : vector<16xf32>
      %exp3A_555 = math.exp %sub3A_554 : vector<16xf32>
      %jit3A_556 = arith.constant 0.000000e+00 : f32
      %broadcast_in_dim3A_557 = vector.broadcast %jit3A_556 : f32 to vector<16xf32>
      %select_n3A_558 = arith.select %lt3A_503, %exp3A_555, %broadcast_in_dim3A_557 : vector<16xi1>, vector<16xf32>
      %broadcast_in_dim3A_559 = arith.constant 2 : i32
      %broadcast_in_dim3A_560 = vector.broadcast %broadcast_in_dim3A_559 : i32 to vector<16xi32>
      tpu.vector_store_idx %arg16[%add3A_495, %broadcast_in_dim3A_560], %select_n3A_558 : memref<64x8xf32, #tpu.memory_space<vmem>>[vector<16xi32>, vector<16xi32>], vector<16xf32>,
      %add3A_561 = arith.constant 32 : i32
      %add3A_562 = vector.broadcast %add3A_561 : i32 to vector<16xi32>
      %add3A_563 = arith.addi %iota3A, %add3A_562 : vector<16xi32>
      %mul3A_564 = arith.constant 64 : i32
      %mul3A_565 = arith.muli %add3A_417, %mul3A_564 : i32
      %add3A_566 = arith.addi %mul3A_2, %mul3A_565 : i32
      %add3A_567 = vector.broadcast %add3A_566 : i32 to vector<16xi32>
      %add3A_568 = arith.addi %add3A_563, %add3A_567 : vector<16xi32>
      %lt3A_569 = arith.constant 330000 : i32
      %lt3A_570 = vector.broadcast %lt3A_569 : i32 to vector<16xi32>
      %lt3A_571 = arith.cmpi slt, %add3A_568, %lt3A_570 : vector<16xi32>
      %broadcast_in_dim3A_572 = arith.constant 6 : i32
      %broadcast_in_dim3A_573 = vector.broadcast %broadcast_in_dim3A_572 : i32 to vector<16xi32>
      %gather3A_574 = tpu.vector_load_idx %arg14[%add3A_563, %broadcast_in_dim3A_573] : memref<64x8xf32, #tpu.memory_space<vmem>>[vector<16xi32>, vector<16xi32>], vector<16xf32>,
      %broadcast_in_dim3A_575 = arith.constant 0 : i32
      %broadcast_in_dim3A_576 = vector.broadcast %broadcast_in_dim3A_575 : i32 to vector<16xi32>
      %gather3A_577 = tpu.vector_load_idx %arg14[%add3A_563, %broadcast_in_dim3A_576] : memref<64x8xf32, #tpu.memory_space<vmem>>[vector<16xi32>, vector<16xi32>], vector<16xf32>,
      %broadcast_in_dim3A_578 = arith.constant 3 : i32
      %broadcast_in_dim3A_579 = vector.broadcast %broadcast_in_dim3A_578 : i32 to vector<16xi32>
      %gather3A_580 = tpu.vector_load_idx %arg15[%add3A_563, %broadcast_in_dim3A_579] : memref<64x8xf32, #tpu.memory_space<vmem>>[vector<16xi32>, vector<16xi32>], vector<16xf32>,
      %add3A_581 = arith.addf %gather3A_577, %gather3A_580 : vector<16xf32>
      %mul3A_582 = arith.constant 2.000000e-01 : f32
      %mul3A_583 = vector.broadcast %mul3A_582 : f32 to vector<16xf32>
      %mul3A_584 = arith.mulf %mul3A_583, %add3A_581 : vector<16xf32>
      %max3A_585 = arith.maximumf %add3A_581, %mul3A_584 : vector<16xf32>
      %sub3A_586 = arith.subf %max3A_585, %gather3A_574 : vector<16xf32>
      %exp3A_587 = math.exp %sub3A_586 : vector<16xf32>
      %jit3A_588 = arith.constant 0.000000e+00 : f32
      %broadcast_in_dim3A_589 = vector.broadcast %jit3A_588 : f32 to vector<16xf32>
      %select_n3A_590 = arith.select %lt3A_571, %exp3A_587, %broadcast_in_dim3A_589 : vector<16xi1>, vector<16xf32>
      %broadcast_in_dim3A_591 = arith.constant 0 : i32
      %broadcast_in_dim3A_592 = vector.broadcast %broadcast_in_dim3A_591 : i32 to vector<16xi32>
      tpu.vector_store_idx %arg16[%add3A_563, %broadcast_in_dim3A_592], %select_n3A_590 : memref<64x8xf32, #tpu.memory_space<vmem>>[vector<16xi32>, vector<16xi32>], vector<16xf32>,
      %broadcast_in_dim3A_593 = arith.constant 1 : i32
      %broadcast_in_dim3A_594 = vector.broadcast %broadcast_in_dim3A_593 : i32 to vector<16xi32>
      %gather3A_595 = tpu.vector_load_idx %arg14[%add3A_563, %broadcast_in_dim3A_594] : memref<64x8xf32, #tpu.memory_space<vmem>>[vector<16xi32>, vector<16xi32>], vector<16xf32>,
      %broadcast_in_dim3A_596 = arith.constant 4 : i32
      %broadcast_in_dim3A_597 = vector.broadcast %broadcast_in_dim3A_596 : i32 to vector<16xi32>
      %gather3A_598 = tpu.vector_load_idx %arg15[%add3A_563, %broadcast_in_dim3A_597] : memref<64x8xf32, #tpu.memory_space<vmem>>[vector<16xi32>, vector<16xi32>], vector<16xf32>,
      %add3A_599 = arith.addf %gather3A_595, %gather3A_598 : vector<16xf32>
      %mul3A_600 = arith.constant 2.000000e-01 : f32
      %mul3A_601 = vector.broadcast %mul3A_600 : f32 to vector<16xf32>
      %mul3A_602 = arith.mulf %mul3A_601, %add3A_599 : vector<16xf32>
      %max3A_603 = arith.maximumf %add3A_599, %mul3A_602 : vector<16xf32>
      %sub3A_604 = arith.subf %max3A_603, %gather3A_574 : vector<16xf32>
      %exp3A_605 = math.exp %sub3A_604 : vector<16xf32>
      %jit3A_606 = arith.constant 0.000000e+00 : f32
      %broadcast_in_dim3A_607 = vector.broadcast %jit3A_606 : f32 to vector<16xf32>
      %select_n3A_608 = arith.select %lt3A_571, %exp3A_605, %broadcast_in_dim3A_607 : vector<16xi1>, vector<16xf32>
      %broadcast_in_dim3A_609 = arith.constant 1 : i32
      %broadcast_in_dim3A_610 = vector.broadcast %broadcast_in_dim3A_609 : i32 to vector<16xi32>
      tpu.vector_store_idx %arg16[%add3A_563, %broadcast_in_dim3A_610], %select_n3A_608 : memref<64x8xf32, #tpu.memory_space<vmem>>[vector<16xi32>, vector<16xi32>], vector<16xf32>,
      %broadcast_in_dim3A_611 = arith.constant 2 : i32
      %broadcast_in_dim3A_612 = vector.broadcast %broadcast_in_dim3A_611 : i32 to vector<16xi32>
      %gather3A_613 = tpu.vector_load_idx %arg14[%add3A_563, %broadcast_in_dim3A_612] : memref<64x8xf32, #tpu.memory_space<vmem>>[vector<16xi32>, vector<16xi32>], vector<16xf32>,
      %broadcast_in_dim3A_614 = arith.constant 5 : i32
      %broadcast_in_dim3A_615 = vector.broadcast %broadcast_in_dim3A_614 : i32 to vector<16xi32>
      %gather3A_616 = tpu.vector_load_idx %arg15[%add3A_563, %broadcast_in_dim3A_615] : memref<64x8xf32, #tpu.memory_space<vmem>>[vector<16xi32>, vector<16xi32>], vector<16xf32>,
      %add3A_617 = arith.addf %gather3A_613, %gather3A_616 : vector<16xf32>
      %mul3A_618 = arith.constant 2.000000e-01 : f32
      %mul3A_619 = vector.broadcast %mul3A_618 : f32 to vector<16xf32>
      %mul3A_620 = arith.mulf %mul3A_619, %add3A_617 : vector<16xf32>
      %max3A_621 = arith.maximumf %add3A_617, %mul3A_620 : vector<16xf32>
      %sub3A_622 = arith.subf %max3A_621, %gather3A_574 : vector<16xf32>
      %exp3A_623 = math.exp %sub3A_622 : vector<16xf32>
      %jit3A_624 = arith.constant 0.000000e+00 : f32
      %broadcast_in_dim3A_625 = vector.broadcast %jit3A_624 : f32 to vector<16xf32>
      %select_n3A_626 = arith.select %lt3A_571, %exp3A_623, %broadcast_in_dim3A_625 : vector<16xi1>, vector<16xf32>
      %broadcast_in_dim3A_627 = arith.constant 2 : i32
      %broadcast_in_dim3A_628 = vector.broadcast %broadcast_in_dim3A_627 : i32 to vector<16xi32>
      tpu.vector_store_idx %arg16[%add3A_563, %broadcast_in_dim3A_628], %select_n3A_626 : memref<64x8xf32, #tpu.memory_space<vmem>>[vector<16xi32>, vector<16xi32>], vector<16xf32>,
      %add3A_629 = arith.constant 48 : i32
      %add3A_630 = vector.broadcast %add3A_629 : i32 to vector<16xi32>
      %add3A_631 = arith.addi %iota3A, %add3A_630 : vector<16xi32>
      %mul3A_632 = arith.constant 64 : i32
      %mul3A_633 = arith.muli %add3A_417, %mul3A_632 : i32
      %add3A_634 = arith.addi %mul3A_2, %mul3A_633 : i32
      %add3A_635 = vector.broadcast %add3A_634 : i32 to vector<16xi32>
      %add3A_636 = arith.addi %add3A_631, %add3A_635 : vector<16xi32>
      %lt3A_637 = arith.constant 330000 : i32
      %lt3A_638 = vector.broadcast %lt3A_637 : i32 to vector<16xi32>
      %lt3A_639 = arith.cmpi slt, %add3A_636, %lt3A_638 : vector<16xi32>
      %broadcast_in_dim3A_640 = arith.constant 6 : i32
      %broadcast_in_dim3A_641 = vector.broadcast %broadcast_in_dim3A_640 : i32 to vector<16xi32>
      %gather3A_642 = tpu.vector_load_idx %arg14[%add3A_631, %broadcast_in_dim3A_641] : memref<64x8xf32, #tpu.memory_space<vmem>>[vector<16xi32>, vector<16xi32>], vector<16xf32>,
      %broadcast_in_dim3A_643 = arith.constant 0 : i32
      %broadcast_in_dim3A_644 = vector.broadcast %broadcast_in_dim3A_643 : i32 to vector<16xi32>
      %gather3A_645 = tpu.vector_load_idx %arg14[%add3A_631, %broadcast_in_dim3A_644] : memref<64x8xf32, #tpu.memory_space<vmem>>[vector<16xi32>, vector<16xi32>], vector<16xf32>,
      %broadcast_in_dim3A_646 = arith.constant 3 : i32
      %broadcast_in_dim3A_647 = vector.broadcast %broadcast_in_dim3A_646 : i32 to vector<16xi32>
      %gather3A_648 = tpu.vector_load_idx %arg15[%add3A_631, %broadcast_in_dim3A_647] : memref<64x8xf32, #tpu.memory_space<vmem>>[vector<16xi32>, vector<16xi32>], vector<16xf32>,
      %add3A_649 = arith.addf %gather3A_645, %gather3A_648 : vector<16xf32>
      %mul3A_650 = arith.constant 2.000000e-01 : f32
      %mul3A_651 = vector.broadcast %mul3A_650 : f32 to vector<16xf32>
      %mul3A_652 = arith.mulf %mul3A_651, %add3A_649 : vector<16xf32>
      %max3A_653 = arith.maximumf %add3A_649, %mul3A_652 : vector<16xf32>
      %sub3A_654 = arith.subf %max3A_653, %gather3A_642 : vector<16xf32>
      %exp3A_655 = math.exp %sub3A_654 : vector<16xf32>
      %jit3A_656 = arith.constant 0.000000e+00 : f32
      %broadcast_in_dim3A_657 = vector.broadcast %jit3A_656 : f32 to vector<16xf32>
      %select_n3A_658 = arith.select %lt3A_639, %exp3A_655, %broadcast_in_dim3A_657 : vector<16xi1>, vector<16xf32>
      %broadcast_in_dim3A_659 = arith.constant 0 : i32
      %broadcast_in_dim3A_660 = vector.broadcast %broadcast_in_dim3A_659 : i32 to vector<16xi32>
      tpu.vector_store_idx %arg16[%add3A_631, %broadcast_in_dim3A_660], %select_n3A_658 : memref<64x8xf32, #tpu.memory_space<vmem>>[vector<16xi32>, vector<16xi32>], vector<16xf32>,
      %broadcast_in_dim3A_661 = arith.constant 1 : i32
      %broadcast_in_dim3A_662 = vector.broadcast %broadcast_in_dim3A_661 : i32 to vector<16xi32>
      %gather3A_663 = tpu.vector_load_idx %arg14[%add3A_631, %broadcast_in_dim3A_662] : memref<64x8xf32, #tpu.memory_space<vmem>>[vector<16xi32>, vector<16xi32>], vector<16xf32>,
      %broadcast_in_dim3A_664 = arith.constant 4 : i32
      %broadcast_in_dim3A_665 = vector.broadcast %broadcast_in_dim3A_664 : i32 to vector<16xi32>
      %gather3A_666 = tpu.vector_load_idx %arg15[%add3A_631, %broadcast_in_dim3A_665] : memref<64x8xf32, #tpu.memory_space<vmem>>[vector<16xi32>, vector<16xi32>], vector<16xf32>,
      %add3A_667 = arith.addf %gather3A_663, %gather3A_666 : vector<16xf32>
      %mul3A_668 = arith.constant 2.000000e-01 : f32
      %mul3A_669 = vector.broadcast %mul3A_668 : f32 to vector<16xf32>
      %mul3A_670 = arith.mulf %mul3A_669, %add3A_667 : vector<16xf32>
      %max3A_671 = arith.maximumf %add3A_667, %mul3A_670 : vector<16xf32>
      %sub3A_672 = arith.subf %max3A_671, %gather3A_642 : vector<16xf32>
      %exp3A_673 = math.exp %sub3A_672 : vector<16xf32>
      %jit3A_674 = arith.constant 0.000000e+00 : f32
      %broadcast_in_dim3A_675 = vector.broadcast %jit3A_674 : f32 to vector<16xf32>
      %select_n3A_676 = arith.select %lt3A_639, %exp3A_673, %broadcast_in_dim3A_675 : vector<16xi1>, vector<16xf32>
      %broadcast_in_dim3A_677 = arith.constant 1 : i32
      %broadcast_in_dim3A_678 = vector.broadcast %broadcast_in_dim3A_677 : i32 to vector<16xi32>
      tpu.vector_store_idx %arg16[%add3A_631, %broadcast_in_dim3A_678], %select_n3A_676 : memref<64x8xf32, #tpu.memory_space<vmem>>[vector<16xi32>, vector<16xi32>], vector<16xf32>,
      %broadcast_in_dim3A_679 = arith.constant 2 : i32
      %broadcast_in_dim3A_680 = vector.broadcast %broadcast_in_dim3A_679 : i32 to vector<16xi32>
      %gather3A_681 = tpu.vector_load_idx %arg14[%add3A_631, %broadcast_in_dim3A_680] : memref<64x8xf32, #tpu.memory_space<vmem>>[vector<16xi32>, vector<16xi32>], vector<16xf32>,
      %broadcast_in_dim3A_682 = arith.constant 5 : i32
      %broadcast_in_dim3A_683 = vector.broadcast %broadcast_in_dim3A_682 : i32 to vector<16xi32>
      %gather3A_684 = tpu.vector_load_idx %arg15[%add3A_631, %broadcast_in_dim3A_683] : memref<64x8xf32, #tpu.memory_space<vmem>>[vector<16xi32>, vector<16xi32>], vector<16xf32>,
      %add3A_685 = arith.addf %gather3A_681, %gather3A_684 : vector<16xf32>
      %mul3A_686 = arith.constant 2.000000e-01 : f32
      %mul3A_687 = vector.broadcast %mul3A_686 : f32 to vector<16xf32>
      %mul3A_688 = arith.mulf %mul3A_687, %add3A_685 : vector<16xf32>
      %max3A_689 = arith.maximumf %add3A_685, %mul3A_688 : vector<16xf32>
      %sub3A_690 = arith.subf %max3A_689, %gather3A_642 : vector<16xf32>
      %exp3A_691 = math.exp %sub3A_690 : vector<16xf32>
      %jit3A_692 = arith.constant 0.000000e+00 : f32
      %broadcast_in_dim3A_693 = vector.broadcast %jit3A_692 : f32 to vector<16xf32>
      %select_n3A_694 = arith.select %lt3A_639, %exp3A_691, %broadcast_in_dim3A_693 : vector<16xi1>, vector<16xf32>
      %broadcast_in_dim3A_695 = arith.constant 2 : i32
      %broadcast_in_dim3A_696 = vector.broadcast %broadcast_in_dim3A_695 : i32 to vector<16xi32>
      tpu.vector_store_idx %arg16[%add3A_631, %broadcast_in_dim3A_696], %select_n3A_694 : memref<64x8xf32, #tpu.memory_space<vmem>>[vector<16xi32>, vector<16xi32>], vector<16xf32>,
      %eq3A_697 = arith.constant 0 : i32
      %eq3A_698 = arith.cmpi eq, %arg0, %eq3A_697 : i32
      %convert_element_type3A_699 = arith.extui %eq3A_698 : i1 to i32
      %cond3A_700 = arith.constant 0 : i32
      %cond3A_701 = arith.cmpi ne, %convert_element_type3A_699, %cond3A_700 : i32
      scf.if %cond3A_701 {
        %dma_wait3A = arith.constant 1 : i32
        %dma_wait3A_719 = arith.constant 1 : i32
        %dma_wait3A_720 = arith.constant 0 : i32
        %dma_wait3A_721 = arith.constant 0 : i32
        %dma_wait3A_722 = tpu.memref_slice %arg13[%dma_wait3A, %dma_wait3A_720, %dma_wait3A_721] : memref<2x64x96xf32, #tpu.memory_space<vmem>> -> memref<1x64x96xf32, #tpu.memory_space<vmem>>
        %dma_wait3A_723 = tpu.memref_squeeze %dma_wait3A_722 : memref<1x64x96xf32, #tpu.memory_space<vmem>> -> memref<64x96xf32, #tpu.memory_space<vmem>>
        %dma_wait3A_724 = arith.constant 0 : i32
        %dma_wait3A_725 = tpu.memref_slice %arg11[%add3A_417, %dma_wait3A_724] : memref<324x64xi32, #tpu.memory_space<vmem>> -> memref<1x64xi32, #tpu.memory_space<vmem>>
        %dma_wait3A_726 = tpu.memref_squeeze %dma_wait3A_725 : memref<1x64xi32, #tpu.memory_space<vmem>> -> memref<64xi32, #tpu.memory_space<vmem>>
        %dma_wait3A_727 = arith.constant 0 : i32
        %dma_wait3A_728 = arith.constant 0 : i32
        %dma_wait3A_729 = tpu.memref_slice %arg5[%dma_wait3A_727, %dma_wait3A_728] : memref<10000x96xf32, #tpu.memory_space<hbm>> -> memref<10000x96xf32, #tpu.memory_space<hbm>>
        %dma_wait3A_730 = tpu.memref_slice %arg19[%dma_wait3A_719] : memref<2x!tpu.dma_semaphore, #tpu.memory_space<semaphore_mem>> -> memref<1x!tpu.dma_semaphore, #tpu.memory_space<semaphore_mem>>
        %dma_wait3A_731 = tpu.memref_squeeze %dma_wait3A_730 : memref<1x!tpu.dma_semaphore, #tpu.memory_space<semaphore_mem>> -> memref<!tpu.dma_semaphore, #tpu.memory_space<semaphore_mem>>
        tpu.wait_indirect_dma semaphore(%dma_wait3A_731 : memref<!tpu.dma_semaphore, #tpu.memory_space<semaphore_mem>>) src(%dma_wait3A_729 : memref<10000x96xf32, #tpu.memory_space<hbm>>) dst(%dma_wait3A_723 : memref<64x96xf32, #tpu.memory_space<vmem>>)
      } else {
      }
      %eq3A_702 = arith.constant 1 : i32
      %eq3A_703 = arith.cmpi eq, %arg0, %eq3A_702 : i32
      %convert_element_type3A_704 = arith.extui %eq3A_703 : i1 to i32
      %cond3A_705 = arith.constant 0 : i32
      %cond3A_706 = arith.cmpi ne, %convert_element_type3A_704, %cond3A_705 : i32
      scf.if %cond3A_706 {
        %dma_wait3A = arith.constant 1 : i32
        %dma_wait3A_719 = arith.constant 1 : i32
        %dma_wait3A_720 = arith.constant 0 : i32
        %dma_wait3A_721 = arith.constant 0 : i32
        %dma_wait3A_722 = tpu.memref_slice %arg13[%dma_wait3A, %dma_wait3A_720, %dma_wait3A_721] : memref<2x64x96xf32, #tpu.memory_space<vmem>> -> memref<1x64x96xf32, #tpu.memory_space<vmem>>
        %dma_wait3A_723 = tpu.memref_squeeze %dma_wait3A_722 : memref<1x64x96xf32, #tpu.memory_space<vmem>> -> memref<64x96xf32, #tpu.memory_space<vmem>>
        %dma_wait3A_724 = arith.constant 0 : i32
        %dma_wait3A_725 = tpu.memref_slice %arg11[%add3A_417, %dma_wait3A_724] : memref<324x64xi32, #tpu.memory_space<vmem>> -> memref<1x64xi32, #tpu.memory_space<vmem>>
        %dma_wait3A_726 = tpu.memref_squeeze %dma_wait3A_725 : memref<1x64xi32, #tpu.memory_space<vmem>> -> memref<64xi32, #tpu.memory_space<vmem>>
        %dma_wait3A_727 = arith.constant 0 : i32
        %dma_wait3A_728 = arith.constant 0 : i32
        %dma_wait3A_729 = tpu.memref_slice %arg6[%dma_wait3A_727, %dma_wait3A_728] : memref<10000x96xf32, #tpu.memory_space<hbm>> -> memref<10000x96xf32, #tpu.memory_space<hbm>>
        %dma_wait3A_730 = tpu.memref_slice %arg19[%dma_wait3A_719] : memref<2x!tpu.dma_semaphore, #tpu.memory_space<semaphore_mem>> -> memref<1x!tpu.dma_semaphore, #tpu.memory_space<semaphore_mem>>
        %dma_wait3A_731 = tpu.memref_squeeze %dma_wait3A_730 : memref<1x!tpu.dma_semaphore, #tpu.memory_space<semaphore_mem>> -> memref<!tpu.dma_semaphore, #tpu.memory_space<semaphore_mem>>
        tpu.wait_indirect_dma semaphore(%dma_wait3A_731 : memref<!tpu.dma_semaphore, #tpu.memory_space<semaphore_mem>>) src(%dma_wait3A_729 : memref<10000x96xf32, #tpu.memory_space<hbm>>) dst(%dma_wait3A_723 : memref<64x96xf32, #tpu.memory_space<vmem>>)
      } else {
      }
      %scan3A_707 = arith.constant 0 : i32
      %scan3A_708 = arith.constant 0 : i32
      %scan3A_709 = arith.constant 64 : i32
      %scan3A_710 = arith.addi %scan3A_708, %scan3A_709 : i32
      %scan3A_711 = arith.constant 1 : i32
      scf.for %scan3A_719 = %scan3A_708 to %scan3A_710 step %scan3A_711  : i32 {
        %broadcast_in_dim3A_720 = arith.constant 0 : i32
        %broadcast_in_dim3A_721 = vector.broadcast %broadcast_in_dim3A_720 : i32 to vector<16xi32>
        %add3A_722 = vector.broadcast %scan3A_719 : i32 to vector<16xi32>
        %add3A_723 = arith.addi %broadcast_in_dim3A_721, %add3A_722 : vector<16xi32>
        %broadcast_in_dim3A_724 = arith.constant 0 : i32
        %broadcast_in_dim3A_725 = vector.broadcast %broadcast_in_dim3A_724 : i32 to vector<16xi32>
        %gather3A_726 = tpu.vector_load_idx %arg16[%add3A_723, %broadcast_in_dim3A_725] : memref<64x8xf32, #tpu.memory_space<vmem>>[vector<16xi32>, vector<16xi32>], vector<16xf32>,
        %get3A = arith.constant 1 : i32
        %get3A_727 = arith.index_cast %get3A : i32 to index
        %get3A_728 = arith.index_cast %scan3A_719 : i32 to index
        %get3A_729 = arith.constant 0 : index
        %get3A_730 = tpu.vector_load %arg13[%get3A_727, %get3A_728, %get3A_729] {strides = array<i32>} : memref<2x64x96xf32, #tpu.memory_space<vmem>>, vector<16xf32>,
        %mul3A_731 = arith.mulf %get3A_730, %gather3A_726 : vector<16xf32>
        %swap3A = arith.constant 1 : i32
        %swap3A_732 = arith.index_cast %swap3A : i32 to index
        %swap3A_733 = arith.index_cast %scan3A_719 : i32 to index
        %swap3A_734 = arith.constant 0 : index
        %swap3A_735 = tpu.vector_load %arg13[%swap3A_732, %swap3A_733, %swap3A_734] {strides = array<i32>} : memref<2x64x96xf32, #tpu.memory_space<vmem>>, vector<16xf32>,
        tpu.vector_store %arg13[%swap3A_732, %swap3A_733, %swap3A_734], %mul3A_731 {strides = array<i32>} : memref<2x64x96xf32, #tpu.memory_space<vmem>>, vector<16xf32>,
        %get3A_736 = arith.constant 1 : i32
        %get3A_737 = arith.index_cast %get3A_736 : i32 to index
        %get3A_738 = arith.index_cast %scan3A_719 : i32 to index
        %get3A_739 = arith.constant 16 : index
        %get3A_740 = tpu.vector_load %arg13[%get3A_737, %get3A_738, %get3A_739] {strides = array<i32>} : memref<2x64x96xf32, #tpu.memory_space<vmem>>, vector<16xf32>,
        %mul3A_741 = arith.mulf %get3A_740, %gather3A_726 : vector<16xf32>
        %swap3A_742 = arith.constant 1 : i32
        %swap3A_743 = arith.index_cast %swap3A_742 : i32 to index
        %swap3A_744 = arith.index_cast %scan3A_719 : i32 to index
        %swap3A_745 = arith.constant 16 : index
        %swap3A_746 = tpu.vector_load %arg13[%swap3A_743, %swap3A_744, %swap3A_745] {strides = array<i32>} : memref<2x64x96xf32, #tpu.memory_space<vmem>>, vector<16xf32>,
        tpu.vector_store %arg13[%swap3A_743, %swap3A_744, %swap3A_745], %mul3A_741 {strides = array<i32>} : memref<2x64x96xf32, #tpu.memory_space<vmem>>, vector<16xf32>,
        %broadcast_in_dim3A_747 = arith.constant 1 : i32
        %broadcast_in_dim3A_748 = vector.broadcast %broadcast_in_dim3A_747 : i32 to vector<16xi32>
        %gather3A_749 = tpu.vector_load_idx %arg16[%add3A_723, %broadcast_in_dim3A_748] : memref<64x8xf32, #tpu.memory_space<vmem>>[vector<16xi32>, vector<16xi32>], vector<16xf32>,
        %get3A_750 = arith.constant 1 : i32
        %get3A_751 = arith.index_cast %get3A_750 : i32 to index
        %get3A_752 = arith.index_cast %scan3A_719 : i32 to index
        %get3A_753 = arith.constant 32 : index
        %get3A_754 = tpu.vector_load %arg13[%get3A_751, %get3A_752, %get3A_753] {strides = array<i32>} : memref<2x64x96xf32, #tpu.memory_space<vmem>>, vector<16xf32>,
        %mul3A_755 = arith.mulf %get3A_754, %gather3A_749 : vector<16xf32>
        %swap3A_756 = arith.constant 1 : i32
        %swap3A_757 = arith.index_cast %swap3A_756 : i32 to index
        %swap3A_758 = arith.index_cast %scan3A_719 : i32 to index
        %swap3A_759 = arith.constant 32 : index
        %swap3A_760 = tpu.vector_load %arg13[%swap3A_757, %swap3A_758, %swap3A_759] {strides = array<i32>} : memref<2x64x96xf32, #tpu.memory_space<vmem>>, vector<16xf32>,
        tpu.vector_store %arg13[%swap3A_757, %swap3A_758, %swap3A_759], %mul3A_755 {strides = array<i32>} : memref<2x64x96xf32, #tpu.memory_space<vmem>>, vector<16xf32>,
        %get3A_761 = arith.constant 1 : i32
        %get3A_762 = arith.index_cast %get3A_761 : i32 to index
        %get3A_763 = arith.index_cast %scan3A_719 : i32 to index
        %get3A_764 = arith.constant 48 : index
        %get3A_765 = tpu.vector_load %arg13[%get3A_762, %get3A_763, %get3A_764] {strides = array<i32>} : memref<2x64x96xf32, #tpu.memory_space<vmem>>, vector<16xf32>,
        %mul3A_766 = arith.mulf %get3A_765, %gather3A_749 : vector<16xf32>
        %swap3A_767 = arith.constant 1 : i32
        %swap3A_768 = arith.index_cast %swap3A_767 : i32 to index
        %swap3A_769 = arith.index_cast %scan3A_719 : i32 to index
        %swap3A_770 = arith.constant 48 : index
        %swap3A_771 = tpu.vector_load %arg13[%swap3A_768, %swap3A_769, %swap3A_770] {strides = array<i32>} : memref<2x64x96xf32, #tpu.memory_space<vmem>>, vector<16xf32>,
        tpu.vector_store %arg13[%swap3A_768, %swap3A_769, %swap3A_770], %mul3A_766 {strides = array<i32>} : memref<2x64x96xf32, #tpu.memory_space<vmem>>, vector<16xf32>,
        %broadcast_in_dim3A_772 = arith.constant 2 : i32
        %broadcast_in_dim3A_773 = vector.broadcast %broadcast_in_dim3A_772 : i32 to vector<16xi32>
        %gather3A_774 = tpu.vector_load_idx %arg16[%add3A_723, %broadcast_in_dim3A_773] : memref<64x8xf32, #tpu.memory_space<vmem>>[vector<16xi32>, vector<16xi32>], vector<16xf32>,
        %get3A_775 = arith.constant 1 : i32
        %get3A_776 = arith.index_cast %get3A_775 : i32 to index
        %get3A_777 = arith.index_cast %scan3A_719 : i32 to index
        %get3A_778 = arith.constant 64 : index
        %get3A_779 = tpu.vector_load %arg13[%get3A_776, %get3A_777, %get3A_778] {strides = array<i32>} : memref<2x64x96xf32, #tpu.memory_space<vmem>>, vector<16xf32>,
        %mul3A_780 = arith.mulf %get3A_779, %gather3A_774 : vector<16xf32>
        %swap3A_781 = arith.constant 1 : i32
        %swap3A_782 = arith.index_cast %swap3A_781 : i32 to index
        %swap3A_783 = arith.index_cast %scan3A_719 : i32 to index
        %swap3A_784 = arith.constant 64 : index
        %swap3A_785 = tpu.vector_load %arg13[%swap3A_782, %swap3A_783, %swap3A_784] {strides = array<i32>} : memref<2x64x96xf32, #tpu.memory_space<vmem>>, vector<16xf32>,
        tpu.vector_store %arg13[%swap3A_782, %swap3A_783, %swap3A_784], %mul3A_780 {strides = array<i32>} : memref<2x64x96xf32, #tpu.memory_space<vmem>>, vector<16xf32>,
        %get3A_786 = arith.constant 1 : i32
        %get3A_787 = arith.index_cast %get3A_786 : i32 to index
        %get3A_788 = arith.index_cast %scan3A_719 : i32 to index
        %get3A_789 = arith.constant 80 : index
        %get3A_790 = tpu.vector_load %arg13[%get3A_787, %get3A_788, %get3A_789] {strides = array<i32>} : memref<2x64x96xf32, #tpu.memory_space<vmem>>, vector<16xf32>,
        %mul3A_791 = arith.mulf %get3A_790, %gather3A_774 : vector<16xf32>
        %swap3A_792 = arith.constant 1 : i32
        %swap3A_793 = arith.index_cast %swap3A_792 : i32 to index
        %swap3A_794 = arith.index_cast %scan3A_719 : i32 to index
        %swap3A_795 = arith.constant 80 : index
        %swap3A_796 = tpu.vector_load %arg13[%swap3A_793, %swap3A_794, %swap3A_795] {strides = array<i32>} : memref<2x64x96xf32, #tpu.memory_space<vmem>>, vector<16xf32>,
        tpu.vector_store %arg13[%swap3A_793, %swap3A_794, %swap3A_795], %mul3A_791 {strides = array<i32>} : memref<2x64x96xf32, #tpu.memory_space<vmem>>, vector<16xf32>,
      }
      %scan3A_712 = arith.constant 64 : i32
      %run_scoped3A_713 = arith.constant 1 : i32
      "tpu.region"() ({
        %run_scoped3A_719 = tpu.sem_alloc : memref<!tpu.dma_semaphore, #tpu.memory_space<semaphore_mem>>
        %dma_start3A = arith.constant 0 : i32
        %dma_start3A_720 = arith.constant 0 : i32
        %dma_start3A_721 = tpu.memref_slice %arg13[%run_scoped3A_713, %dma_start3A, %dma_start3A_720] : memref<2x64x96xf32, #tpu.memory_space<vmem>> -> memref<1x64x96xf32, #tpu.memory_space<vmem>>
        %dma_start3A_722 = tpu.memref_squeeze %dma_start3A_721 : memref<1x64x96xf32, #tpu.memory_space<vmem>> -> memref<64x96xf32, #tpu.memory_space<vmem>>
        %dma_start3A_723 = arith.constant 0 : i32
        %dma_start3A_724 = tpu.memref_slice %arg12[%add3A_417, %dma_start3A_723] : memref<324x64xi32, #tpu.memory_space<vmem>> -> memref<1x64xi32, #tpu.memory_space<vmem>>
        %dma_start3A_725 = tpu.memref_squeeze %dma_start3A_724 : memref<1x64xi32, #tpu.memory_space<vmem>> -> memref<64xi32, #tpu.memory_space<vmem>>
        %dma_start3A_726 = arith.constant 0 : i32
        %dma_start3A_727 = arith.constant 0 : i32
        %dma_start3A_728 = tpu.memref_slice %arg17[%dma_start3A_726, %dma_start3A_727] : memref<10000x96xf32, #tpu.memory_space<vmem_shared>> -> memref<10000x96xf32, #tpu.memory_space<vmem_shared>>
        tpu.enqueue_indirect_dma source(%dma_start3A_722 : memref<64x96xf32, #tpu.memory_space<vmem>>) target(%dma_start3A_728 : memref<10000x96xf32, #tpu.memory_space<vmem_shared>>) offsets(%dma_start3A_725 : memref<64xi32, #tpu.memory_space<vmem>>) semaphore(%run_scoped3A_719 : memref<!tpu.dma_semaphore, #tpu.memory_space<semaphore_mem>>) {add = true}
        %dma_wait3A = arith.constant 0 : i32
        %dma_wait3A_729 = arith.constant 0 : i32
        %dma_wait3A_730 = tpu.memref_slice %arg13[%run_scoped3A_713, %dma_wait3A, %dma_wait3A_729] : memref<2x64x96xf32, #tpu.memory_space<vmem>> -> memref<1x64x96xf32, #tpu.memory_space<vmem>>
        %dma_wait3A_731 = tpu.memref_squeeze %dma_wait3A_730 : memref<1x64x96xf32, #tpu.memory_space<vmem>> -> memref<64x96xf32, #tpu.memory_space<vmem>>
        %dma_wait3A_732 = arith.constant 0 : i32
        %dma_wait3A_733 = tpu.memref_slice %arg12[%add3A_417, %dma_wait3A_732] : memref<324x64xi32, #tpu.memory_space<vmem>> -> memref<1x64xi32, #tpu.memory_space<vmem>>
        %dma_wait3A_734 = tpu.memref_squeeze %dma_wait3A_733 : memref<1x64xi32, #tpu.memory_space<vmem>> -> memref<64xi32, #tpu.memory_space<vmem>>
        %dma_wait3A_735 = arith.constant 0 : i32
        %dma_wait3A_736 = arith.constant 0 : i32
        %dma_wait3A_737 = tpu.memref_slice %arg17[%dma_wait3A_735, %dma_wait3A_736] : memref<10000x96xf32, #tpu.memory_space<vmem_shared>> -> memref<10000x96xf32, #tpu.memory_space<vmem_shared>>
        tpu.wait_indirect_dma semaphore(%run_scoped3A_719 : memref<!tpu.dma_semaphore, #tpu.memory_space<semaphore_mem>>) src(%dma_wait3A_731 : memref<64x96xf32, #tpu.memory_space<vmem>>) dst(%dma_wait3A_737 : memref<10000x96xf32, #tpu.memory_space<vmem_shared>>)
        tpu.yield
      }) : () -> ()
      %eq3A_714 = arith.constant 0 : i32
      %eq3A_715 = arith.cmpi eq, %arg0, %eq3A_714 : i32
      %convert_element_type3A_716 = arith.extui %eq3A_715 : i1 to i32
      %cond3A_717 = arith.constant 0 : i32
      %cond3A_718 = arith.cmpi ne, %convert_element_type3A_716, %cond3A_717 : i32
      scf.if %cond3A_718 {
        "tpu.region"() ({
          %run_scoped3A_719 = tpu.sem_alloc : memref<!tpu.dma_semaphore, #tpu.memory_space<semaphore_mem>>
          %dma_start3A = arith.constant 0 : i32
          %dma_start3A_720 = tpu.memref_slice %arg12[%add3A_417, %dma_start3A] : memref<324x64xi32, #tpu.memory_space<vmem>> -> memref<1x64xi32, #tpu.memory_space<vmem>>
          %dma_start3A_721 = tpu.memref_squeeze %dma_start3A_720 : memref<1x64xi32, #tpu.memory_space<vmem>> -> memref<64xi32, #tpu.memory_space<vmem>>
          %dma_start3A_722 = arith.constant 0 : i32
          %dma_start3A_723 = arith.constant 0 : i32
          %dma_start3A_724 = tpu.memref_slice %arg18[%dma_start3A_722, %dma_start3A_723] : memref<10000x8xf32, #tpu.memory_space<vmem_shared>> -> memref<10000x8xf32, #tpu.memory_space<vmem_shared>>
          tpu.enqueue_indirect_dma source(%arg16 : memref<64x8xf32, #tpu.memory_space<vmem>>) target(%dma_start3A_724 : memref<10000x8xf32, #tpu.memory_space<vmem_shared>>) offsets(%dma_start3A_721 : memref<64xi32, #tpu.memory_space<vmem>>) semaphore(%run_scoped3A_719 : memref<!tpu.dma_semaphore, #tpu.memory_space<semaphore_mem>>) {add = true}
          %dma_wait3A = arith.constant 0 : i32
          %dma_wait3A_725 = tpu.memref_slice %arg12[%add3A_417, %dma_wait3A] : memref<324x64xi32, #tpu.memory_space<vmem>> -> memref<1x64xi32, #tpu.memory_space<vmem>>
          %dma_wait3A_726 = tpu.memref_squeeze %dma_wait3A_725 : memref<1x64xi32, #tpu.memory_space<vmem>> -> memref<64xi32, #tpu.memory_space<vmem>>
          %dma_wait3A_727 = arith.constant 0 : i32
          %dma_wait3A_728 = arith.constant 0 : i32
          %dma_wait3A_729 = tpu.memref_slice %arg18[%dma_wait3A_727, %dma_wait3A_728] : memref<10000x8xf32, #tpu.memory_space<vmem_shared>> -> memref<10000x8xf32, #tpu.memory_space<vmem_shared>>
          tpu.wait_indirect_dma semaphore(%run_scoped3A_719 : memref<!tpu.dma_semaphore, #tpu.memory_space<semaphore_mem>>) src(%arg16 : memref<64x8xf32, #tpu.memory_space<vmem>>) dst(%dma_wait3A_729 : memref<10000x8xf32, #tpu.memory_space<vmem_shared>>)
          tpu.yield
        }) : () -> ()
      } else {
      }
    }
    %scan3A_114 = arith.constant 162 : i32
    %barrier3A_115 = arith.constant 0 : index
    tpu.barrier barrier_id(%barrier3A_115)
    "tpu.region"() ({
      %run_scoped3A = tpu.sem_alloc : memref<!tpu.dma_semaphore, #tpu.memory_space<semaphore_mem>>
      %dma_start3A = arith.constant 0 : i32
      %dma_start3A_116 = tpu.memref_slice %arg9[%arg0, %mul3A_0, %dma_start3A] : memref<2x10000x96xf32, #tpu.memory_space<hbm>> -> memref<1x625x96xf32, #tpu.memory_space<hbm>>
      %dma_start3A_117 = tpu.memref_squeeze %dma_start3A_116 : memref<1x625x96xf32, #tpu.memory_space<hbm>> -> memref<625x96xf32, #tpu.memory_space<hbm>>
      %dma_start3A_118 = arith.constant 0 : i32
      %dma_start3A_119 = tpu.memref_slice %arg17[%mul3A_0, %dma_start3A_118] : memref<10000x96xf32, #tpu.memory_space<vmem_shared>> -> memref<625x96xf32, #tpu.memory_space<vmem_shared>>
      tpu.enqueue_dma source(%dma_start3A_119 : memref<625x96xf32, #tpu.memory_space<vmem_shared>>) target(%dma_start3A_117 : memref<625x96xf32, #tpu.memory_space<hbm>>) target_semaphore(%run_scoped3A : memref<!tpu.dma_semaphore, #tpu.memory_space<semaphore_mem>>)
      %dma_wait3A = arith.constant 0 : i32
      %dma_wait3A_120 = tpu.memref_slice %arg9[%arg0, %mul3A_0, %dma_wait3A] : memref<2x10000x96xf32, #tpu.memory_space<hbm>> -> memref<1x625x96xf32, #tpu.memory_space<hbm>>
      %dma_wait3A_121 = tpu.memref_squeeze %dma_wait3A_120 : memref<1x625x96xf32, #tpu.memory_space<hbm>> -> memref<625x96xf32, #tpu.memory_space<hbm>>
      %dma_wait3A_122 = arith.constant 0 : i32
      %dma_wait3A_123 = tpu.memref_slice %arg17[%mul3A_0, %dma_wait3A_122] : memref<10000x96xf32, #tpu.memory_space<vmem_shared>> -> memref<625x96xf32, #tpu.memory_space<vmem_shared>>
      tpu.wait_dma2 semaphore(%run_scoped3A : memref<!tpu.dma_semaphore, #tpu.memory_space<semaphore_mem>>) src(%dma_wait3A_123 : memref<625x96xf32, #tpu.memory_space<vmem_shared>>) dst(%dma_wait3A_121 : memref<625x96xf32, #tpu.memory_space<hbm>>)
      tpu.yield
    }) : () -> ()
    "tpu.region"() ({
      %run_scoped3A = tpu.sem_alloc : memref<!tpu.dma_semaphore, #tpu.memory_space<semaphore_mem>>
      %dma_start3A = arith.constant 0 : i32
      %dma_start3A_116 = tpu.memref_slice %arg10[%arg0, %mul3A_0, %dma_start3A] : memref<2x10000x8xf32, #tpu.memory_space<hbm>> -> memref<1x625x8xf32, #tpu.memory_space<hbm>>
      %dma_start3A_117 = tpu.memref_squeeze %dma_start3A_116 : memref<1x625x8xf32, #tpu.memory_space<hbm>> -> memref<625x8xf32, #tpu.memory_space<hbm>>
      %dma_start3A_118 = arith.constant 0 : i32
      %dma_start3A_119 = tpu.memref_slice %arg18[%mul3A_0, %dma_start3A_118] : memref<10000x8xf32, #tpu.memory_space<vmem_shared>> -> memref<625x8xf32, #tpu.memory_space<vmem_shared>>
      tpu.enqueue_dma source(%dma_start3A_119 : memref<625x8xf32, #tpu.memory_space<vmem_shared>>) target(%dma_start3A_117 : memref<625x8xf32, #tpu.memory_space<hbm>>) target_semaphore(%run_scoped3A : memref<!tpu.dma_semaphore, #tpu.memory_space<semaphore_mem>>)
      %dma_wait3A = arith.constant 0 : i32
      %dma_wait3A_120 = tpu.memref_slice %arg10[%arg0, %mul3A_0, %dma_wait3A] : memref<2x10000x8xf32, #tpu.memory_space<hbm>> -> memref<1x625x8xf32, #tpu.memory_space<hbm>>
      %dma_wait3A_121 = tpu.memref_squeeze %dma_wait3A_120 : memref<1x625x8xf32, #tpu.memory_space<hbm>> -> memref<625x8xf32, #tpu.memory_space<hbm>>
      %dma_wait3A_122 = arith.constant 0 : i32
      %dma_wait3A_123 = tpu.memref_slice %arg18[%mul3A_0, %dma_wait3A_122] : memref<10000x8xf32, #tpu.memory_space<vmem_shared>> -> memref<625x8xf32, #tpu.memory_space<vmem_shared>>
      tpu.wait_dma2 semaphore(%run_scoped3A : memref<!tpu.dma_semaphore, #tpu.memory_space<semaphore_mem>>) src(%dma_wait3A_123 : memref<625x8xf32, #tpu.memory_space<vmem_shared>>) dst(%dma_wait3A_121 : memref<625x8xf32, #tpu.memory_space<hbm>>)
      tpu.yield
    }) : () -> ()
    return
  }
}

module attributes {stable_mosaic.version = 14 : i64} {
  func.func @_feats_body(%arg0: i32, %arg1: memref<1000x128xf32, #tpu.memory_space<vmem>>, %arg2: memref<128x192xf32, #tpu.memory_space<vmem>>, %arg3: memref<192x8xf32, #tpu.memory_space<vmem>>, %arg4: memref<1000x96xf32, #tpu.memory_space<vmem>>, %arg5: memref<1000x96xf32, #tpu.memory_space<vmem>>, %arg6: memref<1000x8xf32, #tpu.memory_space<vmem>>, %arg7: memref<1x8xf32, #tpu.memory_space<vmem>>) attributes {dimension_semantics = [#tpu.dimension_semantics<arbitrary>], iteration_bounds = array<i64: 10>, scalar_prefetch = 0 : i64, scratch_operands = 0 : i64, tpu.core_type = #tpu.core_type<tc>, window_params = [{transform_indices = @transform_0, window_bounds = array<i64: 1000, 128>}, {pipeline_mode = #tpu.pipeline_mode<synchronous>, transform_indices = @transform_1, window_bounds = array<i64: 128, 192>}, {pipeline_mode = #tpu.pipeline_mode<synchronous>, transform_indices = @transform_2, window_bounds = array<i64: 192, 8>}, {transform_indices = @transform_3, window_bounds = array<i64: 1000, 96>}, {transform_indices = @transform_4, window_bounds = array<i64: 1000, 96>}, {transform_indices = @transform_5, window_bounds = array<i64: 1000, 8>}, {pipeline_mode = #tpu.pipeline_mode<synchronous>, transform_indices = @transform_6, window_bounds = array<i64: 1, 8>}]} {
    %get3A = arith.constant 0 : index
    %get3A_0 = arith.constant 0 : index
    %get3A_1 = vector.load %arg1[%get3A, %get3A_0] : memref<1000x128xf32, #tpu.memory_space<vmem>>, vector<1000x128xf32>
    %get3A_2 = arith.constant 0 : index
    %get3A_3 = arith.constant 0 : index
    %get3A_4 = vector.load %arg2[%get3A_2, %get3A_3] : memref<128x192xf32, #tpu.memory_space<vmem>>, vector<128x192xf32>
    %dot_general3A = arith.constant dense<0.000000e+00> : vector<1000x192xf32>
    %dot_general3A_5 = tpu.matmul %get3A_1, %get3A_4, %dot_general3A {dimension_numbers = #tpu.dot_dimension_numbers<[1], [0], [0], [1], [0, 0, 1, 1], [], []>, transpose_lhs_hint = false} : vector<1000x128xf32>, vector<128x192xf32>, vector<1000x192xf32> -> vector<1000x192xf32>
    %slice3A = vector.extract_strided_slice %dot_general3A_5 {offsets = [0, 0], sizes = [1000, 16], strides = [1, 1]} : vector<1000x192xf32> to vector<1000x16xf32>
    %swap3A = arith.constant 0 : index
    %swap3A_6 = arith.constant 0 : index
    %swap3A_7 = vector.load %arg4[%swap3A, %swap3A_6] : memref<1000x96xf32, #tpu.memory_space<vmem>>, vector<1000x16xf32>
    tpu.vector_store %arg4[%swap3A, %swap3A_6], %slice3A {strides = array<i32>} : memref<1000x96xf32, #tpu.memory_space<vmem>>, vector<1000x16xf32>,
    %slice3A_8 = vector.extract_strided_slice %dot_general3A_5 {offsets = [0, 16], sizes = [1000, 16], strides = [1, 1]} : vector<1000x192xf32> to vector<1000x16xf32>
    %swap3A_9 = arith.constant 0 : index
    %swap3A_10 = arith.constant 0 : index
    %swap3A_11 = vector.load %arg5[%swap3A_9, %swap3A_10] : memref<1000x96xf32, #tpu.memory_space<vmem>>, vector<1000x16xf32>
    tpu.vector_store %arg5[%swap3A_9, %swap3A_10], %slice3A_8 {strides = array<i32>} : memref<1000x96xf32, #tpu.memory_space<vmem>>, vector<1000x16xf32>,
    %slice3A_12 = vector.extract_strided_slice %dot_general3A_5 {offsets = [0, 32], sizes = [1000, 16], strides = [1, 1]} : vector<1000x192xf32> to vector<1000x16xf32>
    %swap3A_13 = arith.constant 0 : index
    %swap3A_14 = arith.constant 16 : index
    %swap3A_15 = vector.load %arg4[%swap3A_13, %swap3A_14] : memref<1000x96xf32, #tpu.memory_space<vmem>>, vector<1000x16xf32>
    tpu.vector_store %arg4[%swap3A_13, %swap3A_14], %slice3A_12 {strides = array<i32>} : memref<1000x96xf32, #tpu.memory_space<vmem>>, vector<1000x16xf32>,
    %slice3A_16 = vector.extract_strided_slice %dot_general3A_5 {offsets = [0, 48], sizes = [1000, 16], strides = [1, 1]} : vector<1000x192xf32> to vector<1000x16xf32>
    %swap3A_17 = arith.constant 0 : index
    %swap3A_18 = arith.constant 16 : index
    %swap3A_19 = vector.load %arg5[%swap3A_17, %swap3A_18] : memref<1000x96xf32, #tpu.memory_space<vmem>>, vector<1000x16xf32>
    tpu.vector_store %arg5[%swap3A_17, %swap3A_18], %slice3A_16 {strides = array<i32>} : memref<1000x96xf32, #tpu.memory_space<vmem>>, vector<1000x16xf32>,
    %slice3A_20 = vector.extract_strided_slice %dot_general3A_5 {offsets = [0, 64], sizes = [1000, 16], strides = [1, 1]} : vector<1000x192xf32> to vector<1000x16xf32>
    %swap3A_21 = arith.constant 0 : index
    %swap3A_22 = arith.constant 32 : index
    %swap3A_23 = vector.load %arg4[%swap3A_21, %swap3A_22] : memref<1000x96xf32, #tpu.memory_space<vmem>>, vector<1000x16xf32>
    tpu.vector_store %arg4[%swap3A_21, %swap3A_22], %slice3A_20 {strides = array<i32>} : memref<1000x96xf32, #tpu.memory_space<vmem>>, vector<1000x16xf32>,
    %slice3A_24 = vector.extract_strided_slice %dot_general3A_5 {offsets = [0, 80], sizes = [1000, 16], strides = [1, 1]} : vector<1000x192xf32> to vector<1000x16xf32>
    %swap3A_25 = arith.constant 0 : index
    %swap3A_26 = arith.constant 32 : index
    %swap3A_27 = vector.load %arg5[%swap3A_25, %swap3A_26] : memref<1000x96xf32, #tpu.memory_space<vmem>>, vector<1000x16xf32>
    tpu.vector_store %arg5[%swap3A_25, %swap3A_26], %slice3A_24 {strides = array<i32>} : memref<1000x96xf32, #tpu.memory_space<vmem>>, vector<1000x16xf32>,
    %slice3A_28 = vector.extract_strided_slice %dot_general3A_5 {offsets = [0, 96], sizes = [1000, 16], strides = [1, 1]} : vector<1000x192xf32> to vector<1000x16xf32>
    %swap3A_29 = arith.constant 0 : index
    %swap3A_30 = arith.constant 48 : index
    %swap3A_31 = vector.load %arg4[%swap3A_29, %swap3A_30] : memref<1000x96xf32, #tpu.memory_space<vmem>>, vector<1000x16xf32>
    tpu.vector_store %arg4[%swap3A_29, %swap3A_30], %slice3A_28 {strides = array<i32>} : memref<1000x96xf32, #tpu.memory_space<vmem>>, vector<1000x16xf32>,
    %slice3A_32 = vector.extract_strided_slice %dot_general3A_5 {offsets = [0, 112], sizes = [1000, 16], strides = [1, 1]} : vector<1000x192xf32> to vector<1000x16xf32>
    %swap3A_33 = arith.constant 0 : index
    %swap3A_34 = arith.constant 48 : index
    %swap3A_35 = vector.load %arg5[%swap3A_33, %swap3A_34] : memref<1000x96xf32, #tpu.memory_space<vmem>>, vector<1000x16xf32>
    tpu.vector_store %arg5[%swap3A_33, %swap3A_34], %slice3A_32 {strides = array<i32>} : memref<1000x96xf32, #tpu.memory_space<vmem>>, vector<1000x16xf32>,
    %slice3A_36 = vector.extract_strided_slice %dot_general3A_5 {offsets = [0, 128], sizes = [1000, 16], strides = [1, 1]} : vector<1000x192xf32> to vector<1000x16xf32>
    %swap3A_37 = arith.constant 0 : index
    %swap3A_38 = arith.constant 64 : index
    %swap3A_39 = vector.load %arg4[%swap3A_37, %swap3A_38] : memref<1000x96xf32, #tpu.memory_space<vmem>>, vector<1000x16xf32>
    tpu.vector_store %arg4[%swap3A_37, %swap3A_38], %slice3A_36 {strides = array<i32>} : memref<1000x96xf32, #tpu.memory_space<vmem>>, vector<1000x16xf32>,
    %slice3A_40 = vector.extract_strided_slice %dot_general3A_5 {offsets = [0, 144], sizes = [1000, 16], strides = [1, 1]} : vector<1000x192xf32> to vector<1000x16xf32>
    %swap3A_41 = arith.constant 0 : index
    %swap3A_42 = arith.constant 64 : index
    %swap3A_43 = vector.load %arg5[%swap3A_41, %swap3A_42] : memref<1000x96xf32, #tpu.memory_space<vmem>>, vector<1000x16xf32>
    tpu.vector_store %arg5[%swap3A_41, %swap3A_42], %slice3A_40 {strides = array<i32>} : memref<1000x96xf32, #tpu.memory_space<vmem>>, vector<1000x16xf32>,
    %slice3A_44 = vector.extract_strided_slice %dot_general3A_5 {offsets = [0, 160], sizes = [1000, 16], strides = [1, 1]} : vector<1000x192xf32> to vector<1000x16xf32>
    %swap3A_45 = arith.constant 0 : index
    %swap3A_46 = arith.constant 80 : index
    %swap3A_47 = vector.load %arg4[%swap3A_45, %swap3A_46] : memref<1000x96xf32, #tpu.memory_space<vmem>>, vector<1000x16xf32>
    tpu.vector_store %arg4[%swap3A_45, %swap3A_46], %slice3A_44 {strides = array<i32>} : memref<1000x96xf32, #tpu.memory_space<vmem>>, vector<1000x16xf32>,
    %slice3A_48 = vector.extract_strided_slice %dot_general3A_5 {offsets = [0, 176], sizes = [1000, 16], strides = [1, 1]} : vector<1000x192xf32> to vector<1000x16xf32>
    %swap3A_49 = arith.constant 0 : index
    %swap3A_50 = arith.constant 80 : index
    %swap3A_51 = vector.load %arg5[%swap3A_49, %swap3A_50] : memref<1000x96xf32, #tpu.memory_space<vmem>>, vector<1000x16xf32>
    tpu.vector_store %arg5[%swap3A_49, %swap3A_50], %slice3A_48 {strides = array<i32>} : memref<1000x96xf32, #tpu.memory_space<vmem>>, vector<1000x16xf32>,
    %get3A_52 = arith.constant 0 : index
    %get3A_53 = arith.constant 0 : index
    %get3A_54 = vector.load %arg3[%get3A_52, %get3A_53] : memref<192x8xf32, #tpu.memory_space<vmem>>, vector<192x8xf32>
    %dot_general3A_55 = arith.constant dense<0.000000e+00> : vector<1000x8xf32>
    %dot_general3A_56 = tpu.matmul %dot_general3A_5, %get3A_54, %dot_general3A_55 {dimension_numbers = #tpu.dot_dimension_numbers<[1], [0], [0], [1], [0, 0, 1, 1], [], []>, transpose_lhs_hint = false} : vector<1000x192xf32>, vector<192x8xf32>, vector<1000x8xf32> -> vector<1000x8xf32>
    %swap3A_57 = arith.constant 0 : index
    %swap3A_58 = arith.constant 0 : index
    %swap3A_59 = vector.load %arg6[%swap3A_57, %swap3A_58] : memref<1000x8xf32, #tpu.memory_space<vmem>>, vector<1000x8xf32>
    tpu.vector_store %arg6[%swap3A_57, %swap3A_58], %dot_general3A_56 {strides = array<i32>} : memref<1000x8xf32, #tpu.memory_space<vmem>>, vector<1000x8xf32>,
    %reduce_max3A = arith.constant dense<0xFF800000> : vector<8xf32>
    %reduce_max3A_60 = vector.multi_reduction <maximumf>, %dot_general3A_56, %reduce_max3A [0] : vector<1000x8xf32> to vector<8xf32>
    %broadcast_in_dim3A = vector.shape_cast %reduce_max3A_60 : vector<8xf32> to vector<1x8xf32>
    %eq3A = arith.constant 0 : i32
    %eq3A_61 = arith.cmpi eq, %arg0, %eq3A : i32
    %convert_element_type3A = arith.extui %eq3A_61 : i1 to i32
    %cond3A = arith.constant 0 : i32
    %cond3A_62 = arith.cmpi ne, %convert_element_type3A, %cond3A : i32
    scf.if %cond3A_62 {
      %swap3A_67 = arith.constant 0 : index
      %swap3A_68 = arith.constant 0 : index
      %swap3A_69 = vector.load %arg7[%swap3A_67, %swap3A_68] : memref<1x8xf32, #tpu.memory_space<vmem>>, vector<1x8xf32>
      tpu.vector_store %arg7[%swap3A_67, %swap3A_68], %broadcast_in_dim3A {strides = array<i32>} : memref<1x8xf32, #tpu.memory_space<vmem>>, vector<1x8xf32>,
    } else {
    }
    %gt3A = arith.constant 0 : i32
    %gt3A_63 = arith.cmpi sgt, %arg0, %gt3A : i32
    %convert_element_type3A_64 = arith.extui %gt3A_63 : i1 to i32
    %cond3A_65 = arith.constant 0 : i32
    %cond3A_66 = arith.cmpi ne, %convert_element_type3A_64, %cond3A_65 : i32
    scf.if %cond3A_66 {
      %get3A_67 = arith.constant 0 : index
      %get3A_68 = arith.constant 0 : index
      %get3A_69 = vector.load %arg7[%get3A_67, %get3A_68] : memref<1x8xf32, #tpu.memory_space<vmem>>, vector<1x8xf32>
      %max3A = arith.maximumf %get3A_69, %broadcast_in_dim3A : vector<1x8xf32>
      %swap3A_70 = arith.constant 0 : index
      %swap3A_71 = arith.constant 0 : index
      %swap3A_72 = vector.load %arg7[%swap3A_70, %swap3A_71] : memref<1x8xf32, #tpu.memory_space<vmem>>, vector<1x8xf32>
      tpu.vector_store %arg7[%swap3A_70, %swap3A_71], %max3A {strides = array<i32>} : memref<1x8xf32, #tpu.memory_space<vmem>>, vector<1x8xf32>,
    } else {
    }
    return
  }
  func.func @transform_0(%arg0: i32) -> (i32, i32) {
    %c0_i32 = arith.constant 0 : i32
    %c0_i32_0 = arith.constant 0 : i32
    return %arg0, %c0_i32 : i32, i32
  }
  func.func @transform_1(%arg0: i32) -> (i32, i32) {
    %c0_i32 = arith.constant 0 : i32
    %c0_i32_0 = arith.constant 0 : i32
    %c0_i32_1 = arith.constant 0 : i32
    return %c0_i32, %c0_i32_0 : i32, i32
  }
  func.func @transform_2(%arg0: i32) -> (i32, i32) {
    %c0_i32 = arith.constant 0 : i32
    %c0_i32_0 = arith.constant 0 : i32
    %c0_i32_1 = arith.constant 0 : i32
    return %c0_i32, %c0_i32_0 : i32, i32
  }
  func.func @transform_3(%arg0: i32) -> (i32, i32) {
    %c0_i32 = arith.constant 0 : i32
    %c0_i32_0 = arith.constant 0 : i32
    return %arg0, %c0_i32 : i32, i32
  }
  func.func @transform_4(%arg0: i32) -> (i32, i32) {
    %c0_i32 = arith.constant 0 : i32
    %c0_i32_0 = arith.constant 0 : i32
    return %arg0, %c0_i32 : i32, i32
  }
  func.func @transform_5(%arg0: i32) -> (i32, i32) {
    %c0_i32 = arith.constant 0 : i32
    %c0_i32_0 = arith.constant 0 : i32
    return %arg0, %c0_i32 : i32, i32
  }
  func.func @transform_6(%arg0: i32) -> (i32, i32) {
    %c0_i32 = arith.constant 0 : i32
    %c0_i32_0 = arith.constant 0 : i32
    %c0_i32_1 = arith.constant 0 : i32
    return %c0_i32, %c0_i32_0 : i32, i32
  }
}

module attributes {stable_mosaic.version = 14 : i64} {
  func.func @_finish_body(%arg0: i32, %arg1: memref<2x1000x96xf32, #tpu.memory_space<vmem>>, %arg2: memref<2x1000x8xf32, #tpu.memory_space<vmem>>, %arg3: memref<1x192xf32, #tpu.memory_space<vmem>>, %arg4: memref<1000x192xf32, #tpu.memory_space<vmem>>) attributes {dimension_semantics = [#tpu.dimension_semantics<arbitrary>], iteration_bounds = array<i64: 10>, scalar_prefetch = 0 : i64, scratch_operands = 0 : i64, tpu.core_type = #tpu.core_type<tc>, window_params = [{transform_indices = @transform_0, window_bounds = array<i64: 2, 1000, 96>}, {transform_indices = @transform_1, window_bounds = array<i64: 2, 1000, 8>}, {pipeline_mode = #tpu.pipeline_mode<synchronous>, transform_indices = @transform_2, window_bounds = array<i64: 1, 192>}, {transform_indices = @transform_3, window_bounds = array<i64: 1000, 192>}]} {
    %get3A = arith.constant 0 : index
    %get3A_0 = arith.constant 0 : index
    %get3A_1 = arith.constant 0 : index
    %get3A_2 = vector.load %arg1[%get3A, %get3A_0, %get3A_1] : memref<2x1000x96xf32, #tpu.memory_space<vmem>>, vector<1x1000x16xf32>
    %get3A_3 = vector.shape_cast %get3A_2 : vector<1x1000x16xf32> to vector<1000x16xf32>
    %get3A_4 = arith.constant 1 : index
    %get3A_5 = arith.constant 0 : index
    %get3A_6 = arith.constant 0 : index
    %get3A_7 = vector.load %arg1[%get3A_4, %get3A_5, %get3A_6] : memref<2x1000x96xf32, #tpu.memory_space<vmem>>, vector<1x1000x16xf32>
    %get3A_8 = vector.shape_cast %get3A_7 : vector<1x1000x16xf32> to vector<1000x16xf32>
    %get3A_9 = arith.constant 0 : index
    %get3A_10 = arith.constant 0 : index
    %get3A_11 = arith.constant 16 : index
    %get3A_12 = vector.load %arg1[%get3A_9, %get3A_10, %get3A_11] : memref<2x1000x96xf32, #tpu.memory_space<vmem>>, vector<1x1000x16xf32>
    %get3A_13 = vector.shape_cast %get3A_12 : vector<1x1000x16xf32> to vector<1000x16xf32>
    %get3A_14 = arith.constant 1 : index
    %get3A_15 = arith.constant 0 : index
    %get3A_16 = arith.constant 16 : index
    %get3A_17 = vector.load %arg1[%get3A_14, %get3A_15, %get3A_16] : memref<2x1000x96xf32, #tpu.memory_space<vmem>>, vector<1x1000x16xf32>
    %get3A_18 = vector.shape_cast %get3A_17 : vector<1x1000x16xf32> to vector<1000x16xf32>
    %get3A_19 = arith.constant 0 : index
    %get3A_20 = arith.constant 0 : index
    %get3A_21 = arith.constant 32 : index
    %get3A_22 = vector.load %arg1[%get3A_19, %get3A_20, %get3A_21] : memref<2x1000x96xf32, #tpu.memory_space<vmem>>, vector<1x1000x16xf32>
    %get3A_23 = vector.shape_cast %get3A_22 : vector<1x1000x16xf32> to vector<1000x16xf32>
    %get3A_24 = arith.constant 1 : index
    %get3A_25 = arith.constant 0 : index
    %get3A_26 = arith.constant 32 : index
    %get3A_27 = vector.load %arg1[%get3A_24, %get3A_25, %get3A_26] : memref<2x1000x96xf32, #tpu.memory_space<vmem>>, vector<1x1000x16xf32>
    %get3A_28 = vector.shape_cast %get3A_27 : vector<1x1000x16xf32> to vector<1000x16xf32>
    %get3A_29 = arith.constant 0 : index
    %get3A_30 = arith.constant 0 : index
    %get3A_31 = arith.constant 48 : index
    %get3A_32 = vector.load %arg1[%get3A_29, %get3A_30, %get3A_31] : memref<2x1000x96xf32, #tpu.memory_space<vmem>>, vector<1x1000x16xf32>
    %get3A_33 = vector.shape_cast %get3A_32 : vector<1x1000x16xf32> to vector<1000x16xf32>
    %get3A_34 = arith.constant 1 : index
    %get3A_35 = arith.constant 0 : index
    %get3A_36 = arith.constant 48 : index
    %get3A_37 = vector.load %arg1[%get3A_34, %get3A_35, %get3A_36] : memref<2x1000x96xf32, #tpu.memory_space<vmem>>, vector<1x1000x16xf32>
    %get3A_38 = vector.shape_cast %get3A_37 : vector<1x1000x16xf32> to vector<1000x16xf32>
    %get3A_39 = arith.constant 0 : index
    %get3A_40 = arith.constant 0 : index
    %get3A_41 = arith.constant 64 : index
    %get3A_42 = vector.load %arg1[%get3A_39, %get3A_40, %get3A_41] : memref<2x1000x96xf32, #tpu.memory_space<vmem>>, vector<1x1000x16xf32>
    %get3A_43 = vector.shape_cast %get3A_42 : vector<1x1000x16xf32> to vector<1000x16xf32>
    %get3A_44 = arith.constant 1 : index
    %get3A_45 = arith.constant 0 : index
    %get3A_46 = arith.constant 64 : index
    %get3A_47 = vector.load %arg1[%get3A_44, %get3A_45, %get3A_46] : memref<2x1000x96xf32, #tpu.memory_space<vmem>>, vector<1x1000x16xf32>
    %get3A_48 = vector.shape_cast %get3A_47 : vector<1x1000x16xf32> to vector<1000x16xf32>
    %get3A_49 = arith.constant 0 : index
    %get3A_50 = arith.constant 0 : index
    %get3A_51 = arith.constant 80 : index
    %get3A_52 = vector.load %arg1[%get3A_49, %get3A_50, %get3A_51] : memref<2x1000x96xf32, #tpu.memory_space<vmem>>, vector<1x1000x16xf32>
    %get3A_53 = vector.shape_cast %get3A_52 : vector<1x1000x16xf32> to vector<1000x16xf32>
    %get3A_54 = arith.constant 1 : index
    %get3A_55 = arith.constant 0 : index
    %get3A_56 = arith.constant 80 : index
    %get3A_57 = vector.load %arg1[%get3A_54, %get3A_55, %get3A_56] : memref<2x1000x96xf32, #tpu.memory_space<vmem>>, vector<1x1000x16xf32>
    %get3A_58 = vector.shape_cast %get3A_57 : vector<1x1000x16xf32> to vector<1000x16xf32>
    %concatenate3A = tpu.concatenate %get3A_3, %get3A_8, %get3A_13, %get3A_18, %get3A_23, %get3A_28, %get3A_33, %get3A_38, %get3A_43, %get3A_48, %get3A_53, %get3A_58 in 1 : vector<1000x16xf32>, vector<1000x16xf32>, vector<1000x16xf32>, vector<1000x16xf32>, vector<1000x16xf32>, vector<1000x16xf32>, vector<1000x16xf32>, vector<1000x16xf32>, vector<1000x16xf32>, vector<1000x16xf32>, vector<1000x16xf32>, vector<1000x16xf32> -> vector<1000x192xf32>
    %get3A_59 = arith.constant 0 : index
    %get3A_60 = arith.constant 0 : index
    %get3A_61 = arith.constant 0 : index
    %get3A_62 = vector.load %arg2[%get3A_59, %get3A_60, %get3A_61] : memref<2x1000x8xf32, #tpu.memory_space<vmem>>, vector<1x1000x8xf32>
    %get3A_63 = vector.shape_cast %get3A_62 : vector<1x1000x8xf32> to vector<1000x8xf32>
    %get3A_64 = arith.constant 1 : index
    %get3A_65 = arith.constant 0 : index
    %get3A_66 = arith.constant 0 : index
    %get3A_67 = vector.load %arg2[%get3A_64, %get3A_65, %get3A_66] : memref<2x1000x8xf32, #tpu.memory_space<vmem>>, vector<1x1000x8xf32>
    %get3A_68 = vector.shape_cast %get3A_67 : vector<1x1000x8xf32> to vector<1000x8xf32>
    %add3A = arith.addf %get3A_63, %get3A_68 : vector<1000x8xf32>
    %slice3A = vector.extract_strided_slice %add3A {offsets = [0, 0], sizes = [1000, 1], strides = [1, 1]} : vector<1000x8xf32> to vector<1000x1xf32>
    %div3A = arith.constant 1.000000e+00 : f32
    %div3A_69 = vector.broadcast %div3A : f32 to vector<1000x1xf32>
    %div3A_70 = arith.divf %div3A_69, %slice3A : vector<1000x1xf32>
    %slice3A_71 = vector.extract_strided_slice %concatenate3A {offsets = [0, 0], sizes = [1000, 64], strides = [1, 1]} : vector<1000x192xf32> to vector<1000x64xf32>
    %mul3A = vector.broadcast %div3A_70 : vector<1000x1xf32> to vector<1000x64xf32>
    %mul3A_72 = arith.mulf %slice3A_71, %mul3A : vector<1000x64xf32>
    %get3A_73 = arith.constant 0 : index
    %get3A_74 = arith.constant 0 : index
    %get3A_75 = vector.load %arg3[%get3A_73, %get3A_74] : memref<1x192xf32, #tpu.memory_space<vmem>>, vector<1x64xf32>
    %get3A_76 = vector.shape_cast %get3A_75 : vector<1x64xf32> to vector<64xf32>
    %broadcast_in_dim3A = vector.shape_cast %get3A_76 : vector<64xf32> to vector<1x64xf32>
    %add3A_77 = vector.broadcast %broadcast_in_dim3A : vector<1x64xf32> to vector<1000x64xf32>
    %add3A_78 = arith.addf %mul3A_72, %add3A_77 : vector<1000x64xf32>
    %gt3A = arith.constant 0.000000e+00 : f32
    %gt3A_79 = vector.broadcast %gt3A : f32 to vector<1000x64xf32>
    %gt3A_80 = arith.cmpf ogt, %add3A_78, %gt3A_79 : vector<1000x64xf32>
    %exp3A = math.exp %add3A_78 : vector<1000x64xf32>
    %sub3A = arith.constant 1.000000e+00 : f32
    %sub3A_81 = vector.broadcast %sub3A : f32 to vector<1000x64xf32>
    %sub3A_82 = arith.subf %exp3A, %sub3A_81 : vector<1000x64xf32>
    %select_n3A = arith.select %gt3A_80, %add3A_78, %sub3A_82 : vector<1000x64xi1>, vector<1000x64xf32>
    %swap3A = arith.constant 0 : index
    %swap3A_83 = arith.constant 0 : index
    %swap3A_84 = vector.load %arg4[%swap3A, %swap3A_83] : memref<1000x192xf32, #tpu.memory_space<vmem>>, vector<1000x64xf32>
    tpu.vector_store %arg4[%swap3A, %swap3A_83], %select_n3A {strides = array<i32>} : memref<1000x192xf32, #tpu.memory_space<vmem>>, vector<1000x64xf32>,
    %slice3A_85 = vector.extract_strided_slice %add3A {offsets = [0, 1], sizes = [1000, 1], strides = [1, 1]} : vector<1000x8xf32> to vector<1000x1xf32>
    %div3A_86 = arith.constant 1.000000e+00 : f32
    %div3A_87 = vector.broadcast %div3A_86 : f32 to vector<1000x1xf32>
    %div3A_88 = arith.divf %div3A_87, %slice3A_85 : vector<1000x1xf32>
    %slice3A_89 = vector.extract_strided_slice %concatenate3A {offsets = [0, 64], sizes = [1000, 64], strides = [1, 1]} : vector<1000x192xf32> to vector<1000x64xf32>
    %mul3A_90 = vector.broadcast %div3A_88 : vector<1000x1xf32> to vector<1000x64xf32>
    %mul3A_91 = arith.mulf %slice3A_89, %mul3A_90 : vector<1000x64xf32>
    %get3A_92 = arith.constant 0 : index
    %get3A_93 = arith.constant 64 : index
    %get3A_94 = vector.load %arg3[%get3A_92, %get3A_93] : memref<1x192xf32, #tpu.memory_space<vmem>>, vector<1x64xf32>
    %get3A_95 = vector.shape_cast %get3A_94 : vector<1x64xf32> to vector<64xf32>
    %broadcast_in_dim3A_96 = vector.shape_cast %get3A_95 : vector<64xf32> to vector<1x64xf32>
    %add3A_97 = vector.broadcast %broadcast_in_dim3A_96 : vector<1x64xf32> to vector<1000x64xf32>
    %add3A_98 = arith.addf %mul3A_91, %add3A_97 : vector<1000x64xf32>
    %gt3A_99 = arith.constant 0.000000e+00 : f32
    %gt3A_100 = vector.broadcast %gt3A_99 : f32 to vector<1000x64xf32>
    %gt3A_101 = arith.cmpf ogt, %add3A_98, %gt3A_100 : vector<1000x64xf32>
    %exp3A_102 = math.exp %add3A_98 : vector<1000x64xf32>
    %sub3A_103 = arith.constant 1.000000e+00 : f32
    %sub3A_104 = vector.broadcast %sub3A_103 : f32 to vector<1000x64xf32>
    %sub3A_105 = arith.subf %exp3A_102, %sub3A_104 : vector<1000x64xf32>
    %select_n3A_106 = arith.select %gt3A_101, %add3A_98, %sub3A_105 : vector<1000x64xi1>, vector<1000x64xf32>
    %swap3A_107 = arith.constant 0 : index
    %swap3A_108 = arith.constant 64 : index
    %swap3A_109 = vector.load %arg4[%swap3A_107, %swap3A_108] : memref<1000x192xf32, #tpu.memory_space<vmem>>, vector<1000x64xf32>
    tpu.vector_store %arg4[%swap3A_107, %swap3A_108], %select_n3A_106 {strides = array<i32>} : memref<1000x192xf32, #tpu.memory_space<vmem>>, vector<1000x64xf32>,
    %slice3A_110 = vector.extract_strided_slice %add3A {offsets = [0, 2], sizes = [1000, 1], strides = [1, 1]} : vector<1000x8xf32> to vector<1000x1xf32>
    %div3A_111 = arith.constant 1.000000e+00 : f32
    %div3A_112 = vector.broadcast %div3A_111 : f32 to vector<1000x1xf32>
    %div3A_113 = arith.divf %div3A_112, %slice3A_110 : vector<1000x1xf32>
    %slice3A_114 = vector.extract_strided_slice %concatenate3A {offsets = [0, 128], sizes = [1000, 64], strides = [1, 1]} : vector<1000x192xf32> to vector<1000x64xf32>
    %mul3A_115 = vector.broadcast %div3A_113 : vector<1000x1xf32> to vector<1000x64xf32>
    %mul3A_116 = arith.mulf %slice3A_114, %mul3A_115 : vector<1000x64xf32>
    %get3A_117 = arith.constant 0 : index
    %get3A_118 = arith.constant 128 : index
    %get3A_119 = vector.load %arg3[%get3A_117, %get3A_118] : memref<1x192xf32, #tpu.memory_space<vmem>>, vector<1x64xf32>
    %get3A_120 = vector.shape_cast %get3A_119 : vector<1x64xf32> to vector<64xf32>
    %broadcast_in_dim3A_121 = vector.shape_cast %get3A_120 : vector<64xf32> to vector<1x64xf32>
    %add3A_122 = vector.broadcast %broadcast_in_dim3A_121 : vector<1x64xf32> to vector<1000x64xf32>
    %add3A_123 = arith.addf %mul3A_116, %add3A_122 : vector<1000x64xf32>
    %gt3A_124 = arith.constant 0.000000e+00 : f32
    %gt3A_125 = vector.broadcast %gt3A_124 : f32 to vector<1000x64xf32>
    %gt3A_126 = arith.cmpf ogt, %add3A_123, %gt3A_125 : vector<1000x64xf32>
    %exp3A_127 = math.exp %add3A_123 : vector<1000x64xf32>
    %sub3A_128 = arith.constant 1.000000e+00 : f32
    %sub3A_129 = vector.broadcast %sub3A_128 : f32 to vector<1000x64xf32>
    %sub3A_130 = arith.subf %exp3A_127, %sub3A_129 : vector<1000x64xf32>
    %select_n3A_131 = arith.select %gt3A_126, %add3A_123, %sub3A_130 : vector<1000x64xi1>, vector<1000x64xf32>
    %swap3A_132 = arith.constant 0 : index
    %swap3A_133 = arith.constant 128 : index
    %swap3A_134 = vector.load %arg4[%swap3A_132, %swap3A_133] : memref<1000x192xf32, #tpu.memory_space<vmem>>, vector<1000x64xf32>
    tpu.vector_store %arg4[%swap3A_132, %swap3A_133], %select_n3A_131 {strides = array<i32>} : memref<1000x192xf32, #tpu.memory_space<vmem>>, vector<1000x64xf32>,
    return
  }
  func.func @transform_0(%arg0: i32) -> (i32, i32, i32) {
    %c0_i32 = arith.constant 0 : i32
    %c0_i32_0 = arith.constant 0 : i32
    %c0_i32_1 = arith.constant 0 : i32
    return %c0_i32, %arg0, %c0_i32_0 : i32, i32, i32
  }
  func.func @transform_1(%arg0: i32) -> (i32, i32, i32) {
    %c0_i32 = arith.constant 0 : i32
    %c0_i32_0 = arith.constant 0 : i32
    %c0_i32_1 = arith.constant 0 : i32
    return %c0_i32, %arg0, %c0_i32_0 : i32, i32, i32
  }
  func.func @transform_2(%arg0: i32) -> (i32, i32) {
    %c0_i32 = arith.constant 0 : i32
    %c0_i32_0 = arith.constant 0 : i32
    %c0_i32_1 = arith.constant 0 : i32
    return %c0_i32, %c0_i32_0 : i32, i32
  }
  func.func @transform_3(%arg0: i32) -> (i32, i32) {
    %c0_i32 = arith.constant 0 : i32
    %c0_i32_0 = arith.constant 0 : i32
    return %arg0, %c0_i32 : i32, i32
  }
}

module attributes {stable_mosaic.version = 14 : i64} {
  func.func @_feats_body(%arg0: i32, %arg1: memref<1000x192xf32, #tpu.memory_space<vmem>>, %arg2: memref<192x192xf32, #tpu.memory_space<vmem>>, %arg3: memref<192x8xf32, #tpu.memory_space<vmem>>, %arg4: memref<1000x96xf32, #tpu.memory_space<vmem>>, %arg5: memref<1000x96xf32, #tpu.memory_space<vmem>>, %arg6: memref<1000x8xf32, #tpu.memory_space<vmem>>, %arg7: memref<1x8xf32, #tpu.memory_space<vmem>>) attributes {dimension_semantics = [#tpu.dimension_semantics<arbitrary>], iteration_bounds = array<i64: 10>, scalar_prefetch = 0 : i64, scratch_operands = 0 : i64, tpu.core_type = #tpu.core_type<tc>, window_params = [{transform_indices = @transform_0, window_bounds = array<i64: 1000, 192>}, {pipeline_mode = #tpu.pipeline_mode<synchronous>, transform_indices = @transform_1, window_bounds = array<i64: 192, 192>}, {pipeline_mode = #tpu.pipeline_mode<synchronous>, transform_indices = @transform_2, window_bounds = array<i64: 192, 8>}, {transform_indices = @transform_3, window_bounds = array<i64: 1000, 96>}, {transform_indices = @transform_4, window_bounds = array<i64: 1000, 96>}, {transform_indices = @transform_5, window_bounds = array<i64: 1000, 8>}, {pipeline_mode = #tpu.pipeline_mode<synchronous>, transform_indices = @transform_6, window_bounds = array<i64: 1, 8>}]} {
    %get3A = arith.constant 0 : index
    %get3A_0 = arith.constant 0 : index
    %get3A_1 = vector.load %arg1[%get3A, %get3A_0] : memref<1000x192xf32, #tpu.memory_space<vmem>>, vector<1000x192xf32>
    %get3A_2 = arith.constant 0 : index
    %get3A_3 = arith.constant 0 : index
    %get3A_4 = vector.load %arg2[%get3A_2, %get3A_3] : memref<192x192xf32, #tpu.memory_space<vmem>>, vector<192x192xf32>
    %dot_general3A = arith.constant dense<0.000000e+00> : vector<1000x192xf32>
    %dot_general3A_5 = tpu.matmul %get3A_1, %get3A_4, %dot_general3A {dimension_numbers = #tpu.dot_dimension_numbers<[1], [0], [0], [1], [0, 0, 1, 1], [], []>, transpose_lhs_hint = false} : vector<1000x192xf32>, vector<192x192xf32>, vector<1000x192xf32> -> vector<1000x192xf32>
    %slice3A = vector.extract_strided_slice %dot_general3A_5 {offsets = [0, 0], sizes = [1000, 16], strides = [1, 1]} : vector<1000x192xf32> to vector<1000x16xf32>
    %swap3A = arith.constant 0 : index
    %swap3A_6 = arith.constant 0 : index
    %swap3A_7 = vector.load %arg4[%swap3A, %swap3A_6] : memref<1000x96xf32, #tpu.memory_space<vmem>>, vector<1000x16xf32>
    tpu.vector_store %arg4[%swap3A, %swap3A_6], %slice3A {strides = array<i32>} : memref<1000x96xf32, #tpu.memory_space<vmem>>, vector<1000x16xf32>,
    %slice3A_8 = vector.extract_strided_slice %dot_general3A_5 {offsets = [0, 16], sizes = [1000, 16], strides = [1, 1]} : vector<1000x192xf32> to vector<1000x16xf32>
    %swap3A_9 = arith.constant 0 : index
    %swap3A_10 = arith.constant 0 : index
    %swap3A_11 = vector.load %arg5[%swap3A_9, %swap3A_10] : memref<1000x96xf32, #tpu.memory_space<vmem>>, vector<1000x16xf32>
    tpu.vector_store %arg5[%swap3A_9, %swap3A_10], %slice3A_8 {strides = array<i32>} : memref<1000x96xf32, #tpu.memory_space<vmem>>, vector<1000x16xf32>,
    %slice3A_12 = vector.extract_strided_slice %dot_general3A_5 {offsets = [0, 32], sizes = [1000, 16], strides = [1, 1]} : vector<1000x192xf32> to vector<1000x16xf32>
    %swap3A_13 = arith.constant 0 : index
    %swap3A_14 = arith.constant 16 : index
    %swap3A_15 = vector.load %arg4[%swap3A_13, %swap3A_14] : memref<1000x96xf32, #tpu.memory_space<vmem>>, vector<1000x16xf32>
    tpu.vector_store %arg4[%swap3A_13, %swap3A_14], %slice3A_12 {strides = array<i32>} : memref<1000x96xf32, #tpu.memory_space<vmem>>, vector<1000x16xf32>,
    %slice3A_16 = vector.extract_strided_slice %dot_general3A_5 {offsets = [0, 48], sizes = [1000, 16], strides = [1, 1]} : vector<1000x192xf32> to vector<1000x16xf32>
    %swap3A_17 = arith.constant 0 : index
    %swap3A_18 = arith.constant 16 : index
    %swap3A_19 = vector.load %arg5[%swap3A_17, %swap3A_18] : memref<1000x96xf32, #tpu.memory_space<vmem>>, vector<1000x16xf32>
    tpu.vector_store %arg5[%swap3A_17, %swap3A_18], %slice3A_16 {strides = array<i32>} : memref<1000x96xf32, #tpu.memory_space<vmem>>, vector<1000x16xf32>,
    %slice3A_20 = vector.extract_strided_slice %dot_general3A_5 {offsets = [0, 64], sizes = [1000, 16], strides = [1, 1]} : vector<1000x192xf32> to vector<1000x16xf32>
    %swap3A_21 = arith.constant 0 : index
    %swap3A_22 = arith.constant 32 : index
    %swap3A_23 = vector.load %arg4[%swap3A_21, %swap3A_22] : memref<1000x96xf32, #tpu.memory_space<vmem>>, vector<1000x16xf32>
    tpu.vector_store %arg4[%swap3A_21, %swap3A_22], %slice3A_20 {strides = array<i32>} : memref<1000x96xf32, #tpu.memory_space<vmem>>, vector<1000x16xf32>,
    %slice3A_24 = vector.extract_strided_slice %dot_general3A_5 {offsets = [0, 80], sizes = [1000, 16], strides = [1, 1]} : vector<1000x192xf32> to vector<1000x16xf32>
    %swap3A_25 = arith.constant 0 : index
    %swap3A_26 = arith.constant 32 : index
    %swap3A_27 = vector.load %arg5[%swap3A_25, %swap3A_26] : memref<1000x96xf32, #tpu.memory_space<vmem>>, vector<1000x16xf32>
    tpu.vector_store %arg5[%swap3A_25, %swap3A_26], %slice3A_24 {strides = array<i32>} : memref<1000x96xf32, #tpu.memory_space<vmem>>, vector<1000x16xf32>,
    %slice3A_28 = vector.extract_strided_slice %dot_general3A_5 {offsets = [0, 96], sizes = [1000, 16], strides = [1, 1]} : vector<1000x192xf32> to vector<1000x16xf32>
    %swap3A_29 = arith.constant 0 : index
    %swap3A_30 = arith.constant 48 : index
    %swap3A_31 = vector.load %arg4[%swap3A_29, %swap3A_30] : memref<1000x96xf32, #tpu.memory_space<vmem>>, vector<1000x16xf32>
    tpu.vector_store %arg4[%swap3A_29, %swap3A_30], %slice3A_28 {strides = array<i32>} : memref<1000x96xf32, #tpu.memory_space<vmem>>, vector<1000x16xf32>,
    %slice3A_32 = vector.extract_strided_slice %dot_general3A_5 {offsets = [0, 112], sizes = [1000, 16], strides = [1, 1]} : vector<1000x192xf32> to vector<1000x16xf32>
    %swap3A_33 = arith.constant 0 : index
    %swap3A_34 = arith.constant 48 : index
    %swap3A_35 = vector.load %arg5[%swap3A_33, %swap3A_34] : memref<1000x96xf32, #tpu.memory_space<vmem>>, vector<1000x16xf32>
    tpu.vector_store %arg5[%swap3A_33, %swap3A_34], %slice3A_32 {strides = array<i32>} : memref<1000x96xf32, #tpu.memory_space<vmem>>, vector<1000x16xf32>,
    %slice3A_36 = vector.extract_strided_slice %dot_general3A_5 {offsets = [0, 128], sizes = [1000, 16], strides = [1, 1]} : vector<1000x192xf32> to vector<1000x16xf32>
    %swap3A_37 = arith.constant 0 : index
    %swap3A_38 = arith.constant 64 : index
    %swap3A_39 = vector.load %arg4[%swap3A_37, %swap3A_38] : memref<1000x96xf32, #tpu.memory_space<vmem>>, vector<1000x16xf32>
    tpu.vector_store %arg4[%swap3A_37, %swap3A_38], %slice3A_36 {strides = array<i32>} : memref<1000x96xf32, #tpu.memory_space<vmem>>, vector<1000x16xf32>,
    %slice3A_40 = vector.extract_strided_slice %dot_general3A_5 {offsets = [0, 144], sizes = [1000, 16], strides = [1, 1]} : vector<1000x192xf32> to vector<1000x16xf32>
    %swap3A_41 = arith.constant 0 : index
    %swap3A_42 = arith.constant 64 : index
    %swap3A_43 = vector.load %arg5[%swap3A_41, %swap3A_42] : memref<1000x96xf32, #tpu.memory_space<vmem>>, vector<1000x16xf32>
    tpu.vector_store %arg5[%swap3A_41, %swap3A_42], %slice3A_40 {strides = array<i32>} : memref<1000x96xf32, #tpu.memory_space<vmem>>, vector<1000x16xf32>,
    %slice3A_44 = vector.extract_strided_slice %dot_general3A_5 {offsets = [0, 160], sizes = [1000, 16], strides = [1, 1]} : vector<1000x192xf32> to vector<1000x16xf32>
    %swap3A_45 = arith.constant 0 : index
    %swap3A_46 = arith.constant 80 : index
    %swap3A_47 = vector.load %arg4[%swap3A_45, %swap3A_46] : memref<1000x96xf32, #tpu.memory_space<vmem>>, vector<1000x16xf32>
    tpu.vector_store %arg4[%swap3A_45, %swap3A_46], %slice3A_44 {strides = array<i32>} : memref<1000x96xf32, #tpu.memory_space<vmem>>, vector<1000x16xf32>,
    %slice3A_48 = vector.extract_strided_slice %dot_general3A_5 {offsets = [0, 176], sizes = [1000, 16], strides = [1, 1]} : vector<1000x192xf32> to vector<1000x16xf32>
    %swap3A_49 = arith.constant 0 : index
    %swap3A_50 = arith.constant 80 : index
    %swap3A_51 = vector.load %arg5[%swap3A_49, %swap3A_50] : memref<1000x96xf32, #tpu.memory_space<vmem>>, vector<1000x16xf32>
    tpu.vector_store %arg5[%swap3A_49, %swap3A_50], %slice3A_48 {strides = array<i32>} : memref<1000x96xf32, #tpu.memory_space<vmem>>, vector<1000x16xf32>,
    %get3A_52 = arith.constant 0 : index
    %get3A_53 = arith.constant 0 : index
    %get3A_54 = vector.load %arg3[%get3A_52, %get3A_53] : memref<192x8xf32, #tpu.memory_space<vmem>>, vector<192x8xf32>
    %dot_general3A_55 = arith.constant dense<0.000000e+00> : vector<1000x8xf32>
    %dot_general3A_56 = tpu.matmul %dot_general3A_5, %get3A_54, %dot_general3A_55 {dimension_numbers = #tpu.dot_dimension_numbers<[1], [0], [0], [1], [0, 0, 1, 1], [], []>, transpose_lhs_hint = false} : vector<1000x192xf32>, vector<192x8xf32>, vector<1000x8xf32> -> vector<1000x8xf32>
    %swap3A_57 = arith.constant 0 : index
    %swap3A_58 = arith.constant 0 : index
    %swap3A_59 = vector.load %arg6[%swap3A_57, %swap3A_58] : memref<1000x8xf32, #tpu.memory_space<vmem>>, vector<1000x8xf32>
    tpu.vector_store %arg6[%swap3A_57, %swap3A_58], %dot_general3A_56 {strides = array<i32>} : memref<1000x8xf32, #tpu.memory_space<vmem>>, vector<1000x8xf32>,
    %reduce_max3A = arith.constant dense<0xFF800000> : vector<8xf32>
    %reduce_max3A_60 = vector.multi_reduction <maximumf>, %dot_general3A_56, %reduce_max3A [0] : vector<1000x8xf32> to vector<8xf32>
    %broadcast_in_dim3A = vector.shape_cast %reduce_max3A_60 : vector<8xf32> to vector<1x8xf32>
    %eq3A = arith.constant 0 : i32
    %eq3A_61 = arith.cmpi eq, %arg0, %eq3A : i32
    %convert_element_type3A = arith.extui %eq3A_61 : i1 to i32
    %cond3A = arith.constant 0 : i32
    %cond3A_62 = arith.cmpi ne, %convert_element_type3A, %cond3A : i32
    scf.if %cond3A_62 {
      %swap3A_67 = arith.constant 0 : index
      %swap3A_68 = arith.constant 0 : index
      %swap3A_69 = vector.load %arg7[%swap3A_67, %swap3A_68] : memref<1x8xf32, #tpu.memory_space<vmem>>, vector<1x8xf32>
      tpu.vector_store %arg7[%swap3A_67, %swap3A_68], %broadcast_in_dim3A {strides = array<i32>} : memref<1x8xf32, #tpu.memory_space<vmem>>, vector<1x8xf32>,
    } else {
    }
    %gt3A = arith.constant 0 : i32
    %gt3A_63 = arith.cmpi sgt, %arg0, %gt3A : i32
    %convert_element_type3A_64 = arith.extui %gt3A_63 : i1 to i32
    %cond3A_65 = arith.constant 0 : i32
    %cond3A_66 = arith.cmpi ne, %convert_element_type3A_64, %cond3A_65 : i32
    scf.if %cond3A_66 {
      %get3A_67 = arith.constant 0 : index
      %get3A_68 = arith.constant 0 : index
      %get3A_69 = vector.load %arg7[%get3A_67, %get3A_68] : memref<1x8xf32, #tpu.memory_space<vmem>>, vector<1x8xf32>
      %max3A = arith.maximumf %get3A_69, %broadcast_in_dim3A : vector<1x8xf32>
      %swap3A_70 = arith.constant 0 : index
      %swap3A_71 = arith.constant 0 : index
      %swap3A_72 = vector.load %arg7[%swap3A_70, %swap3A_71] : memref<1x8xf32, #tpu.memory_space<vmem>>, vector<1x8xf32>
      tpu.vector_store %arg7[%swap3A_70, %swap3A_71], %max3A {strides = array<i32>} : memref<1x8xf32, #tpu.memory_space<vmem>>, vector<1x8xf32>,
    } else {
    }
    return
  }
  func.func @transform_0(%arg0: i32) -> (i32, i32) {
    %c0_i32 = arith.constant 0 : i32
    %c0_i32_0 = arith.constant 0 : i32
    return %arg0, %c0_i32 : i32, i32
  }
  func.func @transform_1(%arg0: i32) -> (i32, i32) {
    %c0_i32 = arith.constant 0 : i32
    %c0_i32_0 = arith.constant 0 : i32
    %c0_i32_1 = arith.constant 0 : i32
    return %c0_i32, %c0_i32_0 : i32, i32
  }
  func.func @transform_2(%arg0: i32) -> (i32, i32) {
    %c0_i32 = arith.constant 0 : i32
    %c0_i32_0 = arith.constant 0 : i32
    %c0_i32_1 = arith.constant 0 : i32
    return %c0_i32, %c0_i32_0 : i32, i32
  }
  func.func @transform_3(%arg0: i32) -> (i32, i32) {
    %c0_i32 = arith.constant 0 : i32
    %c0_i32_0 = arith.constant 0 : i32
    return %arg0, %c0_i32 : i32, i32
  }
  func.func @transform_4(%arg0: i32) -> (i32, i32) {
    %c0_i32 = arith.constant 0 : i32
    %c0_i32_0 = arith.constant 0 : i32
    return %arg0, %c0_i32 : i32, i32
  }
  func.func @transform_5(%arg0: i32) -> (i32, i32) {
    %c0_i32 = arith.constant 0 : i32
    %c0_i32_0 = arith.constant 0 : i32
    return %arg0, %c0_i32 : i32, i32
  }
  func.func @transform_6(%arg0: i32) -> (i32, i32) {
    %c0_i32 = arith.constant 0 : i32
    %c0_i32_0 = arith.constant 0 : i32
    %c0_i32_1 = arith.constant 0 : i32
    return %c0_i32, %c0_i32_0 : i32, i32
  }
}

module attributes {stable_mosaic.version = 14 : i64} {
  func.func @_pool_body(%arg0: i32, %arg1: memref<1000x192xf32, #tpu.memory_space<vmem>>, %arg2: memref<1x1x1000xi32, #tpu.memory_space<vmem>>, %arg3: memref<192x128xf32, #tpu.memory_space<vmem>>, %arg4: memref<64x128xf32, #tpu.memory_space<vmem>>, %arg5: memref<64x128xf32, #tpu.memory_space<vmem>>, %arg6: memref<64x128xf32, #tpu.memory_space<vmem>>) attributes {dimension_semantics = [#tpu.dimension_semantics<arbitrary>], iteration_bounds = array<i64: 10>, scalar_prefetch = 0 : i64, scratch_operands = 2 : i64, tpu.core_type = #tpu.core_type<tc>, window_params = [{transform_indices = @transform_0, window_bounds = array<i64: 1000, 192>}, {transform_indices = @transform_1, window_bounds = array<i64: 1, 1, 1000>}, {pipeline_mode = #tpu.pipeline_mode<synchronous>, transform_indices = @transform_2, window_bounds = array<i64: 192, 128>}, {pipeline_mode = #tpu.pipeline_mode<synchronous>, transform_indices = @transform_3, window_bounds = array<i64: 64, 128>}]} {
    %get3A = arith.constant 0 : index
    %get3A_0 = arith.constant 0 : index
    %get3A_1 = arith.constant 0 : index
    %get3A_2 = vector.load %arg2[%get3A, %get3A_0, %get3A_1] : memref<1x1x1000xi32, #tpu.memory_space<vmem>>, vector<1x1x1000xi32>
    %get3A_3 = vector.shape_cast %get3A_2 : vector<1x1x1000xi32> to vector<1x1000xi32>
    %iota3A = tpu.iota {dimensions = array<i32: 0>} : vector<64x1000xi32>
    %eq3A = vector.broadcast %get3A_3 : vector<1x1000xi32> to vector<64x1000xi32>
    %eq3A_4 = arith.cmpi eq, %iota3A, %eq3A : vector<64x1000xi32>
    %convert_element_type3A = arith.extui %eq3A_4 : vector<64x1000xi1> to vector<64x1000xi32>
    %convert_element_type3A_5 = arith.sitofp %convert_element_type3A : vector<64x1000xi32> to vector<64x1000xf32>
    %get3A_6 = arith.constant 0 : index
    %get3A_7 = arith.constant 0 : index
    %get3A_8 = vector.load %arg1[%get3A_6, %get3A_7] : memref<1000x192xf32, #tpu.memory_space<vmem>>, vector<1000x192xf32>
    %get3A_9 = arith.constant 0 : index
    %get3A_10 = arith.constant 0 : index
    %get3A_11 = vector.load %arg3[%get3A_9, %get3A_10] : memref<192x128xf32, #tpu.memory_space<vmem>>, vector<192x128xf32>
    %dot_general3A = arith.constant dense<0.000000e+00> : vector<1000x128xf32>
    %dot_general3A_12 = tpu.matmul %get3A_8, %get3A_11, %dot_general3A {dimension_numbers = #tpu.dot_dimension_numbers<[1], [0], [0], [1], [0, 0, 1, 1], [], []>, transpose_lhs_hint = false} : vector<1000x192xf32>, vector<192x128xf32>, vector<1000x128xf32> -> vector<1000x128xf32>
    %eq3A_13 = arith.constant 0 : i32
    %eq3A_14 = arith.cmpi eq, %arg0, %eq3A_13 : i32
    %convert_element_type3A_15 = arith.extui %eq3A_14 : i1 to i32
    %cond3A = arith.constant 0 : i32
    %cond3A_16 = arith.cmpi ne, %convert_element_type3A_15, %cond3A : i32
    scf.if %cond3A_16 {
      %broadcast_in_dim3A_39 = arith.constant 0.000000e+00 : f32
      %broadcast_in_dim3A_40 = vector.broadcast %broadcast_in_dim3A_39 : f32 to vector<64x128xf32>
      %swap3A_41 = arith.constant 0 : index
      %swap3A_42 = arith.constant 0 : index
      %swap3A_43 = vector.load %arg5[%swap3A_41, %swap3A_42] : memref<64x128xf32, #tpu.memory_space<vmem>>, vector<64x128xf32>
      tpu.vector_store %arg5[%swap3A_41, %swap3A_42], %broadcast_in_dim3A_40 {strides = array<i32>} : memref<64x128xf32, #tpu.memory_space<vmem>>, vector<64x128xf32>,
      %broadcast_in_dim3A_44 = arith.constant 0.000000e+00 : f32
      %broadcast_in_dim3A_45 = vector.broadcast %broadcast_in_dim3A_44 : f32 to vector<64x128xf32>
      %swap3A_46 = arith.constant 0 : index
      %swap3A_47 = arith.constant 0 : index
      %swap3A_48 = vector.load %arg6[%swap3A_46, %swap3A_47] : memref<64x128xf32, #tpu.memory_space<vmem>>, vector<64x128xf32>
      tpu.vector_store %arg6[%swap3A_46, %swap3A_47], %broadcast_in_dim3A_45 {strides = array<i32>} : memref<64x128xf32, #tpu.memory_space<vmem>>, vector<64x128xf32>,
    } else {
    }
    %get3A_17 = arith.constant 0 : index
    %get3A_18 = arith.constant 0 : index
    %get3A_19 = vector.load %arg5[%get3A_17, %get3A_18] : memref<64x128xf32, #tpu.memory_space<vmem>>, vector<64x128xf32>
    %dot_general3A_20 = arith.constant dense<0.000000e+00> : vector<64x128xf32>
    %dot_general3A_21 = tpu.matmul %convert_element_type3A_5, %dot_general3A_12, %dot_general3A_20 {dimension_numbers = #tpu.dot_dimension_numbers<[1], [0], [0], [1], [0, 0, 1, 1], [], []>, transpose_lhs_hint = false} : vector<64x1000xf32>, vector<1000x128xf32>, vector<64x128xf32> -> vector<64x128xf32>
    %add3A = arith.addf %get3A_19, %dot_general3A_21 : vector<64x128xf32>
    %swap3A = arith.constant 0 : index
    %swap3A_22 = arith.constant 0 : index
    %swap3A_23 = vector.load %arg5[%swap3A, %swap3A_22] : memref<64x128xf32, #tpu.memory_space<vmem>>, vector<64x128xf32>
    tpu.vector_store %arg5[%swap3A, %swap3A_22], %add3A {strides = array<i32>} : memref<64x128xf32, #tpu.memory_space<vmem>>, vector<64x128xf32>,
    %get3A_24 = arith.constant 0 : index
    %get3A_25 = arith.constant 0 : index
    %get3A_26 = vector.load %arg6[%get3A_24, %get3A_25] : memref<64x128xf32, #tpu.memory_space<vmem>>, vector<64x128xf32>
    %broadcast_in_dim3A = arith.constant 1.000000e+00 : f32
    %broadcast_in_dim3A_27 = vector.broadcast %broadcast_in_dim3A : f32 to vector<1000x128xf32>
    %dot_general3A_28 = arith.constant dense<0.000000e+00> : vector<64x128xf32>
    %dot_general3A_29 = tpu.matmul %convert_element_type3A_5, %broadcast_in_dim3A_27, %dot_general3A_28 {dimension_numbers = #tpu.dot_dimension_numbers<[1], [0], [0], [1], [0, 0, 1, 1], [], []>, transpose_lhs_hint = false} : vector<64x1000xf32>, vector<1000x128xf32>, vector<64x128xf32> -> vector<64x128xf32>
    %add3A_30 = arith.addf %get3A_26, %dot_general3A_29 : vector<64x128xf32>
    %swap3A_31 = arith.constant 0 : index
    %swap3A_32 = arith.constant 0 : index
    %swap3A_33 = vector.load %arg6[%swap3A_31, %swap3A_32] : memref<64x128xf32, #tpu.memory_space<vmem>>, vector<64x128xf32>
    tpu.vector_store %arg6[%swap3A_31, %swap3A_32], %add3A_30 {strides = array<i32>} : memref<64x128xf32, #tpu.memory_space<vmem>>, vector<64x128xf32>,
    %eq3A_34 = arith.constant 9 : i32
    %eq3A_35 = arith.cmpi eq, %arg0, %eq3A_34 : i32
    %convert_element_type3A_36 = arith.extui %eq3A_35 : i1 to i32
    %cond3A_37 = arith.constant 0 : i32
    %cond3A_38 = arith.cmpi ne, %convert_element_type3A_36, %cond3A_37 : i32
    scf.if %cond3A_38 {
      %get3A_39 = arith.constant 0 : index
      %get3A_40 = arith.constant 0 : index
      %get3A_41 = vector.load %arg5[%get3A_39, %get3A_40] : memref<64x128xf32, #tpu.memory_space<vmem>>, vector<64x128xf32>
      %get3A_42 = arith.constant 0 : index
      %get3A_43 = arith.constant 0 : index
      %get3A_44 = vector.load %arg6[%get3A_42, %get3A_43] : memref<64x128xf32, #tpu.memory_space<vmem>>, vector<64x128xf32>
      %max3A = arith.constant 1.000000e+00 : f32
      %max3A_45 = vector.broadcast %max3A : f32 to vector<64x128xf32>
      %max3A_46 = arith.maximumf %get3A_44, %max3A_45 : vector<64x128xf32>
      %div3A = arith.divf %get3A_41, %max3A_46 : vector<64x128xf32>
      %swap3A_47 = arith.constant 0 : index
      %swap3A_48 = arith.constant 0 : index
      %swap3A_49 = vector.load %arg4[%swap3A_47, %swap3A_48] : memref<64x128xf32, #tpu.memory_space<vmem>>, vector<64x128xf32>
      tpu.vector_store %arg4[%swap3A_47, %swap3A_48], %div3A {strides = array<i32>} : memref<64x128xf32, #tpu.memory_space<vmem>>, vector<64x128xf32>,
    } else {
    }
    return
  }
  func.func @transform_0(%arg0: i32) -> (i32, i32) {
    %c0_i32 = arith.constant 0 : i32
    %c0_i32_0 = arith.constant 0 : i32
    return %arg0, %c0_i32 : i32, i32
  }
  func.func @transform_1(%arg0: i32) -> (i32, i32, i32) {
    %c0_i32 = arith.constant 0 : i32
    %c0_i32_0 = arith.constant 0 : i32
    %c0_i32_1 = arith.constant 0 : i32
    return %arg0, %c0_i32, %c0_i32_0 : i32, i32, i32
  }
  func.func @transform_2(%arg0: i32) -> (i32, i32) {
    %c0_i32 = arith.constant 0 : i32
    %c0_i32_0 = arith.constant 0 : i32
    %c0_i32_1 = arith.constant 0 : i32
    return %c0_i32, %c0_i32_0 : i32, i32
  }
  func.func @transform_3(%arg0: i32) -> (i32, i32) {
    %c0_i32 = arith.constant 0 : i32
    %c0_i32_0 = arith.constant 0 : i32
    %c0_i32_1 = arith.constant 0 : i32
    return %c0_i32, %c0_i32_0 : i32, i32
  }
}

</mosaic_0001>

<sc_bundles>
// kernel: kernel.12.cloned.1.call-start
scs
__scs_entry_jumppad:
0x0: {  	(pc) =	sbr.rel $0x88, $3  }
0x1: {  	(tag) =	ssettag $0x0;
	lr =	simm.s32 $0x1  }
0x2: {  	[smem:$0x3F94] =	sst lr;
	_ =	strace $0xD0000000  }
0x3: {  	_ = 	snop  }
0x4: {  	_ = 	snop  }
0x5: {  	_ = 	snop  }
0x6: {  	_ = 	snop  }
0x7: {  	_ = 	snop  }
__scs_overlays_trampoline_lowered:
0x8: {  	[smem:$0x3FA3] =	sst s0  }
0x9: {  	[smem:$0x3FA4] =	sst s1  }
0xa: {  	[smem:$0x3FA5] =	sst s2  }
0xb: {  	[smem:$0x3FA6] =	sst s3  }
0xc: {  	[smem:$0x3FA7] =	sst s4  }
0xd: {  	[smem:$0x3FA8] =	sst s5  }
0xe: {  	[smem:$0x3FA9] =	sst s6  }
0xf: {  	[smem:$0x3FAA] =	sst s7  }
0x10: {  	[smem:$0x3FAB] =	sst s8  }
0x11: {  	[smem:$0x3FAC] =	sst s9;
	s0 =	simm.s32 @!p0 $0x0  }
0x12: {  	s1 =	sld [smem:$0x3F92];
	s0 =	simm.s32 @p0 $0x1  }
0x13: {  	[smem:$0x3FAD] =	sst s0;
	s0 =	simm.s32 @!p1 $0x0  }
0x14: {  	s2 =	sld [smem:$0x3F91];
	s0 =	simm.s32 @p1 $0x1  }
0x15: {  	[smem:$0x3FAE] =	sst s0;
	s0 =	simm.s32 @!p2 $0x0  }
0x16: {  	s3 =	sld [smem:$0x3FDB];
	s0 =	simm.s32 @p2 $0x1  }
0x17: {  	s4 =	simm.s32 $0x1BF5;
	[smem:$0x3FB0] =	sst s0  }
0x18: {  	s0 =	sld [smem:$0x3F93];
	_ =	swait.ge [sflag:s4], $0x0  }
0x19: {  	s7 =	sld [smem:$0x3F94]  }
0x1a: {  	s8 =	sadd.s32 $0xFFFFE003, lr  }
0x1b: {  	s9 =	sadd.s32 $0xFFFFFEF7, lr;
	s5 =	simm.s32 $0xFFFFFFFF;
	p2 =	slt.u32 s8, $0xFFFFF086  }
0x1c: {  	p1 =	slt.u32 s9, $0xF7A;
	s5 =	simm.s32 @!p2 $0x0  }
0x1d: {  	s5 =	simm.s32 @p1 $0x1;
	p0 =	seq.s32 s7, s2  }
0x1e: {  	s7 =	smul.u32 @!p0 $0xF7A, s2;
	p2 =	seq.s32 @!p0 s5, $0x0  }
0x1f: {  	s9 =	smul.u32 $0xF7A, s1;
	s8 =	simm.s32 @!p0 $0x1BF5;
	p2 =	por !p2, p0  }
0x20: {  	[sflag:s8] =	ssyncset.s32 @!p0 $0xFFFFF086;
	s6 =	sadd.s32 @!p0 s3, s7;
	s7 =	simm.s32 @!p0 $0x108  }
0x21: {  	s3 =	sadd.s32 s3, s9;
	s6 =	sadd.s32 @!p0 $0x88, s6;
	s7 =	simm.s32 @p2 $0x1082  }
0x22: {  	[simem:s7], [sflag:s8] =	dma.local @!p0 [hbm:s6], $0xF7A  }
0x23: {  	s9 =	sor.u32 $0xD0000000, s2;
	s6 =	simm.s32 $0x108;
	_ =	swait.ge @!p0 [sflag:s8], $0x0  }
0x24: {  	s3 =	sadd.s32 $0x88, s3;
	s6 =	simm.s32 @!p1 $0x1082;
	[sflag:s4] =	ssyncset.s32 $0xFFFFF086  }
0x25: {  	[simem:s6], [sflag:s4] =	dma.local [hbm:s3], $0xF7A  }
0x26: {  	[smem:$0x3F94] =	sst s1;
	(tag) =	ssettag s2;
	_ =	strace s9  }
0x27: {  	s1 =	sld [smem:$0x3FA4]  }
0x28: {  	s2 =	sld [smem:$0x3FA5]  }
0x29: {  	s4 =	sld [smem:$0x3FA7]  }
0x2a: {  	p0 =	seq.s32 s5, $0x0;
	s5 =	sld [smem:$0x3FA8]  }
0x2b: {  	s6 =	sld [smem:$0x3FA9]  }
0x2c: {  	s7 =	sld [smem:$0x3FAA]  }
0x2d: {  	s3 =	simm.s32 $0x108;
	s8 =	sld [smem:$0x3FAB]  }
0x2e: {  	s3 =	simm.s32 @!p0 $0x1082;
	s9 =	sld [smem:$0x3FAC]  }
0x2f: {  	lr =	sadd.s32 s0, s3;
	s0 =	sld [smem:$0x3FA3]  }
0x30: {  	s3 =	sld [smem:$0x3FA6]  }
0x31: {  	[smem:$0x3FAF] =	sst s10  }
0x32: {  	s10 =	sld [smem:$0x3FAD];
	_ =	sdelay $0x3  }
0x33: {  	p0 =	seq.s32 s10, $0x1;
	s10 =	sld [smem:$0x3FAF];
	_ =	sdelay $0x3  }
0x34: {  	[smem:$0x3FAF] =	sst s10  }
0x35: {  	s10 =	sld [smem:$0x3FAE];
	_ =	sdelay $0x3  }
0x36: {  	p1 =	seq.s32 s10, $0x1;
	s10 =	sld [smem:$0x3FAF];
	_ =	sdelay $0x3  }
0x37: {  	[smem:$0x3FAF] =	sst s10  }
0x38: {  	s10 =	sld [smem:$0x3FB0]  }
0x39: {  	_ = 	snop;
	(pc) =	sbr.ind lr, $3  }
0x3a: {  	_ = 	snop  }
0x3b: {  	_ = 	snop  }
0x3c: {  	p2 =	seq.s32 s10, $0x1;
	s10 =	sld [smem:$0x3FAF]  }
0x3d: {  	_ =	shalt  }
0x3e: {  	_ =	shalt  }
0x3f: {  	_ =	shalt  }
0x40: {  	_ =	shalt  }
0x41: {  	_ =	shalt  }
0x42: {  	_ =	shalt  }
0x43: {  	_ =	shalt  }
0x44: {  	_ =	shalt  }
0x45: {  	_ =	shalt  }
0x46: {  	_ =	shalt  }
0x47: {  	_ =	shalt  }
0x48: {  	_ =	shalt  }
0x49: {  	_ =	shalt  }
0x4a: {  	_ =	shalt  }
0x4b: {  	_ =	shalt  }
0x4c: {  	_ =	shalt  }
0x4d: {  	_ =	shalt  }
0x4e: {  	_ =	shalt  }
0x4f: {  	_ =	shalt  }
0x50: {  	_ =	shalt  }
0x51: {  	_ =	shalt  }
0x52: {  	_ =	shalt  }
0x53: {  	_ =	shalt  }
0x54: {  	_ =	shalt  }
0x55: {  	_ =	shalt  }
0x56: {  	_ =	shalt  }
0x57: {  	_ =	shalt  }
0x58: {  	_ =	shalt  }
0x59: {  	_ =	shalt  }
0x5a: {  	_ =	shalt  }
0x5b: {  	_ =	shalt  }
0x5c: {  	_ =	shalt  }
0x5d: {  	_ =	shalt  }
0x5e: {  	_ =	shalt  }
0x5f: {  	_ =	shalt  }
0x60: {  	_ =	shalt  }
0x61: {  	_ =	shalt  }
0x62: {  	_ =	shalt  }
0x63: {  	_ =	shalt  }
0x64: {  	_ =	shalt  }
0x65: {  	_ =	shalt  }
0x66: {  	_ =	shalt  }
0x67: {  	_ =	shalt  }
0x68: {  	_ =	shalt  }
0x69: {  	_ =	shalt  }
0x6a: {  	_ =	shalt  }
0x6b: {  	_ =	shalt  }
0x6c: {  	_ =	shalt  }
0x6d: {  	_ =	shalt  }
0x6e: {  	_ =	shalt  }
0x6f: {  	_ =	shalt  }
0x70: {  	_ =	shalt  }
0x71: {  	_ =	shalt  }
0x72: {  	_ =	shalt  }
0x73: {  	_ =	shalt  }
0x74: {  	_ =	shalt  }
0x75: {  	_ =	shalt  }
0x76: {  	_ =	shalt  }
0x77: {  	_ =	shalt  }
0x78: {  	_ =	shalt  }
0x79: {  	_ =	shalt  }
0x7a: {  	_ =	shalt  }
0x7b: {  	_ =	shalt  }
0x7c: {  	_ =	shalt  }
0x7d: {  	_ =	shalt  }
0x7e: {  	_ =	shalt  }
0x7f: {  	_ =	shalt  }
0x80: {  	_ =	shalt  }
0x81: {  	_ =	shalt  }
0x82: {  	_ =	shalt  }
0x83: {  	_ =	shalt  }
0x84: {  	_ =	shalt  }
0x85: {  	_ =	shalt  }
0x86: {  	_ =	shalt  }
0x87: {  	_ =	shalt  }
.Lfunc_end0:
.L_simem_size_0:
called_computation.1_lowered:
.L_overlay_start_0:
0x88: {  	s2 =	sld [smem:$0x3FD9]  }
0x89: {  	s3 =	sld [smem:$0x3FFE];
	_ =	sdelay $0x1  }
0x8a: {  	s1 =	srdreg.scid  }
0x8b: {  	s0 =	sand.u32 $0x1, s1  }
0x8c: {  	s16 =	sshll.u32 s0, $0xA;
	s2 =	sadd.s32 s3, s2  }
0x8d: {  	s2 =	sadd.s32 s2, s16  }
0x8e: {  	[smem:$0x3FBB] =	sst s2  }
0x8f: {  	_ = 	snop  }
0x90: {  	(tm) =	ssettm $0x1  }
0x91: {  	s17 =	sld [smem:$0x3FFB];
	_ =	sdelay $0x3  }
0x92: {  	_ =	strace s17  }
0x93: {  	s2 =	sld [smem:$0x3FFC];
	_ =	sdelay $0x3  }
0x94: {  	_ =	strace s2  }
0x95: {  	s2 =	sld [smem:$0x3FFD];
	_ =	sdelay $0x3  }
0x96: {  	_ =	strace s2  }
0x97: {  	_ =	strace $0x8FFFFFFF  }
0x98: {  	s18 =	sld [smem:$0x3FDB];
	_ =	sdelay $0x1  }
0x99: {  	s19 =	simm.s32 $_scs_section_size  }
0x9a: {  	s4 =	simm.s32 $_size__tile_overlayer_lowered;
	s5 =	simm.s32 $_tile_overlayer_lowered  }
0x9b: {  	s22 =	simm.s32 $0x1BFF;
	s21 =	sshll.u32 s5, $0x1;
	s2 =	sadd.s32 s19, s18  }
0x9c: {  	s6 =	simm.s32 $0x0;
	s20 =	sshll.u32 s4, $0x1;
	s4 =	sadd.s32 s21, s2  }
0x9d: {  	[timem:s6], [sflag:s22] =	dma.local [hbm:s4], s20  }
0x9e: {  	_ =	swait.ge [sflag:s22], s20  }
0x9f: {  	s3 =	ssub.s32 $0x0, s20;
	[sflag:s22] =	ssyncset.done $0x0  }
0xa0: {  	[sflag:s22] =	ssyncadd.s32 s3;
	_ =	sdelay $0x1  }
0xa1: {  	s23 =	simm.s32 $0x1B8B  }
0xa2: {  	_ =	swait.ge [sflag:s23], $0x1  }
0xa3: {  	[sflag:s23] =	ssyncset.done $0x0  }
0xa4: {  	s25 =	simm.s32 $0x1B8E;
	s24 =	sld [smem:$0x3FFE];
	[sflag:s23] =	ssyncadd.s32 $0xFFFFFFFF  }
0xa5: {  	s26 =	simm.s32 $execute0_lowered;
	[smem:$0x3FD2] =	sst s25  }
0xa6: {  	s4 =	sshll.u32 s26, $0x1;
	_ =	strace $0x80000049;
	[dreg:$0x1] =	wrdreg $0xFFFFFFFF  }
0xa7: {  	s28 =	simm.s32 $_size_execute0_lowered;
	s2 =	sadd.s32 s2, s4;
	[dreg:$0x0] =	wrdreg $0x0  }
0xa8: {  	s4 =	sshll.u32 s28, $0x1;
	[dreg:$0x2] =	wrdreg s2  }
0xa9: {  	[dreg:$0x3] =	wrdreg s4  }
0xaa: {  	[dreg:$0x4] =	wrdreg $0xC0  }
0xab: {  	_ =	task [dreg:s6], $0x5FFFF  }
0xac: {  	[dreg:$0x1] =	wrdreg $0xFFFFFFFF  }
0xad: {  	[dreg:$0x0] =	wrdreg $0x60  }
0xae: {  	[dreg:$0x2] =	wrdreg s24  }
0xaf: {  	[dreg:$0x3] =	wrdreg $0xD8000  }
0xb0: {  	[dreg:$0x4] =	wrdreg $0x1C2600  }
0xb1: {  	[dreg:$0x5] =	wrdreg $0x9  }
0xb2: {  	_ =	task.clear_ibuf [dreg:s6], $0x6FFFF;
	_ =	strace $0x90000049  }
0xb3: {  	s29 =	simm.s32 $0x9;
	_ =	strace $0x8000004B  }
0xb4: {  	_ =	swait.ge [sflag:s29], $0x1  }
0xb5: {  	[sflag:s29] =	ssyncadd.s32 $0xFFFFFFFF  }
0xb6: {  	_ =	strace $0x9000004B  }
0xb7: {  	_ =	sfence  }
0xb8: {  	s30 =	sld [smem:$0x0];
	_ =	sdelay $0x2  }
0xb9: {  	s31 =	sshll.u32 s1, $0xD;
	s1 =	sshrl.u32 s1, $0x2  }
0xba: {  	s3 =	sand.u32 $0x4000, s31;
	s1 =	sadd.s32 s1, s30  }
0xbb: {  	s0 =	sor.u32 s3, s0;
	s1 =	sshll.u32 s1, $0x11  }
0xbc: {  	s0 =	sor.u32 s1, s0  }
0xbd: {  	s0 =	sadd.s32 $0x8F2B, s0  }
0xbe: {  	[sflag:s0] =	ssyncadd.remote.s32 $0x1  }
0xbf: {  	_ =	sfence.sel $0xFFFF  }
0xc0: {  	[dreg:$0x0] =	wrdreg $0xFFFFFFFF;
	(pc) =	sbr.abs _section_cstart, $3  }
0xc1: {  	[dreg:$0x1] =	wrdreg $0xFFFFFFFF  }
0xc2: {  	_ =	task.clear_ibuf [dreg:s6], $0x2FFFF;
	_ =	strace $0x9FFFFFFF  }
0xc3: {  	(tm) =	ssettm $0x7FFFFFFF  }
tec
execute0_lowered:
.L_overlay_start_1:
0x0: {  	(tag) =	ssettag $0x1  }
0x1: {  	s1 =	rddreg [dreg:$0x0]  }
0x2: {  	s2 =	rddreg [dreg:$0x1]  }
0x3: {  	s18 =	stileid.u32;
	s0 =	srdreg.scid  }
0x4: {  	s5 =	rddreg [dreg:$0x2];
	s6 =	simm.s32 $0x0;
	s17 =	simm.s32 $0x3  }
0x5: {  	s28 =	simm.s32 $0x4;
	s29 =	simm.s32 $0xD400;
	s4 =	smul.u32 $0x5100, s18  }
0x6: {  	s30 =	simm.s32 $0x1;
	s31 =	simm.s32 $0x2;
	s3 =	smul.u32 $0xEA60, s18  }
0x7: {  	s0 =	sand.u32 $0x1, s0;
	[smem:$0x7FF] =	sst s6;
	s10 =	smul.u32 $0x1388, s18  }
0x8: {  	v21 =	vlaneseq.u32;
	s8 =	sadd.s32 $0x2800, s1;
	s13 =	sadd.s32 $0x51800, s1;
	s22 =	sadd.s32 $0x53600, s1  }
0x9: {  	v0 =	vmul.u32 $0x8, v21;
	s9 =	smul.u32 $0xEA600, s0;
	_ =	strace $0x8000004A;
	[dreg:$0x4] =	wrdreg s13  }
0xa: {  	s26 =	sshll.u32 s18, $0x6;
	s12 =	smul.u32 $0x13880, s0;
	[dreg:$0x5] =	wrdreg s22  }
0xb: {  	v2 =	vimm.f32 $0.0e+00;
	v32 =	vmul.u32 $0xFFFFFFFF, v21;
	s23 =	ssub.s32 $0x2, s0;
	p0 =	seq.s32 s0, $0x0;
	s16 =	smov.u32 s8;
	v1 =	vor.u32 $0x3, v0  }
0xc: {  	s19 =	sor.u32 $0x1C03, s26;
	s22 =	simm.s32 $0xD600;
	s7 =	sshrl.u32 s4, $0x3;
	v3 =	vor.u32 $0x4, v0;
	v4 =	vor.u32 $0x5, v0;
	v5 =	vor.u32 $0x6, v0  }
0xd: {  	s26 =	simm.s32 $0xD200;
	v6 =	vor.u32 $0x7, v0;
	s14 =	sshrl.u32 s23, $0x1;
	v7 =	vor.u32 $0x83, v0;
	v8 =	vor.u32 $0x84, v0;
	s11 =	sadd.s32 s7, s1  }
0xe: {  	v9 =	vor.u32 $0x85, v0;
	v10 =	vor.u32 $0x86, v0;
	v11 =	vor.u32 $0x87, v0;
	s7 =	sadd.s32 $0x1FE00, s1;
	s9 =	sadd.s32 s3, s9;
	s12 =	sadd.s32 s10, s12  }
0xf: {  	v12 =	vor.u32 $0x103, v0;
	v13 =	vor.u32 $0x104, v0;
	v14 =	vor.u32 $0x105, v0;
	s13 =	ssub.s32 s23, s14;
	s3 =	sadd.s32 s3, s2;
	s10 =	sadd.s32 s10, s5  }
0x10: {  	v15 =	vor.u32 $0x106, v0;
	v16 =	vor.u32 $0x107, v0;
	v17 =	vor.u32 $0x183, v0;
	s23 =	simm.s32 $0x40;
	s9 =	sshrl.u32 s9, $0x3;
	s12 =	sshrl.u32 s12, $0x3  }
0x11: {  	v18 =	vor.u32 $0x184, v0;
	v19 =	vor.u32 $0x185, v0;
	v20 =	vor.u32 $0x186, v0;
	s24 =	sadd.s32 $0x47600, s11;
	s11 =	sadd.s32 $0x3D400, s11;
	s15 =	smax.u32 s13, $0x1  }
0x12: {  	v21 =	vor.u32 $0x187, v0;
	v22 =	vor.u32 $0x1, v0;
	v23 =	vor.u32 $0x2, v0;
	s16 =	smov.u32 @p0 s7;
	s20 =	sshrl.u32 s3, $0x3;
	s21 =	sshrl.u32 s10, $0x3  }
0x13: {  	v24 =	vadd.s32 $0x50900, v32;
	v25 =	vor.u32 $0x80, v0;
	v26 =	vor.u32 $0x81, v0;
	p0 =	sne.s32 s0, $0x0;
	s9 =	sadd.s32 s9, s1;
	[dreg:$0x6] =	wrdreg s24  }
0x14: {  	v27 =	vor.u32 $0x82, v0;
	v28 =	vadd.s32 $0x508F0, v32;
	v29 =	vor.u32 $0x100, v0;
	s12 =	sadd.s32 s12, s1;
	[dreg:$0x7] =	wrdreg s11;
	s9 =	sadd.s32 $0x58A00, s9  }
0x15: {  	v30 =	vor.u32 $0x101, v0;
	v31 =	vor.u32 $0x102, v0;
	v32 =	vadd.s32 $0x508E0, v32;
	s3 =	simm.s32 $0x0;
	s25 =	sadd.s32 $0x53A00, s12;
	[dreg:$0x8] =	wrdreg s9  }
0x16: {  	v33 =	vor.u32 $0x180, v0;
	v34 =	vor.u32 $0x181, v0;
	v35 =	vor.u32 $0x182, v0;
	s24 =	simm.s32 $0xA200;
	[dreg:$0x9] =	wrdreg s25;
	s25 =	simm.s32 $0xBA00  }
.LBB2_1:
0x17: {  	s0 =	rddreg [dreg:$0x6]  }
0x18: {  	[tilespmem:s6], [sflag:$0x3] =	stream.linear.gather [hbm4b:s0+s6], $0x5100, $0x38;
	[tilespmem:$0x1D5E8] =	vst v63  }
0x19: {  	_ =	swait.ge [sflag:s17], $0x5100  }
0x1a: {  	[sflag:s17] =	ssyncset.done $0x0  }
0x1b: {  	s9 =	simm.s32 $0x5100;
	s13 =	rddreg [dreg:$0x7];
	[sflag:s17] =	ssyncadd.s32 $0xFFFFAF00  }
0x1c: {  	[tilespmem:s9], [sflag:$0x3] =	stream.linear.gather [hbm4b:s13+s6], $0x5100, $0x38;
	[tilespmem:$0x1D5E8] =	vst v63  }
0x1d: {  	_ =	swait.ge [sflag:s17], $0x5100  }
0x1e: {  	[sflag:s17] =	ssyncset.done $0x0  }
0x1f: {  	s14 =	rddreg [dreg:$0x4];
	[sflag:s17] =	ssyncadd.s32 $0xFFFFAF00  }
0x20: {  	[spmem:s20], [sflag:s19] =	dma.local [hbm:s14], $0x1D4C  }
0x21: {  	_ =	swait.ge [sflag:s17], $0x1D4C  }
0x22: {  	[sflag:s17] =	ssyncset.done $0x0  }
0x23: {  	s18 =	rddreg [dreg:$0x5];
	[sflag:s17] =	ssyncadd.s32 $0xFFFFE2B4  }
0x24: {  	[spmem:s21], [sflag:s19] =	dma.local [hbm:s18], $0x271  }
0x25: {  	_ =	swait.ge [sflag:s17], $0x271  }
0x26: {  	[sflag:s17] =	ssyncset.done $0x0  }
0x27: {  	[sflag:s17] =	ssyncadd.s32 $0xFFFFFD8F  }
0x28: {  	[tilespmem:v1+s22+$0x0] =	vst.idx.msk $0xffff, v2  }
0x29: {  	[tilespmem:v3+s22+$0x0] =	vst.idx.msk $0xffff, v2  }
0x2a: {  	[tilespmem:v4+s22+$0x0] =	vst.idx.msk $0xffff, v2  }
0x2b: {  	[tilespmem:v5+s22+$0x0] =	vst.idx.msk $0xffff, v2  }
0x2c: {  	[tilespmem:v6+s22+$0x0] =	vst.idx.msk $0xffff, v2  }
0x2d: {  	[tilespmem:v7+s22+$0x0] =	vst.idx.msk $0xffff, v2  }
0x2e: {  	[tilespmem:v8+s22+$0x0] =	vst.idx.msk $0xffff, v2  }
0x2f: {  	[tilespmem:v9+s22+$0x0] =	vst.idx.msk $0xffff, v2  }
0x30: {  	[tilespmem:v10+s22+$0x0] =	vst.idx.msk $0xffff, v2  }
0x31: {  	[tilespmem:v11+s22+$0x0] =	vst.idx.msk $0xffff, v2  }
0x32: {  	[tilespmem:v12+s22+$0x0] =	vst.idx.msk $0xffff, v2  }
0x33: {  	[tilespmem:v13+s22+$0x0] =	vst.idx.msk $0xffff, v2  }
0x34: {  	[tilespmem:v14+s22+$0x0] =	vst.idx.msk $0xffff, v2  }
0x35: {  	[tilespmem:v15+s22+$0x0] =	vst.idx.msk $0xffff, v2  }
0x36: {  	[tilespmem:v16+s22+$0x0] =	vst.idx.msk $0xffff, v2  }
0x37: {  	[tilespmem:v17+s22+$0x0] =	vst.idx.msk $0xffff, v2  }
0x38: {  	[tilespmem:v18+s22+$0x0] =	vst.idx.msk $0xffff, v2  }
0x39: {  	[tilespmem:v19+s22+$0x0] =	vst.idx.msk $0xffff, v2  }
0x3a: {  	[tilespmem:v20+s22+$0x0] =	vst.idx.msk $0xffff, v2  }
0x3b: {  	[tilespmem:v21+s22+$0x0] =	vst.idx.msk $0xffff, v2  }
0x3c: {  	s0 =	simm.s32 $0x0;
	[bflag:$0x0] =	sbarrier.arrive $0xFFFF  }
0x3d: {  	[tilespmem:s24], [sflag:$0x1] =	stream.indirect.gather [hbm4b:s16+s23], $0x60, s6, s23, $0xb8;
	[tilespmem:$0x1D5E8] =	vst v63  }
.LBB2_2:
0x3e: {  	s9 =	sshllo.u32 s0, $0x1  }
0x3f: {  	s18 =	sshll.u32 s9, $0x6  }
0x40: {  	s9 =	sand.u32 $0x3FFFFFC0, s18  }
0x41: {  	[tilespmem:s25], [sflag:$0x2] =	stream.indirect.gather [hbm4b:s16+s23], $0x60, s9, s23, $0xb8;
	[tilespmem:$0x1D5E8] =	vst v63  }
0x42: {  	s9 =	sshll.u32 s0, $0x7  }
0x43: {  	[tilespmem:s26], [sflag:$0x4] =	stream.indirect.gather [hbm4b:s1+s23], $0x8, s9, s23, $0xb8;
	[tilespmem:$0x1D5E8] =	vst v63  }
0x44: {  	_ =	swait.ge [sflag:s28], $0x200  }
0x45: {  	[sflag:s28] =	ssyncset.done $0x0  }
0x46: {  	s10 =	sadd.s32 $0x5100, s9;
	[sflag:s28] =	ssyncadd.s32 $0xFFFFFE00  }
0x47: {  	[tilespmem:s29], [sflag:$0x4] =	stream.indirect.gather [hbm4b:s1+s23], $0x8, s10, s23, $0xb8;
	[tilespmem:$0x1D5E8] =	vst v63  }
0x48: {  	_ =	swait.ge [sflag:s28], $0x200  }
0x49: {  	[sflag:s28] =	ssyncset.done $0x0  }
0x4a: {  	[sflag:s28] =	ssyncadd.s32 $0xFFFFFE00  }
0x4b: {  	v36 =	vld.idx.msk [tilespmem:v0+s26+$0x0], $0xffff  }
0x4c: {  	v37 =	vld.idx.msk [tilespmem:v1+s29+$0x0], $0xffff;
	_ =	sdelay $0x4  }
0x4d: {  	v38 =	vld.idx.msk [tilespmem:v5+s26+$0x0], $0xffff;
	v36 =	vadd.f32 v37, v36;
	_ =	sdelay $0x1  }
0x4e: {  	v37 =	vmul.f32 $2.000000030e-01, v36;
	_ =	sdelay $0x1  }
0x4f: {  	v36 =	vmax.f32 v36, v37  }
0x50: {  	v36 =	vsub.f32 v36, v38;
	_ =	sdelay $0x1  }
0x51: {  	v36 =	vmul.f32 $1.442695020e+00, v36;
	_ =	sdelay $0x1  }
0x52: {  	(erf) = vpow2.f32 v36;
	_ =	sdelay $0x6  }
0x53: {  	s11 =	sadd.s32 s4, s9  }
0x54: {  	v42 =	vmov s11  }
0x55: {  	vm0 =	vlt.u32 v42, $0x50910;
	v43 =	vpop (erf)  }
0x56: {  	v37 =	vnsel vm0, $0x0, v43  }
0x57: {  	[tilespmem:v0+s22+$0x0] =	vst.idx.msk $0xffff, v37  }
0x58: {  	v37 =	vld.idx.msk [tilespmem:v22+s26+$0x0], $0xffff  }
0x59: {  	v39 =	vld.idx.msk [tilespmem:v3+s29+$0x0], $0xffff;
	_ =	sdelay $0x4  }
0x5a: {  	v37 =	vadd.f32 v39, v37;
	_ =	sdelay $0x1  }
0x5b: {  	v39 =	vmul.f32 $2.000000030e-01, v37;
	_ =	sdelay $0x1  }
0x5c: {  	v37 =	vmax.f32 v37, v39  }
0x5d: {  	v37 =	vsub.f32 v37, v38;
	_ =	sdelay $0x1  }
0x5e: {  	v37 =	vmul.f32 $1.442695020e+00, v37;
	_ =	sdelay $0x1  }
0x5f: {  	(erf) = vpow2.f32 v37;
	_ =	sdelay $0x8  }
0x60: {  	v37 =	vpop (erf)  }
0x61: {  	v37 =	vnsel vm0, $0x0, v37  }
0x62: {  	[tilespmem:v22+s22+$0x0] =	vst.idx.msk $0xffff, v37  }
0x63: {  	v37 =	vld.idx.msk [tilespmem:v23+s26+$0x0], $0xffff  }
0x64: {  	v44 =	vld.idx.msk [tilespmem:v4+s29+$0x0], $0xffff;
	_ =	sdelay $0x4  }
0x65: {  	v37 =	vadd.f32 v44, v37;
	_ =	sdelay $0x1  }
0x66: {  	v39 =	vmul.f32 $2.000000030e-01, v37;
	_ =	sdelay $0x1  }
0x67: {  	v37 =	vmax.f32 v37, v39  }
0x68: {  	v37 =	vsub.f32 v37, v38;
	_ =	sdelay $0x1  }
0x69: {  	v37 =	vmul.f32 $1.442695020e+00, v37;
	_ =	sdelay $0x1  }
0x6a: {  	(erf) = vpow2.f32 v37;
	_ =	sdelay $0x8  }
0x6b: {  	v37 =	vpop (erf)  }
0x6c: {  	v37 =	vnsel vm0, $0x0, v37  }
0x6d: {  	[tilespmem:v23+s22+$0x0] =	vst.idx.msk $0xffff, v37  }
0x6e: {  	v37 =	vld.idx.msk [tilespmem:v25+s26+$0x0], $0xffff  }
0x6f: {  	v45 =	vld.idx.msk [tilespmem:v7+s29+$0x0], $0xffff;
	_ =	sdelay $0x4  }
0x70: {  	v46 =	vld.idx.msk [tilespmem:v10+s26+$0x0], $0xffff;
	v37 =	vadd.f32 v45, v37;
	_ =	sdelay $0x1  }
0x71: {  	v38 =	vmul.f32 $2.000000030e-01, v37;
	_ =	sdelay $0x1  }
0x72: {  	v37 =	vmax.f32 v37, v38  }
0x73: {  	v37 =	vsub.f32 v37, v46;
	_ =	sdelay $0x1  }
0x74: {  	v37 =	vmul.f32 $1.442695020e+00, v37;
	_ =	sdelay $0x1  }
0x75: {  	(erf) = vpow2.f32 v37;
	_ =	sdelay $0x8  }
0x76: {  	vm13 =	vlt.u32 v42, v24;
	v37 =	vpop (erf)  }
0x77: {  	v37 =	vnsel vm13, $0x0, v37  }
0x78: {  	[tilespmem:v25+s22+$0x0] =	vst.idx.msk $0xffff, v37  }
0x79: {  	v37 =	vld.idx.msk [tilespmem:v26+s26+$0x0], $0xffff  }
0x7a: {  	v47 =	vld.idx.msk [tilespmem:v8+s29+$0x0], $0xffff;
	_ =	sdelay $0x4  }
0x7b: {  	v37 =	vadd.f32 v47, v37;
	_ =	sdelay $0x1  }
0x7c: {  	v38 =	vmul.f32 $2.000000030e-01, v37;
	_ =	sdelay $0x1  }
0x7d: {  	v37 =	vmax.f32 v37, v38  }
0x7e: {  	v37 =	vsub.f32 v37, v46;
	_ =	sdelay $0x1  }
0x7f: {  	v37 =	vmul.f32 $1.442695020e+00, v37;
	_ =	sdelay $0x1  }
0x80: {  	(erf) = vpow2.f32 v37;
	_ =	sdelay $0x8  }
0x81: {  	v37 =	vpop (erf)  }
0x82: {  	v37 =	vnsel vm13, $0x0, v37  }
0x83: {  	[tilespmem:v26+s22+$0x0] =	vst.idx.msk $0xffff, v37  }
0x84: {  	v37 =	vld.idx.msk [tilespmem:v27+s26+$0x0], $0xffff  }
0x85: {  	v48 =	vld.idx.msk [tilespmem:v9+s29+$0x0], $0xffff;
	_ =	sdelay $0x4  }
0x86: {  	v37 =	vadd.f32 v48, v37;
	_ =	sdelay $0x1  }
0x87: {  	v38 =	vmul.f32 $2.000000030e-01, v37;
	_ =	sdelay $0x1  }
0x88: {  	v37 =	vmax.f32 v37, v38  }
0x89: {  	v37 =	vsub.f32 v37, v46;
	_ =	sdelay $0x1  }
0x8a: {  	v37 =	vmul.f32 $1.442695020e+00, v37;
	_ =	sdelay $0x1  }
0x8b: {  	(erf) = vpow2.f32 v37;
	_ =	sdelay $0x8  }
0x8c: {  	v37 =	vpop (erf)  }
0x8d: {  	v37 =	vnsel vm13, $0x0, v37  }
0x8e: {  	[tilespmem:v27+s22+$0x0] =	vst.idx.msk $0xffff, v37  }
0x8f: {  	v37 =	vld.idx.msk [tilespmem:v29+s26+$0x0], $0xffff  }
0x90: {  	v49 =	vld.idx.msk [tilespmem:v12+s29+$0x0], $0xffff;
	_ =	sdelay $0x4  }
0x91: {  	v50 =	vld.idx.msk [tilespmem:v15+s26+$0x0], $0xffff;
	v37 =	vadd.f32 v49, v37;
	_ =	sdelay $0x1  }
0x92: {  	v38 =	vmul.f32 $2.000000030e-01, v37;
	_ =	sdelay $0x1  }
0x93: {  	v37 =	vmax.f32 v37, v38  }
0x94: {  	v37 =	vsub.f32 v37, v50;
	_ =	sdelay $0x1  }
0x95: {  	v37 =	vmul.f32 $1.442695020e+00, v37;
	_ =	sdelay $0x1  }
0x96: {  	(erf) = vpow2.f32 v37;
	_ =	sdelay $0x8  }
0x97: {  	vm14 =	vlt.u32 v42, v28;
	v37 =	vpop (erf)  }
0x98: {  	v37 =	vnsel vm14, $0x0, v37  }
0x99: {  	[tilespmem:v29+s22+$0x0] =	vst.idx.msk $0xffff, v37  }
0x9a: {  	v37 =	vld.idx.msk [tilespmem:v30+s26+$0x0], $0xffff  }
0x9b: {  	v51 =	vld.idx.msk [tilespmem:v13+s29+$0x0], $0xffff;
	_ =	sdelay $0x4  }
0x9c: {  	v37 =	vadd.f32 v51, v37;
	_ =	sdelay $0x1  }
0x9d: {  	v38 =	vmul.f32 $2.000000030e-01, v37;
	_ =	sdelay $0x1  }
0x9e: {  	v37 =	vmax.f32 v37, v38  }
0x9f: {  	v37 =	vsub.f32 v37, v50;
	_ =	sdelay $0x1  }
0xa0: {  	v37 =	vmul.f32 $1.442695020e+00, v37;
	_ =	sdelay $0x1  }
0xa1: {  	(erf) = vpow2.f32 v37;
	_ =	sdelay $0x8  }
0xa2: {  	v37 =	vpop (erf)  }
0xa3: {  	v37 =	vnsel vm14, $0x0, v37  }
0xa4: {  	[tilespmem:v30+s22+$0x0] =	vst.idx.msk $0xffff, v37  }
0xa5: {  	v37 =	vld.idx.msk [tilespmem:v31+s26+$0x0], $0xffff  }
0xa6: {  	v52 =	vld.idx.msk [tilespmem:v14+s29+$0x0], $0xffff;
	_ =	sdelay $0x4  }
0xa7: {  	v37 =	vadd.f32 v52, v37;
	_ =	sdelay $0x1  }
0xa8: {  	v38 =	vmul.f32 $2.000000030e-01, v37;
	_ =	sdelay $0x1  }
0xa9: {  	v37 =	vmax.f32 v37, v38  }
0xaa: {  	v37 =	vsub.f32 v37, v50;
	_ =	sdelay $0x1  }
0xab: {  	v37 =	vmul.f32 $1.442695020e+00, v37;
	_ =	sdelay $0x1  }
0xac: {  	(erf) = vpow2.f32 v37;
	_ =	sdelay $0x8  }
0xad: {  	v37 =	vpop (erf)  }
0xae: {  	v37 =	vnsel vm14, $0x0, v37  }
0xaf: {  	[tilespmem:v31+s22+$0x0] =	vst.idx.msk $0xffff, v37  }
0xb0: {  	v37 =	vld.idx.msk [tilespmem:v33+s26+$0x0], $0xffff  }
0xb1: {  	v53 =	vld.idx.msk [tilespmem:v17+s29+$0x0], $0xffff;
	_ =	sdelay $0x4  }
0xb2: {  	v54 =	vld.idx.msk [tilespmem:v20+s26+$0x0], $0xffff;
	v37 =	vadd.f32 v53, v37;
	_ =	sdelay $0x1  }
0xb3: {  	v38 =	vmul.f32 $2.000000030e-01, v37;
	_ =	sdelay $0x1  }
0xb4: {  	v37 =	vmax.f32 v37, v38  }
0xb5: {  	v37 =	vsub.f32 v37, v54;
	_ =	sdelay $0x1  }
0xb6: {  	v37 =	vmul.f32 $1.442695020e+00, v37;
	_ =	sdelay $0x1  }
0xb7: {  	(erf) = vpow2.f32 v37;
	_ =	sdelay $0x8  }
0xb8: {  	vm15 =	vlt.u32 v42, v32;
	v55 =	vpop (erf)  }
0xb9: {  	v36 =	vnsel vm15, $0x0, v55  }
0xba: {  	[tilespmem:v33+s22+$0x0] =	vst.idx.msk $0xffff, v36  }
0xbb: {  	v36 =	vld.idx.msk [tilespmem:v34+s26+$0x0], $0xffff  }
0xbc: {  	v56 =	vld.idx.msk [tilespmem:v18+s29+$0x0], $0xffff;
	_ =	sdelay $0x4  }
0xbd: {  	v36 =	vadd.f32 v56, v36;
	_ =	sdelay $0x1  }
0xbe: {  	v37 =	vmul.f32 $2.000000030e-01, v36;
	_ =	sdelay $0x1  }
0xbf: {  	v36 =	vmax.f32 v36, v37  }
0xc0: {  	v36 =	vsub.f32 v36, v54;
	_ =	sdelay $0x1  }
0xc1: {  	v36 =	vmul.f32 $1.442695020e+00, v36;
	_ =	sdelay $0x1  }
0xc2: {  	(erf) = vpow2.f32 v36;
	_ =	sdelay $0x8  }
0xc3: {  	v36 =	vpop (erf)  }
0xc4: {  	v36 =	vnsel vm15, $0x0, v36  }
0xc5: {  	[tilespmem:v34+s22+$0x0] =	vst.idx.msk $0xffff, v36  }
0xc6: {  	v36 =	vld.idx.msk [tilespmem:v35+s26+$0x0], $0xffff  }
0xc7: {  	v57 =	vld.idx.msk [tilespmem:v19+s29+$0x0], $0xffff;
	_ =	sdelay $0x4  }
0xc8: {  	v36 =	vadd.f32 v57, v36;
	_ =	sdelay $0x1  }
0xc9: {  	v37 =	vmul.f32 $2.000000030e-01, v36;
	_ =	sdelay $0x1  }
0xca: {  	v36 =	vmax.f32 v36, v37  }
0xcb: {  	v36 =	vsub.f32 v36, v54;
	_ =	sdelay $0x1  }
0xcc: {  	v36 =	vmul.f32 $1.442695020e+00, v36;
	_ =	sdelay $0x1  }
0xcd: {  	(erf) = vpow2.f32 v36;
	_ =	sdelay $0x8  }
0xce: {  	v36 =	vpop (erf)  }
0xcf: {  	s14 =	simm.s32 $0x0;
	v36 =	vnsel vm15, $0x0, v36  }
0xd0: {  	v58 =	vmov s14;
	[tilespmem:v35+s22+$0x0] =	vst.idx.msk $0xffff, v36  }
0xd1: {  	_ =	swait.ge [sflag:s30], $0x1800  }
0xd2: {  	[sflag:s30] =	ssyncset.done $0x0  }
0xd3: {  	s11 =	simm.s32 $0xA230;
	[sflag:s30] =	ssyncadd.s32 $0xFFFFE800  }
0xd4: {  	v59 =	vld [tilespmem:s11+$0xFFFFFFD0]  }
0xd5: {  	v60 =	vld.idx.msk [tilespmem:v58+s22+$0x0], $0xffff  }
0xd6: {  	v61 =	vld [tilespmem:s11+$0xFFFFFFE0];
	_ =	sdelay $0x2  }
0xd7: {  	v40 =	vor.u32 $0x1, v58  }
0xd8: {  	v37 =	vmul.f32 v59, v60  }
0xd9: {  	v38 =	vmul.f32 v61, v60  }
0xda: {  	[tilespmem:s11+$0xFFFFFFD0] =	vst v37  }
0xdb: {  	v62 =	vld [tilespmem:s11+$0xFFFFFFF0];
	[tilespmem:s11+$0xFFFFFFE0] =	vst v38  }
0xdc: {  	v38 =	vld.idx.msk [tilespmem:v40+s22+$0x0], $0xffff  }
0xdd: {  	v63 =	vld [tilespmem:s11+$0x0];
	_ =	sdelay $0x2  }
0xde: {  	v36 =	vor.u32 $0x2, v58  }
0xdf: {  	v37 =	vmul.f32 v62, v38  }
0xe0: {  	v38 =	vmul.f32 v63, v38  }
0xe1: {  	v39 =	vld [tilespmem:s11+$0x20];
	[tilespmem:s11+$0xFFFFFFF0] =	vst v37  }
0xe2: {  	[tilespmem:s11+$0x0] =	vst v38;
	v37 =	vld [tilespmem:s11+$0x10]  }
0xe3: {  	v38 =	vld.idx.msk [tilespmem:v36+s22+$0x0], $0xffff;
	_ =	sdelay $0x1  }
0xe4: {  	s12 =	simm.s32 $0x8  }
0xe5: {  	s13 =	simm.s32 $0x2;
	v36 =	vmov s12;
	s12 =	simm.s32 $0xA230  }
.LBB2_3:
0xe6: {  	p1 =	sne.s32 s13, $0x3F  }
0xe7: {  	v37 =	vmul.f32 v37, v38;
	v38 =	vmul.f32 v39, v38;
	s11 =	sadd.s32 $0x60, s11;
	s14 =	smov.u32 s13;
	s13 =	sadd.s32 $0x1, s13  }
0xe8: {  	_ = 	snop  }
0xe9: {  	[tilespmem:s12+$0x10] =	vst v37  }
0xea: {  	v37 =	vld [tilespmem:s11+$0xFFFFFFD0];
	[tilespmem:s12+$0x20] =	vst v38;
	s12 =	smov.u32 s11  }
0xeb: {  	v38 =	vld.idx.msk [tilespmem:v36+s22+$0x0], $0xffff  }
0xec: {  	v39 =	vld [tilespmem:s11+$0xFFFFFFE0];
	_ =	sdelay $0x2  }
0xed: {  	v40 =	vor.u32 $0x1, v36;
	_ =	sdelay $0x1  }
0xee: {  	v37 =	vmul.f32 v37, v38;
	v38 =	vmul.f32 v39, v38;
	_ =	sdelay $0x1  }
0xef: {  	[tilespmem:s11+$0xFFFFFFD0] =	vst v37  }
0xf0: {  	[tilespmem:s11+$0xFFFFFFE0] =	vst v38;
	v37 =	vld [tilespmem:s11+$0xFFFFFFF0]  }
0xf1: {  	v38 =	vld.idx.msk [tilespmem:v40+s22+$0x0], $0xffff  }
0xf2: {  	v39 =	vld [tilespmem:s11+$0x0];
	_ =	sdelay $0x1  }
0xf3: {  	v36 =	vor.u32 $0x2, v36;
	_ =	sdelay $0x2  }
0xf4: {  	v37 =	vmul.f32 v37, v38;
	v38 =	vmul.f32 v39, v38;
	_ =	sdelay $0x1  }
0xf5: {  	[tilespmem:s11+$0xFFFFFFF0] =	vst v37  }
0xf6: {  	[tilespmem:s11+$0x0] =	vst v38;
	v37 =	vld [tilespmem:s11+$0x10]  }
0xf7: {  	v38 =	vld.idx.msk [tilespmem:v36+s22+$0x0], $0xffff  }
.Ltmp0:
0xf8: {  	v39 =	vld [tilespmem:s11+$0x20];
	(pc) =	sbr.rel @p1 .LBB2_3-.Ltmp0, $3  }
0xf9: {  	_ =	sdelay $0x1  }
0xfa: {  	s14 =	sshll.u32 s14, $0x3  }
0xfb: {  	v36 =	vmov s14  }
0xfc: {  	v37 =	vmul.f32 v37, v38  }
0xfd: {  	v56 =	vmul.f32 v39, v38  }
0xfe: {  	s11 =	sadd.s32 $0x60, s11;
	[tilespmem:s12+$0x10] =	vst v37  }
0xff: {  	v57 =	vld [tilespmem:s11+$0xFFFFFFD0];
	[tilespmem:s12+$0x20] =	vst v56  }
0x100: {  	v38 =	vld.idx.msk [tilespmem:v36+s22+$0x0], $0xffff  }
0x101: {  	v58 =	vld [tilespmem:s11+$0xFFFFFFE0];
	_ =	sdelay $0x2  }
0x102: {  	v40 =	vor.u32 $0x1, v36  }
0x103: {  	v37 =	vmul.f32 v57, v38  }
0x104: {  	v38 =	vmul.f32 v58, v38  }
0x105: {  	[tilespmem:s11+$0xFFFFFFD0] =	vst v37  }
0x106: {  	v59 =	vld [tilespmem:s11+$0xFFFFFFF0];
	[tilespmem:s11+$0xFFFFFFE0] =	vst v38  }
0x107: {  	v38 =	vld.idx.msk [tilespmem:v40+s22+$0x0], $0xffff  }
0x108: {  	v60 =	vld [tilespmem:s11+$0x0];
	_ =	sdelay $0x2  }
0x109: {  	v61 =	vor.u32 $0x2, v36  }
0x10a: {  	v37 =	vmul.f32 v59, v38  }
0x10b: {  	v38 =	vmul.f32 v60, v38  }
0x10c: {  	[tilespmem:s11+$0xFFFFFFF0] =	vst v37  }
0x10d: {  	v62 =	vld [tilespmem:s11+$0x10];
	[tilespmem:s11+$0x0] =	vst v38  }
0x10e: {  	v36 =	vld.idx.msk [tilespmem:v61+s22+$0x0], $0xffff  }
0x10f: {  	v63 =	vld [tilespmem:s11+$0x20];
	_ =	sdelay $0x3  }
0x110: {  	v37 =	vmul.f32 v62, v36  }
0x111: {  	v36 =	vmul.f32 v63, v36  }
0x112: {  	[tilespmem:s11+$0x10] =	vst v37  }
.Ltmp1:
0x113: {  	[tilespmem:s11+$0x20] =	vst v36;
	(pc) =	sbr.rel @p0 .LBB2_6-.Ltmp1, $4  }
0x114: {  	[spmem:s2] =	stream.indirect.scatter.add.f32 [tilespmem:s24], [sflag:$0x4], $0x60, s10, s23, $0xb8;
	[tilespmem:$0x1D5E8] =	vst v63  }
0x115: {  	_ =	swait.ge [sflag:s28], $0x1800  }
0x116: {  	[sflag:s28] =	ssyncset.done $0x0  }
0x117: {  	[sflag:s28] =	ssyncadd.s32 $0xFFFFE800  }
0x118: {  	[spmem:s5] =	stream.indirect.scatter.add.f32 [tilespmem:s22], [sflag:$0x4], $0x8, s10, s23, $0xb8;
	[tilespmem:$0x1D5E8] =	vst v63  }
0x119: {  	p1 =	seq.s32 s0, $0xA1  }
.Ltmp2:
0x11a: {  	_ = 	snop;
	(pc) =	sbr.rel @p1 .LBB2_8-.Ltmp2, $4  }
.Ltmp3:
0x11b: {  	_ = 	snop;
	(pc) =	sbr.rel @!p1 .LBB2_7-.Ltmp3, $4  }
0x11c: {  	_ =	swait.ge [sflag:s28], $0x200  }
0x11d: {  	[sflag:s28] =	ssyncset.done $0x0  }
0x11e: {  	s10 =	smov.u32 s7;
	[sflag:s28] =	ssyncadd.s32 $0xFFFFFE00  }
0x11f: {  	_ = 	snop  }
.LBB2_6:
0x120: {  	p1 =	seq.s32 s0, $0xA1  }
.Ltmp4:
0x121: {  	_ = 	snop;
	(pc) =	sbr.rel @p1 .LBB2_8-.Ltmp4, $2  }
0x122: {  	_ =	sdelay $0x2  }
0x123: {  	s10 =	smov.u32 s8  }
.LBB2_7:
0x124: {  	s9 =	sand.u32 $0x3FFFFF80, s9  }
0x125: {  	s9 =	sadd.s32 $0x80, s9  }
0x126: {  	[tilespmem:s24], [sflag:$0x1] =	stream.indirect.gather [hbm4b:s10+s23], $0x60, s9, s23, $0xb8;
	[tilespmem:$0x1D5E8] =	vst v63  }
.LBB2_8:
0x127: {  	[tilespmem:s26], [sflag:$0x4] =	stream.indirect.gather [hbm4b:s1+s23], $0x8, s18, s23, $0xb8;
	[tilespmem:$0x1D5E8] =	vst v63  }
0x128: {  	_ =	swait.ge [sflag:s28], $0x200  }
0x129: {  	[sflag:s28] =	ssyncset.done $0x0  }
0x12a: {  	s9 =	sadd.s32 $0x5100, s18;
	[sflag:s28] =	ssyncadd.s32 $0xFFFFFE00  }
0x12b: {  	[tilespmem:s29], [sflag:$0x4] =	stream.indirect.gather [hbm4b:s1+s23], $0x8, s9, s23, $0xb8;
	[tilespmem:$0x1D5E8] =	vst v63  }
0x12c: {  	_ =	swait.ge [sflag:s28], $0x200  }
0x12d: {  	[sflag:s28] =	ssyncset.done $0x0  }
0x12e: {  	[sflag:s28] =	ssyncadd.s32 $0xFFFFFE00  }
0x12f: {  	v36 =	vld.idx.msk [tilespmem:v0+s26+$0x0], $0xffff  }
0x130: {  	v37 =	vld.idx.msk [tilespmem:v1+s29+$0x0], $0xffff;
	_ =	sdelay $0x4  }
0x131: {  	v38 =	vld.idx.msk [tilespmem:v5+s26+$0x0], $0xffff;
	v36 =	vadd.f32 v37, v36;
	_ =	sdelay $0x1  }
0x132: {  	v37 =	vmul.f32 $2.000000030e-01, v36;
	_ =	sdelay $0x1  }
0x133: {  	v36 =	vmax.f32 v36, v37  }
0x134: {  	v36 =	vsub.f32 v36, v38;
	_ =	sdelay $0x1  }
0x135: {  	v36 =	vmul.f32 $1.442695020e+00, v36;
	_ =	sdelay $0x1  }
0x136: {  	(erf) = vpow2.f32 v36;
	_ =	sdelay $0x6  }
0x137: {  	s10 =	sadd.s32 s4, s18  }
0x138: {  	v42 =	vmov s10  }
0x139: {  	vm0 =	vlt.u32 v42, $0x50910;
	v43 =	vpop (erf)  }
0x13a: {  	v37 =	vnsel vm0, $0x0, v43  }
0x13b: {  	[tilespmem:v0+s22+$0x0] =	vst.idx.msk $0xffff, v37  }
0x13c: {  	v37 =	vld.idx.msk [tilespmem:v22+s26+$0x0], $0xffff  }
0x13d: {  	v39 =	vld.idx.msk [tilespmem:v3+s29+$0x0], $0xffff;
	_ =	sdelay $0x4  }
0x13e: {  	v37 =	vadd.f32 v39, v37;
	_ =	sdelay $0x1  }
0x13f: {  	v39 =	vmul.f32 $2.000000030e-01, v37;
	_ =	sdelay $0x1  }
0x140: {  	v37 =	vmax.f32 v37, v39  }
0x141: {  	v37 =	vsub.f32 v37, v38;
	_ =	sdelay $0x1  }
0x142: {  	v37 =	vmul.f32 $1.442695020e+00, v37;
	_ =	sdelay $0x1  }
0x143: {  	(erf) = vpow2.f32 v37;
	_ =	sdelay $0x8  }
0x144: {  	v37 =	vpop (erf)  }
0x145: {  	v37 =	vnsel vm0, $0x0, v37  }
0x146: {  	[tilespmem:v22+s22+$0x0] =	vst.idx.msk $0xffff, v37  }
0x147: {  	v37 =	vld.idx.msk [tilespmem:v23+s26+$0x0], $0xffff  }
0x148: {  	v44 =	vld.idx.msk [tilespmem:v4+s29+$0x0], $0xffff;
	_ =	sdelay $0x4  }
0x149: {  	v37 =	vadd.f32 v44, v37;
	_ =	sdelay $0x1  }
0x14a: {  	v39 =	vmul.f32 $2.000000030e-01, v37;
	_ =	sdelay $0x1  }
0x14b: {  	v37 =	vmax.f32 v37, v39  }
0x14c: {  	v37 =	vsub.f32 v37, v38;
	_ =	sdelay $0x1  }
0x14d: {  	v37 =	vmul.f32 $1.442695020e+00, v37;
	_ =	sdelay $0x1  }
0x14e: {  	(erf) = vpow2.f32 v37;
	_ =	sdelay $0x8  }
0x14f: {  	v37 =	vpop (erf)  }
0x150: {  	v37 =	vnsel vm0, $0x0, v37  }
0x151: {  	[tilespmem:v23+s22+$0x0] =	vst.idx.msk $0xffff, v37  }
0x152: {  	v37 =	vld.idx.msk [tilespmem:v25+s26+$0x0], $0xffff  }
0x153: {  	v45 =	vld.idx.msk [tilespmem:v7+s29+$0x0], $0xffff;
	_ =	sdelay $0x4  }
0x154: {  	v46 =	vld.idx.msk [tilespmem:v10+s26+$0x0], $0xffff;
	v37 =	vadd.f32 v45, v37;
	_ =	sdelay $0x1  }
0x155: {  	v38 =	vmul.f32 $2.000000030e-01, v37;
	_ =	sdelay $0x1  }
0x156: {  	v37 =	vmax.f32 v37, v38  }
0x157: {  	v37 =	vsub.f32 v37, v46;
	_ =	sdelay $0x1  }
0x158: {  	v37 =	vmul.f32 $1.442695020e+00, v37;
	_ =	sdelay $0x1  }
0x159: {  	(erf) = vpow2.f32 v37;
	_ =	sdelay $0x8  }
0x15a: {  	vm13 =	vlt.u32 v42, v24;
	v37 =	vpop (erf)  }
0x15b: {  	v37 =	vnsel vm13, $0x0, v37  }
0x15c: {  	[tilespmem:v25+s22+$0x0] =	vst.idx.msk $0xffff, v37  }
0x15d: {  	v37 =	vld.idx.msk [tilespmem:v26+s26+$0x0], $0xffff  }
0x15e: {  	v47 =	vld.idx.msk [tilespmem:v8+s29+$0x0], $0xffff;
	_ =	sdelay $0x4  }
0x15f: {  	v37 =	vadd.f32 v47, v37;
	_ =	sdelay $0x1  }
0x160: {  	v38 =	vmul.f32 $2.000000030e-01, v37;
	_ =	sdelay $0x1  }
0x161: {  	v37 =	vmax.f32 v37, v38  }
0x162: {  	v37 =	vsub.f32 v37, v46;
	_ =	sdelay $0x1  }
0x163: {  	v37 =	vmul.f32 $1.442695020e+00, v37;
	_ =	sdelay $0x1  }
0x164: {  	(erf) = vpow2.f32 v37;
	_ =	sdelay $0x8  }
0x165: {  	v37 =	vpop (erf)  }
0x166: {  	v37 =	vnsel vm13, $0x0, v37  }
0x167: {  	[tilespmem:v26+s22+$0x0] =	vst.idx.msk $0xffff, v37  }
0x168: {  	v37 =	vld.idx.msk [tilespmem:v27+s26+$0x0], $0xffff  }
0x169: {  	v48 =	vld.idx.msk [tilespmem:v9+s29+$0x0], $0xffff;
	_ =	sdelay $0x4  }
0x16a: {  	v37 =	vadd.f32 v48, v37;
	_ =	sdelay $0x1  }
0x16b: {  	v38 =	vmul.f32 $2.000000030e-01, v37;
	_ =	sdelay $0x1  }
0x16c: {  	v37 =	vmax.f32 v37, v38  }
0x16d: {  	v37 =	vsub.f32 v37, v46;
	_ =	sdelay $0x1  }
0x16e: {  	v37 =	vmul.f32 $1.442695020e+00, v37;
	_ =	sdelay $0x1  }
0x16f: {  	(erf) = vpow2.f32 v37;
	_ =	sdelay $0x8  }
0x170: {  	v37 =	vpop (erf)  }
0x171: {  	v37 =	vnsel vm13, $0x0, v37  }
0x172: {  	[tilespmem:v27+s22+$0x0] =	vst.idx.msk $0xffff, v37  }
0x173: {  	v37 =	vld.idx.msk [tilespmem:v29+s26+$0x0], $0xffff  }
0x174: {  	v49 =	vld.idx.msk [tilespmem:v12+s29+$0x0], $0xffff;
	_ =	sdelay $0x4  }
0x175: {  	v50 =	vld.idx.msk [tilespmem:v15+s26+$0x0], $0xffff;
	v37 =	vadd.f32 v49, v37;
	_ =	sdelay $0x1  }
0x176: {  	v38 =	vmul.f32 $2.000000030e-01, v37;
	_ =	sdelay $0x1  }
0x177: {  	v37 =	vmax.f32 v37, v38  }
0x178: {  	v37 =	vsub.f32 v37, v50;
	_ =	sdelay $0x1  }
0x179: {  	v37 =	vmul.f32 $1.442695020e+00, v37;
	_ =	sdelay $0x1  }
0x17a: {  	(erf) = vpow2.f32 v37;
	_ =	sdelay $0x8  }
0x17b: {  	vm14 =	vlt.u32 v42, v28;
	v37 =	vpop (erf)  }
0x17c: {  	v37 =	vnsel vm14, $0x0, v37  }
0x17d: {  	[tilespmem:v29+s22+$0x0] =	vst.idx.msk $0xffff, v37  }
0x17e: {  	v37 =	vld.idx.msk [tilespmem:v30+s26+$0x0], $0xffff  }
0x17f: {  	v51 =	vld.idx.msk [tilespmem:v13+s29+$0x0], $0xffff;
	_ =	sdelay $0x4  }
0x180: {  	v37 =	vadd.f32 v51, v37;
	_ =	sdelay $0x1  }
0x181: {  	v38 =	vmul.f32 $2.000000030e-01, v37;
	_ =	sdelay $0x1  }
0x182: {  	v37 =	vmax.f32 v37, v38  }
0x183: {  	v37 =	vsub.f32 v37, v50;
	_ =	sdelay $0x1  }
0x184: {  	v37 =	vmul.f32 $1.442695020e+00, v37;
	_ =	sdelay $0x1  }
0x185: {  	(erf) = vpow2.f32 v37;
	_ =	sdelay $0x8  }
0x186: {  	v37 =	vpop (erf)  }
0x187: {  	v37 =	vnsel vm14, $0x0, v37  }
0x188: {  	[tilespmem:v30+s22+$0x0] =	vst.idx.msk $0xffff, v37  }
0x189: {  	v37 =	vld.idx.msk [tilespmem:v31+s26+$0x0], $0xffff  }
0x18a: {  	v52 =	vld.idx.msk [tilespmem:v14+s29+$0x0], $0xffff;
	_ =	sdelay $0x4  }
0x18b: {  	v37 =	vadd.f32 v52, v37;
	_ =	sdelay $0x1  }
0x18c: {  	v38 =	vmul.f32 $2.000000030e-01, v37;
	_ =	sdelay $0x1  }
0x18d: {  	v37 =	vmax.f32 v37, v38  }
0x18e: {  	v37 =	vsub.f32 v37, v50;
	_ =	sdelay $0x1  }
0x18f: {  	v37 =	vmul.f32 $1.442695020e+00, v37;
	_ =	sdelay $0x1  }
0x190: {  	(erf) = vpow2.f32 v37;
	_ =	sdelay $0x8  }
0x191: {  	v37 =	vpop (erf)  }
0x192: {  	v37 =	vnsel vm14, $0x0, v37  }
0x193: {  	[tilespmem:v31+s22+$0x0] =	vst.idx.msk $0xffff, v37  }
0x194: {  	v37 =	vld.idx.msk [tilespmem:v33+s26+$0x0], $0xffff  }
0x195: {  	v53 =	vld.idx.msk [tilespmem:v17+s29+$0x0], $0xffff;
	_ =	sdelay $0x4  }
0x196: {  	v54 =	vld.idx.msk [tilespmem:v20+s26+$0x0], $0xffff;
	v37 =	vadd.f32 v53, v37;
	_ =	sdelay $0x1  }
0x197: {  	v38 =	vmul.f32 $2.000000030e-01, v37;
	_ =	sdelay $0x1  }
0x198: {  	v37 =	vmax.f32 v37, v38  }
0x199: {  	v37 =	vsub.f32 v37, v54;
	_ =	sdelay $0x1  }
0x19a: {  	v37 =	vmul.f32 $1.442695020e+00, v37;
	_ =	sdelay $0x1  }
0x19b: {  	(erf) = vpow2.f32 v37;
	_ =	sdelay $0x8  }
0x19c: {  	vm15 =	vlt.u32 v42, v32;
	v55 =	vpop (erf)  }
0x19d: {  	v36 =	vnsel vm15, $0x0, v55  }
0x19e: {  	[tilespmem:v33+s22+$0x0] =	vst.idx.msk $0xffff, v36  }
0x19f: {  	v36 =	vld.idx.msk [tilespmem:v34+s26+$0x0], $0xffff  }
0x1a0: {  	v56 =	vld.idx.msk [tilespmem:v18+s29+$0x0], $0xffff;
	_ =	sdelay $0x4  }
0x1a1: {  	v36 =	vadd.f32 v56, v36;
	_ =	sdelay $0x1  }
0x1a2: {  	v37 =	vmul.f32 $2.000000030e-01, v36;
	_ =	sdelay $0x1  }
0x1a3: {  	v36 =	vmax.f32 v36, v37  }
0x1a4: {  	v36 =	vsub.f32 v36, v54;
	_ =	sdelay $0x1  }
0x1a5: {  	v36 =	vmul.f32 $1.442695020e+00, v36;
	_ =	sdelay $0x1  }
0x1a6: {  	(erf) = vpow2.f32 v36;
	_ =	sdelay $0x8  }
0x1a7: {  	v36 =	vpop (erf)  }
0x1a8: {  	v36 =	vnsel vm15, $0x0, v36  }
0x1a9: {  	[tilespmem:v34+s22+$0x0] =	vst.idx.msk $0xffff, v36  }
0x1aa: {  	v36 =	vld.idx.msk [tilespmem:v35+s26+$0x0], $0xffff  }
0x1ab: {  	v57 =	vld.idx.msk [tilespmem:v19+s29+$0x0], $0xffff;
	_ =	sdelay $0x4  }
0x1ac: {  	v36 =	vadd.f32 v57, v36;
	_ =	sdelay $0x1  }
0x1ad: {  	v37 =	vmul.f32 $2.000000030e-01, v36;
	_ =	sdelay $0x1  }
0x1ae: {  	v36 =	vmax.f32 v36, v37  }
0x1af: {  	v36 =	vsub.f32 v36, v54;
	_ =	sdelay $0x1  }
0x1b0: {  	v36 =	vmul.f32 $1.442695020e+00, v36;
	_ =	sdelay $0x1  }
0x1b1: {  	(erf) = vpow2.f32 v36;
	_ =	sdelay $0x8  }
0x1b2: {  	v36 =	vpop (erf)  }
0x1b3: {  	s18 =	simm.s32 $0x0;
	v36 =	vnsel vm15, $0x0, v36  }
0x1b4: {  	v58 =	vmov s18;
	[tilespmem:v35+s22+$0x0] =	vst.idx.msk $0xffff, v36  }
0x1b5: {  	_ =	swait.ge [sflag:s31], $0x1800  }
0x1b6: {  	[sflag:s31] =	ssyncset.done $0x0  }
0x1b7: {  	s10 =	simm.s32 $0xBA50;
	[sflag:s31] =	ssyncadd.s32 $0xFFFFE800  }
0x1b8: {  	v59 =	vld [tilespmem:s10+$0xFFFFFFB0]  }
0x1b9: {  	v60 =	vld.idx.msk [tilespmem:v58+s22+$0x0], $0xffff  }
0x1ba: {  	v61 =	vld [tilespmem:s10+$0xFFFFFFC0];
	_ =	sdelay $0x2  }
0x1bb: {  	v40 =	vor.u32 $0x1, v58  }
0x1bc: {  	v37 =	vmul.f32 v59, v60  }
0x1bd: {  	v38 =	vmul.f32 v61, v60  }
0x1be: {  	[tilespmem:s10+$0xFFFFFFB0] =	vst v37  }
0x1bf: {  	v62 =	vld [tilespmem:s10+$0xFFFFFFD0];
	[tilespmem:s10+$0xFFFFFFC0] =	vst v38  }
0x1c0: {  	v38 =	vld.idx.msk [tilespmem:v40+s22+$0x0], $0xffff  }
0x1c1: {  	v63 =	vld [tilespmem:s10+$0xFFFFFFE0];
	_ =	sdelay $0x2  }
0x1c2: {  	v36 =	vor.u32 $0x2, v58  }
0x1c3: {  	v37 =	vmul.f32 v62, v38  }
0x1c4: {  	v38 =	vmul.f32 v63, v38  }
0x1c5: {  	v39 =	vld [tilespmem:s10+$0x0];
	[tilespmem:s10+$0xFFFFFFD0] =	vst v37  }
0x1c6: {  	[tilespmem:s10+$0xFFFFFFE0] =	vst v38;
	v37 =	vld [tilespmem:s10+$0xFFFFFFF0]  }
0x1c7: {  	v38 =	vld.idx.msk [tilespmem:v36+s22+$0x0], $0xffff;
	_ =	sdelay $0x1  }
0x1c8: {  	s11 =	simm.s32 $0x8  }
0x1c9: {  	s12 =	simm.s32 $0x2;
	v36 =	vmov s11;
	s11 =	simm.s32 $0xBA50  }
.LBB2_9:
0x1ca: {  	p1 =	sne.s32 s12, $0x3F  }
0x1cb: {  	v37 =	vmul.f32 v37, v38;
	v38 =	vmul.f32 v39, v38;
	s10 =	sadd.s32 $0x60, s10;
	s13 =	smov.u32 s12;
	s12 =	sadd.s32 $0x1, s12  }
0x1cc: {  	_ = 	snop  }
0x1cd: {  	[tilespmem:s11+$0xFFFFFFF0] =	vst v37  }
0x1ce: {  	v37 =	vld [tilespmem:s10+$0xFFFFFFB0];
	[tilespmem:s11+$0x0] =	vst v38;
	s11 =	smov.u32 s10  }
0x1cf: {  	v38 =	vld.idx.msk [tilespmem:v36+s22+$0x0], $0xffff  }
0x1d0: {  	v39 =	vld [tilespmem:s10+$0xFFFFFFC0];
	_ =	sdelay $0x2  }
0x1d1: {  	v40 =	vor.u32 $0x1, v36;
	_ =	sdelay $0x1  }
0x1d2: {  	v37 =	vmul.f32 v37, v38;
	v38 =	vmul.f32 v39, v38;
	_ =	sdelay $0x1  }
0x1d3: {  	[tilespmem:s10+$0xFFFFFFB0] =	vst v37  }
0x1d4: {  	[tilespmem:s10+$0xFFFFFFC0] =	vst v38;
	v37 =	vld [tilespmem:s10+$0xFFFFFFD0]  }
0x1d5: {  	v38 =	vld.idx.msk [tilespmem:v40+s22+$0x0], $0xffff  }
0x1d6: {  	v39 =	vld [tilespmem:s10+$0xFFFFFFE0];
	_ =	sdelay $0x1  }
0x1d7: {  	v36 =	vor.u32 $0x2, v36;
	_ =	sdelay $0x2  }
0x1d8: {  	v37 =	vmul.f32 v37, v38;
	v38 =	vmul.f32 v39, v38;
	_ =	sdelay $0x1  }
0x1d9: {  	[tilespmem:s10+$0xFFFFFFD0] =	vst v37  }
0x1da: {  	[tilespmem:s10+$0xFFFFFFE0] =	vst v38;
	v37 =	vld [tilespmem:s10+$0xFFFFFFF0]  }
0x1db: {  	v38 =	vld.idx.msk [tilespmem:v36+s22+$0x0], $0xffff  }
.Ltmp5:
0x1dc: {  	v39 =	vld [tilespmem:s10+$0x0];
	(pc) =	sbr.rel @p1 .LBB2_9-.Ltmp5, $3  }
0x1dd: {  	_ =	sdelay $0x1  }
0x1de: {  	s13 =	sshll.u32 s13, $0x3  }
0x1df: {  	v36 =	vmov s13  }
0x1e0: {  	v37 =	vmul.f32 v37, v38  }
0x1e1: {  	v56 =	vmul.f32 v39, v38  }
0x1e2: {  	s10 =	sadd.s32 $0x60, s10;
	[tilespmem:s11+$0xFFFFFFF0] =	vst v37  }
0x1e3: {  	v57 =	vld [tilespmem:s10+$0xFFFFFFB0];
	[tilespmem:s11+$0x0] =	vst v56  }
0x1e4: {  	v38 =	vld.idx.msk [tilespmem:v36+s22+$0x0], $0xffff  }
0x1e5: {  	v58 =	vld [tilespmem:s10+$0xFFFFFFC0];
	_ =	sdelay $0x2  }
0x1e6: {  	v40 =	vor.u32 $0x1, v36  }
0x1e7: {  	v37 =	vmul.f32 v57, v38  }
0x1e8: {  	v38 =	vmul.f32 v58, v38  }
0x1e9: {  	[tilespmem:s10+$0xFFFFFFB0] =	vst v37  }
0x1ea: {  	v59 =	vld [tilespmem:s10+$0xFFFFFFD0];
	[tilespmem:s10+$0xFFFFFFC0] =	vst v38  }
0x1eb: {  	v38 =	vld.idx.msk [tilespmem:v40+s22+$0x0], $0xffff  }
0x1ec: {  	v60 =	vld [tilespmem:s10+$0xFFFFFFE0];
	_ =	sdelay $0x2  }
0x1ed: {  	v61 =	vor.u32 $0x2, v36  }
0x1ee: {  	v37 =	vmul.f32 v59, v38  }
0x1ef: {  	v38 =	vmul.f32 v60, v38  }
0x1f0: {  	[tilespmem:s10+$0xFFFFFFD0] =	vst v37  }
0x1f1: {  	v62 =	vld [tilespmem:s10+$0xFFFFFFF0];
	[tilespmem:s10+$0xFFFFFFE0] =	vst v38  }
0x1f2: {  	v36 =	vld.idx.msk [tilespmem:v61+s22+$0x0], $0xffff  }
0x1f3: {  	v63 =	vld [tilespmem:s10+$0x0];
	_ =	sdelay $0x3  }
0x1f4: {  	v37 =	vmul.f32 v62, v36  }
0x1f5: {  	v36 =	vmul.f32 v63, v36  }
0x1f6: {  	[tilespmem:s10+$0xFFFFFFF0] =	vst v37  }
0x1f7: {  	[tilespmem:s10+$0x0] =	vst v36  }
0x1f8: {  	[spmem:s2] =	stream.indirect.scatter.add.f32 [tilespmem:s25], [sflag:$0x4], $0x60, s9, s23, $0xb8;
	[tilespmem:$0x1D5E8] =	vst v63  }
0x1f9: {  	s0 =	sadd.s32 $0x1, s0;
	_ =	swait.ge [sflag:s28], $0x1800  }
0x1fa: {  	p1 =	sne.s32 s0, $0xA2;
	[sflag:s28] =	ssyncset.done $0x0  }
0x1fb: {  	s11 =	simm.s32 @!p0 $0xD600;
	s10 =	simm.s32 @!p0 $0x40;
	[sflag:s28] =	ssyncadd.s32 $0xFFFFE800  }
0x1fc: {  	[spmem:s5] =	stream.indirect.scatter.add.f32 @!p0 [tilespmem:s11], [sflag:$0x3], $0x8, s9, s10, $0xb8;
	[tilespmem:$0x1D5E8] =	vst v63  }
.Ltmp6:
0x1fd: {  	_ = 	snop;
	(pc) =	sbr.rel @p1 .LBB2_2-.Ltmp6, $4  }
0x1fe: {  	s9 =	simm.s32 @!p0 $0x3  }
0x1ff: {  	_ =	swait.ge @!p0 [sflag:s9], $0x200  }
0x200: {  	[sflag:s9] =	ssyncset.done @!p0 $0x0  }
0x201: {  	[sflag:s9] =	ssyncadd.s32 @!p0 $0xFFFFFE00  }
0x202: {  	[bflag:$0x0] =	sbarrier.arrive $0xFFFF  }
0x203: {  	s0 =	rddreg [dreg:$0x8]  }
0x204: {  	[hbm:s0], [sflag:s19] =	dma.local [spmem:s20], $0x1D4C  }
0x205: {  	s3 =	sadd.s32 $0x1, s3;
	_ =	swait.ge [sflag:s17], $0x1D4C  }
0x206: {  	p1 =	sne.s32 s3, s15;
	[sflag:s17] =	ssyncset.done $0x0  }
.Ltmp7:
0x207: {  	s18 =	rddreg [dreg:$0x9];
	[sflag:s17] =	ssyncadd.s32 $0xFFFFE2B4;
	(pc) =	sbr.rel @p1 .LBB2_1-.Ltmp7, $4  }
0x208: {  	[hbm:s18], [sflag:s19] =	dma.local [spmem:s21], $0x271  }
0x209: {  	_ =	swait.ge [sflag:s17], $0x271  }
0x20a: {  	[sflag:s17] =	ssyncset.done $0x0  }
0x20b: {  	[sflag:s17] =	ssyncadd.s32 $0xFFFFFD8F  }
0x20c: {  	_ =	sfence.sel $0x180000  }
0x20d: {  	[bflag:$0x0] =	sbarrier.arrive $0xFFFF  }
0x20e: {  	_ =	strace $0x9000004A  }
0x20f: {  	s0 =	stileid.u32;
	[bflag:$0x2] =	sbarrier.arrive $0xFFFF  }
0x210: {  	p0 =	sne.s32 s0, $0x0;
	s0 =	rddreg [dreg:$0x3]  }
0x211: {  	s0 =	sadd.s32 @!p0 $0x100000, s0  }
0x212: {  	[sflag:s0] =	ssyncadd.tile.s32 @!p0 $0x1;
	_ =	shalt  }
.Lfunc_end2:
_tile_overlayer_lowered:
.L_overlay_start_2:
0x213: {  	(tag) =	ssettag $0x2  }
0x214: {  	s0 =	rddreg [dreg:$0x0];
	s2 =	stileid.u32  }
0x215: {  	s1 =	rddreg [dreg:$0x1];
	p0 =	sne.s32 s2, $0x0  }
0x216: {  	s3 =	rddreg [dreg:$0x2];
	[bflag:$0x3] =	sbarrier.arrive $0xFFFF;
	s2 =	simm.s32 @!p0 $0x1C03  }
0x217: {  	[timem:s3], [sflag:s2] =	dma.local @!p0 [hbm:s0], s1  }
0x218: {  	s0 =	simm.s32 @!p0 $0x3  }
0x219: {  	_ =	swait.ge @!p0 [sflag:s0], s1  }
0x21a: {  	s1 =	ssub.s32 @!p0 $0x0, s1;
	[sflag:s0] =	ssyncset.done @!p0 $0x0  }
0x21b: {  	[sflag:s0] =	ssyncadd.s32 @!p0 s1  }
0x21c: {  	[bflag:$0x3] =	sbarrier.arrive $0xFFFF  }
0x21d: {  	_ =	shalt  }

// kernel: kernel.9.cloned.1.call-start
scs
__scs_entry_jumppad:
0x0: {  	(pc) =	sbr.rel $0x88, $3  }
0x1: {  	(tag) =	ssettag $0x0;
	lr =	simm.s32 $0x1  }
0x2: {  	[smem:$0x3F94] =	sst lr;
	_ =	strace $0xD0000000  }
0x3: {  	_ = 	snop  }
0x4: {  	_ = 	snop  }
0x5: {  	_ = 	snop  }
0x6: {  	_ = 	snop  }
0x7: {  	_ = 	snop  }
__scs_overlays_trampoline_lowered:
0x8: {  	[smem:$0x3FA3] =	sst s0  }
0x9: {  	[smem:$0x3FA4] =	sst s1  }
0xa: {  	[smem:$0x3FA5] =	sst s2  }
0xb: {  	[smem:$0x3FA6] =	sst s3  }
0xc: {  	[smem:$0x3FA7] =	sst s4  }
0xd: {  	[smem:$0x3FA8] =	sst s5  }
0xe: {  	[smem:$0x3FA9] =	sst s6  }
0xf: {  	[smem:$0x3FAA] =	sst s7  }
0x10: {  	[smem:$0x3FAB] =	sst s8  }
0x11: {  	[smem:$0x3FAC] =	sst s9;
	s0 =	simm.s32 @!p0 $0x0  }
0x12: {  	s1 =	sld [smem:$0x3F92];
	s0 =	simm.s32 @p0 $0x1  }
0x13: {  	[smem:$0x3FAD] =	sst s0;
	s0 =	simm.s32 @!p1 $0x0  }
0x14: {  	s2 =	sld [smem:$0x3F91];
	s0 =	simm.s32 @p1 $0x1  }
0x15: {  	[smem:$0x3FAE] =	sst s0;
	s0 =	simm.s32 @!p2 $0x0  }
0x16: {  	s3 =	sld [smem:$0x3FDB];
	s0 =	simm.s32 @p2 $0x1  }
0x17: {  	s4 =	simm.s32 $0x1BF5;
	[smem:$0x3FB0] =	sst s0  }
0x18: {  	s0 =	sld [smem:$0x3F93];
	_ =	swait.ge [sflag:s4], $0x0  }
0x19: {  	s7 =	sld [smem:$0x3F94]  }
0x1a: {  	s8 =	sadd.s32 $0xFFFFE003, lr  }
0x1b: {  	s9 =	sadd.s32 $0xFFFFFEF7, lr;
	s5 =	simm.s32 $0xFFFFFFFF;
	p2 =	slt.u32 s8, $0xFFFFF086  }
0x1c: {  	p1 =	slt.u32 s9, $0xF7A;
	s5 =	simm.s32 @!p2 $0x0  }
0x1d: {  	s5 =	simm.s32 @p1 $0x1;
	p0 =	seq.s32 s7, s2  }
0x1e: {  	s7 =	smul.u32 @!p0 $0xF7A, s2;
	p2 =	seq.s32 @!p0 s5, $0x0  }
0x1f: {  	s9 =	smul.u32 $0xF7A, s1;
	s8 =	simm.s32 @!p0 $0x1BF5;
	p2 =	por !p2, p0  }
0x20: {  	[sflag:s8] =	ssyncset.s32 @!p0 $0xFFFFF086;
	s6 =	sadd.s32 @!p0 s3, s7;
	s7 =	simm.s32 @!p0 $0x108  }
0x21: {  	s3 =	sadd.s32 s3, s9;
	s6 =	sadd.s32 @!p0 $0x88, s6;
	s7 =	simm.s32 @p2 $0x1082  }
0x22: {  	[simem:s7], [sflag:s8] =	dma.local @!p0 [hbm:s6], $0xF7A  }
0x23: {  	s9 =	sor.u32 $0xD0000000, s2;
	s6 =	simm.s32 $0x108;
	_ =	swait.ge @!p0 [sflag:s8], $0x0  }
0x24: {  	s3 =	sadd.s32 $0x88, s3;
	s6 =	simm.s32 @!p1 $0x1082;
	[sflag:s4] =	ssyncset.s32 $0xFFFFF086  }
0x25: {  	[simem:s6], [sflag:s4] =	dma.local [hbm:s3], $0xF7A  }
0x26: {  	[smem:$0x3F94] =	sst s1;
	(tag) =	ssettag s2;
	_ =	strace s9  }
0x27: {  	s1 =	sld [smem:$0x3FA4]  }
0x28: {  	s2 =	sld [smem:$0x3FA5]  }
0x29: {  	s4 =	sld [smem:$0x3FA7]  }
0x2a: {  	p0 =	seq.s32 s5, $0x0;
	s5 =	sld [smem:$0x3FA8]  }
0x2b: {  	s6 =	sld [smem:$0x3FA9]  }
0x2c: {  	s7 =	sld [smem:$0x3FAA]  }
0x2d: {  	s3 =	simm.s32 $0x108;
	s8 =	sld [smem:$0x3FAB]  }
0x2e: {  	s3 =	simm.s32 @!p0 $0x1082;
	s9 =	sld [smem:$0x3FAC]  }
0x2f: {  	lr =	sadd.s32 s0, s3;
	s0 =	sld [smem:$0x3FA3]  }
0x30: {  	s3 =	sld [smem:$0x3FA6]  }
0x31: {  	[smem:$0x3FAF] =	sst s10  }
0x32: {  	s10 =	sld [smem:$0x3FAD];
	_ =	sdelay $0x3  }
0x33: {  	p0 =	seq.s32 s10, $0x1;
	s10 =	sld [smem:$0x3FAF];
	_ =	sdelay $0x3  }
0x34: {  	[smem:$0x3FAF] =	sst s10  }
0x35: {  	s10 =	sld [smem:$0x3FAE];
	_ =	sdelay $0x3  }
0x36: {  	p1 =	seq.s32 s10, $0x1;
	s10 =	sld [smem:$0x3FAF];
	_ =	sdelay $0x3  }
0x37: {  	[smem:$0x3FAF] =	sst s10  }
0x38: {  	s10 =	sld [smem:$0x3FB0]  }
0x39: {  	_ = 	snop;
	(pc) =	sbr.ind lr, $3  }
0x3a: {  	_ = 	snop  }
0x3b: {  	_ = 	snop  }
0x3c: {  	p2 =	seq.s32 s10, $0x1;
	s10 =	sld [smem:$0x3FAF]  }
0x3d: {  	_ =	shalt  }
0x3e: {  	_ =	shalt  }
0x3f: {  	_ =	shalt  }
0x40: {  	_ =	shalt  }
0x41: {  	_ =	shalt  }
0x42: {  	_ =	shalt  }
0x43: {  	_ =	shalt  }
0x44: {  	_ =	shalt  }
0x45: {  	_ =	shalt  }
0x46: {  	_ =	shalt  }
0x47: {  	_ =	shalt  }
0x48: {  	_ =	shalt  }
0x49: {  	_ =	shalt  }
0x4a: {  	_ =	shalt  }
0x4b: {  	_ =	shalt  }
0x4c: {  	_ =	shalt  }
0x4d: {  	_ =	shalt  }
0x4e: {  	_ =	shalt  }
0x4f: {  	_ =	shalt  }
0x50: {  	_ =	shalt  }
0x51: {  	_ =	shalt  }
0x52: {  	_ =	shalt  }
0x53: {  	_ =	shalt  }
0x54: {  	_ =	shalt  }
0x55: {  	_ =	shalt  }
0x56: {  	_ =	shalt  }
0x57: {  	_ =	shalt  }
0x58: {  	_ =	shalt  }
0x59: {  	_ =	shalt  }
0x5a: {  	_ =	shalt  }
0x5b: {  	_ =	shalt  }
0x5c: {  	_ =	shalt  }
0x5d: {  	_ =	shalt  }
0x5e: {  	_ =	shalt  }
0x5f: {  	_ =	shalt  }
0x60: {  	_ =	shalt  }
0x61: {  	_ =	shalt  }
0x62: {  	_ =	shalt  }
0x63: {  	_ =	shalt  }
0x64: {  	_ =	shalt  }
0x65: {  	_ =	shalt  }
0x66: {  	_ =	shalt  }
0x67: {  	_ =	shalt  }
0x68: {  	_ =	shalt  }
0x69: {  	_ =	shalt  }
0x6a: {  	_ =	shalt  }
0x6b: {  	_ =	shalt  }
0x6c: {  	_ =	shalt  }
0x6d: {  	_ =	shalt  }
0x6e: {  	_ =	shalt  }
0x6f: {  	_ =	shalt  }
0x70: {  	_ =	shalt  }
0x71: {  	_ =	shalt  }
0x72: {  	_ =	shalt  }
0x73: {  	_ =	shalt  }
0x74: {  	_ =	shalt  }
0x75: {  	_ =	shalt  }
0x76: {  	_ =	shalt  }
0x77: {  	_ =	shalt  }
0x78: {  	_ =	shalt  }
0x79: {  	_ =	shalt  }
0x7a: {  	_ =	shalt  }
0x7b: {  	_ =	shalt  }
0x7c: {  	_ =	shalt  }
0x7d: {  	_ =	shalt  }
0x7e: {  	_ =	shalt  }
0x7f: {  	_ =	shalt  }
0x80: {  	_ =	shalt  }
0x81: {  	_ =	shalt  }
0x82: {  	_ =	shalt  }
0x83: {  	_ =	shalt  }
0x84: {  	_ =	shalt  }
0x85: {  	_ =	shalt  }
0x86: {  	_ =	shalt  }
0x87: {  	_ =	shalt  }
.Lfunc_end0:
.L_simem_size_0:
called_computation_lowered:
.L_overlay_start_0:
0x88: {  	s2 =	sld [smem:$0x3FD9]  }
0x89: {  	s3 =	sld [smem:$0x3FFE];
	_ =	sdelay $0x1  }
0x8a: {  	s1 =	srdreg.scid  }
0x8b: {  	s0 =	sand.u32 $0x1, s1  }
0x8c: {  	s16 =	sshll.u32 s0, $0xA;
	s2 =	sadd.s32 s3, s2  }
0x8d: {  	s2 =	sadd.s32 s2, s16  }
0x8e: {  	[smem:$0x3FBB] =	sst s2  }
0x8f: {  	_ = 	snop  }
0x90: {  	(tm) =	ssettm $0x1  }
0x91: {  	s17 =	sld [smem:$0x3FFB];
	_ =	sdelay $0x3  }
0x92: {  	_ =	strace s17  }
0x93: {  	s2 =	sld [smem:$0x3FFC];
	_ =	sdelay $0x3  }
0x94: {  	_ =	strace s2  }
0x95: {  	s2 =	sld [smem:$0x3FFD];
	_ =	sdelay $0x3  }
0x96: {  	_ =	strace s2  }
0x97: {  	_ =	strace $0x8FFFFFFF  }
0x98: {  	s18 =	sld [smem:$0x3FDB];
	_ =	sdelay $0x1  }
0x99: {  	s19 =	simm.s32 $_scs_section_size  }
0x9a: {  	s4 =	simm.s32 $_size__tile_overlayer_lowered;
	s5 =	simm.s32 $_tile_overlayer_lowered  }
0x9b: {  	s22 =	simm.s32 $0x1BFF;
	s21 =	sshll.u32 s5, $0x1;
	s2 =	sadd.s32 s19, s18  }
0x9c: {  	s6 =	simm.s32 $0x0;
	s20 =	sshll.u32 s4, $0x1;
	s4 =	sadd.s32 s21, s2  }
0x9d: {  	[timem:s6], [sflag:s22] =	dma.local [hbm:s4], s20  }
0x9e: {  	_ =	swait.ge [sflag:s22], s20  }
0x9f: {  	s3 =	ssub.s32 $0x0, s20;
	[sflag:s22] =	ssyncset.done $0x0  }
0xa0: {  	[sflag:s22] =	ssyncadd.s32 s3;
	_ =	sdelay $0x1  }
0xa1: {  	s23 =	simm.s32 $0x1B8B  }
0xa2: {  	_ =	swait.ge [sflag:s23], $0x1  }
0xa3: {  	[sflag:s23] =	ssyncset.done $0x0  }
0xa4: {  	s25 =	simm.s32 $0x1B8E;
	s24 =	sld [smem:$0x3FFE];
	[sflag:s23] =	ssyncadd.s32 $0xFFFFFFFF  }
0xa5: {  	s26 =	simm.s32 $execute0_lowered;
	[smem:$0x3FD2] =	sst s25  }
0xa6: {  	s4 =	sshll.u32 s26, $0x1;
	_ =	strace $0x80000046;
	[dreg:$0x1] =	wrdreg $0xFFFFFFFF  }
0xa7: {  	s28 =	simm.s32 $_size_execute0_lowered;
	s2 =	sadd.s32 s2, s4;
	[dreg:$0x0] =	wrdreg $0x0  }
0xa8: {  	s4 =	sshll.u32 s28, $0x1;
	[dreg:$0x2] =	wrdreg s2  }
0xa9: {  	[dreg:$0x3] =	wrdreg s4  }
0xaa: {  	[dreg:$0x4] =	wrdreg $0xC0  }
0xab: {  	_ =	task [dreg:s6], $0x5FFFF  }
0xac: {  	[dreg:$0x1] =	wrdreg $0xFFFFFFFF  }
0xad: {  	[dreg:$0x0] =	wrdreg $0x60  }
0xae: {  	[dreg:$0x2] =	wrdreg s24  }
0xaf: {  	[dreg:$0x3] =	wrdreg $0xD8000  }
0xb0: {  	[dreg:$0x4] =	wrdreg $0x1C2600  }
0xb1: {  	[dreg:$0x5] =	wrdreg $0x9  }
0xb2: {  	_ =	task.clear_ibuf [dreg:s6], $0x6FFFF;
	_ =	strace $0x90000046  }
0xb3: {  	s29 =	simm.s32 $0x9;
	_ =	strace $0x80000048  }
0xb4: {  	_ =	swait.ge [sflag:s29], $0x1  }
0xb5: {  	[sflag:s29] =	ssyncadd.s32 $0xFFFFFFFF  }
0xb6: {  	_ =	strace $0x90000048  }
0xb7: {  	_ =	sfence  }
0xb8: {  	s30 =	sld [smem:$0x0];
	_ =	sdelay $0x2  }
0xb9: {  	s31 =	sshll.u32 s1, $0xD;
	s1 =	sshrl.u32 s1, $0x2  }
0xba: {  	s3 =	sand.u32 $0x4000, s31;
	s1 =	sadd.s32 s1, s30  }
0xbb: {  	s0 =	sor.u32 s3, s0;
	s1 =	sshll.u32 s1, $0x11  }
0xbc: {  	s0 =	sor.u32 s1, s0  }
0xbd: {  	s0 =	sadd.s32 $0x8F2B, s0  }
0xbe: {  	[sflag:s0] =	ssyncadd.remote.s32 $0x1  }
0xbf: {  	_ =	sfence.sel $0xFFFF  }
0xc0: {  	[dreg:$0x0] =	wrdreg $0xFFFFFFFF;
	(pc) =	sbr.abs _section_cstart, $3  }
0xc1: {  	[dreg:$0x1] =	wrdreg $0xFFFFFFFF  }
0xc2: {  	_ =	task.clear_ibuf [dreg:s6], $0x2FFFF;
	_ =	strace $0x9FFFFFFF  }
0xc3: {  	(tm) =	ssettm $0x7FFFFFFF  }
tec
execute0_lowered:
.L_overlay_start_1:
0x0: {  	(tag) =	ssettag $0x1  }
0x1: {  	s1 =	rddreg [dreg:$0x0]  }
0x2: {  	s2 =	rddreg [dreg:$0x1]  }
0x3: {  	s18 =	stileid.u32;
	s0 =	srdreg.scid  }
0x4: {  	s5 =	rddreg [dreg:$0x2];
	s6 =	simm.s32 $0x0;
	s17 =	simm.s32 $0x3  }
0x5: {  	s28 =	simm.s32 $0x4;
	s29 =	simm.s32 $0xD400;
	s4 =	smul.u32 $0x5100, s18  }
0x6: {  	s30 =	simm.s32 $0x1;
	s31 =	simm.s32 $0x2;
	s3 =	smul.u32 $0xEA60, s18  }
0x7: {  	s0 =	sand.u32 $0x1, s0;
	[smem:$0x7FF] =	sst s6;
	s10 =	smul.u32 $0x1388, s18  }
0x8: {  	v21 =	vlaneseq.u32;
	s8 =	sadd.s32 $0x2800, s1;
	s13 =	sadd.s32 $0x51800, s1;
	s22 =	sadd.s32 $0x53600, s1  }
0x9: {  	v0 =	vmul.u32 $0x8, v21;
	s9 =	smul.u32 $0xEA600, s0;
	_ =	strace $0x80000047;
	[dreg:$0x4] =	wrdreg s13  }
0xa: {  	s26 =	sshll.u32 s18, $0x6;
	s12 =	smul.u32 $0x13880, s0;
	[dreg:$0x5] =	wrdreg s22  }
0xb: {  	v2 =	vimm.f32 $0.0e+00;
	v32 =	vmul.u32 $0xFFFFFFFF, v21;
	s23 =	ssub.s32 $0x2, s0;
	p0 =	seq.s32 s0, $0x0;
	s16 =	smov.u32 s8;
	v1 =	vor.u32 $0x3, v0  }
0xc: {  	s19 =	sor.u32 $0x1C03, s26;
	s22 =	simm.s32 $0xD600;
	s7 =	sshrl.u32 s4, $0x3;
	v3 =	vor.u32 $0x4, v0;
	v4 =	vor.u32 $0x5, v0;
	v5 =	vor.u32 $0x6, v0  }
0xd: {  	s26 =	simm.s32 $0xD200;
	v6 =	vor.u32 $0x7, v0;
	s14 =	sshrl.u32 s23, $0x1;
	v7 =	vor.u32 $0x83, v0;
	v8 =	vor.u32 $0x84, v0;
	s11 =	sadd.s32 s7, s1  }
0xe: {  	v9 =	vor.u32 $0x85, v0;
	v10 =	vor.u32 $0x86, v0;
	v11 =	vor.u32 $0x87, v0;
	s7 =	sadd.s32 $0x1FE00, s1;
	s9 =	sadd.s32 s3, s9;
	s12 =	sadd.s32 s10, s12  }
0xf: {  	v12 =	vor.u32 $0x103, v0;
	v13 =	vor.u32 $0x104, v0;
	v14 =	vor.u32 $0x105, v0;
	s13 =	ssub.s32 s23, s14;
	s3 =	sadd.s32 s3, s2;
	s10 =	sadd.s32 s10, s5  }
0x10: {  	v15 =	vor.u32 $0x106, v0;
	v16 =	vor.u32 $0x107, v0;
	v17 =	vor.u32 $0x183, v0;
	s23 =	simm.s32 $0x40;
	s9 =	sshrl.u32 s9, $0x3;
	s12 =	sshrl.u32 s12, $0x3  }
0x11: {  	v18 =	vor.u32 $0x184, v0;
	v19 =	vor.u32 $0x185, v0;
	v20 =	vor.u32 $0x186, v0;
	s24 =	sadd.s32 $0x47600, s11;
	s11 =	sadd.s32 $0x3D400, s11;
	s15 =	smax.u32 s13, $0x1  }
0x12: {  	v21 =	vor.u32 $0x187, v0;
	v22 =	vor.u32 $0x1, v0;
	v23 =	vor.u32 $0x2, v0;
	s16 =	smov.u32 @p0 s7;
	s20 =	sshrl.u32 s3, $0x3;
	s21 =	sshrl.u32 s10, $0x3  }
0x13: {  	v24 =	vadd.s32 $0x50900, v32;
	v25 =	vor.u32 $0x80, v0;
	v26 =	vor.u32 $0x81, v0;
	p0 =	sne.s32 s0, $0x0;
	s9 =	sadd.s32 s9, s1;
	[dreg:$0x6] =	wrdreg s24  }
0x14: {  	v27 =	vor.u32 $0x82, v0;
	v28 =	vadd.s32 $0x508F0, v32;
	v29 =	vor.u32 $0x100, v0;
	s12 =	sadd.s32 s12, s1;
	[dreg:$0x7] =	wrdreg s11;
	s9 =	sadd.s32 $0x58A00, s9  }
0x15: {  	v30 =	vor.u32 $0x101, v0;
	v31 =	vor.u32 $0x102, v0;
	v32 =	vadd.s32 $0x508E0, v32;
	s3 =	simm.s32 $0x0;
	s25 =	sadd.s32 $0x53A00, s12;
	[dreg:$0x8] =	wrdreg s9  }
0x16: {  	v33 =	vor.u32 $0x180, v0;
	v34 =	vor.u32 $0x181, v0;
	v35 =	vor.u32 $0x182, v0;
	s24 =	simm.s32 $0xA200;
	[dreg:$0x9] =	wrdreg s25;
	s25 =	simm.s32 $0xBA00  }
.LBB2_1:
0x17: {  	s0 =	rddreg [dreg:$0x6]  }
0x18: {  	[tilespmem:s6], [sflag:$0x3] =	stream.linear.gather [hbm4b:s0+s6], $0x5100, $0x38;
	[tilespmem:$0x1D5E8] =	vst v63  }
0x19: {  	_ =	swait.ge [sflag:s17], $0x5100  }
0x1a: {  	[sflag:s17] =	ssyncset.done $0x0  }
0x1b: {  	s9 =	simm.s32 $0x5100;
	s13 =	rddreg [dreg:$0x7];
	[sflag:s17] =	ssyncadd.s32 $0xFFFFAF00  }
0x1c: {  	[tilespmem:s9], [sflag:$0x3] =	stream.linear.gather [hbm4b:s13+s6], $0x5100, $0x38;
	[tilespmem:$0x1D5E8] =	vst v63  }
0x1d: {  	_ =	swait.ge [sflag:s17], $0x5100  }
0x1e: {  	[sflag:s17] =	ssyncset.done $0x0  }
0x1f: {  	s14 =	rddreg [dreg:$0x4];
	[sflag:s17] =	ssyncadd.s32 $0xFFFFAF00  }
0x20: {  	[spmem:s20], [sflag:s19] =	dma.local [hbm:s14], $0x1D4C  }
0x21: {  	_ =	swait.ge [sflag:s17], $0x1D4C  }
0x22: {  	[sflag:s17] =	ssyncset.done $0x0  }
0x23: {  	s18 =	rddreg [dreg:$0x5];
	[sflag:s17] =	ssyncadd.s32 $0xFFFFE2B4  }
0x24: {  	[spmem:s21], [sflag:s19] =	dma.local [hbm:s18], $0x271  }
0x25: {  	_ =	swait.ge [sflag:s17], $0x271  }
0x26: {  	[sflag:s17] =	ssyncset.done $0x0  }
0x27: {  	[sflag:s17] =	ssyncadd.s32 $0xFFFFFD8F  }
0x28: {  	[tilespmem:v1+s22+$0x0] =	vst.idx.msk $0xffff, v2  }
0x29: {  	[tilespmem:v3+s22+$0x0] =	vst.idx.msk $0xffff, v2  }
0x2a: {  	[tilespmem:v4+s22+$0x0] =	vst.idx.msk $0xffff, v2  }
0x2b: {  	[tilespmem:v5+s22+$0x0] =	vst.idx.msk $0xffff, v2  }
0x2c: {  	[tilespmem:v6+s22+$0x0] =	vst.idx.msk $0xffff, v2  }
0x2d: {  	[tilespmem:v7+s22+$0x0] =	vst.idx.msk $0xffff, v2  }
0x2e: {  	[tilespmem:v8+s22+$0x0] =	vst.idx.msk $0xffff, v2  }
0x2f: {  	[tilespmem:v9+s22+$0x0] =	vst.idx.msk $0xffff, v2  }
0x30: {  	[tilespmem:v10+s22+$0x0] =	vst.idx.msk $0xffff, v2  }
0x31: {  	[tilespmem:v11+s22+$0x0] =	vst.idx.msk $0xffff, v2  }
0x32: {  	[tilespmem:v12+s22+$0x0] =	vst.idx.msk $0xffff, v2  }
0x33: {  	[tilespmem:v13+s22+$0x0] =	vst.idx.msk $0xffff, v2  }
0x34: {  	[tilespmem:v14+s22+$0x0] =	vst.idx.msk $0xffff, v2  }
0x35: {  	[tilespmem:v15+s22+$0x0] =	vst.idx.msk $0xffff, v2  }
0x36: {  	[tilespmem:v16+s22+$0x0] =	vst.idx.msk $0xffff, v2  }
0x37: {  	[tilespmem:v17+s22+$0x0] =	vst.idx.msk $0xffff, v2  }
0x38: {  	[tilespmem:v18+s22+$0x0] =	vst.idx.msk $0xffff, v2  }
0x39: {  	[tilespmem:v19+s22+$0x0] =	vst.idx.msk $0xffff, v2  }
0x3a: {  	[tilespmem:v20+s22+$0x0] =	vst.idx.msk $0xffff, v2  }
0x3b: {  	[tilespmem:v21+s22+$0x0] =	vst.idx.msk $0xffff, v2  }
0x3c: {  	s0 =	simm.s32 $0x0;
	[bflag:$0x0] =	sbarrier.arrive $0xFFFF  }
0x3d: {  	[tilespmem:s24], [sflag:$0x1] =	stream.indirect.gather [hbm4b:s16+s23], $0x60, s6, s23, $0xb8;
	[tilespmem:$0x1D5E8] =	vst v63  }
.LBB2_2:
0x3e: {  	s9 =	sshllo.u32 s0, $0x1  }
0x3f: {  	s18 =	sshll.u32 s9, $0x6  }
0x40: {  	s9 =	sand.u32 $0x3FFFFFC0, s18  }
0x41: {  	[tilespmem:s25], [sflag:$0x2] =	stream.indirect.gather [hbm4b:s16+s23], $0x60, s9, s23, $0xb8;
	[tilespmem:$0x1D5E8] =	vst v63  }
0x42: {  	s9 =	sshll.u32 s0, $0x7  }
0x43: {  	[tilespmem:s26], [sflag:$0x4] =	stream.indirect.gather [hbm4b:s1+s23], $0x8, s9, s23, $0xb8;
	[tilespmem:$0x1D5E8] =	vst v63  }
0x44: {  	_ =	swait.ge [sflag:s28], $0x200  }
0x45: {  	[sflag:s28] =	ssyncset.done $0x0  }
0x46: {  	s10 =	sadd.s32 $0x5100, s9;
	[sflag:s28] =	ssyncadd.s32 $0xFFFFFE00  }
0x47: {  	[tilespmem:s29], [sflag:$0x4] =	stream.indirect.gather [hbm4b:s1+s23], $0x8, s10, s23, $0xb8;
	[tilespmem:$0x1D5E8] =	vst v63  }
0x48: {  	_ =	swait.ge [sflag:s28], $0x200  }
0x49: {  	[sflag:s28] =	ssyncset.done $0x0  }
0x4a: {  	[sflag:s28] =	ssyncadd.s32 $0xFFFFFE00  }
0x4b: {  	v36 =	vld.idx.msk [tilespmem:v0+s26+$0x0], $0xffff  }
0x4c: {  	v37 =	vld.idx.msk [tilespmem:v1+s29+$0x0], $0xffff;
	_ =	sdelay $0x4  }
0x4d: {  	v38 =	vld.idx.msk [tilespmem:v5+s26+$0x0], $0xffff;
	v36 =	vadd.f32 v37, v36;
	_ =	sdelay $0x1  }
0x4e: {  	v37 =	vmul.f32 $2.000000030e-01, v36;
	_ =	sdelay $0x1  }
0x4f: {  	v36 =	vmax.f32 v36, v37  }
0x50: {  	v36 =	vsub.f32 v36, v38;
	_ =	sdelay $0x1  }
0x51: {  	v36 =	vmul.f32 $1.442695020e+00, v36;
	_ =	sdelay $0x1  }
0x52: {  	(erf) = vpow2.f32 v36;
	_ =	sdelay $0x6  }
0x53: {  	s11 =	sadd.s32 s4, s9  }
0x54: {  	v42 =	vmov s11  }
0x55: {  	vm0 =	vlt.u32 v42, $0x50910;
	v43 =	vpop (erf)  }
0x56: {  	v37 =	vnsel vm0, $0x0, v43  }
0x57: {  	[tilespmem:v0+s22+$0x0] =	vst.idx.msk $0xffff, v37  }
0x58: {  	v37 =	vld.idx.msk [tilespmem:v22+s26+$0x0], $0xffff  }
0x59: {  	v39 =	vld.idx.msk [tilespmem:v3+s29+$0x0], $0xffff;
	_ =	sdelay $0x4  }
0x5a: {  	v37 =	vadd.f32 v39, v37;
	_ =	sdelay $0x1  }
0x5b: {  	v39 =	vmul.f32 $2.000000030e-01, v37;
	_ =	sdelay $0x1  }
0x5c: {  	v37 =	vmax.f32 v37, v39  }
0x5d: {  	v37 =	vsub.f32 v37, v38;
	_ =	sdelay $0x1  }
0x5e: {  	v37 =	vmul.f32 $1.442695020e+00, v37;
	_ =	sdelay $0x1  }
0x5f: {  	(erf) = vpow2.f32 v37;
	_ =	sdelay $0x8  }
0x60: {  	v37 =	vpop (erf)  }
0x61: {  	v37 =	vnsel vm0, $0x0, v37  }
0x62: {  	[tilespmem:v22+s22+$0x0] =	vst.idx.msk $0xffff, v37  }
0x63: {  	v37 =	vld.idx.msk [tilespmem:v23+s26+$0x0], $0xffff  }
0x64: {  	v44 =	vld.idx.msk [tilespmem:v4+s29+$0x0], $0xffff;
	_ =	sdelay $0x4  }
0x65: {  	v37 =	vadd.f32 v44, v37;
	_ =	sdelay $0x1  }
0x66: {  	v39 =	vmul.f32 $2.000000030e-01, v37;
	_ =	sdelay $0x1  }
0x67: {  	v37 =	vmax.f32 v37, v39  }
0x68: {  	v37 =	vsub.f32 v37, v38;
	_ =	sdelay $0x1  }
0x69: {  	v37 =	vmul.f32 $1.442695020e+00, v37;
	_ =	sdelay $0x1  }
0x6a: {  	(erf) = vpow2.f32 v37;
	_ =	sdelay $0x8  }
0x6b: {  	v37 =	vpop (erf)  }
0x6c: {  	v37 =	vnsel vm0, $0x0, v37  }
0x6d: {  	[tilespmem:v23+s22+$0x0] =	vst.idx.msk $0xffff, v37  }
0x6e: {  	v37 =	vld.idx.msk [tilespmem:v25+s26+$0x0], $0xffff  }
0x6f: {  	v45 =	vld.idx.msk [tilespmem:v7+s29+$0x0], $0xffff;
	_ =	sdelay $0x4  }
0x70: {  	v46 =	vld.idx.msk [tilespmem:v10+s26+$0x0], $0xffff;
	v37 =	vadd.f32 v45, v37;
	_ =	sdelay $0x1  }
0x71: {  	v38 =	vmul.f32 $2.000000030e-01, v37;
	_ =	sdelay $0x1  }
0x72: {  	v37 =	vmax.f32 v37, v38  }
0x73: {  	v37 =	vsub.f32 v37, v46;
	_ =	sdelay $0x1  }
0x74: {  	v37 =	vmul.f32 $1.442695020e+00, v37;
	_ =	sdelay $0x1  }
0x75: {  	(erf) = vpow2.f32 v37;
	_ =	sdelay $0x8  }
0x76: {  	vm13 =	vlt.u32 v42, v24;
	v37 =	vpop (erf)  }
0x77: {  	v37 =	vnsel vm13, $0x0, v37  }
0x78: {  	[tilespmem:v25+s22+$0x0] =	vst.idx.msk $0xffff, v37  }
0x79: {  	v37 =	vld.idx.msk [tilespmem:v26+s26+$0x0], $0xffff  }
0x7a: {  	v47 =	vld.idx.msk [tilespmem:v8+s29+$0x0], $0xffff;
	_ =	sdelay $0x4  }
0x7b: {  	v37 =	vadd.f32 v47, v37;
	_ =	sdelay $0x1  }
0x7c: {  	v38 =	vmul.f32 $2.000000030e-01, v37;
	_ =	sdelay $0x1  }
0x7d: {  	v37 =	vmax.f32 v37, v38  }
0x7e: {  	v37 =	vsub.f32 v37, v46;
	_ =	sdelay $0x1  }
0x7f: {  	v37 =	vmul.f32 $1.442695020e+00, v37;
	_ =	sdelay $0x1  }
0x80: {  	(erf) = vpow2.f32 v37;
	_ =	sdelay $0x8  }
0x81: {  	v37 =	vpop (erf)  }
0x82: {  	v37 =	vnsel vm13, $0x0, v37  }
0x83: {  	[tilespmem:v26+s22+$0x0] =	vst.idx.msk $0xffff, v37  }
0x84: {  	v37 =	vld.idx.msk [tilespmem:v27+s26+$0x0], $0xffff  }
0x85: {  	v48 =	vld.idx.msk [tilespmem:v9+s29+$0x0], $0xffff;
	_ =	sdelay $0x4  }
0x86: {  	v37 =	vadd.f32 v48, v37;
	_ =	sdelay $0x1  }
0x87: {  	v38 =	vmul.f32 $2.000000030e-01, v37;
	_ =	sdelay $0x1  }
0x88: {  	v37 =	vmax.f32 v37, v38  }
0x89: {  	v37 =	vsub.f32 v37, v46;
	_ =	sdelay $0x1  }
0x8a: {  	v37 =	vmul.f32 $1.442695020e+00, v37;
	_ =	sdelay $0x1  }
0x8b: {  	(erf) = vpow2.f32 v37;
	_ =	sdelay $0x8  }
0x8c: {  	v37 =	vpop (erf)  }
0x8d: {  	v37 =	vnsel vm13, $0x0, v37  }
0x8e: {  	[tilespmem:v27+s22+$0x0] =	vst.idx.msk $0xffff, v37  }
0x8f: {  	v37 =	vld.idx.msk [tilespmem:v29+s26+$0x0], $0xffff  }
0x90: {  	v49 =	vld.idx.msk [tilespmem:v12+s29+$0x0], $0xffff;
	_ =	sdelay $0x4  }
0x91: {  	v50 =	vld.idx.msk [tilespmem:v15+s26+$0x0], $0xffff;
	v37 =	vadd.f32 v49, v37;
	_ =	sdelay $0x1  }
0x92: {  	v38 =	vmul.f32 $2.000000030e-01, v37;
	_ =	sdelay $0x1  }
0x93: {  	v37 =	vmax.f32 v37, v38  }
0x94: {  	v37 =	vsub.f32 v37, v50;
	_ =	sdelay $0x1  }
0x95: {  	v37 =	vmul.f32 $1.442695020e+00, v37;
	_ =	sdelay $0x1  }
0x96: {  	(erf) = vpow2.f32 v37;
	_ =	sdelay $0x8  }
0x97: {  	vm14 =	vlt.u32 v42, v28;
	v37 =	vpop (erf)  }
0x98: {  	v37 =	vnsel vm14, $0x0, v37  }
0x99: {  	[tilespmem:v29+s22+$0x0] =	vst.idx.msk $0xffff, v37  }
0x9a: {  	v37 =	vld.idx.msk [tilespmem:v30+s26+$0x0], $0xffff  }
0x9b: {  	v51 =	vld.idx.msk [tilespmem:v13+s29+$0x0], $0xffff;
	_ =	sdelay $0x4  }
0x9c: {  	v37 =	vadd.f32 v51, v37;
	_ =	sdelay $0x1  }
0x9d: {  	v38 =	vmul.f32 $2.000000030e-01, v37;
	_ =	sdelay $0x1  }
0x9e: {  	v37 =	vmax.f32 v37, v38  }
0x9f: {  	v37 =	vsub.f32 v37, v50;
	_ =	sdelay $0x1  }
0xa0: {  	v37 =	vmul.f32 $1.442695020e+00, v37;
	_ =	sdelay $0x1  }
0xa1: {  	(erf) = vpow2.f32 v37;
	_ =	sdelay $0x8  }
0xa2: {  	v37 =	vpop (erf)  }
0xa3: {  	v37 =	vnsel vm14, $0x0, v37  }
0xa4: {  	[tilespmem:v30+s22+$0x0] =	vst.idx.msk $0xffff, v37  }
0xa5: {  	v37 =	vld.idx.msk [tilespmem:v31+s26+$0x0], $0xffff  }
0xa6: {  	v52 =	vld.idx.msk [tilespmem:v14+s29+$0x0], $0xffff;
	_ =	sdelay $0x4  }
0xa7: {  	v37 =	vadd.f32 v52, v37;
	_ =	sdelay $0x1  }
0xa8: {  	v38 =	vmul.f32 $2.000000030e-01, v37;
	_ =	sdelay $0x1  }
0xa9: {  	v37 =	vmax.f32 v37, v38  }
0xaa: {  	v37 =	vsub.f32 v37, v50;
	_ =	sdelay $0x1  }
0xab: {  	v37 =	vmul.f32 $1.442695020e+00, v37;
	_ =	sdelay $0x1  }
0xac: {  	(erf) = vpow2.f32 v37;
	_ =	sdelay $0x8  }
0xad: {  	v37 =	vpop (erf)  }
0xae: {  	v37 =	vnsel vm14, $0x0, v37  }
0xaf: {  	[tilespmem:v31+s22+$0x0] =	vst.idx.msk $0xffff, v37  }
0xb0: {  	v37 =	vld.idx.msk [tilespmem:v33+s26+$0x0], $0xffff  }
0xb1: {  	v53 =	vld.idx.msk [tilespmem:v17+s29+$0x0], $0xffff;
	_ =	sdelay $0x4  }
0xb2: {  	v54 =	vld.idx.msk [tilespmem:v20+s26+$0x0], $0xffff;
	v37 =	vadd.f32 v53, v37;
	_ =	sdelay $0x1  }
0xb3: {  	v38 =	vmul.f32 $2.000000030e-01, v37;
	_ =	sdelay $0x1  }
0xb4: {  	v37 =	vmax.f32 v37, v38  }
0xb5: {  	v37 =	vsub.f32 v37, v54;
	_ =	sdelay $0x1  }
0xb6: {  	v37 =	vmul.f32 $1.442695020e+00, v37;
	_ =	sdelay $0x1  }
0xb7: {  	(erf) = vpow2.f32 v37;
	_ =	sdelay $0x8  }
0xb8: {  	vm15 =	vlt.u32 v42, v32;
	v55 =	vpop (erf)  }
0xb9: {  	v36 =	vnsel vm15, $0x0, v55  }
0xba: {  	[tilespmem:v33+s22+$0x0] =	vst.idx.msk $0xffff, v36  }
0xbb: {  	v36 =	vld.idx.msk [tilespmem:v34+s26+$0x0], $0xffff  }
0xbc: {  	v56 =	vld.idx.msk [tilespmem:v18+s29+$0x0], $0xffff;
	_ =	sdelay $0x4  }
0xbd: {  	v36 =	vadd.f32 v56, v36;
	_ =	sdelay $0x1  }
0xbe: {  	v37 =	vmul.f32 $2.000000030e-01, v36;
	_ =	sdelay $0x1  }
0xbf: {  	v36 =	vmax.f32 v36, v37  }
0xc0: {  	v36 =	vsub.f32 v36, v54;
	_ =	sdelay $0x1  }
0xc1: {  	v36 =	vmul.f32 $1.442695020e+00, v36;
	_ =	sdelay $0x1  }
0xc2: {  	(erf) = vpow2.f32 v36;
	_ =	sdelay $0x8  }
0xc3: {  	v36 =	vpop (erf)  }
0xc4: {  	v36 =	vnsel vm15, $0x0, v36  }
0xc5: {  	[tilespmem:v34+s22+$0x0] =	vst.idx.msk $0xffff, v36  }
0xc6: {  	v36 =	vld.idx.msk [tilespmem:v35+s26+$0x0], $0xffff  }
0xc7: {  	v57 =	vld.idx.msk [tilespmem:v19+s29+$0x0], $0xffff;
	_ =	sdelay $0x4  }
0xc8: {  	v36 =	vadd.f32 v57, v36;
	_ =	sdelay $0x1  }
0xc9: {  	v37 =	vmul.f32 $2.000000030e-01, v36;
	_ =	sdelay $0x1  }
0xca: {  	v36 =	vmax.f32 v36, v37  }
0xcb: {  	v36 =	vsub.f32 v36, v54;
	_ =	sdelay $0x1  }
0xcc: {  	v36 =	vmul.f32 $1.442695020e+00, v36;
	_ =	sdelay $0x1  }
0xcd: {  	(erf) = vpow2.f32 v36;
	_ =	sdelay $0x8  }
0xce: {  	v36 =	vpop (erf)  }
0xcf: {  	s14 =	simm.s32 $0x0;
	v36 =	vnsel vm15, $0x0, v36  }
0xd0: {  	v58 =	vmov s14;
	[tilespmem:v35+s22+$0x0] =	vst.idx.msk $0xffff, v36  }
0xd1: {  	_ =	swait.ge [sflag:s30], $0x1800  }
0xd2: {  	[sflag:s30] =	ssyncset.done $0x0  }
0xd3: {  	s11 =	simm.s32 $0xA230;
	[sflag:s30] =	ssyncadd.s32 $0xFFFFE800  }
0xd4: {  	v59 =	vld [tilespmem:s11+$0xFFFFFFD0]  }
0xd5: {  	v60 =	vld.idx.msk [tilespmem:v58+s22+$0x0], $0xffff  }
0xd6: {  	v61 =	vld [tilespmem:s11+$0xFFFFFFE0];
	_ =	sdelay $0x2  }
0xd7: {  	v40 =	vor.u32 $0x1, v58  }
0xd8: {  	v37 =	vmul.f32 v59, v60  }
0xd9: {  	v38 =	vmul.f32 v61, v60  }
0xda: {  	[tilespmem:s11+$0xFFFFFFD0] =	vst v37  }
0xdb: {  	v62 =	vld [tilespmem:s11+$0xFFFFFFF0];
	[tilespmem:s11+$0xFFFFFFE0] =	vst v38  }
0xdc: {  	v38 =	vld.idx.msk [tilespmem:v40+s22+$0x0], $0xffff  }
0xdd: {  	v63 =	vld [tilespmem:s11+$0x0];
	_ =	sdelay $0x2  }
0xde: {  	v36 =	vor.u32 $0x2, v58  }
0xdf: {  	v37 =	vmul.f32 v62, v38  }
0xe0: {  	v38 =	vmul.f32 v63, v38  }
0xe1: {  	v39 =	vld [tilespmem:s11+$0x20];
	[tilespmem:s11+$0xFFFFFFF0] =	vst v37  }
0xe2: {  	[tilespmem:s11+$0x0] =	vst v38;
	v37 =	vld [tilespmem:s11+$0x10]  }
0xe3: {  	v38 =	vld.idx.msk [tilespmem:v36+s22+$0x0], $0xffff;
	_ =	sdelay $0x1  }
0xe4: {  	s12 =	simm.s32 $0x8  }
0xe5: {  	s13 =	simm.s32 $0x2;
	v36 =	vmov s12;
	s12 =	simm.s32 $0xA230  }
.LBB2_3:
0xe6: {  	p1 =	sne.s32 s13, $0x3F  }
0xe7: {  	v37 =	vmul.f32 v37, v38;
	v38 =	vmul.f32 v39, v38;
	s11 =	sadd.s32 $0x60, s11;
	s14 =	smov.u32 s13;
	s13 =	sadd.s32 $0x1, s13  }
0xe8: {  	_ = 	snop  }
0xe9: {  	[tilespmem:s12+$0x10] =	vst v37  }
0xea: {  	v37 =	vld [tilespmem:s11+$0xFFFFFFD0];
	[tilespmem:s12+$0x20] =	vst v38;
	s12 =	smov.u32 s11  }
0xeb: {  	v38 =	vld.idx.msk [tilespmem:v36+s22+$0x0], $0xffff  }
0xec: {  	v39 =	vld [tilespmem:s11+$0xFFFFFFE0];
	_ =	sdelay $0x2  }
0xed: {  	v40 =	vor.u32 $0x1, v36;
	_ =	sdelay $0x1  }
0xee: {  	v37 =	vmul.f32 v37, v38;
	v38 =	vmul.f32 v39, v38;
	_ =	sdelay $0x1  }
0xef: {  	[tilespmem:s11+$0xFFFFFFD0] =	vst v37  }
0xf0: {  	[tilespmem:s11+$0xFFFFFFE0] =	vst v38;
	v37 =	vld [tilespmem:s11+$0xFFFFFFF0]  }
0xf1: {  	v38 =	vld.idx.msk [tilespmem:v40+s22+$0x0], $0xffff  }
0xf2: {  	v39 =	vld [tilespmem:s11+$0x0];
	_ =	sdelay $0x1  }
0xf3: {  	v36 =	vor.u32 $0x2, v36;
	_ =	sdelay $0x2  }
0xf4: {  	v37 =	vmul.f32 v37, v38;
	v38 =	vmul.f32 v39, v38;
	_ =	sdelay $0x1  }
0xf5: {  	[tilespmem:s11+$0xFFFFFFF0] =	vst v37  }
0xf6: {  	[tilespmem:s11+$0x0] =	vst v38;
	v37 =	vld [tilespmem:s11+$0x10]  }
0xf7: {  	v38 =	vld.idx.msk [tilespmem:v36+s22+$0x0], $0xffff  }
.Ltmp0:
0xf8: {  	v39 =	vld [tilespmem:s11+$0x20];
	(pc) =	sbr.rel @p1 .LBB2_3-.Ltmp0, $3  }
0xf9: {  	_ =	sdelay $0x1  }
0xfa: {  	s14 =	sshll.u32 s14, $0x3  }
0xfb: {  	v36 =	vmov s14  }
0xfc: {  	v37 =	vmul.f32 v37, v38  }
0xfd: {  	v56 =	vmul.f32 v39, v38  }
0xfe: {  	s11 =	sadd.s32 $0x60, s11;
	[tilespmem:s12+$0x10] =	vst v37  }
0xff: {  	v57 =	vld [tilespmem:s11+$0xFFFFFFD0];
	[tilespmem:s12+$0x20] =	vst v56  }
0x100: {  	v38 =	vld.idx.msk [tilespmem:v36+s22+$0x0], $0xffff  }
0x101: {  	v58 =	vld [tilespmem:s11+$0xFFFFFFE0];
	_ =	sdelay $0x2  }
0x102: {  	v40 =	vor.u32 $0x1, v36  }
0x103: {  	v37 =	vmul.f32 v57, v38  }
0x104: {  	v38 =	vmul.f32 v58, v38  }
0x105: {  	[tilespmem:s11+$0xFFFFFFD0] =	vst v37  }
0x106: {  	v59 =	vld [tilespmem:s11+$0xFFFFFFF0];
	[tilespmem:s11+$0xFFFFFFE0] =	vst v38  }
0x107: {  	v38 =	vld.idx.msk [tilespmem:v40+s22+$0x0], $0xffff  }
0x108: {  	v60 =	vld [tilespmem:s11+$0x0];
	_ =	sdelay $0x2  }
0x109: {  	v61 =	vor.u32 $0x2, v36  }
0x10a: {  	v37 =	vmul.f32 v59, v38  }
0x10b: {  	v38 =	vmul.f32 v60, v38  }
0x10c: {  	[tilespmem:s11+$0xFFFFFFF0] =	vst v37  }
0x10d: {  	v62 =	vld [tilespmem:s11+$0x10];
	[tilespmem:s11+$0x0] =	vst v38  }
0x10e: {  	v36 =	vld.idx.msk [tilespmem:v61+s22+$0x0], $0xffff  }
0x10f: {  	v63 =	vld [tilespmem:s11+$0x20];
	_ =	sdelay $0x3  }
0x110: {  	v37 =	vmul.f32 v62, v36  }
0x111: {  	v36 =	vmul.f32 v63, v36  }
0x112: {  	[tilespmem:s11+$0x10] =	vst v37  }
.Ltmp1:
0x113: {  	[tilespmem:s11+$0x20] =	vst v36;
	(pc) =	sbr.rel @p0 .LBB2_6-.Ltmp1, $4  }
0x114: {  	[spmem:s2] =	stream.indirect.scatter.add.f32 [tilespmem:s24], [sflag:$0x4], $0x60, s10, s23, $0xb8;
	[tilespmem:$0x1D5E8] =	vst v63  }
0x115: {  	_ =	swait.ge [sflag:s28], $0x1800  }
0x116: {  	[sflag:s28] =	ssyncset.done $0x0  }
0x117: {  	[sflag:s28] =	ssyncadd.s32 $0xFFFFE800  }
0x118: {  	[spmem:s5] =	stream.indirect.scatter.add.f32 [tilespmem:s22], [sflag:$0x4], $0x8, s10, s23, $0xb8;
	[tilespmem:$0x1D5E8] =	vst v63  }
0x119: {  	p1 =	seq.s32 s0, $0xA1  }
.Ltmp2:
0x11a: {  	_ = 	snop;
	(pc) =	sbr.rel @p1 .LBB2_8-.Ltmp2, $4  }
.Ltmp3:
0x11b: {  	_ = 	snop;
	(pc) =	sbr.rel @!p1 .LBB2_7-.Ltmp3, $4  }
0x11c: {  	_ =	swait.ge [sflag:s28], $0x200  }
0x11d: {  	[sflag:s28] =	ssyncset.done $0x0  }
0x11e: {  	s10 =	smov.u32 s7;
	[sflag:s28] =	ssyncadd.s32 $0xFFFFFE00  }
0x11f: {  	_ = 	snop  }
.LBB2_6:
0x120: {  	p1 =	seq.s32 s0, $0xA1  }
.Ltmp4:
0x121: {  	_ = 	snop;
	(pc) =	sbr.rel @p1 .LBB2_8-.Ltmp4, $2  }
0x122: {  	_ =	sdelay $0x2  }
0x123: {  	s10 =	smov.u32 s8  }
.LBB2_7:
0x124: {  	s9 =	sand.u32 $0x3FFFFF80, s9  }
0x125: {  	s9 =	sadd.s32 $0x80, s9  }
0x126: {  	[tilespmem:s24], [sflag:$0x1] =	stream.indirect.gather [hbm4b:s10+s23], $0x60, s9, s23, $0xb8;
	[tilespmem:$0x1D5E8] =	vst v63  }
.LBB2_8:
0x127: {  	[tilespmem:s26], [sflag:$0x4] =	stream.indirect.gather [hbm4b:s1+s23], $0x8, s18, s23, $0xb8;
	[tilespmem:$0x1D5E8] =	vst v63  }
0x128: {  	_ =	swait.ge [sflag:s28], $0x200  }
0x129: {  	[sflag:s28] =	ssyncset.done $0x0  }
0x12a: {  	s9 =	sadd.s32 $0x5100, s18;
	[sflag:s28] =	ssyncadd.s32 $0xFFFFFE00  }
0x12b: {  	[tilespmem:s29], [sflag:$0x4] =	stream.indirect.gather [hbm4b:s1+s23], $0x8, s9, s23, $0xb8;
	[tilespmem:$0x1D5E8] =	vst v63  }
0x12c: {  	_ =	swait.ge [sflag:s28], $0x200  }
0x12d: {  	[sflag:s28] =	ssyncset.done $0x0  }
0x12e: {  	[sflag:s28] =	ssyncadd.s32 $0xFFFFFE00  }
0x12f: {  	v36 =	vld.idx.msk [tilespmem:v0+s26+$0x0], $0xffff  }
0x130: {  	v37 =	vld.idx.msk [tilespmem:v1+s29+$0x0], $0xffff;
	_ =	sdelay $0x4  }
0x131: {  	v38 =	vld.idx.msk [tilespmem:v5+s26+$0x0], $0xffff;
	v36 =	vadd.f32 v37, v36;
	_ =	sdelay $0x1  }
0x132: {  	v37 =	vmul.f32 $2.000000030e-01, v36;
	_ =	sdelay $0x1  }
0x133: {  	v36 =	vmax.f32 v36, v37  }
0x134: {  	v36 =	vsub.f32 v36, v38;
	_ =	sdelay $0x1  }
0x135: {  	v36 =	vmul.f32 $1.442695020e+00, v36;
	_ =	sdelay $0x1  }
0x136: {  	(erf) = vpow2.f32 v36;
	_ =	sdelay $0x6  }
0x137: {  	s10 =	sadd.s32 s4, s18  }
0x138: {  	v42 =	vmov s10  }
0x139: {  	vm0 =	vlt.u32 v42, $0x50910;
	v43 =	vpop (erf)  }
0x13a: {  	v37 =	vnsel vm0, $0x0, v43  }
0x13b: {  	[tilespmem:v0+s22+$0x0] =	vst.idx.msk $0xffff, v37  }
0x13c: {  	v37 =	vld.idx.msk [tilespmem:v22+s26+$0x0], $0xffff  }
0x13d: {  	v39 =	vld.idx.msk [tilespmem:v3+s29+$0x0], $0xffff;
	_ =	sdelay $0x4  }
0x13e: {  	v37 =	vadd.f32 v39, v37;
	_ =	sdelay $0x1  }
0x13f: {  	v39 =	vmul.f32 $2.000000030e-01, v37;
	_ =	sdelay $0x1  }
0x140: {  	v37 =	vmax.f32 v37, v39  }
0x141: {  	v37 =	vsub.f32 v37, v38;
	_ =	sdelay $0x1  }
0x142: {  	v37 =	vmul.f32 $1.442695020e+00, v37;
	_ =	sdelay $0x1  }
0x143: {  	(erf) = vpow2.f32 v37;
	_ =	sdelay $0x8  }
0x144: {  	v37 =	vpop (erf)  }
0x145: {  	v37 =	vnsel vm0, $0x0, v37  }
0x146: {  	[tilespmem:v22+s22+$0x0] =	vst.idx.msk $0xffff, v37  }
0x147: {  	v37 =	vld.idx.msk [tilespmem:v23+s26+$0x0], $0xffff  }
0x148: {  	v44 =	vld.idx.msk [tilespmem:v4+s29+$0x0], $0xffff;
	_ =	sdelay $0x4  }
0x149: {  	v37 =	vadd.f32 v44, v37;
	_ =	sdelay $0x1  }
0x14a: {  	v39 =	vmul.f32 $2.000000030e-01, v37;
	_ =	sdelay $0x1  }
0x14b: {  	v37 =	vmax.f32 v37, v39  }
0x14c: {  	v37 =	vsub.f32 v37, v38;
	_ =	sdelay $0x1  }
0x14d: {  	v37 =	vmul.f32 $1.442695020e+00, v37;
	_ =	sdelay $0x1  }
0x14e: {  	(erf) = vpow2.f32 v37;
	_ =	sdelay $0x8  }
0x14f: {  	v37 =	vpop (erf)  }
0x150: {  	v37 =	vnsel vm0, $0x0, v37  }
0x151: {  	[tilespmem:v23+s22+$0x0] =	vst.idx.msk $0xffff, v37  }
0x152: {  	v37 =	vld.idx.msk [tilespmem:v25+s26+$0x0], $0xffff  }
0x153: {  	v45 =	vld.idx.msk [tilespmem:v7+s29+$0x0], $0xffff;
	_ =	sdelay $0x4  }
0x154: {  	v46 =	vld.idx.msk [tilespmem:v10+s26+$0x0], $0xffff;
	v37 =	vadd.f32 v45, v37;
	_ =	sdelay $0x1  }
0x155: {  	v38 =	vmul.f32 $2.000000030e-01, v37;
	_ =	sdelay $0x1  }
0x156: {  	v37 =	vmax.f32 v37, v38  }
0x157: {  	v37 =	vsub.f32 v37, v46;
	_ =	sdelay $0x1  }
0x158: {  	v37 =	vmul.f32 $1.442695020e+00, v37;
	_ =	sdelay $0x1  }
0x159: {  	(erf) = vpow2.f32 v37;
	_ =	sdelay $0x8  }
0x15a: {  	vm13 =	vlt.u32 v42, v24;
	v37 =	vpop (erf)  }
0x15b: {  	v37 =	vnsel vm13, $0x0, v37  }
0x15c: {  	[tilespmem:v25+s22+$0x0] =	vst.idx.msk $0xffff, v37  }
0x15d: {  	v37 =	vld.idx.msk [tilespmem:v26+s26+$0x0], $0xffff  }
0x15e: {  	v47 =	vld.idx.msk [tilespmem:v8+s29+$0x0], $0xffff;
	_ =	sdelay $0x4  }
0x15f: {  	v37 =	vadd.f32 v47, v37;
	_ =	sdelay $0x1  }
0x160: {  	v38 =	vmul.f32 $2.000000030e-01, v37;
	_ =	sdelay $0x1  }
0x161: {  	v37 =	vmax.f32 v37, v38  }
0x162: {  	v37 =	vsub.f32 v37, v46;
	_ =	sdelay $0x1  }
0x163: {  	v37 =	vmul.f32 $1.442695020e+00, v37;
	_ =	sdelay $0x1  }
0x164: {  	(erf) = vpow2.f32 v37;
	_ =	sdelay $0x8  }
0x165: {  	v37 =	vpop (erf)  }
0x166: {  	v37 =	vnsel vm13, $0x0, v37  }
0x167: {  	[tilespmem:v26+s22+$0x0] =	vst.idx.msk $0xffff, v37  }
0x168: {  	v37 =	vld.idx.msk [tilespmem:v27+s26+$0x0], $0xffff  }
0x169: {  	v48 =	vld.idx.msk [tilespmem:v9+s29+$0x0], $0xffff;
	_ =	sdelay $0x4  }
0x16a: {  	v37 =	vadd.f32 v48, v37;
	_ =	sdelay $0x1  }
0x16b: {  	v38 =	vmul.f32 $2.000000030e-01, v37;
	_ =	sdelay $0x1  }
0x16c: {  	v37 =	vmax.f32 v37, v38  }
0x16d: {  	v37 =	vsub.f32 v37, v46;
	_ =	sdelay $0x1  }
0x16e: {  	v37 =	vmul.f32 $1.442695020e+00, v37;
	_ =	sdelay $0x1  }
0x16f: {  	(erf) = vpow2.f32 v37;
	_ =	sdelay $0x8  }
0x170: {  	v37 =	vpop (erf)  }
0x171: {  	v37 =	vnsel vm13, $0x0, v37  }
0x172: {  	[tilespmem:v27+s22+$0x0] =	vst.idx.msk $0xffff, v37  }
0x173: {  	v37 =	vld.idx.msk [tilespmem:v29+s26+$0x0], $0xffff  }
0x174: {  	v49 =	vld.idx.msk [tilespmem:v12+s29+$0x0], $0xffff;
	_ =	sdelay $0x4  }
0x175: {  	v50 =	vld.idx.msk [tilespmem:v15+s26+$0x0], $0xffff;
	v37 =	vadd.f32 v49, v37;
	_ =	sdelay $0x1  }
0x176: {  	v38 =	vmul.f32 $2.000000030e-01, v37;
	_ =	sdelay $0x1  }
0x177: {  	v37 =	vmax.f32 v37, v38  }
0x178: {  	v37 =	vsub.f32 v37, v50;
	_ =	sdelay $0x1  }
0x179: {  	v37 =	vmul.f32 $1.442695020e+00, v37;
	_ =	sdelay $0x1  }
0x17a: {  	(erf) = vpow2.f32 v37;
	_ =	sdelay $0x8  }
0x17b: {  	vm14 =	vlt.u32 v42, v28;
	v37 =	vpop (erf)  }
0x17c: {  	v37 =	vnsel vm14, $0x0, v37  }
0x17d: {  	[tilespmem:v29+s22+$0x0] =	vst.idx.msk $0xffff, v37  }
0x17e: {  	v37 =	vld.idx.msk [tilespmem:v30+s26+$0x0], $0xffff  }
0x17f: {  	v51 =	vld.idx.msk [tilespmem:v13+s29+$0x0], $0xffff;
	_ =	sdelay $0x4  }
0x180: {  	v37 =	vadd.f32 v51, v37;
	_ =	sdelay $0x1  }
0x181: {  	v38 =	vmul.f32 $2.000000030e-01, v37;
	_ =	sdelay $0x1  }
0x182: {  	v37 =	vmax.f32 v37, v38  }
0x183: {  	v37 =	vsub.f32 v37, v50;
	_ =	sdelay $0x1  }
0x184: {  	v37 =	vmul.f32 $1.442695020e+00, v37;
	_ =	sdelay $0x1  }
0x185: {  	(erf) = vpow2.f32 v37;
	_ =	sdelay $0x8  }
0x186: {  	v37 =	vpop (erf)  }
0x187: {  	v37 =	vnsel vm14, $0x0, v37  }
0x188: {  	[tilespmem:v30+s22+$0x0] =	vst.idx.msk $0xffff, v37  }
0x189: {  	v37 =	vld.idx.msk [tilespmem:v31+s26+$0x0], $0xffff  }
0x18a: {  	v52 =	vld.idx.msk [tilespmem:v14+s29+$0x0], $0xffff;
	_ =	sdelay $0x4  }
0x18b: {  	v37 =	vadd.f32 v52, v37;
	_ =	sdelay $0x1  }
0x18c: {  	v38 =	vmul.f32 $2.000000030e-01, v37;
	_ =	sdelay $0x1  }
0x18d: {  	v37 =	vmax.f32 v37, v38  }
0x18e: {  	v37 =	vsub.f32 v37, v50;
	_ =	sdelay $0x1  }
0x18f: {  	v37 =	vmul.f32 $1.442695020e+00, v37;
	_ =	sdelay $0x1  }
0x190: {  	(erf) = vpow2.f32 v37;
	_ =	sdelay $0x8  }
0x191: {  	v37 =	vpop (erf)  }
0x192: {  	v37 =	vnsel vm14, $0x0, v37  }
0x193: {  	[tilespmem:v31+s22+$0x0] =	vst.idx.msk $0xffff, v37  }
0x194: {  	v37 =	vld.idx.msk [tilespmem:v33+s26+$0x0], $0xffff  }
0x195: {  	v53 =	vld.idx.msk [tilespmem:v17+s29+$0x0], $0xffff;
	_ =	sdelay $0x4  }
0x196: {  	v54 =	vld.idx.msk [tilespmem:v20+s26+$0x0], $0xffff;
	v37 =	vadd.f32 v53, v37;
	_ =	sdelay $0x1  }
0x197: {  	v38 =	vmul.f32 $2.000000030e-01, v37;
	_ =	sdelay $0x1  }
0x198: {  	v37 =	vmax.f32 v37, v38  }
0x199: {  	v37 =	vsub.f32 v37, v54;
	_ =	sdelay $0x1  }
0x19a: {  	v37 =	vmul.f32 $1.442695020e+00, v37;
	_ =	sdelay $0x1  }
0x19b: {  	(erf) = vpow2.f32 v37;
	_ =	sdelay $0x8  }
0x19c: {  	vm15 =	vlt.u32 v42, v32;
	v55 =	vpop (erf)  }
0x19d: {  	v36 =	vnsel vm15, $0x0, v55  }
0x19e: {  	[tilespmem:v33+s22+$0x0] =	vst.idx.msk $0xffff, v36  }
0x19f: {  	v36 =	vld.idx.msk [tilespmem:v34+s26+$0x0], $0xffff  }
0x1a0: {  	v56 =	vld.idx.msk [tilespmem:v18+s29+$0x0], $0xffff;
	_ =	sdelay $0x4  }
0x1a1: {  	v36 =	vadd.f32 v56, v36;
	_ =	sdelay $0x1  }
0x1a2: {  	v37 =	vmul.f32 $2.000000030e-01, v36;
	_ =	sdelay $0x1  }
0x1a3: {  	v36 =	vmax.f32 v36, v37  }
0x1a4: {  	v36 =	vsub.f32 v36, v54;
	_ =	sdelay $0x1  }
0x1a5: {  	v36 =	vmul.f32 $1.442695020e+00, v36;
	_ =	sdelay $0x1  }
0x1a6: {  	(erf) = vpow2.f32 v36;
	_ =	sdelay $0x8  }
0x1a7: {  	v36 =	vpop (erf)  }
0x1a8: {  	v36 =	vnsel vm15, $0x0, v36  }
0x1a9: {  	[tilespmem:v34+s22+$0x0] =	vst.idx.msk $0xffff, v36  }
0x1aa: {  	v36 =	vld.idx.msk [tilespmem:v35+s26+$0x0], $0xffff  }
0x1ab: {  	v57 =	vld.idx.msk [tilespmem:v19+s29+$0x0], $0xffff;
	_ =	sdelay $0x4  }
0x1ac: {  	v36 =	vadd.f32 v57, v36;
	_ =	sdelay $0x1  }
0x1ad: {  	v37 =	vmul.f32 $2.000000030e-01, v36;
	_ =	sdelay $0x1  }
0x1ae: {  	v36 =	vmax.f32 v36, v37  }
0x1af: {  	v36 =	vsub.f32 v36, v54;
	_ =	sdelay $0x1  }
0x1b0: {  	v36 =	vmul.f32 $1.442695020e+00, v36;
	_ =	sdelay $0x1  }
0x1b1: {  	(erf) = vpow2.f32 v36;
	_ =	sdelay $0x8  }
0x1b2: {  	v36 =	vpop (erf)  }
0x1b3: {  	s18 =	simm.s32 $0x0;
	v36 =	vnsel vm15, $0x0, v36  }
0x1b4: {  	v58 =	vmov s18;
	[tilespmem:v35+s22+$0x0] =	vst.idx.msk $0xffff, v36  }
0x1b5: {  	_ =	swait.ge [sflag:s31], $0x1800  }
0x1b6: {  	[sflag:s31] =	ssyncset.done $0x0  }
0x1b7: {  	s10 =	simm.s32 $0xBA50;
	[sflag:s31] =	ssyncadd.s32 $0xFFFFE800  }
0x1b8: {  	v59 =	vld [tilespmem:s10+$0xFFFFFFB0]  }
0x1b9: {  	v60 =	vld.idx.msk [tilespmem:v58+s22+$0x0], $0xffff  }
0x1ba: {  	v61 =	vld [tilespmem:s10+$0xFFFFFFC0];
	_ =	sdelay $0x2  }
0x1bb: {  	v40 =	vor.u32 $0x1, v58  }
0x1bc: {  	v37 =	vmul.f32 v59, v60  }
0x1bd: {  	v38 =	vmul.f32 v61, v60  }
0x1be: {  	[tilespmem:s10+$0xFFFFFFB0] =	vst v37  }
0x1bf: {  	v62 =	vld [tilespmem:s10+$0xFFFFFFD0];
	[tilespmem:s10+$0xFFFFFFC0] =	vst v38  }
0x1c0: {  	v38 =	vld.idx.msk [tilespmem:v40+s22+$0x0], $0xffff  }
0x1c1: {  	v63 =	vld [tilespmem:s10+$0xFFFFFFE0];
	_ =	sdelay $0x2  }
0x1c2: {  	v36 =	vor.u32 $0x2, v58  }
0x1c3: {  	v37 =	vmul.f32 v62, v38  }
0x1c4: {  	v38 =	vmul.f32 v63, v38  }
0x1c5: {  	v39 =	vld [tilespmem:s10+$0x0];
	[tilespmem:s10+$0xFFFFFFD0] =	vst v37  }
0x1c6: {  	[tilespmem:s10+$0xFFFFFFE0] =	vst v38;
	v37 =	vld [tilespmem:s10+$0xFFFFFFF0]  }
0x1c7: {  	v38 =	vld.idx.msk [tilespmem:v36+s22+$0x0], $0xffff;
	_ =	sdelay $0x1  }
0x1c8: {  	s11 =	simm.s32 $0x8  }
0x1c9: {  	s12 =	simm.s32 $0x2;
	v36 =	vmov s11;
	s11 =	simm.s32 $0xBA50  }
.LBB2_9:
0x1ca: {  	p1 =	sne.s32 s12, $0x3F  }
0x1cb: {  	v37 =	vmul.f32 v37, v38;
	v38 =	vmul.f32 v39, v38;
	s10 =	sadd.s32 $0x60, s10;
	s13 =	smov.u32 s12;
	s12 =	sadd.s32 $0x1, s12  }
0x1cc: {  	_ = 	snop  }
0x1cd: {  	[tilespmem:s11+$0xFFFFFFF0] =	vst v37  }
0x1ce: {  	v37 =	vld [tilespmem:s10+$0xFFFFFFB0];
	[tilespmem:s11+$0x0] =	vst v38;
	s11 =	smov.u32 s10  }
0x1cf: {  	v38 =	vld.idx.msk [tilespmem:v36+s22+$0x0], $0xffff  }
0x1d0: {  	v39 =	vld [tilespmem:s10+$0xFFFFFFC0];
	_ =	sdelay $0x2  }
0x1d1: {  	v40 =	vor.u32 $0x1, v36;
	_ =	sdelay $0x1  }
0x1d2: {  	v37 =	vmul.f32 v37, v38;
	v38 =	vmul.f32 v39, v38;
	_ =	sdelay $0x1  }
0x1d3: {  	[tilespmem:s10+$0xFFFFFFB0] =	vst v37  }
0x1d4: {  	[tilespmem:s10+$0xFFFFFFC0] =	vst v38;
	v37 =	vld [tilespmem:s10+$0xFFFFFFD0]  }
0x1d5: {  	v38 =	vld.idx.msk [tilespmem:v40+s22+$0x0], $0xffff  }
0x1d6: {  	v39 =	vld [tilespmem:s10+$0xFFFFFFE0];
	_ =	sdelay $0x1  }
0x1d7: {  	v36 =	vor.u32 $0x2, v36;
	_ =	sdelay $0x2  }
0x1d8: {  	v37 =	vmul.f32 v37, v38;
	v38 =	vmul.f32 v39, v38;
	_ =	sdelay $0x1  }
0x1d9: {  	[tilespmem:s10+$0xFFFFFFD0] =	vst v37  }
0x1da: {  	[tilespmem:s10+$0xFFFFFFE0] =	vst v38;
	v37 =	vld [tilespmem:s10+$0xFFFFFFF0]  }
0x1db: {  	v38 =	vld.idx.msk [tilespmem:v36+s22+$0x0], $0xffff  }
.Ltmp5:
0x1dc: {  	v39 =	vld [tilespmem:s10+$0x0];
	(pc) =	sbr.rel @p1 .LBB2_9-.Ltmp5, $3  }
0x1dd: {  	_ =	sdelay $0x1  }
0x1de: {  	s13 =	sshll.u32 s13, $0x3  }
0x1df: {  	v36 =	vmov s13  }
0x1e0: {  	v37 =	vmul.f32 v37, v38  }
0x1e1: {  	v56 =	vmul.f32 v39, v38  }
0x1e2: {  	s10 =	sadd.s32 $0x60, s10;
	[tilespmem:s11+$0xFFFFFFF0] =	vst v37  }
0x1e3: {  	v57 =	vld [tilespmem:s10+$0xFFFFFFB0];
	[tilespmem:s11+$0x0] =	vst v56  }
0x1e4: {  	v38 =	vld.idx.msk [tilespmem:v36+s22+$0x0], $0xffff  }
0x1e5: {  	v58 =	vld [tilespmem:s10+$0xFFFFFFC0];
	_ =	sdelay $0x2  }
0x1e6: {  	v40 =	vor.u32 $0x1, v36  }
0x1e7: {  	v37 =	vmul.f32 v57, v38  }
0x1e8: {  	v38 =	vmul.f32 v58, v38  }
0x1e9: {  	[tilespmem:s10+$0xFFFFFFB0] =	vst v37  }
0x1ea: {  	v59 =	vld [tilespmem:s10+$0xFFFFFFD0];
	[tilespmem:s10+$0xFFFFFFC0] =	vst v38  }
0x1eb: {  	v38 =	vld.idx.msk [tilespmem:v40+s22+$0x0], $0xffff  }
0x1ec: {  	v60 =	vld [tilespmem:s10+$0xFFFFFFE0];
	_ =	sdelay $0x2  }
0x1ed: {  	v61 =	vor.u32 $0x2, v36  }
0x1ee: {  	v37 =	vmul.f32 v59, v38  }
0x1ef: {  	v38 =	vmul.f32 v60, v38  }
0x1f0: {  	[tilespmem:s10+$0xFFFFFFD0] =	vst v37  }
0x1f1: {  	v62 =	vld [tilespmem:s10+$0xFFFFFFF0];
	[tilespmem:s10+$0xFFFFFFE0] =	vst v38  }
0x1f2: {  	v36 =	vld.idx.msk [tilespmem:v61+s22+$0x0], $0xffff  }
0x1f3: {  	v63 =	vld [tilespmem:s10+$0x0];
	_ =	sdelay $0x3  }
0x1f4: {  	v37 =	vmul.f32 v62, v36  }
0x1f5: {  	v36 =	vmul.f32 v63, v36  }
0x1f6: {  	[tilespmem:s10+$0xFFFFFFF0] =	vst v37  }
0x1f7: {  	[tilespmem:s10+$0x0] =	vst v36  }
0x1f8: {  	[spmem:s2] =	stream.indirect.scatter.add.f32 [tilespmem:s25], [sflag:$0x4], $0x60, s9, s23, $0xb8;
	[tilespmem:$0x1D5E8] =	vst v63  }
0x1f9: {  	s0 =	sadd.s32 $0x1, s0;
	_ =	swait.ge [sflag:s28], $0x1800  }
0x1fa: {  	p1 =	sne.s32 s0, $0xA2;
	[sflag:s28] =	ssyncset.done $0x0  }
0x1fb: {  	s11 =	simm.s32 @!p0 $0xD600;
	s10 =	simm.s32 @!p0 $0x40;
	[sflag:s28] =	ssyncadd.s32 $0xFFFFE800  }
0x1fc: {  	[spmem:s5] =	stream.indirect.scatter.add.f32 @!p0 [tilespmem:s11], [sflag:$0x3], $0x8, s9, s10, $0xb8;
	[tilespmem:$0x1D5E8] =	vst v63  }
.Ltmp6:
0x1fd: {  	_ = 	snop;
	(pc) =	sbr.rel @p1 .LBB2_2-.Ltmp6, $4  }
0x1fe: {  	s9 =	simm.s32 @!p0 $0x3  }
0x1ff: {  	_ =	swait.ge @!p0 [sflag:s9], $0x200  }
0x200: {  	[sflag:s9] =	ssyncset.done @!p0 $0x0  }
0x201: {  	[sflag:s9] =	ssyncadd.s32 @!p0 $0xFFFFFE00  }
0x202: {  	[bflag:$0x0] =	sbarrier.arrive $0xFFFF  }
0x203: {  	s0 =	rddreg [dreg:$0x8]  }
0x204: {  	[hbm:s0], [sflag:s19] =	dma.local [spmem:s20], $0x1D4C  }
0x205: {  	s3 =	sadd.s32 $0x1, s3;
	_ =	swait.ge [sflag:s17], $0x1D4C  }
0x206: {  	p1 =	sne.s32 s3, s15;
	[sflag:s17] =	ssyncset.done $0x0  }
.Ltmp7:
0x207: {  	s18 =	rddreg [dreg:$0x9];
	[sflag:s17] =	ssyncadd.s32 $0xFFFFE2B4;
	(pc) =	sbr.rel @p1 .LBB2_1-.Ltmp7, $4  }
0x208: {  	[hbm:s18], [sflag:s19] =	dma.local [spmem:s21], $0x271  }
0x209: {  	_ =	swait.ge [sflag:s17], $0x271  }
0x20a: {  	[sflag:s17] =	ssyncset.done $0x0  }
0x20b: {  	[sflag:s17] =	ssyncadd.s32 $0xFFFFFD8F  }
0x20c: {  	_ =	sfence.sel $0x180000  }
0x20d: {  	[bflag:$0x0] =	sbarrier.arrive $0xFFFF  }
0x20e: {  	_ =	strace $0x90000047  }
0x20f: {  	s0 =	stileid.u32;
	[bflag:$0x2] =	sbarrier.arrive $0xFFFF  }
0x210: {  	p0 =	sne.s32 s0, $0x0;
	s0 =	rddreg [dreg:$0x3]  }
0x211: {  	s0 =	sadd.s32 @!p0 $0x100000, s0  }
0x212: {  	[sflag:s0] =	ssyncadd.tile.s32 @!p0 $0x1;
	_ =	shalt  }
.Lfunc_end2:
_tile_overlayer_lowered:
.L_overlay_start_2:
0x213: {  	(tag) =	ssettag $0x2  }
0x214: {  	s0 =	rddreg [dreg:$0x0];
	s2 =	stileid.u32  }
0x215: {  	s1 =	rddreg [dreg:$0x1];
	p0 =	sne.s32 s2, $0x0  }
0x216: {  	s3 =	rddreg [dreg:$0x2];
	[bflag:$0x3] =	sbarrier.arrive $0xFFFF;
	s2 =	simm.s32 @!p0 $0x1C03  }
0x217: {  	[timem:s3], [sflag:s2] =	dma.local @!p0 [hbm:s0], s1  }
0x218: {  	s0 =	simm.s32 @!p0 $0x3  }
0x219: {  	_ =	swait.ge @!p0 [sflag:s0], s1  }
0x21a: {  	s1 =	ssub.s32 @!p0 $0x0, s1;
	[sflag:s0] =	ssyncset.done @!p0 $0x0  }
0x21b: {  	[sflag:s0] =	ssyncadd.s32 @!p0 s1  }
0x21c: {  	[bflag:$0x3] =	sbarrier.arrive $0xFFFF  }
0x21d: {  	_ =	shalt  }

</sc_bundles>
